<compile_context>
chip_gen: v7x
topology: tpu7x:2x2x1
jax: 0.10.2.dev20260603
libtpu: 0.0.44.dev20260713+nightly
codegen_flags: <defaults>
</compile_context>

<pallas_src>
import functools

import jax
import jax.numpy as jnp
from jax import lax
from jax.experimental import pallas as pl
from jax.experimental.pallas import tpu as pltpu
from jax.experimental.pallas import tpu_sc as plsc

_NC = 2
_NS = 16
_NW = _NC * _NS
_B = 512
_KG = _B // 128
_L = 16


def _make_emb(hist, batch, dim):
  n_units = hist * (batch // _B)
  per_w = n_units // _NW
  chunks = batch // _B
  mesh = plsc.VectorSubcoreMesh(core_axis_name="c", subcore_axis_name="s")

  @functools.partial(
      pl.kernel,
      mesh=mesh,
      out_type=jax.ShapeDtypeStruct((hist, dim, batch), jnp.float32),
      scratch_types=[
          pltpu.VMEM((2, _B), jnp.int32),
          pltpu.VMEM((2, _B, dim), jnp.float32),
          pltpu.VMEM((2, dim, _B), jnp.float32),
          pltpu.SemaphoreType.DMA,
          pltpu.SemaphoreType.DMA,
          pltpu.SemaphoreType.DMA,
          pltpu.SemaphoreType.DMA,
          pltpu.SemaphoreType.DMA,
          pltpu.SemaphoreType.DMA,
      ],
      compiler_params=pltpu.CompilerParams(
          use_tc_tiling_on_sc=False, needs_layout_passes=False),
  )
  def emb(idx_hbm, table_hbm, out_hbm, idx_v, rows_v, rowst_v, isem0, isem1,
          gsem0, gsem1, ssem0, ssem1):
    wid = lax.axis_index("s") * _NC + lax.axis_index("c")
    u0 = wid * per_w
    isems = (isem0, isem1)
    gsems = (gsem0, gsem1)
    ssems = (ssem0, ssem1)
    lane_iota = lax.broadcasted_iota(jnp.int32, (_L,), 0)

    def unit_hb(u):
      h = u // chunks
      b0 = (u % chunks) * _B
      return h, b0

    def start_idx(u, p):
      h, b0 = unit_hb(u)
      pltpu.async_copy(idx_hbm.at[h, pl.ds(b0, _B)], idx_v.at[p], isems[p])

    def wait_idx(p):
      pltpu.make_async_copy(
          idx_hbm.at[0, pl.ds(0, _B)], idx_v.at[p], isems[p]).wait()

    def fire_gathers(p):
      return [
          pltpu.async_copy(
              table_hbm.at[idx_v.at[p].at[pl.ds(k * 128, 128)]],
              rows_v.at[p].at[pl.ds(k * 128, 128)],
              gsems[p])
          for k in range(_KG)
      ]

    def transpose(p):
      src = rows_v.at[p]
      dst = rowst_v.at[p]

      @plsc.parallel_loop(0, _B // _L, 1, unroll=4)
      def tbody(g):
        row_idx = lane_iota + g * _L
        for e in range(dim):
          vals = plsc.load_gather(
              src, [row_idx, jnp.full((_L,), e, jnp.int32)])
          dst[e, pl.ds(g * _L, _L)] = vals

    def fire_stores(u, p):
      h, b0 = unit_hb(u)
      pltpu.async_copy(
          rowst_v.at[p], out_hbm.at[h].at[:, pl.ds(b0, _B)], ssems[p])

    def wait_stores(p):
      pltpu.make_async_copy(
          rowst_v.at[p], out_hbm.at[0].at[:, pl.ds(0, _B)], ssems[p]).wait()

    def drain_gathers(p):
      for k in range(_KG):
        pltpu.make_async_copy(
            table_hbm.at[idx_v.at[p].at[pl.ds(k * 128, 128)]],
            rows_v.at[p].at[pl.ds(k * 128, 128)],
            gsems[p]).wait()

    start_idx(u0, 0)
    start_idx(u0 + 1, 1)
    wait_idx(0)
    fire_gathers(0)
    drain_gathers(0)

    def body(j, carry):
      p = lax.rem(j, 2)

      @pl.when(j + 1 < per_w)
      def _():
        @pl.when(p == 0)
        def _():
          wait_idx(1)
          fire_gathers(1)

        @pl.when(p == 1)
        def _():
          wait_idx(0)
          fire_gathers(0)

      @pl.when(j + 2 < per_w)
      def _():
        @pl.when(p == 0)
        def _():
          start_idx(u0 + j + 2, 0)

        @pl.when(p == 1)
        def _():
          start_idx(u0 + j + 2, 1)

      @pl.when(j >= 2)
      def _():
        @pl.when(p == 0)
        def _():
          wait_stores(0)

        @pl.when(p == 1)
        def _():
          wait_stores(1)

      @pl.when(p == 0)
      def _():
        transpose(0)
        fire_stores(u0 + j, 0)

      @pl.when(p == 1)
      def _():
        transpose(1)
        fire_stores(u0 + j, 1)

      @pl.when(j + 1 < per_w)
      def _():
        @pl.when(p == 0)
        def _():
          drain_gathers(1)

        @pl.when(p == 1)
        def _():
          drain_gathers(0)

      return carry

    lax.fori_loop(0, per_w, body, 0)
    wait_stores(0)
    wait_stores(1)

  return emb


def kernel(label_ids, table):
  batch, hist = label_ids.shape
  vocab, dim = table.shape
  idx_t = label_ids.T.astype(jnp.int32)
  out_phys = _make_emb(hist, batch, dim)(idx_t, table)
  return jnp.transpose(out_phys, (2, 0, 1))

# --- scband reference (transcript-rebuilt; emitter-appended) ---
"""Pipeline reference for scband-output-embedder-9809705304946 (READ-ONLY COPY).

The authoritative reference and input builder live on the scoring server;
editing this copy changes nothing except your own understanding.
"""

import jax, jax.numpy as jnp
import numpy as np

NUM_LABELS = 1000000
EMBED_DIM = 32
BATCH = 16384
HIST = 50

def setup_inputs(seed: int = 0) -> dict:
    key = jax.random.key(seed)
    k1, k2 = jax.random.split(key)
    label_ids = jax.random.randint(k1, (BATCH, HIST), 0, NUM_LABELS, dtype=jnp.int64 if jax.config.read('jax_enable_x64') else jnp.int32)
    table = jax.random.normal(k2, (NUM_LABELS, EMBED_DIM), dtype=jnp.float32)
    return {"label_ids": label_ids, "table": table}

def reference(label_ids, table):
    # torch.nn.Embedding forward: row-gather from the table
    return jnp.take(table, label_ids, axis=0)

if __name__ == "__main__":
    import jax
    _d = setup_inputs()
    print(jax.jit(kernel)(*tuple(_d.values())))

</pallas_src>

<mosaic_0001>
#map = affine_map<(d0, d1) -> (0, 0)>
#map1 = affine_map<(d0, d1) -> (0, 0, 0)>
module attributes {stable_mosaic.version = 14 : i64} {
  func.func @emb(%arg0: i32, %arg1: i32, %arg2: memref<50x16384xi32, #tpu.memory_space<hbm>>, %arg3: memref<1000000x32xf32, #tpu.memory_space<hbm>>, %arg4: memref<50x32x16384xf32, #tpu.memory_space<hbm>>, %arg5: memref<2x512xi32, #tpu.memory_space<vmem>>, %arg6: memref<2x512x32xf32, #tpu.memory_space<vmem>>, %arg7: memref<2x32x512xf32, #tpu.memory_space<vmem>>, %arg8: memref<!tpu.dma_semaphore, #tpu.memory_space<semaphore_mem>>, %arg9: memref<!tpu.dma_semaphore, #tpu.memory_space<semaphore_mem>>, %arg10: memref<!tpu.dma_semaphore, #tpu.memory_space<semaphore_mem>>, %arg11: memref<!tpu.dma_semaphore, #tpu.memory_space<semaphore_mem>>, %arg12: memref<!tpu.dma_semaphore, #tpu.memory_space<semaphore_mem>>, %arg13: memref<!tpu.dma_semaphore, #tpu.memory_space<semaphore_mem>>) attributes {dimension_semantics = [#tpu.dimension_semantics<core_parallel>, #tpu.dimension_semantics<subcore_parallel>], iteration_bounds = array<i64: 2, 16>, scalar_prefetch = 0 : i64, scratch_operands = 9 : i64, tpu.core_type = #tpu.core_type<sc_vector_subcore>, window_params = [{transform_indices = #map}, {transform_indices = #map}, {transform_indices = #map1}]} {
    %mul3A = arith.constant 2 : i32
    %mul3A_0 = arith.muli %arg1, %mul3A : i32
    %add3A = arith.addi %mul3A_0, %arg0 : i32
    %mul3A_1 = arith.constant 50 : i32
    %mul3A_2 = arith.muli %add3A, %mul3A_1 : i32
    %iota3A = tpu.iota {dimensions = array<i32: 0>} : vector<16xi32>
    %jit3A = arith.constant 32 : i32
    %div3A = arith.divsi %mul3A_2, %jit3A : i32
    %sign3A = arith.constant 0 : i32
    %sign3A_3 = arith.cmpi sgt, %mul3A_2, %sign3A : i32
    %sign3A_4 = arith.extui %sign3A_3 : i1 to i32
    %sign3A_5 = arith.constant 0 : i32
    %sign3A_6 = arith.cmpi slt, %mul3A_2, %sign3A_5 : i32
    %sign3A_7 = arith.extui %sign3A_6 : i1 to i32
    %sign3A_8 = arith.subi %sign3A_4, %sign3A_7 : i32
    %sign3A_9 = arith.constant 0 : i32
    %sign3A_10 = arith.cmpi sgt, %jit3A, %sign3A_9 : i32
    %sign3A_11 = arith.extui %sign3A_10 : i1 to i32
    %sign3A_12 = arith.constant 0 : i32
    %sign3A_13 = arith.cmpi slt, %jit3A, %sign3A_12 : i32
    %sign3A_14 = arith.extui %sign3A_13 : i1 to i32
    %sign3A_15 = arith.subi %sign3A_11, %sign3A_14 : i32
    %ne3A = arith.cmpi ne, %sign3A_8, %sign3A_15 : i32
    %rem3A = arith.remsi %mul3A_2, %jit3A : i32
    %ne3A_16 = arith.constant 0 : i32
    %ne3A_17 = arith.cmpi ne, %rem3A, %ne3A_16 : i32
    %and3A = arith.andi %ne3A, %ne3A_17 : i1
    %sub3A = arith.constant 1 : i32
    %sub3A_18 = arith.subi %div3A, %sub3A : i32
    %select_n3A = arith.select %and3A, %sub3A_18, %div3A : i32
    %jit3A_19 = arith.constant 32 : i32
    %eq3A = arith.constant 0 : i32
    %eq3A_20 = arith.cmpi eq, %jit3A_19, %eq3A : i32
    %jit3A_21 = arith.constant 1 : i32
    %select_n3A_22 = arith.select %eq3A_20, %jit3A_21, %jit3A_19 : i32
    %rem3A_23 = arith.remsi %mul3A_2, %select_n3A_22 : i32
    %ne3A_24 = arith.constant 0 : i32
    %ne3A_25 = arith.cmpi ne, %rem3A_23, %ne3A_24 : i32
    %lt3A = arith.constant 0 : i32
    %lt3A_26 = arith.cmpi slt, %rem3A_23, %lt3A : i32
    %lt3A_27 = arith.constant 0 : i32
    %lt3A_28 = arith.cmpi slt, %select_n3A_22, %lt3A_27 : i32
    %ne3A_29 = arith.xori %lt3A_26, %lt3A_28 : i1
    %and3A_30 = arith.andi %ne3A_29, %ne3A_25 : i1
    %add3A_31 = arith.addi %rem3A_23, %select_n3A_22 : i32
    %select_n3A_32 = arith.select %and3A_30, %add3A_31, %rem3A_23 : i32
    %mul3A_33 = arith.constant 512 : i32
    %mul3A_34 = arith.muli %select_n3A_32, %mul3A_33 : i32
    %dma_start3A = arith.constant 0 : i32
    %dma_start3A_35 = arith.constant 0 : i32
    %dma_start3A_36 = tpu.memref_slice %arg5[%dma_start3A, %dma_start3A_35] : memref<2x512xi32, #tpu.memory_space<vmem>> -> memref<1x512xi32, #tpu.memory_space<vmem>>
    %dma_start3A_37 = tpu.memref_squeeze %dma_start3A_36 : memref<1x512xi32, #tpu.memory_space<vmem>> -> memref<512xi32, #tpu.memory_space<vmem>>
    %dma_start3A_38 = tpu.memref_slice %arg2[%select_n3A, %mul3A_34] : memref<50x16384xi32, #tpu.memory_space<hbm>> -> memref<1x512xi32, #tpu.memory_space<hbm>>
    %dma_start3A_39 = tpu.memref_squeeze %dma_start3A_38 : memref<1x512xi32, #tpu.memory_space<hbm>> -> memref<512xi32, #tpu.memory_space<hbm>>
    %dma_start3A_40 = arith.constant 0 : i32
    %dma_start3A_41 = tpu.memref_slice %arg5[%dma_start3A, %dma_start3A_40] : memref<2x512xi32, #tpu.memory_space<vmem>> -> memref<1x512xi32, #tpu.memory_space<vmem>>
    %dma_start3A_42 = tpu.memref_squeeze %dma_start3A_41 : memref<1x512xi32, #tpu.memory_space<vmem>> -> memref<512xi32, #tpu.memory_space<vmem>>
    %dma_start3A_43 = tpu.memref_slice %arg2[%select_n3A, %mul3A_34] : memref<50x16384xi32, #tpu.memory_space<hbm>> -> memref<1x512xi32, #tpu.memory_space<hbm>>
    %dma_start3A_44 = tpu.memref_squeeze %dma_start3A_43 : memref<1x512xi32, #tpu.memory_space<hbm>> -> memref<512xi32, #tpu.memory_space<hbm>>
    tpu.enqueue_dma source(%dma_start3A_44 : memref<512xi32, #tpu.memory_space<hbm>>) target(%dma_start3A_42 : memref<512xi32, #tpu.memory_space<vmem>>) target_semaphore(%arg8 : memref<!tpu.dma_semaphore, #tpu.memory_space<semaphore_mem>>)
    %add3A_45 = arith.constant 1 : i32
    %add3A_46 = arith.addi %mul3A_2, %add3A_45 : i32
    %jit3A_47 = arith.constant 32 : i32
    %div3A_48 = arith.divsi %add3A_46, %jit3A_47 : i32
    %sign3A_49 = arith.constant 0 : i32
    %sign3A_50 = arith.cmpi sgt, %add3A_46, %sign3A_49 : i32
    %sign3A_51 = arith.extui %sign3A_50 : i1 to i32
    %sign3A_52 = arith.constant 0 : i32
    %sign3A_53 = arith.cmpi slt, %add3A_46, %sign3A_52 : i32
    %sign3A_54 = arith.extui %sign3A_53 : i1 to i32
    %sign3A_55 = arith.subi %sign3A_51, %sign3A_54 : i32
    %sign3A_56 = arith.constant 0 : i32
    %sign3A_57 = arith.cmpi sgt, %jit3A_47, %sign3A_56 : i32
    %sign3A_58 = arith.extui %sign3A_57 : i1 to i32
    %sign3A_59 = arith.constant 0 : i32
    %sign3A_60 = arith.cmpi slt, %jit3A_47, %sign3A_59 : i32
    %sign3A_61 = arith.extui %sign3A_60 : i1 to i32
    %sign3A_62 = arith.subi %sign3A_58, %sign3A_61 : i32
    %ne3A_63 = arith.cmpi ne, %sign3A_55, %sign3A_62 : i32
    %rem3A_64 = arith.remsi %add3A_46, %jit3A_47 : i32
    %ne3A_65 = arith.constant 0 : i32
    %ne3A_66 = arith.cmpi ne, %rem3A_64, %ne3A_65 : i32
    %and3A_67 = arith.andi %ne3A_63, %ne3A_66 : i1
    %sub3A_68 = arith.constant 1 : i32
    %sub3A_69 = arith.subi %div3A_48, %sub3A_68 : i32
    %select_n3A_70 = arith.select %and3A_67, %sub3A_69, %div3A_48 : i32
    %jit3A_71 = arith.constant 32 : i32
    %eq3A_72 = arith.constant 0 : i32
    %eq3A_73 = arith.cmpi eq, %jit3A_71, %eq3A_72 : i32
    %jit3A_74 = arith.constant 1 : i32
    %select_n3A_75 = arith.select %eq3A_73, %jit3A_74, %jit3A_71 : i32
    %rem3A_76 = arith.remsi %add3A_46, %select_n3A_75 : i32
    %ne3A_77 = arith.constant 0 : i32
    %ne3A_78 = arith.cmpi ne, %rem3A_76, %ne3A_77 : i32
    %lt3A_79 = arith.constant 0 : i32
    %lt3A_80 = arith.cmpi slt, %rem3A_76, %lt3A_79 : i32
    %lt3A_81 = arith.constant 0 : i32
    %lt3A_82 = arith.cmpi slt, %select_n3A_75, %lt3A_81 : i32
    %ne3A_83 = arith.xori %lt3A_80, %lt3A_82 : i1
    %and3A_84 = arith.andi %ne3A_83, %ne3A_78 : i1
    %add3A_85 = arith.addi %rem3A_76, %select_n3A_75 : i32
    %select_n3A_86 = arith.select %and3A_84, %add3A_85, %rem3A_76 : i32
    %mul3A_87 = arith.constant 512 : i32
    %mul3A_88 = arith.muli %select_n3A_86, %mul3A_87 : i32
    %dma_start3A_89 = arith.constant 1 : i32
    %dma_start3A_90 = arith.constant 0 : i32
    %dma_start3A_91 = tpu.memref_slice %arg5[%dma_start3A_89, %dma_start3A_90] : memref<2x512xi32, #tpu.memory_space<vmem>> -> memref<1x512xi32, #tpu.memory_space<vmem>>
    %dma_start3A_92 = tpu.memref_squeeze %dma_start3A_91 : memref<1x512xi32, #tpu.memory_space<vmem>> -> memref<512xi32, #tpu.memory_space<vmem>>
    %dma_start3A_93 = tpu.memref_slice %arg2[%select_n3A_70, %mul3A_88] : memref<50x16384xi32, #tpu.memory_space<hbm>> -> memref<1x512xi32, #tpu.memory_space<hbm>>
    %dma_start3A_94 = tpu.memref_squeeze %dma_start3A_93 : memref<1x512xi32, #tpu.memory_space<hbm>> -> memref<512xi32, #tpu.memory_space<hbm>>
    %dma_start3A_95 = arith.constant 0 : i32
    %dma_start3A_96 = tpu.memref_slice %arg5[%dma_start3A_89, %dma_start3A_95] : memref<2x512xi32, #tpu.memory_space<vmem>> -> memref<1x512xi32, #tpu.memory_space<vmem>>
    %dma_start3A_97 = tpu.memref_squeeze %dma_start3A_96 : memref<1x512xi32, #tpu.memory_space<vmem>> -> memref<512xi32, #tpu.memory_space<vmem>>
    %dma_start3A_98 = tpu.memref_slice %arg2[%select_n3A_70, %mul3A_88] : memref<50x16384xi32, #tpu.memory_space<hbm>> -> memref<1x512xi32, #tpu.memory_space<hbm>>
    %dma_start3A_99 = tpu.memref_squeeze %dma_start3A_98 : memref<1x512xi32, #tpu.memory_space<hbm>> -> memref<512xi32, #tpu.memory_space<hbm>>
    tpu.enqueue_dma source(%dma_start3A_99 : memref<512xi32, #tpu.memory_space<hbm>>) target(%dma_start3A_97 : memref<512xi32, #tpu.memory_space<vmem>>) target_semaphore(%arg9 : memref<!tpu.dma_semaphore, #tpu.memory_space<semaphore_mem>>)
    %dma_wait3A = arith.constant 0 : i32
    %dma_wait3A_100 = arith.constant 0 : i32
    %dma_wait3A_101 = arith.constant 0 : i32
    %dma_wait3A_102 = tpu.memref_slice %arg5[%dma_wait3A_100, %dma_wait3A_101] : memref<2x512xi32, #tpu.memory_space<vmem>> -> memref<1x512xi32, #tpu.memory_space<vmem>>
    %dma_wait3A_103 = tpu.memref_squeeze %dma_wait3A_102 : memref<1x512xi32, #tpu.memory_space<vmem>> -> memref<512xi32, #tpu.memory_space<vmem>>
    %dma_wait3A_104 = arith.constant 0 : i32
    %dma_wait3A_105 = tpu.memref_slice %arg2[%dma_wait3A, %dma_wait3A_104] : memref<50x16384xi32, #tpu.memory_space<hbm>> -> memref<1x512xi32, #tpu.memory_space<hbm>>
    %dma_wait3A_106 = tpu.memref_squeeze %dma_wait3A_105 : memref<1x512xi32, #tpu.memory_space<hbm>> -> memref<512xi32, #tpu.memory_space<hbm>>
    %dma_wait3A_107 = arith.constant 0 : i32
    %dma_wait3A_108 = tpu.memref_slice %arg5[%dma_wait3A_100, %dma_wait3A_107] : memref<2x512xi32, #tpu.memory_space<vmem>> -> memref<1x512xi32, #tpu.memory_space<vmem>>
    %dma_wait3A_109 = tpu.memref_squeeze %dma_wait3A_108 : memref<1x512xi32, #tpu.memory_space<vmem>> -> memref<512xi32, #tpu.memory_space<vmem>>
    %dma_wait3A_110 = arith.constant 0 : i32
    %dma_wait3A_111 = tpu.memref_slice %arg2[%dma_wait3A, %dma_wait3A_110] : memref<50x16384xi32, #tpu.memory_space<hbm>> -> memref<1x512xi32, #tpu.memory_space<hbm>>
    %dma_wait3A_112 = tpu.memref_squeeze %dma_wait3A_111 : memref<1x512xi32, #tpu.memory_space<hbm>> -> memref<512xi32, #tpu.memory_space<hbm>>
    tpu.wait_dma2 semaphore(%arg8 : memref<!tpu.dma_semaphore, #tpu.memory_space<semaphore_mem>>) src(%dma_wait3A_112 : memref<512xi32, #tpu.memory_space<hbm>>) dst(%dma_wait3A_109 : memref<512xi32, #tpu.memory_space<vmem>>)
    %dma_start3A_113 = arith.constant 0 : i32
    %dma_start3A_114 = arith.constant 0 : i32
    %dma_start3A_115 = arith.constant 0 : i32
    %dma_start3A_116 = arith.constant 0 : i32
    %dma_start3A_117 = tpu.memref_slice %arg6[%dma_start3A_114, %dma_start3A_115, %dma_start3A_116] : memref<2x512x32xf32, #tpu.memory_space<vmem>> -> memref<1x512x32xf32, #tpu.memory_space<vmem>>
    %dma_start3A_118 = tpu.memref_squeeze %dma_start3A_117 : memref<1x512x32xf32, #tpu.memory_space<vmem>> -> memref<512x32xf32, #tpu.memory_space<vmem>>
    %dma_start3A_119 = arith.constant 0 : i32
    %dma_start3A_120 = arith.constant 0 : i32
    %dma_start3A_121 = tpu.memref_slice %dma_start3A_118[%dma_start3A_119, %dma_start3A_120] : memref<512x32xf32, #tpu.memory_space<vmem>> -> memref<128x32xf32, #tpu.memory_space<vmem>>
    %dma_start3A_122 = arith.constant 0 : i32
    %dma_start3A_123 = tpu.memref_slice %arg5[%dma_start3A_113, %dma_start3A_122] : memref<2x512xi32, #tpu.memory_space<vmem>> -> memref<1x512xi32, #tpu.memory_space<vmem>>
    %dma_start3A_124 = tpu.memref_squeeze %dma_start3A_123 : memref<1x512xi32, #tpu.memory_space<vmem>> -> memref<512xi32, #tpu.memory_space<vmem>>
    %dma_start3A_125 = arith.constant 0 : i32
    %dma_start3A_126 = tpu.memref_slice %dma_start3A_124[%dma_start3A_125] : memref<512xi32, #tpu.memory_space<vmem>> -> memref<128xi32, #tpu.memory_space<vmem>>
    %dma_start3A_127 = arith.constant 0 : i32
    %dma_start3A_128 = arith.constant 0 : i32
    %dma_start3A_129 = tpu.memref_slice %arg3[%dma_start3A_127, %dma_start3A_128] : memref<1000000x32xf32, #tpu.memory_space<hbm>> -> memref<1000000x32xf32, #tpu.memory_space<hbm>>
    tpu.enqueue_indirect_dma source(%dma_start3A_129 : memref<1000000x32xf32, #tpu.memory_space<hbm>>) target(%dma_start3A_121 : memref<128x32xf32, #tpu.memory_space<vmem>>) offsets(%dma_start3A_126 : memref<128xi32, #tpu.memory_space<vmem>>) semaphore(%arg10 : memref<!tpu.dma_semaphore, #tpu.memory_space<semaphore_mem>>)
    %dma_start3A_130 = arith.constant 0 : i32
    %dma_start3A_131 = arith.constant 0 : i32
    %dma_start3A_132 = arith.constant 0 : i32
    %dma_start3A_133 = arith.constant 0 : i32
    %dma_start3A_134 = tpu.memref_slice %arg6[%dma_start3A_131, %dma_start3A_132, %dma_start3A_133] : memref<2x512x32xf32, #tpu.memory_space<vmem>> -> memref<1x512x32xf32, #tpu.memory_space<vmem>>
    %dma_start3A_135 = tpu.memref_squeeze %dma_start3A_134 : memref<1x512x32xf32, #tpu.memory_space<vmem>> -> memref<512x32xf32, #tpu.memory_space<vmem>>
    %dma_start3A_136 = arith.constant 128 : i32
    %dma_start3A_137 = arith.constant 0 : i32
    %dma_start3A_138 = tpu.memref_slice %dma_start3A_135[%dma_start3A_136, %dma_start3A_137] : memref<512x32xf32, #tpu.memory_space<vmem>> -> memref<128x32xf32, #tpu.memory_space<vmem>>
    %dma_start3A_139 = arith.constant 0 : i32
    %dma_start3A_140 = tpu.memref_slice %arg5[%dma_start3A_130, %dma_start3A_139] : memref<2x512xi32, #tpu.memory_space<vmem>> -> memref<1x512xi32, #tpu.memory_space<vmem>>
    %dma_start3A_141 = tpu.memref_squeeze %dma_start3A_140 : memref<1x512xi32, #tpu.memory_space<vmem>> -> memref<512xi32, #tpu.memory_space<vmem>>
    %dma_start3A_142 = arith.constant 128 : i32
    %dma_start3A_143 = tpu.memref_slice %dma_start3A_141[%dma_start3A_142] : memref<512xi32, #tpu.memory_space<vmem>> -> memref<128xi32, #tpu.memory_space<vmem>>
    %dma_start3A_144 = arith.constant 0 : i32
    %dma_start3A_145 = arith.constant 0 : i32
    %dma_start3A_146 = tpu.memref_slice %arg3[%dma_start3A_144, %dma_start3A_145] : memref<1000000x32xf32, #tpu.memory_space<hbm>> -> memref<1000000x32xf32, #tpu.memory_space<hbm>>
    tpu.enqueue_indirect_dma source(%dma_start3A_146 : memref<1000000x32xf32, #tpu.memory_space<hbm>>) target(%dma_start3A_138 : memref<128x32xf32, #tpu.memory_space<vmem>>) offsets(%dma_start3A_143 : memref<128xi32, #tpu.memory_space<vmem>>) semaphore(%arg10 : memref<!tpu.dma_semaphore, #tpu.memory_space<semaphore_mem>>)
    %dma_start3A_147 = arith.constant 0 : i32
    %dma_start3A_148 = arith.constant 0 : i32
    %dma_start3A_149 = arith.constant 0 : i32
    %dma_start3A_150 = arith.constant 0 : i32
    %dma_start3A_151 = tpu.memref_slice %arg6[%dma_start3A_148, %dma_start3A_149, %dma_start3A_150] : memref<2x512x32xf32, #tpu.memory_space<vmem>> -> memref<1x512x32xf32, #tpu.memory_space<vmem>>
    %dma_start3A_152 = tpu.memref_squeeze %dma_start3A_151 : memref<1x512x32xf32, #tpu.memory_space<vmem>> -> memref<512x32xf32, #tpu.memory_space<vmem>>
    %dma_start3A_153 = arith.constant 256 : i32
    %dma_start3A_154 = arith.constant 0 : i32
    %dma_start3A_155 = tpu.memref_slice %dma_start3A_152[%dma_start3A_153, %dma_start3A_154] : memref<512x32xf32, #tpu.memory_space<vmem>> -> memref<128x32xf32, #tpu.memory_space<vmem>>
    %dma_start3A_156 = arith.constant 0 : i32
    %dma_start3A_157 = tpu.memref_slice %arg5[%dma_start3A_147, %dma_start3A_156] : memref<2x512xi32, #tpu.memory_space<vmem>> -> memref<1x512xi32, #tpu.memory_space<vmem>>
    %dma_start3A_158 = tpu.memref_squeeze %dma_start3A_157 : memref<1x512xi32, #tpu.memory_space<vmem>> -> memref<512xi32, #tpu.memory_space<vmem>>
    %dma_start3A_159 = arith.constant 256 : i32
    %dma_start3A_160 = tpu.memref_slice %dma_start3A_158[%dma_start3A_159] : memref<512xi32, #tpu.memory_space<vmem>> -> memref<128xi32, #tpu.memory_space<vmem>>
    %dma_start3A_161 = arith.constant 0 : i32
    %dma_start3A_162 = arith.constant 0 : i32
    %dma_start3A_163 = tpu.memref_slice %arg3[%dma_start3A_161, %dma_start3A_162] : memref<1000000x32xf32, #tpu.memory_space<hbm>> -> memref<1000000x32xf32, #tpu.memory_space<hbm>>
    tpu.enqueue_indirect_dma source(%dma_start3A_163 : memref<1000000x32xf32, #tpu.memory_space<hbm>>) target(%dma_start3A_155 : memref<128x32xf32, #tpu.memory_space<vmem>>) offsets(%dma_start3A_160 : memref<128xi32, #tpu.memory_space<vmem>>) semaphore(%arg10 : memref<!tpu.dma_semaphore, #tpu.memory_space<semaphore_mem>>)
    %dma_start3A_164 = arith.constant 0 : i32
    %dma_start3A_165 = arith.constant 0 : i32
    %dma_start3A_166 = arith.constant 0 : i32
    %dma_start3A_167 = arith.constant 0 : i32
    %dma_start3A_168 = tpu.memref_slice %arg6[%dma_start3A_165, %dma_start3A_166, %dma_start3A_167] : memref<2x512x32xf32, #tpu.memory_space<vmem>> -> memref<1x512x32xf32, #tpu.memory_space<vmem>>
    %dma_start3A_169 = tpu.memref_squeeze %dma_start3A_168 : memref<1x512x32xf32, #tpu.memory_space<vmem>> -> memref<512x32xf32, #tpu.memory_space<vmem>>
    %dma_start3A_170 = arith.constant 384 : i32
    %dma_start3A_171 = arith.constant 0 : i32
    %dma_start3A_172 = tpu.memref_slice %dma_start3A_169[%dma_start3A_170, %dma_start3A_171] : memref<512x32xf32, #tpu.memory_space<vmem>> -> memref<128x32xf32, #tpu.memory_space<vmem>>
    %dma_start3A_173 = arith.constant 0 : i32
    %dma_start3A_174 = tpu.memref_slice %arg5[%dma_start3A_164, %dma_start3A_173] : memref<2x512xi32, #tpu.memory_space<vmem>> -> memref<1x512xi32, #tpu.memory_space<vmem>>
    %dma_start3A_175 = tpu.memref_squeeze %dma_start3A_174 : memref<1x512xi32, #tpu.memory_space<vmem>> -> memref<512xi32, #tpu.memory_space<vmem>>
    %dma_start3A_176 = arith.constant 384 : i32
    %dma_start3A_177 = tpu.memref_slice %dma_start3A_175[%dma_start3A_176] : memref<512xi32, #tpu.memory_space<vmem>> -> memref<128xi32, #tpu.memory_space<vmem>>
    %dma_start3A_178 = arith.constant 0 : i32
    %dma_start3A_179 = arith.constant 0 : i32
    %dma_start3A_180 = tpu.memref_slice %arg3[%dma_start3A_178, %dma_start3A_179] : memref<1000000x32xf32, #tpu.memory_space<hbm>> -> memref<1000000x32xf32, #tpu.memory_space<hbm>>
    tpu.enqueue_indirect_dma source(%dma_start3A_180 : memref<1000000x32xf32, #tpu.memory_space<hbm>>) target(%dma_start3A_172 : memref<128x32xf32, #tpu.memory_space<vmem>>) offsets(%dma_start3A_177 : memref<128xi32, #tpu.memory_space<vmem>>) semaphore(%arg10 : memref<!tpu.dma_semaphore, #tpu.memory_space<semaphore_mem>>)
    %dma_wait3A_181 = arith.constant 0 : i32
    %dma_wait3A_182 = arith.constant 0 : i32
    %dma_wait3A_183 = arith.constant 0 : i32
    %dma_wait3A_184 = arith.constant 0 : i32
    %dma_wait3A_185 = tpu.memref_slice %arg6[%dma_wait3A_182, %dma_wait3A_183, %dma_wait3A_184] : memref<2x512x32xf32, #tpu.memory_space<vmem>> -> memref<1x512x32xf32, #tpu.memory_space<vmem>>
    %dma_wait3A_186 = tpu.memref_squeeze %dma_wait3A_185 : memref<1x512x32xf32, #tpu.memory_space<vmem>> -> memref<512x32xf32, #tpu.memory_space<vmem>>
    %dma_wait3A_187 = arith.constant 0 : i32
    %dma_wait3A_188 = arith.constant 0 : i32
    %dma_wait3A_189 = tpu.memref_slice %dma_wait3A_186[%dma_wait3A_187, %dma_wait3A_188] : memref<512x32xf32, #tpu.memory_space<vmem>> -> memref<128x32xf32, #tpu.memory_space<vmem>>
    %dma_wait3A_190 = arith.constant 0 : i32
    %dma_wait3A_191 = tpu.memref_slice %arg5[%dma_wait3A_181, %dma_wait3A_190] : memref<2x512xi32, #tpu.memory_space<vmem>> -> memref<1x512xi32, #tpu.memory_space<vmem>>
    %dma_wait3A_192 = tpu.memref_squeeze %dma_wait3A_191 : memref<1x512xi32, #tpu.memory_space<vmem>> -> memref<512xi32, #tpu.memory_space<vmem>>
    %dma_wait3A_193 = arith.constant 0 : i32
    %dma_wait3A_194 = tpu.memref_slice %dma_wait3A_192[%dma_wait3A_193] : memref<512xi32, #tpu.memory_space<vmem>> -> memref<128xi32, #tpu.memory_space<vmem>>
    %dma_wait3A_195 = arith.constant 0 : i32
    %dma_wait3A_196 = arith.constant 0 : i32
    %dma_wait3A_197 = tpu.memref_slice %arg3[%dma_wait3A_195, %dma_wait3A_196] : memref<1000000x32xf32, #tpu.memory_space<hbm>> -> memref<1000000x32xf32, #tpu.memory_space<hbm>>
    tpu.wait_indirect_dma semaphore(%arg10 : memref<!tpu.dma_semaphore, #tpu.memory_space<semaphore_mem>>) src(%dma_wait3A_197 : memref<1000000x32xf32, #tpu.memory_space<hbm>>) dst(%dma_wait3A_189 : memref<128x32xf32, #tpu.memory_space<vmem>>)
    %dma_wait3A_198 = arith.constant 0 : i32
    %dma_wait3A_199 = arith.constant 0 : i32
    %dma_wait3A_200 = arith.constant 0 : i32
    %dma_wait3A_201 = arith.constant 0 : i32
    %dma_wait3A_202 = tpu.memref_slice %arg6[%dma_wait3A_199, %dma_wait3A_200, %dma_wait3A_201] : memref<2x512x32xf32, #tpu.memory_space<vmem>> -> memref<1x512x32xf32, #tpu.memory_space<vmem>>
    %dma_wait3A_203 = tpu.memref_squeeze %dma_wait3A_202 : memref<1x512x32xf32, #tpu.memory_space<vmem>> -> memref<512x32xf32, #tpu.memory_space<vmem>>
    %dma_wait3A_204 = arith.constant 128 : i32
    %dma_wait3A_205 = arith.constant 0 : i32
    %dma_wait3A_206 = tpu.memref_slice %dma_wait3A_203[%dma_wait3A_204, %dma_wait3A_205] : memref<512x32xf32, #tpu.memory_space<vmem>> -> memref<128x32xf32, #tpu.memory_space<vmem>>
    %dma_wait3A_207 = arith.constant 0 : i32
    %dma_wait3A_208 = tpu.memref_slice %arg5[%dma_wait3A_198, %dma_wait3A_207] : memref<2x512xi32, #tpu.memory_space<vmem>> -> memref<1x512xi32, #tpu.memory_space<vmem>>
    %dma_wait3A_209 = tpu.memref_squeeze %dma_wait3A_208 : memref<1x512xi32, #tpu.memory_space<vmem>> -> memref<512xi32, #tpu.memory_space<vmem>>
    %dma_wait3A_210 = arith.constant 128 : i32
    %dma_wait3A_211 = tpu.memref_slice %dma_wait3A_209[%dma_wait3A_210] : memref<512xi32, #tpu.memory_space<vmem>> -> memref<128xi32, #tpu.memory_space<vmem>>
    %dma_wait3A_212 = arith.constant 0 : i32
    %dma_wait3A_213 = arith.constant 0 : i32
    %dma_wait3A_214 = tpu.memref_slice %arg3[%dma_wait3A_212, %dma_wait3A_213] : memref<1000000x32xf32, #tpu.memory_space<hbm>> -> memref<1000000x32xf32, #tpu.memory_space<hbm>>
    tpu.wait_indirect_dma semaphore(%arg10 : memref<!tpu.dma_semaphore, #tpu.memory_space<semaphore_mem>>) src(%dma_wait3A_214 : memref<1000000x32xf32, #tpu.memory_space<hbm>>) dst(%dma_wait3A_206 : memref<128x32xf32, #tpu.memory_space<vmem>>)
    %dma_wait3A_215 = arith.constant 0 : i32
    %dma_wait3A_216 = arith.constant 0 : i32
    %dma_wait3A_217 = arith.constant 0 : i32
    %dma_wait3A_218 = arith.constant 0 : i32
    %dma_wait3A_219 = tpu.memref_slice %arg6[%dma_wait3A_216, %dma_wait3A_217, %dma_wait3A_218] : memref<2x512x32xf32, #tpu.memory_space<vmem>> -> memref<1x512x32xf32, #tpu.memory_space<vmem>>
    %dma_wait3A_220 = tpu.memref_squeeze %dma_wait3A_219 : memref<1x512x32xf32, #tpu.memory_space<vmem>> -> memref<512x32xf32, #tpu.memory_space<vmem>>
    %dma_wait3A_221 = arith.constant 256 : i32
    %dma_wait3A_222 = arith.constant 0 : i32
    %dma_wait3A_223 = tpu.memref_slice %dma_wait3A_220[%dma_wait3A_221, %dma_wait3A_222] : memref<512x32xf32, #tpu.memory_space<vmem>> -> memref<128x32xf32, #tpu.memory_space<vmem>>
    %dma_wait3A_224 = arith.constant 0 : i32
    %dma_wait3A_225 = tpu.memref_slice %arg5[%dma_wait3A_215, %dma_wait3A_224] : memref<2x512xi32, #tpu.memory_space<vmem>> -> memref<1x512xi32, #tpu.memory_space<vmem>>
    %dma_wait3A_226 = tpu.memref_squeeze %dma_wait3A_225 : memref<1x512xi32, #tpu.memory_space<vmem>> -> memref<512xi32, #tpu.memory_space<vmem>>
    %dma_wait3A_227 = arith.constant 256 : i32
    %dma_wait3A_228 = tpu.memref_slice %dma_wait3A_226[%dma_wait3A_227] : memref<512xi32, #tpu.memory_space<vmem>> -> memref<128xi32, #tpu.memory_space<vmem>>
    %dma_wait3A_229 = arith.constant 0 : i32
    %dma_wait3A_230 = arith.constant 0 : i32
    %dma_wait3A_231 = tpu.memref_slice %arg3[%dma_wait3A_229, %dma_wait3A_230] : memref<1000000x32xf32, #tpu.memory_space<hbm>> -> memref<1000000x32xf32, #tpu.memory_space<hbm>>
    tpu.wait_indirect_dma semaphore(%arg10 : memref<!tpu.dma_semaphore, #tpu.memory_space<semaphore_mem>>) src(%dma_wait3A_231 : memref<1000000x32xf32, #tpu.memory_space<hbm>>) dst(%dma_wait3A_223 : memref<128x32xf32, #tpu.memory_space<vmem>>)
    %dma_wait3A_232 = arith.constant 0 : i32
    %dma_wait3A_233 = arith.constant 0 : i32
    %dma_wait3A_234 = arith.constant 0 : i32
    %dma_wait3A_235 = arith.constant 0 : i32
    %dma_wait3A_236 = tpu.memref_slice %arg6[%dma_wait3A_233, %dma_wait3A_234, %dma_wait3A_235] : memref<2x512x32xf32, #tpu.memory_space<vmem>> -> memref<1x512x32xf32, #tpu.memory_space<vmem>>
    %dma_wait3A_237 = tpu.memref_squeeze %dma_wait3A_236 : memref<1x512x32xf32, #tpu.memory_space<vmem>> -> memref<512x32xf32, #tpu.memory_space<vmem>>
    %dma_wait3A_238 = arith.constant 384 : i32
    %dma_wait3A_239 = arith.constant 0 : i32
    %dma_wait3A_240 = tpu.memref_slice %dma_wait3A_237[%dma_wait3A_238, %dma_wait3A_239] : memref<512x32xf32, #tpu.memory_space<vmem>> -> memref<128x32xf32, #tpu.memory_space<vmem>>
    %dma_wait3A_241 = arith.constant 0 : i32
    %dma_wait3A_242 = tpu.memref_slice %arg5[%dma_wait3A_232, %dma_wait3A_241] : memref<2x512xi32, #tpu.memory_space<vmem>> -> memref<1x512xi32, #tpu.memory_space<vmem>>
    %dma_wait3A_243 = tpu.memref_squeeze %dma_wait3A_242 : memref<1x512xi32, #tpu.memory_space<vmem>> -> memref<512xi32, #tpu.memory_space<vmem>>
    %dma_wait3A_244 = arith.constant 384 : i32
    %dma_wait3A_245 = tpu.memref_slice %dma_wait3A_243[%dma_wait3A_244] : memref<512xi32, #tpu.memory_space<vmem>> -> memref<128xi32, #tpu.memory_space<vmem>>
    %dma_wait3A_246 = arith.constant 0 : i32
    %dma_wait3A_247 = arith.constant 0 : i32
    %dma_wait3A_248 = tpu.memref_slice %arg3[%dma_wait3A_246, %dma_wait3A_247] : memref<1000000x32xf32, #tpu.memory_space<hbm>> -> memref<1000000x32xf32, #tpu.memory_space<hbm>>
    tpu.wait_indirect_dma semaphore(%arg10 : memref<!tpu.dma_semaphore, #tpu.memory_space<semaphore_mem>>) src(%dma_wait3A_248 : memref<1000000x32xf32, #tpu.memory_space<hbm>>) dst(%dma_wait3A_240 : memref<128x32xf32, #tpu.memory_space<vmem>>)
    %scan3A = arith.constant 0 : i32
    %scan3A_249 = arith.constant 0 : i32
    %scan3A_250 = arith.constant 50 : i32
    %scan3A_251 = arith.addi %scan3A_249, %scan3A_250 : i32
    %scan3A_252 = arith.constant 1 : i32
    scf.for %scan3A_302 = %scan3A_249 to %scan3A_251 step %scan3A_252  : i32 {
      %rem3A_303 = arith.constant 2 : i32
      %rem3A_304 = arith.remsi %scan3A_302, %rem3A_303 : i32
      %add3A_305 = arith.constant 1 : i32
      %add3A_306 = arith.addi %scan3A_302, %add3A_305 : i32
      %lt3A_307 = arith.constant 50 : i32
      %lt3A_308 = arith.cmpi slt, %add3A_306, %lt3A_307 : i32
      %convert_element_type3A = arith.extui %lt3A_308 : i1 to i32
      %cond3A = arith.constant 0 : i32
      %cond3A_309 = arith.cmpi ne, %convert_element_type3A, %cond3A : i32
      scf.if %cond3A_309 {
        %eq3A_338 = arith.constant 0 : i32
        %eq3A_339 = arith.cmpi eq, %rem3A_304, %eq3A_338 : i32
        %convert_element_type3A_340 = arith.extui %eq3A_339 : i1 to i32
        %cond3A_341 = arith.constant 0 : i32
        %cond3A_342 = arith.cmpi ne, %convert_element_type3A_340, %cond3A_341 : i32
        scf.if %cond3A_342 {
          %dma_wait3A_348 = arith.constant 0 : i32
          %dma_wait3A_349 = arith.constant 1 : i32
          %dma_wait3A_350 = arith.constant 0 : i32
          %dma_wait3A_351 = tpu.memref_slice %arg5[%dma_wait3A_349, %dma_wait3A_350] : memref<2x512xi32, #tpu.memory_space<vmem>> -> memref<1x512xi32, #tpu.memory_space<vmem>>
          %dma_wait3A_352 = tpu.memref_squeeze %dma_wait3A_351 : memref<1x512xi32, #tpu.memory_space<vmem>> -> memref<512xi32, #tpu.memory_space<vmem>>
          %dma_wait3A_353 = arith.constant 0 : i32
          %dma_wait3A_354 = tpu.memref_slice %arg2[%dma_wait3A_348, %dma_wait3A_353] : memref<50x16384xi32, #tpu.memory_space<hbm>> -> memref<1x512xi32, #tpu.memory_space<hbm>>
          %dma_wait3A_355 = tpu.memref_squeeze %dma_wait3A_354 : memref<1x512xi32, #tpu.memory_space<hbm>> -> memref<512xi32, #tpu.memory_space<hbm>>
          %dma_wait3A_356 = arith.constant 0 : i32
          %dma_wait3A_357 = tpu.memref_slice %arg5[%dma_wait3A_349, %dma_wait3A_356] : memref<2x512xi32, #tpu.memory_space<vmem>> -> memref<1x512xi32, #tpu.memory_space<vmem>>
          %dma_wait3A_358 = tpu.memref_squeeze %dma_wait3A_357 : memref<1x512xi32, #tpu.memory_space<vmem>> -> memref<512xi32, #tpu.memory_space<vmem>>
          %dma_wait3A_359 = arith.constant 0 : i32
          %dma_wait3A_360 = tpu.memref_slice %arg2[%dma_wait3A_348, %dma_wait3A_359] : memref<50x16384xi32, #tpu.memory_space<hbm>> -> memref<1x512xi32, #tpu.memory_space<hbm>>
          %dma_wait3A_361 = tpu.memref_squeeze %dma_wait3A_360 : memref<1x512xi32, #tpu.memory_space<hbm>> -> memref<512xi32, #tpu.memory_space<hbm>>
          tpu.wait_dma2 semaphore(%arg9 : memref<!tpu.dma_semaphore, #tpu.memory_space<semaphore_mem>>) src(%dma_wait3A_361 : memref<512xi32, #tpu.memory_space<hbm>>) dst(%dma_wait3A_358 : memref<512xi32, #tpu.memory_space<vmem>>)
          %dma_start3A_362 = arith.constant 1 : i32
          %dma_start3A_363 = arith.constant 1 : i32
          %dma_start3A_364 = arith.constant 0 : i32
          %dma_start3A_365 = arith.constant 0 : i32
          %dma_start3A_366 = tpu.memref_slice %arg6[%dma_start3A_363, %dma_start3A_364, %dma_start3A_365] : memref<2x512x32xf32, #tpu.memory_space<vmem>> -> memref<1x512x32xf32, #tpu.memory_space<vmem>>
          %dma_start3A_367 = tpu.memref_squeeze %dma_start3A_366 : memref<1x512x32xf32, #tpu.memory_space<vmem>> -> memref<512x32xf32, #tpu.memory_space<vmem>>
          %dma_start3A_368 = arith.constant 0 : i32
          %dma_start3A_369 = arith.constant 0 : i32
          %dma_start3A_370 = tpu.memref_slice %dma_start3A_367[%dma_start3A_368, %dma_start3A_369] : memref<512x32xf32, #tpu.memory_space<vmem>> -> memref<128x32xf32, #tpu.memory_space<vmem>>
          %dma_start3A_371 = arith.constant 0 : i32
          %dma_start3A_372 = tpu.memref_slice %arg5[%dma_start3A_362, %dma_start3A_371] : memref<2x512xi32, #tpu.memory_space<vmem>> -> memref<1x512xi32, #tpu.memory_space<vmem>>
          %dma_start3A_373 = tpu.memref_squeeze %dma_start3A_372 : memref<1x512xi32, #tpu.memory_space<vmem>> -> memref<512xi32, #tpu.memory_space<vmem>>
          %dma_start3A_374 = arith.constant 0 : i32
          %dma_start3A_375 = tpu.memref_slice %dma_start3A_373[%dma_start3A_374] : memref<512xi32, #tpu.memory_space<vmem>> -> memref<128xi32, #tpu.memory_space<vmem>>
          %dma_start3A_376 = arith.constant 0 : i32
          %dma_start3A_377 = arith.constant 0 : i32
          %dma_start3A_378 = tpu.memref_slice %arg3[%dma_start3A_376, %dma_start3A_377] : memref<1000000x32xf32, #tpu.memory_space<hbm>> -> memref<1000000x32xf32, #tpu.memory_space<hbm>>
          tpu.enqueue_indirect_dma source(%dma_start3A_378 : memref<1000000x32xf32, #tpu.memory_space<hbm>>) target(%dma_start3A_370 : memref<128x32xf32, #tpu.memory_space<vmem>>) offsets(%dma_start3A_375 : memref<128xi32, #tpu.memory_space<vmem>>) semaphore(%arg11 : memref<!tpu.dma_semaphore, #tpu.memory_space<semaphore_mem>>)
          %dma_start3A_379 = arith.constant 1 : i32
          %dma_start3A_380 = arith.constant 1 : i32
          %dma_start3A_381 = arith.constant 0 : i32
          %dma_start3A_382 = arith.constant 0 : i32
          %dma_start3A_383 = tpu.memref_slice %arg6[%dma_start3A_380, %dma_start3A_381, %dma_start3A_382] : memref<2x512x32xf32, #tpu.memory_space<vmem>> -> memref<1x512x32xf32, #tpu.memory_space<vmem>>
          %dma_start3A_384 = tpu.memref_squeeze %dma_start3A_383 : memref<1x512x32xf32, #tpu.memory_space<vmem>> -> memref<512x32xf32, #tpu.memory_space<vmem>>
          %dma_start3A_385 = arith.constant 128 : i32
          %dma_start3A_386 = arith.constant 0 : i32
          %dma_start3A_387 = tpu.memref_slice %dma_start3A_384[%dma_start3A_385, %dma_start3A_386] : memref<512x32xf32, #tpu.memory_space<vmem>> -> memref<128x32xf32, #tpu.memory_space<vmem>>
          %dma_start3A_388 = arith.constant 0 : i32
          %dma_start3A_389 = tpu.memref_slice %arg5[%dma_start3A_379, %dma_start3A_388] : memref<2x512xi32, #tpu.memory_space<vmem>> -> memref<1x512xi32, #tpu.memory_space<vmem>>
          %dma_start3A_390 = tpu.memref_squeeze %dma_start3A_389 : memref<1x512xi32, #tpu.memory_space<vmem>> -> memref<512xi32, #tpu.memory_space<vmem>>
          %dma_start3A_391 = arith.constant 128 : i32
          %dma_start3A_392 = tpu.memref_slice %dma_start3A_390[%dma_start3A_391] : memref<512xi32, #tpu.memory_space<vmem>> -> memref<128xi32, #tpu.memory_space<vmem>>
          %dma_start3A_393 = arith.constant 0 : i32
          %dma_start3A_394 = arith.constant 0 : i32
          %dma_start3A_395 = tpu.memref_slice %arg3[%dma_start3A_393, %dma_start3A_394] : memref<1000000x32xf32, #tpu.memory_space<hbm>> -> memref<1000000x32xf32, #tpu.memory_space<hbm>>
          tpu.enqueue_indirect_dma source(%dma_start3A_395 : memref<1000000x32xf32, #tpu.memory_space<hbm>>) target(%dma_start3A_387 : memref<128x32xf32, #tpu.memory_space<vmem>>) offsets(%dma_start3A_392 : memref<128xi32, #tpu.memory_space<vmem>>) semaphore(%arg11 : memref<!tpu.dma_semaphore, #tpu.memory_space<semaphore_mem>>)
          %dma_start3A_396 = arith.constant 1 : i32
          %dma_start3A_397 = arith.constant 1 : i32
          %dma_start3A_398 = arith.constant 0 : i32
          %dma_start3A_399 = arith.constant 0 : i32
          %dma_start3A_400 = tpu.memref_slice %arg6[%dma_start3A_397, %dma_start3A_398, %dma_start3A_399] : memref<2x512x32xf32, #tpu.memory_space<vmem>> -> memref<1x512x32xf32, #tpu.memory_space<vmem>>
          %dma_start3A_401 = tpu.memref_squeeze %dma_start3A_400 : memref<1x512x32xf32, #tpu.memory_space<vmem>> -> memref<512x32xf32, #tpu.memory_space<vmem>>
          %dma_start3A_402 = arith.constant 256 : i32
          %dma_start3A_403 = arith.constant 0 : i32
          %dma_start3A_404 = tpu.memref_slice %dma_start3A_401[%dma_start3A_402, %dma_start3A_403] : memref<512x32xf32, #tpu.memory_space<vmem>> -> memref<128x32xf32, #tpu.memory_space<vmem>>
          %dma_start3A_405 = arith.constant 0 : i32
          %dma_start3A_406 = tpu.memref_slice %arg5[%dma_start3A_396, %dma_start3A_405] : memref<2x512xi32, #tpu.memory_space<vmem>> -> memref<1x512xi32, #tpu.memory_space<vmem>>
          %dma_start3A_407 = tpu.memref_squeeze %dma_start3A_406 : memref<1x512xi32, #tpu.memory_space<vmem>> -> memref<512xi32, #tpu.memory_space<vmem>>
          %dma_start3A_408 = arith.constant 256 : i32
          %dma_start3A_409 = tpu.memref_slice %dma_start3A_407[%dma_start3A_408] : memref<512xi32, #tpu.memory_space<vmem>> -> memref<128xi32, #tpu.memory_space<vmem>>
          %dma_start3A_410 = arith.constant 0 : i32
          %dma_start3A_411 = arith.constant 0 : i32
          %dma_start3A_412 = tpu.memref_slice %arg3[%dma_start3A_410, %dma_start3A_411] : memref<1000000x32xf32, #tpu.memory_space<hbm>> -> memref<1000000x32xf32, #tpu.memory_space<hbm>>
          tpu.enqueue_indirect_dma source(%dma_start3A_412 : memref<1000000x32xf32, #tpu.memory_space<hbm>>) target(%dma_start3A_404 : memref<128x32xf32, #tpu.memory_space<vmem>>) offsets(%dma_start3A_409 : memref<128xi32, #tpu.memory_space<vmem>>) semaphore(%arg11 : memref<!tpu.dma_semaphore, #tpu.memory_space<semaphore_mem>>)
          %dma_start3A_413 = arith.constant 1 : i32
          %dma_start3A_414 = arith.constant 1 : i32
          %dma_start3A_415 = arith.constant 0 : i32
          %dma_start3A_416 = arith.constant 0 : i32
          %dma_start3A_417 = tpu.memref_slice %arg6[%dma_start3A_414, %dma_start3A_415, %dma_start3A_416] : memref<2x512x32xf32, #tpu.memory_space<vmem>> -> memref<1x512x32xf32, #tpu.memory_space<vmem>>
          %dma_start3A_418 = tpu.memref_squeeze %dma_start3A_417 : memref<1x512x32xf32, #tpu.memory_space<vmem>> -> memref<512x32xf32, #tpu.memory_space<vmem>>
          %dma_start3A_419 = arith.constant 384 : i32
          %dma_start3A_420 = arith.constant 0 : i32
          %dma_start3A_421 = tpu.memref_slice %dma_start3A_418[%dma_start3A_419, %dma_start3A_420] : memref<512x32xf32, #tpu.memory_space<vmem>> -> memref<128x32xf32, #tpu.memory_space<vmem>>
          %dma_start3A_422 = arith.constant 0 : i32
          %dma_start3A_423 = tpu.memref_slice %arg5[%dma_start3A_413, %dma_start3A_422] : memref<2x512xi32, #tpu.memory_space<vmem>> -> memref<1x512xi32, #tpu.memory_space<vmem>>
          %dma_start3A_424 = tpu.memref_squeeze %dma_start3A_423 : memref<1x512xi32, #tpu.memory_space<vmem>> -> memref<512xi32, #tpu.memory_space<vmem>>
          %dma_start3A_425 = arith.constant 384 : i32
          %dma_start3A_426 = tpu.memref_slice %dma_start3A_424[%dma_start3A_425] : memref<512xi32, #tpu.memory_space<vmem>> -> memref<128xi32, #tpu.memory_space<vmem>>
          %dma_start3A_427 = arith.constant 0 : i32
          %dma_start3A_428 = arith.constant 0 : i32
          %dma_start3A_429 = tpu.memref_slice %arg3[%dma_start3A_427, %dma_start3A_428] : memref<1000000x32xf32, #tpu.memory_space<hbm>> -> memref<1000000x32xf32, #tpu.memory_space<hbm>>
          tpu.enqueue_indirect_dma source(%dma_start3A_429 : memref<1000000x32xf32, #tpu.memory_space<hbm>>) target(%dma_start3A_421 : memref<128x32xf32, #tpu.memory_space<vmem>>) offsets(%dma_start3A_426 : memref<128xi32, #tpu.memory_space<vmem>>) semaphore(%arg11 : memref<!tpu.dma_semaphore, #tpu.memory_space<semaphore_mem>>)
        } else {
        }
        %eq3A_343 = arith.constant 1 : i32
        %eq3A_344 = arith.cmpi eq, %rem3A_304, %eq3A_343 : i32
        %convert_element_type3A_345 = arith.extui %eq3A_344 : i1 to i32
        %cond3A_346 = arith.constant 0 : i32
        %cond3A_347 = arith.cmpi ne, %convert_element_type3A_345, %cond3A_346 : i32
        scf.if %cond3A_347 {
          %dma_wait3A_348 = arith.constant 0 : i32
          %dma_wait3A_349 = arith.constant 0 : i32
          %dma_wait3A_350 = arith.constant 0 : i32
          %dma_wait3A_351 = tpu.memref_slice %arg5[%dma_wait3A_349, %dma_wait3A_350] : memref<2x512xi32, #tpu.memory_space<vmem>> -> memref<1x512xi32, #tpu.memory_space<vmem>>
          %dma_wait3A_352 = tpu.memref_squeeze %dma_wait3A_351 : memref<1x512xi32, #tpu.memory_space<vmem>> -> memref<512xi32, #tpu.memory_space<vmem>>
          %dma_wait3A_353 = arith.constant 0 : i32
          %dma_wait3A_354 = tpu.memref_slice %arg2[%dma_wait3A_348, %dma_wait3A_353] : memref<50x16384xi32, #tpu.memory_space<hbm>> -> memref<1x512xi32, #tpu.memory_space<hbm>>
          %dma_wait3A_355 = tpu.memref_squeeze %dma_wait3A_354 : memref<1x512xi32, #tpu.memory_space<hbm>> -> memref<512xi32, #tpu.memory_space<hbm>>
          %dma_wait3A_356 = arith.constant 0 : i32
          %dma_wait3A_357 = tpu.memref_slice %arg5[%dma_wait3A_349, %dma_wait3A_356] : memref<2x512xi32, #tpu.memory_space<vmem>> -> memref<1x512xi32, #tpu.memory_space<vmem>>
          %dma_wait3A_358 = tpu.memref_squeeze %dma_wait3A_357 : memref<1x512xi32, #tpu.memory_space<vmem>> -> memref<512xi32, #tpu.memory_space<vmem>>
          %dma_wait3A_359 = arith.constant 0 : i32
          %dma_wait3A_360 = tpu.memref_slice %arg2[%dma_wait3A_348, %dma_wait3A_359] : memref<50x16384xi32, #tpu.memory_space<hbm>> -> memref<1x512xi32, #tpu.memory_space<hbm>>
          %dma_wait3A_361 = tpu.memref_squeeze %dma_wait3A_360 : memref<1x512xi32, #tpu.memory_space<hbm>> -> memref<512xi32, #tpu.memory_space<hbm>>
          tpu.wait_dma2 semaphore(%arg8 : memref<!tpu.dma_semaphore, #tpu.memory_space<semaphore_mem>>) src(%dma_wait3A_361 : memref<512xi32, #tpu.memory_space<hbm>>) dst(%dma_wait3A_358 : memref<512xi32, #tpu.memory_space<vmem>>)
          %dma_start3A_362 = arith.constant 0 : i32
          %dma_start3A_363 = arith.constant 0 : i32
          %dma_start3A_364 = arith.constant 0 : i32
          %dma_start3A_365 = arith.constant 0 : i32
          %dma_start3A_366 = tpu.memref_slice %arg6[%dma_start3A_363, %dma_start3A_364, %dma_start3A_365] : memref<2x512x32xf32, #tpu.memory_space<vmem>> -> memref<1x512x32xf32, #tpu.memory_space<vmem>>
          %dma_start3A_367 = tpu.memref_squeeze %dma_start3A_366 : memref<1x512x32xf32, #tpu.memory_space<vmem>> -> memref<512x32xf32, #tpu.memory_space<vmem>>
          %dma_start3A_368 = arith.constant 0 : i32
          %dma_start3A_369 = arith.constant 0 : i32
          %dma_start3A_370 = tpu.memref_slice %dma_start3A_367[%dma_start3A_368, %dma_start3A_369] : memref<512x32xf32, #tpu.memory_space<vmem>> -> memref<128x32xf32, #tpu.memory_space<vmem>>
          %dma_start3A_371 = arith.constant 0 : i32
          %dma_start3A_372 = tpu.memref_slice %arg5[%dma_start3A_362, %dma_start3A_371] : memref<2x512xi32, #tpu.memory_space<vmem>> -> memref<1x512xi32, #tpu.memory_space<vmem>>
          %dma_start3A_373 = tpu.memref_squeeze %dma_start3A_372 : memref<1x512xi32, #tpu.memory_space<vmem>> -> memref<512xi32, #tpu.memory_space<vmem>>
          %dma_start3A_374 = arith.constant 0 : i32
          %dma_start3A_375 = tpu.memref_slice %dma_start3A_373[%dma_start3A_374] : memref<512xi32, #tpu.memory_space<vmem>> -> memref<128xi32, #tpu.memory_space<vmem>>
          %dma_start3A_376 = arith.constant 0 : i32
          %dma_start3A_377 = arith.constant 0 : i32
          %dma_start3A_378 = tpu.memref_slice %arg3[%dma_start3A_376, %dma_start3A_377] : memref<1000000x32xf32, #tpu.memory_space<hbm>> -> memref<1000000x32xf32, #tpu.memory_space<hbm>>
          tpu.enqueue_indirect_dma source(%dma_start3A_378 : memref<1000000x32xf32, #tpu.memory_space<hbm>>) target(%dma_start3A_370 : memref<128x32xf32, #tpu.memory_space<vmem>>) offsets(%dma_start3A_375 : memref<128xi32, #tpu.memory_space<vmem>>) semaphore(%arg10 : memref<!tpu.dma_semaphore, #tpu.memory_space<semaphore_mem>>)
          %dma_start3A_379 = arith.constant 0 : i32
          %dma_start3A_380 = arith.constant 0 : i32
          %dma_start3A_381 = arith.constant 0 : i32
          %dma_start3A_382 = arith.constant 0 : i32
          %dma_start3A_383 = tpu.memref_slice %arg6[%dma_start3A_380, %dma_start3A_381, %dma_start3A_382] : memref<2x512x32xf32, #tpu.memory_space<vmem>> -> memref<1x512x32xf32, #tpu.memory_space<vmem>>
          %dma_start3A_384 = tpu.memref_squeeze %dma_start3A_383 : memref<1x512x32xf32, #tpu.memory_space<vmem>> -> memref<512x32xf32, #tpu.memory_space<vmem>>
          %dma_start3A_385 = arith.constant 128 : i32
          %dma_start3A_386 = arith.constant 0 : i32
          %dma_start3A_387 = tpu.memref_slice %dma_start3A_384[%dma_start3A_385, %dma_start3A_386] : memref<512x32xf32, #tpu.memory_space<vmem>> -> memref<128x32xf32, #tpu.memory_space<vmem>>
          %dma_start3A_388 = arith.constant 0 : i32
          %dma_start3A_389 = tpu.memref_slice %arg5[%dma_start3A_379, %dma_start3A_388] : memref<2x512xi32, #tpu.memory_space<vmem>> -> memref<1x512xi32, #tpu.memory_space<vmem>>
          %dma_start3A_390 = tpu.memref_squeeze %dma_start3A_389 : memref<1x512xi32, #tpu.memory_space<vmem>> -> memref<512xi32, #tpu.memory_space<vmem>>
          %dma_start3A_391 = arith.constant 128 : i32
          %dma_start3A_392 = tpu.memref_slice %dma_start3A_390[%dma_start3A_391] : memref<512xi32, #tpu.memory_space<vmem>> -> memref<128xi32, #tpu.memory_space<vmem>>
          %dma_start3A_393 = arith.constant 0 : i32
          %dma_start3A_394 = arith.constant 0 : i32
          %dma_start3A_395 = tpu.memref_slice %arg3[%dma_start3A_393, %dma_start3A_394] : memref<1000000x32xf32, #tpu.memory_space<hbm>> -> memref<1000000x32xf32, #tpu.memory_space<hbm>>
          tpu.enqueue_indirect_dma source(%dma_start3A_395 : memref<1000000x32xf32, #tpu.memory_space<hbm>>) target(%dma_start3A_387 : memref<128x32xf32, #tpu.memory_space<vmem>>) offsets(%dma_start3A_392 : memref<128xi32, #tpu.memory_space<vmem>>) semaphore(%arg10 : memref<!tpu.dma_semaphore, #tpu.memory_space<semaphore_mem>>)
          %dma_start3A_396 = arith.constant 0 : i32
          %dma_start3A_397 = arith.constant 0 : i32
          %dma_start3A_398 = arith.constant 0 : i32
          %dma_start3A_399 = arith.constant 0 : i32
          %dma_start3A_400 = tpu.memref_slice %arg6[%dma_start3A_397, %dma_start3A_398, %dma_start3A_399] : memref<2x512x32xf32, #tpu.memory_space<vmem>> -> memref<1x512x32xf32, #tpu.memory_space<vmem>>
          %dma_start3A_401 = tpu.memref_squeeze %dma_start3A_400 : memref<1x512x32xf32, #tpu.memory_space<vmem>> -> memref<512x32xf32, #tpu.memory_space<vmem>>
          %dma_start3A_402 = arith.constant 256 : i32
          %dma_start3A_403 = arith.constant 0 : i32
          %dma_start3A_404 = tpu.memref_slice %dma_start3A_401[%dma_start3A_402, %dma_start3A_403] : memref<512x32xf32, #tpu.memory_space<vmem>> -> memref<128x32xf32, #tpu.memory_space<vmem>>
          %dma_start3A_405 = arith.constant 0 : i32
          %dma_start3A_406 = tpu.memref_slice %arg5[%dma_start3A_396, %dma_start3A_405] : memref<2x512xi32, #tpu.memory_space<vmem>> -> memref<1x512xi32, #tpu.memory_space<vmem>>
          %dma_start3A_407 = tpu.memref_squeeze %dma_start3A_406 : memref<1x512xi32, #tpu.memory_space<vmem>> -> memref<512xi32, #tpu.memory_space<vmem>>
          %dma_start3A_408 = arith.constant 256 : i32
          %dma_start3A_409 = tpu.memref_slice %dma_start3A_407[%dma_start3A_408] : memref<512xi32, #tpu.memory_space<vmem>> -> memref<128xi32, #tpu.memory_space<vmem>>
          %dma_start3A_410 = arith.constant 0 : i32
          %dma_start3A_411 = arith.constant 0 : i32
          %dma_start3A_412 = tpu.memref_slice %arg3[%dma_start3A_410, %dma_start3A_411] : memref<1000000x32xf32, #tpu.memory_space<hbm>> -> memref<1000000x32xf32, #tpu.memory_space<hbm>>
          tpu.enqueue_indirect_dma source(%dma_start3A_412 : memref<1000000x32xf32, #tpu.memory_space<hbm>>) target(%dma_start3A_404 : memref<128x32xf32, #tpu.memory_space<vmem>>) offsets(%dma_start3A_409 : memref<128xi32, #tpu.memory_space<vmem>>) semaphore(%arg10 : memref<!tpu.dma_semaphore, #tpu.memory_space<semaphore_mem>>)
          %dma_start3A_413 = arith.constant 0 : i32
          %dma_start3A_414 = arith.constant 0 : i32
          %dma_start3A_415 = arith.constant 0 : i32
          %dma_start3A_416 = arith.constant 0 : i32
          %dma_start3A_417 = tpu.memref_slice %arg6[%dma_start3A_414, %dma_start3A_415, %dma_start3A_416] : memref<2x512x32xf32, #tpu.memory_space<vmem>> -> memref<1x512x32xf32, #tpu.memory_space<vmem>>
          %dma_start3A_418 = tpu.memref_squeeze %dma_start3A_417 : memref<1x512x32xf32, #tpu.memory_space<vmem>> -> memref<512x32xf32, #tpu.memory_space<vmem>>
          %dma_start3A_419 = arith.constant 384 : i32
          %dma_start3A_420 = arith.constant 0 : i32
          %dma_start3A_421 = tpu.memref_slice %dma_start3A_418[%dma_start3A_419, %dma_start3A_420] : memref<512x32xf32, #tpu.memory_space<vmem>> -> memref<128x32xf32, #tpu.memory_space<vmem>>
          %dma_start3A_422 = arith.constant 0 : i32
          %dma_start3A_423 = tpu.memref_slice %arg5[%dma_start3A_413, %dma_start3A_422] : memref<2x512xi32, #tpu.memory_space<vmem>> -> memref<1x512xi32, #tpu.memory_space<vmem>>
          %dma_start3A_424 = tpu.memref_squeeze %dma_start3A_423 : memref<1x512xi32, #tpu.memory_space<vmem>> -> memref<512xi32, #tpu.memory_space<vmem>>
          %dma_start3A_425 = arith.constant 384 : i32
          %dma_start3A_426 = tpu.memref_slice %dma_start3A_424[%dma_start3A_425] : memref<512xi32, #tpu.memory_space<vmem>> -> memref<128xi32, #tpu.memory_space<vmem>>
          %dma_start3A_427 = arith.constant 0 : i32
          %dma_start3A_428 = arith.constant 0 : i32
          %dma_start3A_429 = tpu.memref_slice %arg3[%dma_start3A_427, %dma_start3A_428] : memref<1000000x32xf32, #tpu.memory_space<hbm>> -> memref<1000000x32xf32, #tpu.memory_space<hbm>>
          tpu.enqueue_indirect_dma source(%dma_start3A_429 : memref<1000000x32xf32, #tpu.memory_space<hbm>>) target(%dma_start3A_421 : memref<128x32xf32, #tpu.memory_space<vmem>>) offsets(%dma_start3A_426 : memref<128xi32, #tpu.memory_space<vmem>>) semaphore(%arg10 : memref<!tpu.dma_semaphore, #tpu.memory_space<semaphore_mem>>)
        } else {
        }
      } else {
      }
      %add3A_310 = arith.constant 2 : i32
      %add3A_311 = arith.addi %scan3A_302, %add3A_310 : i32
      %lt3A_312 = arith.constant 50 : i32
      %lt3A_313 = arith.cmpi slt, %add3A_311, %lt3A_312 : i32
      %convert_element_type3A_314 = arith.extui %lt3A_313 : i1 to i32
      %cond3A_315 = arith.constant 0 : i32
      %cond3A_316 = arith.cmpi ne, %convert_element_type3A_314, %cond3A_315 : i32
      scf.if %cond3A_316 {
        %eq3A_338 = arith.constant 0 : i32
        %eq3A_339 = arith.cmpi eq, %rem3A_304, %eq3A_338 : i32
        %convert_element_type3A_340 = arith.extui %eq3A_339 : i1 to i32
        %cond3A_341 = arith.constant 0 : i32
        %cond3A_342 = arith.cmpi ne, %convert_element_type3A_340, %cond3A_341 : i32
        scf.if %cond3A_342 {
          %add3A_348 = arith.addi %mul3A_2, %scan3A_302 : i32
          %add3A_349 = arith.constant 2 : i32
          %add3A_350 = arith.addi %add3A_348, %add3A_349 : i32
          %jit3A_351 = arith.constant 32 : i32
          %div3A_352 = arith.divsi %add3A_350, %jit3A_351 : i32
          %sign3A_353 = arith.constant 0 : i32
          %sign3A_354 = arith.cmpi sgt, %add3A_350, %sign3A_353 : i32
          %sign3A_355 = arith.extui %sign3A_354 : i1 to i32
          %sign3A_356 = arith.constant 0 : i32
          %sign3A_357 = arith.cmpi slt, %add3A_350, %sign3A_356 : i32
          %sign3A_358 = arith.extui %sign3A_357 : i1 to i32
          %sign3A_359 = arith.subi %sign3A_355, %sign3A_358 : i32
          %sign3A_360 = arith.constant 0 : i32
          %sign3A_361 = arith.cmpi sgt, %jit3A_351, %sign3A_360 : i32
          %sign3A_362 = arith.extui %sign3A_361 : i1 to i32
          %sign3A_363 = arith.constant 0 : i32
          %sign3A_364 = arith.cmpi slt, %jit3A_351, %sign3A_363 : i32
          %sign3A_365 = arith.extui %sign3A_364 : i1 to i32
          %sign3A_366 = arith.subi %sign3A_362, %sign3A_365 : i32
          %ne3A_367 = arith.cmpi ne, %sign3A_359, %sign3A_366 : i32
          %rem3A_368 = arith.remsi %add3A_350, %jit3A_351 : i32
          %ne3A_369 = arith.constant 0 : i32
          %ne3A_370 = arith.cmpi ne, %rem3A_368, %ne3A_369 : i32
          %and3A_371 = arith.andi %ne3A_367, %ne3A_370 : i1
          %sub3A_372 = arith.constant 1 : i32
          %sub3A_373 = arith.subi %div3A_352, %sub3A_372 : i32
          %select_n3A_374 = arith.select %and3A_371, %sub3A_373, %div3A_352 : i32
          %jit3A_375 = arith.constant 32 : i32
          %eq3A_376 = arith.constant 0 : i32
          %eq3A_377 = arith.cmpi eq, %jit3A_375, %eq3A_376 : i32
          %jit3A_378 = arith.constant 1 : i32
          %select_n3A_379 = arith.select %eq3A_377, %jit3A_378, %jit3A_375 : i32
          %rem3A_380 = arith.remsi %add3A_350, %select_n3A_379 : i32
          %ne3A_381 = arith.constant 0 : i32
          %ne3A_382 = arith.cmpi ne, %rem3A_380, %ne3A_381 : i32
          %lt3A_383 = arith.constant 0 : i32
          %lt3A_384 = arith.cmpi slt, %rem3A_380, %lt3A_383 : i32
          %lt3A_385 = arith.constant 0 : i32
          %lt3A_386 = arith.cmpi slt, %select_n3A_379, %lt3A_385 : i32
          %ne3A_387 = arith.xori %lt3A_384, %lt3A_386 : i1
          %and3A_388 = arith.andi %ne3A_387, %ne3A_382 : i1
          %add3A_389 = arith.addi %rem3A_380, %select_n3A_379 : i32
          %select_n3A_390 = arith.select %and3A_388, %add3A_389, %rem3A_380 : i32
          %mul3A_391 = arith.constant 512 : i32
          %mul3A_392 = arith.muli %select_n3A_390, %mul3A_391 : i32
          %dma_start3A_393 = arith.constant 0 : i32
          %dma_start3A_394 = arith.constant 0 : i32
          %dma_start3A_395 = tpu.memref_slice %arg5[%dma_start3A_393, %dma_start3A_394] : memref<2x512xi32, #tpu.memory_space<vmem>> -> memref<1x512xi32, #tpu.memory_space<vmem>>
          %dma_start3A_396 = tpu.memref_squeeze %dma_start3A_395 : memref<1x512xi32, #tpu.memory_space<vmem>> -> memref<512xi32, #tpu.memory_space<vmem>>
          %dma_start3A_397 = tpu.memref_slice %arg2[%select_n3A_374, %mul3A_392] : memref<50x16384xi32, #tpu.memory_space<hbm>> -> memref<1x512xi32, #tpu.memory_space<hbm>>
          %dma_start3A_398 = tpu.memref_squeeze %dma_start3A_397 : memref<1x512xi32, #tpu.memory_space<hbm>> -> memref<512xi32, #tpu.memory_space<hbm>>
          %dma_start3A_399 = arith.constant 0 : i32
          %dma_start3A_400 = tpu.memref_slice %arg5[%dma_start3A_393, %dma_start3A_399] : memref<2x512xi32, #tpu.memory_space<vmem>> -> memref<1x512xi32, #tpu.memory_space<vmem>>
          %dma_start3A_401 = tpu.memref_squeeze %dma_start3A_400 : memref<1x512xi32, #tpu.memory_space<vmem>> -> memref<512xi32, #tpu.memory_space<vmem>>
          %dma_start3A_402 = tpu.memref_slice %arg2[%select_n3A_374, %mul3A_392] : memref<50x16384xi32, #tpu.memory_space<hbm>> -> memref<1x512xi32, #tpu.memory_space<hbm>>
          %dma_start3A_403 = tpu.memref_squeeze %dma_start3A_402 : memref<1x512xi32, #tpu.memory_space<hbm>> -> memref<512xi32, #tpu.memory_space<hbm>>
          tpu.enqueue_dma source(%dma_start3A_403 : memref<512xi32, #tpu.memory_space<hbm>>) target(%dma_start3A_401 : memref<512xi32, #tpu.memory_space<vmem>>) target_semaphore(%arg8 : memref<!tpu.dma_semaphore, #tpu.memory_space<semaphore_mem>>)
        } else {
        }
        %eq3A_343 = arith.constant 1 : i32
        %eq3A_344 = arith.cmpi eq, %rem3A_304, %eq3A_343 : i32
        %convert_element_type3A_345 = arith.extui %eq3A_344 : i1 to i32
        %cond3A_346 = arith.constant 0 : i32
        %cond3A_347 = arith.cmpi ne, %convert_element_type3A_345, %cond3A_346 : i32
        scf.if %cond3A_347 {
          %add3A_348 = arith.addi %mul3A_2, %scan3A_302 : i32
          %add3A_349 = arith.constant 2 : i32
          %add3A_350 = arith.addi %add3A_348, %add3A_349 : i32
          %jit3A_351 = arith.constant 32 : i32
          %div3A_352 = arith.divsi %add3A_350, %jit3A_351 : i32
          %sign3A_353 = arith.constant 0 : i32
          %sign3A_354 = arith.cmpi sgt, %add3A_350, %sign3A_353 : i32
          %sign3A_355 = arith.extui %sign3A_354 : i1 to i32
          %sign3A_356 = arith.constant 0 : i32
          %sign3A_357 = arith.cmpi slt, %add3A_350, %sign3A_356 : i32
          %sign3A_358 = arith.extui %sign3A_357 : i1 to i32
          %sign3A_359 = arith.subi %sign3A_355, %sign3A_358 : i32
          %sign3A_360 = arith.constant 0 : i32
          %sign3A_361 = arith.cmpi sgt, %jit3A_351, %sign3A_360 : i32
          %sign3A_362 = arith.extui %sign3A_361 : i1 to i32
          %sign3A_363 = arith.constant 0 : i32
          %sign3A_364 = arith.cmpi slt, %jit3A_351, %sign3A_363 : i32
          %sign3A_365 = arith.extui %sign3A_364 : i1 to i32
          %sign3A_366 = arith.subi %sign3A_362, %sign3A_365 : i32
          %ne3A_367 = arith.cmpi ne, %sign3A_359, %sign3A_366 : i32
          %rem3A_368 = arith.remsi %add3A_350, %jit3A_351 : i32
          %ne3A_369 = arith.constant 0 : i32
          %ne3A_370 = arith.cmpi ne, %rem3A_368, %ne3A_369 : i32
          %and3A_371 = arith.andi %ne3A_367, %ne3A_370 : i1
          %sub3A_372 = arith.constant 1 : i32
          %sub3A_373 = arith.subi %div3A_352, %sub3A_372 : i32
          %select_n3A_374 = arith.select %and3A_371, %sub3A_373, %div3A_352 : i32
          %jit3A_375 = arith.constant 32 : i32
          %eq3A_376 = arith.constant 0 : i32
          %eq3A_377 = arith.cmpi eq, %jit3A_375, %eq3A_376 : i32
          %jit3A_378 = arith.constant 1 : i32
          %select_n3A_379 = arith.select %eq3A_377, %jit3A_378, %jit3A_375 : i32
          %rem3A_380 = arith.remsi %add3A_350, %select_n3A_379 : i32
          %ne3A_381 = arith.constant 0 : i32
          %ne3A_382 = arith.cmpi ne, %rem3A_380, %ne3A_381 : i32
          %lt3A_383 = arith.constant 0 : i32
          %lt3A_384 = arith.cmpi slt, %rem3A_380, %lt3A_383 : i32
          %lt3A_385 = arith.constant 0 : i32
          %lt3A_386 = arith.cmpi slt, %select_n3A_379, %lt3A_385 : i32
          %ne3A_387 = arith.xori %lt3A_384, %lt3A_386 : i1
          %and3A_388 = arith.andi %ne3A_387, %ne3A_382 : i1
          %add3A_389 = arith.addi %rem3A_380, %select_n3A_379 : i32
          %select_n3A_390 = arith.select %and3A_388, %add3A_389, %rem3A_380 : i32
          %mul3A_391 = arith.constant 512 : i32
          %mul3A_392 = arith.muli %select_n3A_390, %mul3A_391 : i32
          %dma_start3A_393 = arith.constant 1 : i32
          %dma_start3A_394 = arith.constant 0 : i32
          %dma_start3A_395 = tpu.memref_slice %arg5[%dma_start3A_393, %dma_start3A_394] : memref<2x512xi32, #tpu.memory_space<vmem>> -> memref<1x512xi32, #tpu.memory_space<vmem>>
          %dma_start3A_396 = tpu.memref_squeeze %dma_start3A_395 : memref<1x512xi32, #tpu.memory_space<vmem>> -> memref<512xi32, #tpu.memory_space<vmem>>
          %dma_start3A_397 = tpu.memref_slice %arg2[%select_n3A_374, %mul3A_392] : memref<50x16384xi32, #tpu.memory_space<hbm>> -> memref<1x512xi32, #tpu.memory_space<hbm>>
          %dma_start3A_398 = tpu.memref_squeeze %dma_start3A_397 : memref<1x512xi32, #tpu.memory_space<hbm>> -> memref<512xi32, #tpu.memory_space<hbm>>
          %dma_start3A_399 = arith.constant 0 : i32
          %dma_start3A_400 = tpu.memref_slice %arg5[%dma_start3A_393, %dma_start3A_399] : memref<2x512xi32, #tpu.memory_space<vmem>> -> memref<1x512xi32, #tpu.memory_space<vmem>>
          %dma_start3A_401 = tpu.memref_squeeze %dma_start3A_400 : memref<1x512xi32, #tpu.memory_space<vmem>> -> memref<512xi32, #tpu.memory_space<vmem>>
          %dma_start3A_402 = tpu.memref_slice %arg2[%select_n3A_374, %mul3A_392] : memref<50x16384xi32, #tpu.memory_space<hbm>> -> memref<1x512xi32, #tpu.memory_space<hbm>>
          %dma_start3A_403 = tpu.memref_squeeze %dma_start3A_402 : memref<1x512xi32, #tpu.memory_space<hbm>> -> memref<512xi32, #tpu.memory_space<hbm>>
          tpu.enqueue_dma source(%dma_start3A_403 : memref<512xi32, #tpu.memory_space<hbm>>) target(%dma_start3A_401 : memref<512xi32, #tpu.memory_space<vmem>>) target_semaphore(%arg9 : memref<!tpu.dma_semaphore, #tpu.memory_space<semaphore_mem>>)
        } else {
        }
      } else {
      }
      %ge3A = arith.constant 2 : i32
      %ge3A_317 = arith.cmpi sge, %scan3A_302, %ge3A : i32
      %convert_element_type3A_318 = arith.extui %ge3A_317 : i1 to i32
      %cond3A_319 = arith.constant 0 : i32
      %cond3A_320 = arith.cmpi ne, %convert_element_type3A_318, %cond3A_319 : i32
      scf.if %cond3A_320 {
        %eq3A_338 = arith.constant 0 : i32
        %eq3A_339 = arith.cmpi eq, %rem3A_304, %eq3A_338 : i32
        %convert_element_type3A_340 = arith.extui %eq3A_339 : i1 to i32
        %cond3A_341 = arith.constant 0 : i32
        %cond3A_342 = arith.cmpi ne, %convert_element_type3A_340, %cond3A_341 : i32
        scf.if %cond3A_342 {
          %dma_wait3A_348 = arith.constant 0 : i32
          %dma_wait3A_349 = arith.constant 0 : i32
          %dma_wait3A_350 = arith.constant 0 : i32
          %dma_wait3A_351 = arith.constant 0 : i32
          %dma_wait3A_352 = tpu.memref_slice %arg7[%dma_wait3A_348, %dma_wait3A_350, %dma_wait3A_351] : memref<2x32x512xf32, #tpu.memory_space<vmem>> -> memref<1x32x512xf32, #tpu.memory_space<vmem>>
          %dma_wait3A_353 = tpu.memref_squeeze %dma_wait3A_352 : memref<1x32x512xf32, #tpu.memory_space<vmem>> -> memref<32x512xf32, #tpu.memory_space<vmem>>
          %dma_wait3A_354 = arith.constant 0 : i32
          %dma_wait3A_355 = arith.constant 0 : i32
          %dma_wait3A_356 = tpu.memref_slice %arg4[%dma_wait3A_349, %dma_wait3A_354, %dma_wait3A_355] : memref<50x32x16384xf32, #tpu.memory_space<hbm>> -> memref<1x32x16384xf32, #tpu.memory_space<hbm>>
          %dma_wait3A_357 = tpu.memref_squeeze %dma_wait3A_356 : memref<1x32x16384xf32, #tpu.memory_space<hbm>> -> memref<32x16384xf32, #tpu.memory_space<hbm>>
          %dma_wait3A_358 = arith.constant 0 : i32
          %dma_wait3A_359 = arith.constant 0 : i32
          %dma_wait3A_360 = tpu.memref_slice %dma_wait3A_357[%dma_wait3A_358, %dma_wait3A_359] : memref<32x16384xf32, #tpu.memory_space<hbm>> -> memref<32x512xf32, #tpu.memory_space<hbm>>
          %dma_wait3A_361 = arith.constant 0 : i32
          %dma_wait3A_362 = arith.constant 0 : i32
          %dma_wait3A_363 = tpu.memref_slice %arg4[%dma_wait3A_349, %dma_wait3A_361, %dma_wait3A_362] : memref<50x32x16384xf32, #tpu.memory_space<hbm>> -> memref<1x32x16384xf32, #tpu.memory_space<hbm>>
          %dma_wait3A_364 = tpu.memref_squeeze %dma_wait3A_363 : memref<1x32x16384xf32, #tpu.memory_space<hbm>> -> memref<32x16384xf32, #tpu.memory_space<hbm>>
          %dma_wait3A_365 = arith.constant 0 : i32
          %dma_wait3A_366 = arith.constant 0 : i32
          %dma_wait3A_367 = tpu.memref_slice %dma_wait3A_364[%dma_wait3A_365, %dma_wait3A_366] : memref<32x16384xf32, #tpu.memory_space<hbm>> -> memref<32x512xf32, #tpu.memory_space<hbm>>
          %dma_wait3A_368 = arith.constant 0 : i32
          %dma_wait3A_369 = arith.constant 0 : i32
          %dma_wait3A_370 = tpu.memref_slice %arg7[%dma_wait3A_348, %dma_wait3A_368, %dma_wait3A_369] : memref<2x32x512xf32, #tpu.memory_space<vmem>> -> memref<1x32x512xf32, #tpu.memory_space<vmem>>
          %dma_wait3A_371 = tpu.memref_squeeze %dma_wait3A_370 : memref<1x32x512xf32, #tpu.memory_space<vmem>> -> memref<32x512xf32, #tpu.memory_space<vmem>>
          tpu.wait_dma2 semaphore(%arg12 : memref<!tpu.dma_semaphore, #tpu.memory_space<semaphore_mem>>) src(%dma_wait3A_371 : memref<32x512xf32, #tpu.memory_space<vmem>>) dst(%dma_wait3A_367 : memref<32x512xf32, #tpu.memory_space<hbm>>)
        } else {
        }
        %eq3A_343 = arith.constant 1 : i32
        %eq3A_344 = arith.cmpi eq, %rem3A_304, %eq3A_343 : i32
        %convert_element_type3A_345 = arith.extui %eq3A_344 : i1 to i32
        %cond3A_346 = arith.constant 0 : i32
        %cond3A_347 = arith.cmpi ne, %convert_element_type3A_345, %cond3A_346 : i32
        scf.if %cond3A_347 {
          %dma_wait3A_348 = arith.constant 1 : i32
          %dma_wait3A_349 = arith.constant 0 : i32
          %dma_wait3A_350 = arith.constant 0 : i32
          %dma_wait3A_351 = arith.constant 0 : i32
          %dma_wait3A_352 = tpu.memref_slice %arg7[%dma_wait3A_348, %dma_wait3A_350, %dma_wait3A_351] : memref<2x32x512xf32, #tpu.memory_space<vmem>> -> memref<1x32x512xf32, #tpu.memory_space<vmem>>
          %dma_wait3A_353 = tpu.memref_squeeze %dma_wait3A_352 : memref<1x32x512xf32, #tpu.memory_space<vmem>> -> memref<32x512xf32, #tpu.memory_space<vmem>>
          %dma_wait3A_354 = arith.constant 0 : i32
          %dma_wait3A_355 = arith.constant 0 : i32
          %dma_wait3A_356 = tpu.memref_slice %arg4[%dma_wait3A_349, %dma_wait3A_354, %dma_wait3A_355] : memref<50x32x16384xf32, #tpu.memory_space<hbm>> -> memref<1x32x16384xf32, #tpu.memory_space<hbm>>
          %dma_wait3A_357 = tpu.memref_squeeze %dma_wait3A_356 : memref<1x32x16384xf32, #tpu.memory_space<hbm>> -> memref<32x16384xf32, #tpu.memory_space<hbm>>
          %dma_wait3A_358 = arith.constant 0 : i32
          %dma_wait3A_359 = arith.constant 0 : i32
          %dma_wait3A_360 = tpu.memref_slice %dma_wait3A_357[%dma_wait3A_358, %dma_wait3A_359] : memref<32x16384xf32, #tpu.memory_space<hbm>> -> memref<32x512xf32, #tpu.memory_space<hbm>>
          %dma_wait3A_361 = arith.constant 0 : i32
          %dma_wait3A_362 = arith.constant 0 : i32
          %dma_wait3A_363 = tpu.memref_slice %arg4[%dma_wait3A_349, %dma_wait3A_361, %dma_wait3A_362] : memref<50x32x16384xf32, #tpu.memory_space<hbm>> -> memref<1x32x16384xf32, #tpu.memory_space<hbm>>
          %dma_wait3A_364 = tpu.memref_squeeze %dma_wait3A_363 : memref<1x32x16384xf32, #tpu.memory_space<hbm>> -> memref<32x16384xf32, #tpu.memory_space<hbm>>
          %dma_wait3A_365 = arith.constant 0 : i32
          %dma_wait3A_366 = arith.constant 0 : i32
          %dma_wait3A_367 = tpu.memref_slice %dma_wait3A_364[%dma_wait3A_365, %dma_wait3A_366] : memref<32x16384xf32, #tpu.memory_space<hbm>> -> memref<32x512xf32, #tpu.memory_space<hbm>>
          %dma_wait3A_368 = arith.constant 0 : i32
          %dma_wait3A_369 = arith.constant 0 : i32
          %dma_wait3A_370 = tpu.memref_slice %arg7[%dma_wait3A_348, %dma_wait3A_368, %dma_wait3A_369] : memref<2x32x512xf32, #tpu.memory_space<vmem>> -> memref<1x32x512xf32, #tpu.memory_space<vmem>>
          %dma_wait3A_371 = tpu.memref_squeeze %dma_wait3A_370 : memref<1x32x512xf32, #tpu.memory_space<vmem>> -> memref<32x512xf32, #tpu.memory_space<vmem>>
          tpu.wait_dma2 semaphore(%arg13 : memref<!tpu.dma_semaphore, #tpu.memory_space<semaphore_mem>>) src(%dma_wait3A_371 : memref<32x512xf32, #tpu.memory_space<vmem>>) dst(%dma_wait3A_367 : memref<32x512xf32, #tpu.memory_space<hbm>>)
        } else {
        }
      } else {
      }
      %eq3A_321 = arith.constant 0 : i32
      %eq3A_322 = arith.cmpi eq, %rem3A_304, %eq3A_321 : i32
      %convert_element_type3A_323 = arith.extui %eq3A_322 : i1 to i32
      %cond3A_324 = arith.constant 0 : i32
      %cond3A_325 = arith.cmpi ne, %convert_element_type3A_323, %cond3A_324 : i32
      scf.if %cond3A_325 {
        %parallel_loop3A = arith.constant 0 : i32
        %parallel_loop3A_338 = arith.constant 32 : i32
        %parallel_loop3A_339 = arith.constant 1 : i32
        %parallel_loop3A_340 = arith.constant 0 : i32
        %parallel_loop3A_341 = arith.constant 0 : i32
        scf.for %parallel_loop3A_406 = %parallel_loop3A to %parallel_loop3A_338 step %parallel_loop3A_339  : i32 {
          %parallel_loop3A_407 = arith.constant 16 : i32
          %parallel_loop3A_408 = arith.muli %parallel_loop3A_406, %parallel_loop3A_407 : i32
          %parallel_loop3A_409 = vector.broadcast %parallel_loop3A_408 : i32 to vector<16xi32>
          %parallel_loop3A_410 = arith.addi %iota3A, %parallel_loop3A_409 : vector<16xi32>
          %parallel_loop3A_411 = arith.constant 0 : i32
          %parallel_loop3A_412 = vector.broadcast %parallel_loop3A_411 : i32 to vector<16xi32>
          %parallel_loop3A_413 = arith.constant 0 : i32
          %parallel_loop3A_414 = arith.constant 0 : i32
          %parallel_loop3A_415 = tpu.memref_slice %arg6[%parallel_loop3A_340, %parallel_loop3A_413, %parallel_loop3A_414] : memref<2x512x32xf32, #tpu.memory_space<vmem>> -> memref<1x512x32xf32, #tpu.memory_space<vmem>>
          %parallel_loop3A_416 = tpu.memref_squeeze %parallel_loop3A_415 : memref<1x512x32xf32, #tpu.memory_space<vmem>> -> memref<512x32xf32, #tpu.memory_space<vmem>>
          %parallel_loop3A_417 = tpu.vector_load_idx %parallel_loop3A_416[%parallel_loop3A_410, %parallel_loop3A_412] : memref<512x32xf32, #tpu.memory_space<vmem>>[vector<16xi32>, vector<16xi32>], vector<16xf32>,
          %parallel_loop3A_418 = arith.constant 16 : i32
          %parallel_loop3A_419 = arith.muli %parallel_loop3A_406, %parallel_loop3A_418 : i32
          %parallel_loop3A_420 = arith.constant 0 : i32
          %parallel_loop3A_421 = arith.constant 0 : i32
          %parallel_loop3A_422 = arith.constant 0 : i32
          %parallel_loop3A_423 = tpu.memref_slice %arg7[%parallel_loop3A_341, %parallel_loop3A_421, %parallel_loop3A_422] : memref<2x32x512xf32, #tpu.memory_space<vmem>> -> memref<1x32x512xf32, #tpu.memory_space<vmem>>
          %parallel_loop3A_424 = tpu.memref_squeeze %parallel_loop3A_423 : memref<1x32x512xf32, #tpu.memory_space<vmem>> -> memref<32x512xf32, #tpu.memory_space<vmem>>
          %parallel_loop3A_425 = arith.index_cast %parallel_loop3A_420 : i32 to index
          %parallel_loop3A_426 = arith.index_cast %parallel_loop3A_419 : i32 to index
          %parallel_loop3A_427 = tpu.vector_load %parallel_loop3A_424[%parallel_loop3A_425, %parallel_loop3A_426] {strides = array<i32>} : memref<32x512xf32, #tpu.memory_space<vmem>>, vector<16xf32>,
          tpu.vector_store %parallel_loop3A_424[%parallel_loop3A_425, %parallel_loop3A_426], %parallel_loop3A_417 {strides = array<i32>} : memref<32x512xf32, #tpu.memory_space<vmem>>, vector<16xf32>,
          %parallel_loop3A_428 = arith.constant 1 : i32
          %parallel_loop3A_429 = vector.broadcast %parallel_loop3A_428 : i32 to vector<16xi32>
          %parallel_loop3A_430 = arith.constant 0 : i32
          %parallel_loop3A_431 = arith.constant 0 : i32
          %parallel_loop3A_432 = tpu.memref_slice %arg6[%parallel_loop3A_340, %parallel_loop3A_430, %parallel_loop3A_431] : memref<2x512x32xf32, #tpu.memory_space<vmem>> -> memref<1x512x32xf32, #tpu.memory_space<vmem>>
          %parallel_loop3A_433 = tpu.memref_squeeze %parallel_loop3A_432 : memref<1x512x32xf32, #tpu.memory_space<vmem>> -> memref<512x32xf32, #tpu.memory_space<vmem>>
          %parallel_loop3A_434 = tpu.vector_load_idx %parallel_loop3A_433[%parallel_loop3A_410, %parallel_loop3A_429] : memref<512x32xf32, #tpu.memory_space<vmem>>[vector<16xi32>, vector<16xi32>], vector<16xf32>,
          %parallel_loop3A_435 = arith.constant 16 : i32
          %parallel_loop3A_436 = arith.muli %parallel_loop3A_406, %parallel_loop3A_435 : i32
          %parallel_loop3A_437 = arith.constant 1 : i32
          %parallel_loop3A_438 = arith.constant 0 : i32
          %parallel_loop3A_439 = arith.constant 0 : i32
          %parallel_loop3A_440 = tpu.memref_slice %arg7[%parallel_loop3A_341, %parallel_loop3A_438, %parallel_loop3A_439] : memref<2x32x512xf32, #tpu.memory_space<vmem>> -> memref<1x32x512xf32, #tpu.memory_space<vmem>>
          %parallel_loop3A_441 = tpu.memref_squeeze %parallel_loop3A_440 : memref<1x32x512xf32, #tpu.memory_space<vmem>> -> memref<32x512xf32, #tpu.memory_space<vmem>>
          %parallel_loop3A_442 = arith.index_cast %parallel_loop3A_437 : i32 to index
          %parallel_loop3A_443 = arith.index_cast %parallel_loop3A_436 : i32 to index
          %parallel_loop3A_444 = tpu.vector_load %parallel_loop3A_441[%parallel_loop3A_442, %parallel_loop3A_443] {strides = array<i32>} : memref<32x512xf32, #tpu.memory_space<vmem>>, vector<16xf32>,
          tpu.vector_store %parallel_loop3A_441[%parallel_loop3A_442, %parallel_loop3A_443], %parallel_loop3A_434 {strides = array<i32>} : memref<32x512xf32, #tpu.memory_space<vmem>>, vector<16xf32>,
          %parallel_loop3A_445 = arith.constant 2 : i32
          %parallel_loop3A_446 = vector.broadcast %parallel_loop3A_445 : i32 to vector<16xi32>
          %parallel_loop3A_447 = arith.constant 0 : i32
          %parallel_loop3A_448 = arith.constant 0 : i32
          %parallel_loop3A_449 = tpu.memref_slice %arg6[%parallel_loop3A_340, %parallel_loop3A_447, %parallel_loop3A_448] : memref<2x512x32xf32, #tpu.memory_space<vmem>> -> memref<1x512x32xf32, #tpu.memory_space<vmem>>
          %parallel_loop3A_450 = tpu.memref_squeeze %parallel_loop3A_449 : memref<1x512x32xf32, #tpu.memory_space<vmem>> -> memref<512x32xf32, #tpu.memory_space<vmem>>
          %parallel_loop3A_451 = tpu.vector_load_idx %parallel_loop3A_450[%parallel_loop3A_410, %parallel_loop3A_446] : memref<512x32xf32, #tpu.memory_space<vmem>>[vector<16xi32>, vector<16xi32>], vector<16xf32>,
          %parallel_loop3A_452 = arith.constant 16 : i32
          %parallel_loop3A_453 = arith.muli %parallel_loop3A_406, %parallel_loop3A_452 : i32
          %parallel_loop3A_454 = arith.constant 2 : i32
          %parallel_loop3A_455 = arith.constant 0 : i32
          %parallel_loop3A_456 = arith.constant 0 : i32
          %parallel_loop3A_457 = tpu.memref_slice %arg7[%parallel_loop3A_341, %parallel_loop3A_455, %parallel_loop3A_456] : memref<2x32x512xf32, #tpu.memory_space<vmem>> -> memref<1x32x512xf32, #tpu.memory_space<vmem>>
          %parallel_loop3A_458 = tpu.memref_squeeze %parallel_loop3A_457 : memref<1x32x512xf32, #tpu.memory_space<vmem>> -> memref<32x512xf32, #tpu.memory_space<vmem>>
          %parallel_loop3A_459 = arith.index_cast %parallel_loop3A_454 : i32 to index
          %parallel_loop3A_460 = arith.index_cast %parallel_loop3A_453 : i32 to index
          %parallel_loop3A_461 = tpu.vector_load %parallel_loop3A_458[%parallel_loop3A_459, %parallel_loop3A_460] {strides = array<i32>} : memref<32x512xf32, #tpu.memory_space<vmem>>, vector<16xf32>,
          tpu.vector_store %parallel_loop3A_458[%parallel_loop3A_459, %parallel_loop3A_460], %parallel_loop3A_451 {strides = array<i32>} : memref<32x512xf32, #tpu.memory_space<vmem>>, vector<16xf32>,
          %parallel_loop3A_462 = arith.constant 3 : i32
          %parallel_loop3A_463 = vector.broadcast %parallel_loop3A_462 : i32 to vector<16xi32>
          %parallel_loop3A_464 = arith.constant 0 : i32
          %parallel_loop3A_465 = arith.constant 0 : i32
          %parallel_loop3A_466 = tpu.memref_slice %arg6[%parallel_loop3A_340, %parallel_loop3A_464, %parallel_loop3A_465] : memref<2x512x32xf32, #tpu.memory_space<vmem>> -> memref<1x512x32xf32, #tpu.memory_space<vmem>>
          %parallel_loop3A_467 = tpu.memref_squeeze %parallel_loop3A_466 : memref<1x512x32xf32, #tpu.memory_space<vmem>> -> memref<512x32xf32, #tpu.memory_space<vmem>>
          %parallel_loop3A_468 = tpu.vector_load_idx %parallel_loop3A_467[%parallel_loop3A_410, %parallel_loop3A_463] : memref<512x32xf32, #tpu.memory_space<vmem>>[vector<16xi32>, vector<16xi32>], vector<16xf32>,
          %parallel_loop3A_469 = arith.constant 16 : i32
          %parallel_loop3A_470 = arith.muli %parallel_loop3A_406, %parallel_loop3A_469 : i32
          %parallel_loop3A_471 = arith.constant 3 : i32
          %parallel_loop3A_472 = arith.constant 0 : i32
          %parallel_loop3A_473 = arith.constant 0 : i32
          %parallel_loop3A_474 = tpu.memref_slice %arg7[%parallel_loop3A_341, %parallel_loop3A_472, %parallel_loop3A_473] : memref<2x32x512xf32, #tpu.memory_space<vmem>> -> memref<1x32x512xf32, #tpu.memory_space<vmem>>
          %parallel_loop3A_475 = tpu.memref_squeeze %parallel_loop3A_474 : memref<1x32x512xf32, #tpu.memory_space<vmem>> -> memref<32x512xf32, #tpu.memory_space<vmem>>
          %parallel_loop3A_476 = arith.index_cast %parallel_loop3A_471 : i32 to index
          %parallel_loop3A_477 = arith.index_cast %parallel_loop3A_470 : i32 to index
          %parallel_loop3A_478 = tpu.vector_load %parallel_loop3A_475[%parallel_loop3A_476, %parallel_loop3A_477] {strides = array<i32>} : memref<32x512xf32, #tpu.memory_space<vmem>>, vector<16xf32>,
          tpu.vector_store %parallel_loop3A_475[%parallel_loop3A_476, %parallel_loop3A_477], %parallel_loop3A_468 {strides = array<i32>} : memref<32x512xf32, #tpu.memory_space<vmem>>, vector<16xf32>,
          %parallel_loop3A_479 = arith.constant 4 : i32
          %parallel_loop3A_480 = vector.broadcast %parallel_loop3A_479 : i32 to vector<16xi32>
          %parallel_loop3A_481 = arith.constant 0 : i32
          %parallel_loop3A_482 = arith.constant 0 : i32
          %parallel_loop3A_483 = tpu.memref_slice %arg6[%parallel_loop3A_340, %parallel_loop3A_481, %parallel_loop3A_482] : memref<2x512x32xf32, #tpu.memory_space<vmem>> -> memref<1x512x32xf32, #tpu.memory_space<vmem>>
          %parallel_loop3A_484 = tpu.memref_squeeze %parallel_loop3A_483 : memref<1x512x32xf32, #tpu.memory_space<vmem>> -> memref<512x32xf32, #tpu.memory_space<vmem>>
          %parallel_loop3A_485 = tpu.vector_load_idx %parallel_loop3A_484[%parallel_loop3A_410, %parallel_loop3A_480] : memref<512x32xf32, #tpu.memory_space<vmem>>[vector<16xi32>, vector<16xi32>], vector<16xf32>,
          %parallel_loop3A_486 = arith.constant 16 : i32
          %parallel_loop3A_487 = arith.muli %parallel_loop3A_406, %parallel_loop3A_486 : i32
          %parallel_loop3A_488 = arith.constant 4 : i32
          %parallel_loop3A_489 = arith.constant 0 : i32
          %parallel_loop3A_490 = arith.constant 0 : i32
          %parallel_loop3A_491 = tpu.memref_slice %arg7[%parallel_loop3A_341, %parallel_loop3A_489, %parallel_loop3A_490] : memref<2x32x512xf32, #tpu.memory_space<vmem>> -> memref<1x32x512xf32, #tpu.memory_space<vmem>>
          %parallel_loop3A_492 = tpu.memref_squeeze %parallel_loop3A_491 : memref<1x32x512xf32, #tpu.memory_space<vmem>> -> memref<32x512xf32, #tpu.memory_space<vmem>>
          %parallel_loop3A_493 = arith.index_cast %parallel_loop3A_488 : i32 to index
          %parallel_loop3A_494 = arith.index_cast %parallel_loop3A_487 : i32 to index
          %parallel_loop3A_495 = tpu.vector_load %parallel_loop3A_492[%parallel_loop3A_493, %parallel_loop3A_494] {strides = array<i32>} : memref<32x512xf32, #tpu.memory_space<vmem>>, vector<16xf32>,
          tpu.vector_store %parallel_loop3A_492[%parallel_loop3A_493, %parallel_loop3A_494], %parallel_loop3A_485 {strides = array<i32>} : memref<32x512xf32, #tpu.memory_space<vmem>>, vector<16xf32>,
          %parallel_loop3A_496 = arith.constant 5 : i32
          %parallel_loop3A_497 = vector.broadcast %parallel_loop3A_496 : i32 to vector<16xi32>
          %parallel_loop3A_498 = arith.constant 0 : i32
          %parallel_loop3A_499 = arith.constant 0 : i32
          %parallel_loop3A_500 = tpu.memref_slice %arg6[%parallel_loop3A_340, %parallel_loop3A_498, %parallel_loop3A_499] : memref<2x512x32xf32, #tpu.memory_space<vmem>> -> memref<1x512x32xf32, #tpu.memory_space<vmem>>
          %parallel_loop3A_501 = tpu.memref_squeeze %parallel_loop3A_500 : memref<1x512x32xf32, #tpu.memory_space<vmem>> -> memref<512x32xf32, #tpu.memory_space<vmem>>
          %parallel_loop3A_502 = tpu.vector_load_idx %parallel_loop3A_501[%parallel_loop3A_410, %parallel_loop3A_497] : memref<512x32xf32, #tpu.memory_space<vmem>>[vector<16xi32>, vector<16xi32>], vector<16xf32>,
          %parallel_loop3A_503 = arith.constant 16 : i32
          %parallel_loop3A_504 = arith.muli %parallel_loop3A_406, %parallel_loop3A_503 : i32
          %parallel_loop3A_505 = arith.constant 5 : i32
          %parallel_loop3A_506 = arith.constant 0 : i32
          %parallel_loop3A_507 = arith.constant 0 : i32
          %parallel_loop3A_508 = tpu.memref_slice %arg7[%parallel_loop3A_341, %parallel_loop3A_506, %parallel_loop3A_507] : memref<2x32x512xf32, #tpu.memory_space<vmem>> -> memref<1x32x512xf32, #tpu.memory_space<vmem>>
          %parallel_loop3A_509 = tpu.memref_squeeze %parallel_loop3A_508 : memref<1x32x512xf32, #tpu.memory_space<vmem>> -> memref<32x512xf32, #tpu.memory_space<vmem>>
          %parallel_loop3A_510 = arith.index_cast %parallel_loop3A_505 : i32 to index
          %parallel_loop3A_511 = arith.index_cast %parallel_loop3A_504 : i32 to index
          %parallel_loop3A_512 = tpu.vector_load %parallel_loop3A_509[%parallel_loop3A_510, %parallel_loop3A_511] {strides = array<i32>} : memref<32x512xf32, #tpu.memory_space<vmem>>, vector<16xf32>,
          tpu.vector_store %parallel_loop3A_509[%parallel_loop3A_510, %parallel_loop3A_511], %parallel_loop3A_502 {strides = array<i32>} : memref<32x512xf32, #tpu.memory_space<vmem>>, vector<16xf32>,
          %parallel_loop3A_513 = arith.constant 6 : i32
          %parallel_loop3A_514 = vector.broadcast %parallel_loop3A_513 : i32 to vector<16xi32>
          %parallel_loop3A_515 = arith.constant 0 : i32
          %parallel_loop3A_516 = arith.constant 0 : i32
          %parallel_loop3A_517 = tpu.memref_slice %arg6[%parallel_loop3A_340, %parallel_loop3A_515, %parallel_loop3A_516] : memref<2x512x32xf32, #tpu.memory_space<vmem>> -> memref<1x512x32xf32, #tpu.memory_space<vmem>>
          %parallel_loop3A_518 = tpu.memref_squeeze %parallel_loop3A_517 : memref<1x512x32xf32, #tpu.memory_space<vmem>> -> memref<512x32xf32, #tpu.memory_space<vmem>>
          %parallel_loop3A_519 = tpu.vector_load_idx %parallel_loop3A_518[%parallel_loop3A_410, %parallel_loop3A_514] : memref<512x32xf32, #tpu.memory_space<vmem>>[vector<16xi32>, vector<16xi32>], vector<16xf32>,
          %parallel_loop3A_520 = arith.constant 16 : i32
          %parallel_loop3A_521 = arith.muli %parallel_loop3A_406, %parallel_loop3A_520 : i32
          %parallel_loop3A_522 = arith.constant 6 : i32
          %parallel_loop3A_523 = arith.constant 0 : i32
          %parallel_loop3A_524 = arith.constant 0 : i32
          %parallel_loop3A_525 = tpu.memref_slice %arg7[%parallel_loop3A_341, %parallel_loop3A_523, %parallel_loop3A_524] : memref<2x32x512xf32, #tpu.memory_space<vmem>> -> memref<1x32x512xf32, #tpu.memory_space<vmem>>
          %parallel_loop3A_526 = tpu.memref_squeeze %parallel_loop3A_525 : memref<1x32x512xf32, #tpu.memory_space<vmem>> -> memref<32x512xf32, #tpu.memory_space<vmem>>
          %parallel_loop3A_527 = arith.index_cast %parallel_loop3A_522 : i32 to index
          %parallel_loop3A_528 = arith.index_cast %parallel_loop3A_521 : i32 to index
          %parallel_loop3A_529 = tpu.vector_load %parallel_loop3A_526[%parallel_loop3A_527, %parallel_loop3A_528] {strides = array<i32>} : memref<32x512xf32, #tpu.memory_space<vmem>>, vector<16xf32>,
          tpu.vector_store %parallel_loop3A_526[%parallel_loop3A_527, %parallel_loop3A_528], %parallel_loop3A_519 {strides = array<i32>} : memref<32x512xf32, #tpu.memory_space<vmem>>, vector<16xf32>,
          %parallel_loop3A_530 = arith.constant 7 : i32
          %parallel_loop3A_531 = vector.broadcast %parallel_loop3A_530 : i32 to vector<16xi32>
          %parallel_loop3A_532 = arith.constant 0 : i32
          %parallel_loop3A_533 = arith.constant 0 : i32
          %parallel_loop3A_534 = tpu.memref_slice %arg6[%parallel_loop3A_340, %parallel_loop3A_532, %parallel_loop3A_533] : memref<2x512x32xf32, #tpu.memory_space<vmem>> -> memref<1x512x32xf32, #tpu.memory_space<vmem>>
          %parallel_loop3A_535 = tpu.memref_squeeze %parallel_loop3A_534 : memref<1x512x32xf32, #tpu.memory_space<vmem>> -> memref<512x32xf32, #tpu.memory_space<vmem>>
          %parallel_loop3A_536 = tpu.vector_load_idx %parallel_loop3A_535[%parallel_loop3A_410, %parallel_loop3A_531] : memref<512x32xf32, #tpu.memory_space<vmem>>[vector<16xi32>, vector<16xi32>], vector<16xf32>,
          %parallel_loop3A_537 = arith.constant 16 : i32
          %parallel_loop3A_538 = arith.muli %parallel_loop3A_406, %parallel_loop3A_537 : i32
          %parallel_loop3A_539 = arith.constant 7 : i32
          %parallel_loop3A_540 = arith.constant 0 : i32
          %parallel_loop3A_541 = arith.constant 0 : i32
          %parallel_loop3A_542 = tpu.memref_slice %arg7[%parallel_loop3A_341, %parallel_loop3A_540, %parallel_loop3A_541] : memref<2x32x512xf32, #tpu.memory_space<vmem>> -> memref<1x32x512xf32, #tpu.memory_space<vmem>>
          %parallel_loop3A_543 = tpu.memref_squeeze %parallel_loop3A_542 : memref<1x32x512xf32, #tpu.memory_space<vmem>> -> memref<32x512xf32, #tpu.memory_space<vmem>>
          %parallel_loop3A_544 = arith.index_cast %parallel_loop3A_539 : i32 to index
          %parallel_loop3A_545 = arith.index_cast %parallel_loop3A_538 : i32 to index
          %parallel_loop3A_546 = tpu.vector_load %parallel_loop3A_543[%parallel_loop3A_544, %parallel_loop3A_545] {strides = array<i32>} : memref<32x512xf32, #tpu.memory_space<vmem>>, vector<16xf32>,
          tpu.vector_store %parallel_loop3A_543[%parallel_loop3A_544, %parallel_loop3A_545], %parallel_loop3A_536 {strides = array<i32>} : memref<32x512xf32, #tpu.memory_space<vmem>>, vector<16xf32>,
          %parallel_loop3A_547 = arith.constant 8 : i32
          %parallel_loop3A_548 = vector.broadcast %parallel_loop3A_547 : i32 to vector<16xi32>
          %parallel_loop3A_549 = arith.constant 0 : i32
          %parallel_loop3A_550 = arith.constant 0 : i32
          %parallel_loop3A_551 = tpu.memref_slice %arg6[%parallel_loop3A_340, %parallel_loop3A_549, %parallel_loop3A_550] : memref<2x512x32xf32, #tpu.memory_space<vmem>> -> memref<1x512x32xf32, #tpu.memory_space<vmem>>
          %parallel_loop3A_552 = tpu.memref_squeeze %parallel_loop3A_551 : memref<1x512x32xf32, #tpu.memory_space<vmem>> -> memref<512x32xf32, #tpu.memory_space<vmem>>
          %parallel_loop3A_553 = tpu.vector_load_idx %parallel_loop3A_552[%parallel_loop3A_410, %parallel_loop3A_548] : memref<512x32xf32, #tpu.memory_space<vmem>>[vector<16xi32>, vector<16xi32>], vector<16xf32>,
          %parallel_loop3A_554 = arith.constant 16 : i32
          %parallel_loop3A_555 = arith.muli %parallel_loop3A_406, %parallel_loop3A_554 : i32
          %parallel_loop3A_556 = arith.constant 8 : i32
          %parallel_loop3A_557 = arith.constant 0 : i32
          %parallel_loop3A_558 = arith.constant 0 : i32
          %parallel_loop3A_559 = tpu.memref_slice %arg7[%parallel_loop3A_341, %parallel_loop3A_557, %parallel_loop3A_558] : memref<2x32x512xf32, #tpu.memory_space<vmem>> -> memref<1x32x512xf32, #tpu.memory_space<vmem>>
          %parallel_loop3A_560 = tpu.memref_squeeze %parallel_loop3A_559 : memref<1x32x512xf32, #tpu.memory_space<vmem>> -> memref<32x512xf32, #tpu.memory_space<vmem>>
          %parallel_loop3A_561 = arith.index_cast %parallel_loop3A_556 : i32 to index
          %parallel_loop3A_562 = arith.index_cast %parallel_loop3A_555 : i32 to index
          %parallel_loop3A_563 = tpu.vector_load %parallel_loop3A_560[%parallel_loop3A_561, %parallel_loop3A_562] {strides = array<i32>} : memref<32x512xf32, #tpu.memory_space<vmem>>, vector<16xf32>,
          tpu.vector_store %parallel_loop3A_560[%parallel_loop3A_561, %parallel_loop3A_562], %parallel_loop3A_553 {strides = array<i32>} : memref<32x512xf32, #tpu.memory_space<vmem>>, vector<16xf32>,
          %parallel_loop3A_564 = arith.constant 9 : i32
          %parallel_loop3A_565 = vector.broadcast %parallel_loop3A_564 : i32 to vector<16xi32>
          %parallel_loop3A_566 = arith.constant 0 : i32
          %parallel_loop3A_567 = arith.constant 0 : i32
          %parallel_loop3A_568 = tpu.memref_slice %arg6[%parallel_loop3A_340, %parallel_loop3A_566, %parallel_loop3A_567] : memref<2x512x32xf32, #tpu.memory_space<vmem>> -> memref<1x512x32xf32, #tpu.memory_space<vmem>>
          %parallel_loop3A_569 = tpu.memref_squeeze %parallel_loop3A_568 : memref<1x512x32xf32, #tpu.memory_space<vmem>> -> memref<512x32xf32, #tpu.memory_space<vmem>>
          %parallel_loop3A_570 = tpu.vector_load_idx %parallel_loop3A_569[%parallel_loop3A_410, %parallel_loop3A_565] : memref<512x32xf32, #tpu.memory_space<vmem>>[vector<16xi32>, vector<16xi32>], vector<16xf32>,
          %parallel_loop3A_571 = arith.constant 16 : i32
          %parallel_loop3A_572 = arith.muli %parallel_loop3A_406, %parallel_loop3A_571 : i32
          %parallel_loop3A_573 = arith.constant 9 : i32
          %parallel_loop3A_574 = arith.constant 0 : i32
          %parallel_loop3A_575 = arith.constant 0 : i32
          %parallel_loop3A_576 = tpu.memref_slice %arg7[%parallel_loop3A_341, %parallel_loop3A_574, %parallel_loop3A_575] : memref<2x32x512xf32, #tpu.memory_space<vmem>> -> memref<1x32x512xf32, #tpu.memory_space<vmem>>
          %parallel_loop3A_577 = tpu.memref_squeeze %parallel_loop3A_576 : memref<1x32x512xf32, #tpu.memory_space<vmem>> -> memref<32x512xf32, #tpu.memory_space<vmem>>
          %parallel_loop3A_578 = arith.index_cast %parallel_loop3A_573 : i32 to index
          %parallel_loop3A_579 = arith.index_cast %parallel_loop3A_572 : i32 to index
          %parallel_loop3A_580 = tpu.vector_load %parallel_loop3A_577[%parallel_loop3A_578, %parallel_loop3A_579] {strides = array<i32>} : memref<32x512xf32, #tpu.memory_space<vmem>>, vector<16xf32>,
          tpu.vector_store %parallel_loop3A_577[%parallel_loop3A_578, %parallel_loop3A_579], %parallel_loop3A_570 {strides = array<i32>} : memref<32x512xf32, #tpu.memory_space<vmem>>, vector<16xf32>,
          %parallel_loop3A_581 = arith.constant 10 : i32
          %parallel_loop3A_582 = vector.broadcast %parallel_loop3A_581 : i32 to vector<16xi32>
          %parallel_loop3A_583 = arith.constant 0 : i32
          %parallel_loop3A_584 = arith.constant 0 : i32
          %parallel_loop3A_585 = tpu.memref_slice %arg6[%parallel_loop3A_340, %parallel_loop3A_583, %parallel_loop3A_584] : memref<2x512x32xf32, #tpu.memory_space<vmem>> -> memref<1x512x32xf32, #tpu.memory_space<vmem>>
          %parallel_loop3A_586 = tpu.memref_squeeze %parallel_loop3A_585 : memref<1x512x32xf32, #tpu.memory_space<vmem>> -> memref<512x32xf32, #tpu.memory_space<vmem>>
          %parallel_loop3A_587 = tpu.vector_load_idx %parallel_loop3A_586[%parallel_loop3A_410, %parallel_loop3A_582] : memref<512x32xf32, #tpu.memory_space<vmem>>[vector<16xi32>, vector<16xi32>], vector<16xf32>,
          %parallel_loop3A_588 = arith.constant 16 : i32
          %parallel_loop3A_589 = arith.muli %parallel_loop3A_406, %parallel_loop3A_588 : i32
          %parallel_loop3A_590 = arith.constant 10 : i32
          %parallel_loop3A_591 = arith.constant 0 : i32
          %parallel_loop3A_592 = arith.constant 0 : i32
          %parallel_loop3A_593 = tpu.memref_slice %arg7[%parallel_loop3A_341, %parallel_loop3A_591, %parallel_loop3A_592] : memref<2x32x512xf32, #tpu.memory_space<vmem>> -> memref<1x32x512xf32, #tpu.memory_space<vmem>>
          %parallel_loop3A_594 = tpu.memref_squeeze %parallel_loop3A_593 : memref<1x32x512xf32, #tpu.memory_space<vmem>> -> memref<32x512xf32, #tpu.memory_space<vmem>>
          %parallel_loop3A_595 = arith.index_cast %parallel_loop3A_590 : i32 to index
          %parallel_loop3A_596 = arith.index_cast %parallel_loop3A_589 : i32 to index
          %parallel_loop3A_597 = tpu.vector_load %parallel_loop3A_594[%parallel_loop3A_595, %parallel_loop3A_596] {strides = array<i32>} : memref<32x512xf32, #tpu.memory_space<vmem>>, vector<16xf32>,
          tpu.vector_store %parallel_loop3A_594[%parallel_loop3A_595, %parallel_loop3A_596], %parallel_loop3A_587 {strides = array<i32>} : memref<32x512xf32, #tpu.memory_space<vmem>>, vector<16xf32>,
          %parallel_loop3A_598 = arith.constant 11 : i32
          %parallel_loop3A_599 = vector.broadcast %parallel_loop3A_598 : i32 to vector<16xi32>
          %parallel_loop3A_600 = arith.constant 0 : i32
          %parallel_loop3A_601 = arith.constant 0 : i32
          %parallel_loop3A_602 = tpu.memref_slice %arg6[%parallel_loop3A_340, %parallel_loop3A_600, %parallel_loop3A_601] : memref<2x512x32xf32, #tpu.memory_space<vmem>> -> memref<1x512x32xf32, #tpu.memory_space<vmem>>
          %parallel_loop3A_603 = tpu.memref_squeeze %parallel_loop3A_602 : memref<1x512x32xf32, #tpu.memory_space<vmem>> -> memref<512x32xf32, #tpu.memory_space<vmem>>
          %parallel_loop3A_604 = tpu.vector_load_idx %parallel_loop3A_603[%parallel_loop3A_410, %parallel_loop3A_599] : memref<512x32xf32, #tpu.memory_space<vmem>>[vector<16xi32>, vector<16xi32>], vector<16xf32>,
          %parallel_loop3A_605 = arith.constant 16 : i32
          %parallel_loop3A_606 = arith.muli %parallel_loop3A_406, %parallel_loop3A_605 : i32
          %parallel_loop3A_607 = arith.constant 11 : i32
          %parallel_loop3A_608 = arith.constant 0 : i32
          %parallel_loop3A_609 = arith.constant 0 : i32
          %parallel_loop3A_610 = tpu.memref_slice %arg7[%parallel_loop3A_341, %parallel_loop3A_608, %parallel_loop3A_609] : memref<2x32x512xf32, #tpu.memory_space<vmem>> -> memref<1x32x512xf32, #tpu.memory_space<vmem>>
          %parallel_loop3A_611 = tpu.memref_squeeze %parallel_loop3A_610 : memref<1x32x512xf32, #tpu.memory_space<vmem>> -> memref<32x512xf32, #tpu.memory_space<vmem>>
          %parallel_loop3A_612 = arith.index_cast %parallel_loop3A_607 : i32 to index
          %parallel_loop3A_613 = arith.index_cast %parallel_loop3A_606 : i32 to index
          %parallel_loop3A_614 = tpu.vector_load %parallel_loop3A_611[%parallel_loop3A_612, %parallel_loop3A_613] {strides = array<i32>} : memref<32x512xf32, #tpu.memory_space<vmem>>, vector<16xf32>,
          tpu.vector_store %parallel_loop3A_611[%parallel_loop3A_612, %parallel_loop3A_613], %parallel_loop3A_604 {strides = array<i32>} : memref<32x512xf32, #tpu.memory_space<vmem>>, vector<16xf32>,
          %parallel_loop3A_615 = arith.constant 12 : i32
          %parallel_loop3A_616 = vector.broadcast %parallel_loop3A_615 : i32 to vector<16xi32>
          %parallel_loop3A_617 = arith.constant 0 : i32
          %parallel_loop3A_618 = arith.constant 0 : i32
          %parallel_loop3A_619 = tpu.memref_slice %arg6[%parallel_loop3A_340, %parallel_loop3A_617, %parallel_loop3A_618] : memref<2x512x32xf32, #tpu.memory_space<vmem>> -> memref<1x512x32xf32, #tpu.memory_space<vmem>>
          %parallel_loop3A_620 = tpu.memref_squeeze %parallel_loop3A_619 : memref<1x512x32xf32, #tpu.memory_space<vmem>> -> memref<512x32xf32, #tpu.memory_space<vmem>>
          %parallel_loop3A_621 = tpu.vector_load_idx %parallel_loop3A_620[%parallel_loop3A_410, %parallel_loop3A_616] : memref<512x32xf32, #tpu.memory_space<vmem>>[vector<16xi32>, vector<16xi32>], vector<16xf32>,
          %parallel_loop3A_622 = arith.constant 16 : i32
          %parallel_loop3A_623 = arith.muli %parallel_loop3A_406, %parallel_loop3A_622 : i32
          %parallel_loop3A_624 = arith.constant 12 : i32
          %parallel_loop3A_625 = arith.constant 0 : i32
          %parallel_loop3A_626 = arith.constant 0 : i32
          %parallel_loop3A_627 = tpu.memref_slice %arg7[%parallel_loop3A_341, %parallel_loop3A_625, %parallel_loop3A_626] : memref<2x32x512xf32, #tpu.memory_space<vmem>> -> memref<1x32x512xf32, #tpu.memory_space<vmem>>
          %parallel_loop3A_628 = tpu.memref_squeeze %parallel_loop3A_627 : memref<1x32x512xf32, #tpu.memory_space<vmem>> -> memref<32x512xf32, #tpu.memory_space<vmem>>
          %parallel_loop3A_629 = arith.index_cast %parallel_loop3A_624 : i32 to index
          %parallel_loop3A_630 = arith.index_cast %parallel_loop3A_623 : i32 to index
          %parallel_loop3A_631 = tpu.vector_load %parallel_loop3A_628[%parallel_loop3A_629, %parallel_loop3A_630] {strides = array<i32>} : memref<32x512xf32, #tpu.memory_space<vmem>>, vector<16xf32>,
          tpu.vector_store %parallel_loop3A_628[%parallel_loop3A_629, %parallel_loop3A_630], %parallel_loop3A_621 {strides = array<i32>} : memref<32x512xf32, #tpu.memory_space<vmem>>, vector<16xf32>,
          %parallel_loop3A_632 = arith.constant 13 : i32
          %parallel_loop3A_633 = vector.broadcast %parallel_loop3A_632 : i32 to vector<16xi32>
          %parallel_loop3A_634 = arith.constant 0 : i32
          %parallel_loop3A_635 = arith.constant 0 : i32
          %parallel_loop3A_636 = tpu.memref_slice %arg6[%parallel_loop3A_340, %parallel_loop3A_634, %parallel_loop3A_635] : memref<2x512x32xf32, #tpu.memory_space<vmem>> -> memref<1x512x32xf32, #tpu.memory_space<vmem>>
          %parallel_loop3A_637 = tpu.memref_squeeze %parallel_loop3A_636 : memref<1x512x32xf32, #tpu.memory_space<vmem>> -> memref<512x32xf32, #tpu.memory_space<vmem>>
          %parallel_loop3A_638 = tpu.vector_load_idx %parallel_loop3A_637[%parallel_loop3A_410, %parallel_loop3A_633] : memref<512x32xf32, #tpu.memory_space<vmem>>[vector<16xi32>, vector<16xi32>], vector<16xf32>,
          %parallel_loop3A_639 = arith.constant 16 : i32
          %parallel_loop3A_640 = arith.muli %parallel_loop3A_406, %parallel_loop3A_639 : i32
          %parallel_loop3A_641 = arith.constant 13 : i32
          %parallel_loop3A_642 = arith.constant 0 : i32
          %parallel_loop3A_643 = arith.constant 0 : i32
          %parallel_loop3A_644 = tpu.memref_slice %arg7[%parallel_loop3A_341, %parallel_loop3A_642, %parallel_loop3A_643] : memref<2x32x512xf32, #tpu.memory_space<vmem>> -> memref<1x32x512xf32, #tpu.memory_space<vmem>>
          %parallel_loop3A_645 = tpu.memref_squeeze %parallel_loop3A_644 : memref<1x32x512xf32, #tpu.memory_space<vmem>> -> memref<32x512xf32, #tpu.memory_space<vmem>>
          %parallel_loop3A_646 = arith.index_cast %parallel_loop3A_641 : i32 to index
          %parallel_loop3A_647 = arith.index_cast %parallel_loop3A_640 : i32 to index
          %parallel_loop3A_648 = tpu.vector_load %parallel_loop3A_645[%parallel_loop3A_646, %parallel_loop3A_647] {strides = array<i32>} : memref<32x512xf32, #tpu.memory_space<vmem>>, vector<16xf32>,
          tpu.vector_store %parallel_loop3A_645[%parallel_loop3A_646, %parallel_loop3A_647], %parallel_loop3A_638 {strides = array<i32>} : memref<32x512xf32, #tpu.memory_space<vmem>>, vector<16xf32>,
          %parallel_loop3A_649 = arith.constant 14 : i32
          %parallel_loop3A_650 = vector.broadcast %parallel_loop3A_649 : i32 to vector<16xi32>
          %parallel_loop3A_651 = arith.constant 0 : i32
          %parallel_loop3A_652 = arith.constant 0 : i32
          %parallel_loop3A_653 = tpu.memref_slice %arg6[%parallel_loop3A_340, %parallel_loop3A_651, %parallel_loop3A_652] : memref<2x512x32xf32, #tpu.memory_space<vmem>> -> memref<1x512x32xf32, #tpu.memory_space<vmem>>
          %parallel_loop3A_654 = tpu.memref_squeeze %parallel_loop3A_653 : memref<1x512x32xf32, #tpu.memory_space<vmem>> -> memref<512x32xf32, #tpu.memory_space<vmem>>
          %parallel_loop3A_655 = tpu.vector_load_idx %parallel_loop3A_654[%parallel_loop3A_410, %parallel_loop3A_650] : memref<512x32xf32, #tpu.memory_space<vmem>>[vector<16xi32>, vector<16xi32>], vector<16xf32>,
          %parallel_loop3A_656 = arith.constant 16 : i32
          %parallel_loop3A_657 = arith.muli %parallel_loop3A_406, %parallel_loop3A_656 : i32
          %parallel_loop3A_658 = arith.constant 14 : i32
          %parallel_loop3A_659 = arith.constant 0 : i32
          %parallel_loop3A_660 = arith.constant 0 : i32
          %parallel_loop3A_661 = tpu.memref_slice %arg7[%parallel_loop3A_341, %parallel_loop3A_659, %parallel_loop3A_660] : memref<2x32x512xf32, #tpu.memory_space<vmem>> -> memref<1x32x512xf32, #tpu.memory_space<vmem>>
          %parallel_loop3A_662 = tpu.memref_squeeze %parallel_loop3A_661 : memref<1x32x512xf32, #tpu.memory_space<vmem>> -> memref<32x512xf32, #tpu.memory_space<vmem>>
          %parallel_loop3A_663 = arith.index_cast %parallel_loop3A_658 : i32 to index
          %parallel_loop3A_664 = arith.index_cast %parallel_loop3A_657 : i32 to index
          %parallel_loop3A_665 = tpu.vector_load %parallel_loop3A_662[%parallel_loop3A_663, %parallel_loop3A_664] {strides = array<i32>} : memref<32x512xf32, #tpu.memory_space<vmem>>, vector<16xf32>,
          tpu.vector_store %parallel_loop3A_662[%parallel_loop3A_663, %parallel_loop3A_664], %parallel_loop3A_655 {strides = array<i32>} : memref<32x512xf32, #tpu.memory_space<vmem>>, vector<16xf32>,
          %parallel_loop3A_666 = arith.constant 15 : i32
          %parallel_loop3A_667 = vector.broadcast %parallel_loop3A_666 : i32 to vector<16xi32>
          %parallel_loop3A_668 = arith.constant 0 : i32
          %parallel_loop3A_669 = arith.constant 0 : i32
          %parallel_loop3A_670 = tpu.memref_slice %arg6[%parallel_loop3A_340, %parallel_loop3A_668, %parallel_loop3A_669] : memref<2x512x32xf32, #tpu.memory_space<vmem>> -> memref<1x512x32xf32, #tpu.memory_space<vmem>>
          %parallel_loop3A_671 = tpu.memref_squeeze %parallel_loop3A_670 : memref<1x512x32xf32, #tpu.memory_space<vmem>> -> memref<512x32xf32, #tpu.memory_space<vmem>>
          %parallel_loop3A_672 = tpu.vector_load_idx %parallel_loop3A_671[%parallel_loop3A_410, %parallel_loop3A_667] : memref<512x32xf32, #tpu.memory_space<vmem>>[vector<16xi32>, vector<16xi32>], vector<16xf32>,
          %parallel_loop3A_673 = arith.constant 16 : i32
          %parallel_loop3A_674 = arith.muli %parallel_loop3A_406, %parallel_loop3A_673 : i32
          %parallel_loop3A_675 = arith.constant 15 : i32
          %parallel_loop3A_676 = arith.constant 0 : i32
          %parallel_loop3A_677 = arith.constant 0 : i32
          %parallel_loop3A_678 = tpu.memref_slice %arg7[%parallel_loop3A_341, %parallel_loop3A_676, %parallel_loop3A_677] : memref<2x32x512xf32, #tpu.memory_space<vmem>> -> memref<1x32x512xf32, #tpu.memory_space<vmem>>
          %parallel_loop3A_679 = tpu.memref_squeeze %parallel_loop3A_678 : memref<1x32x512xf32, #tpu.memory_space<vmem>> -> memref<32x512xf32, #tpu.memory_space<vmem>>
          %parallel_loop3A_680 = arith.index_cast %parallel_loop3A_675 : i32 to index
          %parallel_loop3A_681 = arith.index_cast %parallel_loop3A_674 : i32 to index
          %parallel_loop3A_682 = tpu.vector_load %parallel_loop3A_679[%parallel_loop3A_680, %parallel_loop3A_681] {strides = array<i32>} : memref<32x512xf32, #tpu.memory_space<vmem>>, vector<16xf32>,
          tpu.vector_store %parallel_loop3A_679[%parallel_loop3A_680, %parallel_loop3A_681], %parallel_loop3A_672 {strides = array<i32>} : memref<32x512xf32, #tpu.memory_space<vmem>>, vector<16xf32>,
          %parallel_loop3A_683 = arith.constant 16 : i32
          %parallel_loop3A_684 = vector.broadcast %parallel_loop3A_683 : i32 to vector<16xi32>
          %parallel_loop3A_685 = arith.constant 0 : i32
          %parallel_loop3A_686 = arith.constant 0 : i32
          %parallel_loop3A_687 = tpu.memref_slice %arg6[%parallel_loop3A_340, %parallel_loop3A_685, %parallel_loop3A_686] : memref<2x512x32xf32, #tpu.memory_space<vmem>> -> memref<1x512x32xf32, #tpu.memory_space<vmem>>
          %parallel_loop3A_688 = tpu.memref_squeeze %parallel_loop3A_687 : memref<1x512x32xf32, #tpu.memory_space<vmem>> -> memref<512x32xf32, #tpu.memory_space<vmem>>
          %parallel_loop3A_689 = tpu.vector_load_idx %parallel_loop3A_688[%parallel_loop3A_410, %parallel_loop3A_684] : memref<512x32xf32, #tpu.memory_space<vmem>>[vector<16xi32>, vector<16xi32>], vector<16xf32>,
          %parallel_loop3A_690 = arith.constant 16 : i32
          %parallel_loop3A_691 = arith.muli %parallel_loop3A_406, %parallel_loop3A_690 : i32
          %parallel_loop3A_692 = arith.constant 16 : i32
          %parallel_loop3A_693 = arith.constant 0 : i32
          %parallel_loop3A_694 = arith.constant 0 : i32
          %parallel_loop3A_695 = tpu.memref_slice %arg7[%parallel_loop3A_341, %parallel_loop3A_693, %parallel_loop3A_694] : memref<2x32x512xf32, #tpu.memory_space<vmem>> -> memref<1x32x512xf32, #tpu.memory_space<vmem>>
          %parallel_loop3A_696 = tpu.memref_squeeze %parallel_loop3A_695 : memref<1x32x512xf32, #tpu.memory_space<vmem>> -> memref<32x512xf32, #tpu.memory_space<vmem>>
          %parallel_loop3A_697 = arith.index_cast %parallel_loop3A_692 : i32 to index
          %parallel_loop3A_698 = arith.index_cast %parallel_loop3A_691 : i32 to index
          %parallel_loop3A_699 = tpu.vector_load %parallel_loop3A_696[%parallel_loop3A_697, %parallel_loop3A_698] {strides = array<i32>} : memref<32x512xf32, #tpu.memory_space<vmem>>, vector<16xf32>,
          tpu.vector_store %parallel_loop3A_696[%parallel_loop3A_697, %parallel_loop3A_698], %parallel_loop3A_689 {strides = array<i32>} : memref<32x512xf32, #tpu.memory_space<vmem>>, vector<16xf32>,
          %parallel_loop3A_700 = arith.constant 17 : i32
          %parallel_loop3A_701 = vector.broadcast %parallel_loop3A_700 : i32 to vector<16xi32>
          %parallel_loop3A_702 = arith.constant 0 : i32
          %parallel_loop3A_703 = arith.constant 0 : i32
          %parallel_loop3A_704 = tpu.memref_slice %arg6[%parallel_loop3A_340, %parallel_loop3A_702, %parallel_loop3A_703] : memref<2x512x32xf32, #tpu.memory_space<vmem>> -> memref<1x512x32xf32, #tpu.memory_space<vmem>>
          %parallel_loop3A_705 = tpu.memref_squeeze %parallel_loop3A_704 : memref<1x512x32xf32, #tpu.memory_space<vmem>> -> memref<512x32xf32, #tpu.memory_space<vmem>>
          %parallel_loop3A_706 = tpu.vector_load_idx %parallel_loop3A_705[%parallel_loop3A_410, %parallel_loop3A_701] : memref<512x32xf32, #tpu.memory_space<vmem>>[vector<16xi32>, vector<16xi32>], vector<16xf32>,
          %parallel_loop3A_707 = arith.constant 16 : i32
          %parallel_loop3A_708 = arith.muli %parallel_loop3A_406, %parallel_loop3A_707 : i32
          %parallel_loop3A_709 = arith.constant 17 : i32
          %parallel_loop3A_710 = arith.constant 0 : i32
          %parallel_loop3A_711 = arith.constant 0 : i32
          %parallel_loop3A_712 = tpu.memref_slice %arg7[%parallel_loop3A_341, %parallel_loop3A_710, %parallel_loop3A_711] : memref<2x32x512xf32, #tpu.memory_space<vmem>> -> memref<1x32x512xf32, #tpu.memory_space<vmem>>
          %parallel_loop3A_713 = tpu.memref_squeeze %parallel_loop3A_712 : memref<1x32x512xf32, #tpu.memory_space<vmem>> -> memref<32x512xf32, #tpu.memory_space<vmem>>
          %parallel_loop3A_714 = arith.index_cast %parallel_loop3A_709 : i32 to index
          %parallel_loop3A_715 = arith.index_cast %parallel_loop3A_708 : i32 to index
          %parallel_loop3A_716 = tpu.vector_load %parallel_loop3A_713[%parallel_loop3A_714, %parallel_loop3A_715] {strides = array<i32>} : memref<32x512xf32, #tpu.memory_space<vmem>>, vector<16xf32>,
          tpu.vector_store %parallel_loop3A_713[%parallel_loop3A_714, %parallel_loop3A_715], %parallel_loop3A_706 {strides = array<i32>} : memref<32x512xf32, #tpu.memory_space<vmem>>, vector<16xf32>,
          %parallel_loop3A_717 = arith.constant 18 : i32
          %parallel_loop3A_718 = vector.broadcast %parallel_loop3A_717 : i32 to vector<16xi32>
          %parallel_loop3A_719 = arith.constant 0 : i32
          %parallel_loop3A_720 = arith.constant 0 : i32
          %parallel_loop3A_721 = tpu.memref_slice %arg6[%parallel_loop3A_340, %parallel_loop3A_719, %parallel_loop3A_720] : memref<2x512x32xf32, #tpu.memory_space<vmem>> -> memref<1x512x32xf32, #tpu.memory_space<vmem>>
          %parallel_loop3A_722 = tpu.memref_squeeze %parallel_loop3A_721 : memref<1x512x32xf32, #tpu.memory_space<vmem>> -> memref<512x32xf32, #tpu.memory_space<vmem>>
          %parallel_loop3A_723 = tpu.vector_load_idx %parallel_loop3A_722[%parallel_loop3A_410, %parallel_loop3A_718] : memref<512x32xf32, #tpu.memory_space<vmem>>[vector<16xi32>, vector<16xi32>], vector<16xf32>,
          %parallel_loop3A_724 = arith.constant 16 : i32
          %parallel_loop3A_725 = arith.muli %parallel_loop3A_406, %parallel_loop3A_724 : i32
          %parallel_loop3A_726 = arith.constant 18 : i32
          %parallel_loop3A_727 = arith.constant 0 : i32
          %parallel_loop3A_728 = arith.constant 0 : i32
          %parallel_loop3A_729 = tpu.memref_slice %arg7[%parallel_loop3A_341, %parallel_loop3A_727, %parallel_loop3A_728] : memref<2x32x512xf32, #tpu.memory_space<vmem>> -> memref<1x32x512xf32, #tpu.memory_space<vmem>>
          %parallel_loop3A_730 = tpu.memref_squeeze %parallel_loop3A_729 : memref<1x32x512xf32, #tpu.memory_space<vmem>> -> memref<32x512xf32, #tpu.memory_space<vmem>>
          %parallel_loop3A_731 = arith.index_cast %parallel_loop3A_726 : i32 to index
          %parallel_loop3A_732 = arith.index_cast %parallel_loop3A_725 : i32 to index
          %parallel_loop3A_733 = tpu.vector_load %parallel_loop3A_730[%parallel_loop3A_731, %parallel_loop3A_732] {strides = array<i32>} : memref<32x512xf32, #tpu.memory_space<vmem>>, vector<16xf32>,
          tpu.vector_store %parallel_loop3A_730[%parallel_loop3A_731, %parallel_loop3A_732], %parallel_loop3A_723 {strides = array<i32>} : memref<32x512xf32, #tpu.memory_space<vmem>>, vector<16xf32>,
          %parallel_loop3A_734 = arith.constant 19 : i32
          %parallel_loop3A_735 = vector.broadcast %parallel_loop3A_734 : i32 to vector<16xi32>
          %parallel_loop3A_736 = arith.constant 0 : i32
          %parallel_loop3A_737 = arith.constant 0 : i32
          %parallel_loop3A_738 = tpu.memref_slice %arg6[%parallel_loop3A_340, %parallel_loop3A_736, %parallel_loop3A_737] : memref<2x512x32xf32, #tpu.memory_space<vmem>> -> memref<1x512x32xf32, #tpu.memory_space<vmem>>
          %parallel_loop3A_739 = tpu.memref_squeeze %parallel_loop3A_738 : memref<1x512x32xf32, #tpu.memory_space<vmem>> -> memref<512x32xf32, #tpu.memory_space<vmem>>
          %parallel_loop3A_740 = tpu.vector_load_idx %parallel_loop3A_739[%parallel_loop3A_410, %parallel_loop3A_735] : memref<512x32xf32, #tpu.memory_space<vmem>>[vector<16xi32>, vector<16xi32>], vector<16xf32>,
          %parallel_loop3A_741 = arith.constant 16 : i32
          %parallel_loop3A_742 = arith.muli %parallel_loop3A_406, %parallel_loop3A_741 : i32
          %parallel_loop3A_743 = arith.constant 19 : i32
          %parallel_loop3A_744 = arith.constant 0 : i32
          %parallel_loop3A_745 = arith.constant 0 : i32
          %parallel_loop3A_746 = tpu.memref_slice %arg7[%parallel_loop3A_341, %parallel_loop3A_744, %parallel_loop3A_745] : memref<2x32x512xf32, #tpu.memory_space<vmem>> -> memref<1x32x512xf32, #tpu.memory_space<vmem>>
          %parallel_loop3A_747 = tpu.memref_squeeze %parallel_loop3A_746 : memref<1x32x512xf32, #tpu.memory_space<vmem>> -> memref<32x512xf32, #tpu.memory_space<vmem>>
          %parallel_loop3A_748 = arith.index_cast %parallel_loop3A_743 : i32 to index
          %parallel_loop3A_749 = arith.index_cast %parallel_loop3A_742 : i32 to index
          %parallel_loop3A_750 = tpu.vector_load %parallel_loop3A_747[%parallel_loop3A_748, %parallel_loop3A_749] {strides = array<i32>} : memref<32x512xf32, #tpu.memory_space<vmem>>, vector<16xf32>,
          tpu.vector_store %parallel_loop3A_747[%parallel_loop3A_748, %parallel_loop3A_749], %parallel_loop3A_740 {strides = array<i32>} : memref<32x512xf32, #tpu.memory_space<vmem>>, vector<16xf32>,
          %parallel_loop3A_751 = arith.constant 20 : i32
          %parallel_loop3A_752 = vector.broadcast %parallel_loop3A_751 : i32 to vector<16xi32>
          %parallel_loop3A_753 = arith.constant 0 : i32
          %parallel_loop3A_754 = arith.constant 0 : i32
          %parallel_loop3A_755 = tpu.memref_slice %arg6[%parallel_loop3A_340, %parallel_loop3A_753, %parallel_loop3A_754] : memref<2x512x32xf32, #tpu.memory_space<vmem>> -> memref<1x512x32xf32, #tpu.memory_space<vmem>>
          %parallel_loop3A_756 = tpu.memref_squeeze %parallel_loop3A_755 : memref<1x512x32xf32, #tpu.memory_space<vmem>> -> memref<512x32xf32, #tpu.memory_space<vmem>>
          %parallel_loop3A_757 = tpu.vector_load_idx %parallel_loop3A_756[%parallel_loop3A_410, %parallel_loop3A_752] : memref<512x32xf32, #tpu.memory_space<vmem>>[vector<16xi32>, vector<16xi32>], vector<16xf32>,
          %parallel_loop3A_758 = arith.constant 16 : i32
          %parallel_loop3A_759 = arith.muli %parallel_loop3A_406, %parallel_loop3A_758 : i32
          %parallel_loop3A_760 = arith.constant 20 : i32
          %parallel_loop3A_761 = arith.constant 0 : i32
          %parallel_loop3A_762 = arith.constant 0 : i32
          %parallel_loop3A_763 = tpu.memref_slice %arg7[%parallel_loop3A_341, %parallel_loop3A_761, %parallel_loop3A_762] : memref<2x32x512xf32, #tpu.memory_space<vmem>> -> memref<1x32x512xf32, #tpu.memory_space<vmem>>
          %parallel_loop3A_764 = tpu.memref_squeeze %parallel_loop3A_763 : memref<1x32x512xf32, #tpu.memory_space<vmem>> -> memref<32x512xf32, #tpu.memory_space<vmem>>
          %parallel_loop3A_765 = arith.index_cast %parallel_loop3A_760 : i32 to index
          %parallel_loop3A_766 = arith.index_cast %parallel_loop3A_759 : i32 to index
          %parallel_loop3A_767 = tpu.vector_load %parallel_loop3A_764[%parallel_loop3A_765, %parallel_loop3A_766] {strides = array<i32>} : memref<32x512xf32, #tpu.memory_space<vmem>>, vector<16xf32>,
          tpu.vector_store %parallel_loop3A_764[%parallel_loop3A_765, %parallel_loop3A_766], %parallel_loop3A_757 {strides = array<i32>} : memref<32x512xf32, #tpu.memory_space<vmem>>, vector<16xf32>,
          %parallel_loop3A_768 = arith.constant 21 : i32
          %parallel_loop3A_769 = vector.broadcast %parallel_loop3A_768 : i32 to vector<16xi32>
          %parallel_loop3A_770 = arith.constant 0 : i32
          %parallel_loop3A_771 = arith.constant 0 : i32
          %parallel_loop3A_772 = tpu.memref_slice %arg6[%parallel_loop3A_340, %parallel_loop3A_770, %parallel_loop3A_771] : memref<2x512x32xf32, #tpu.memory_space<vmem>> -> memref<1x512x32xf32, #tpu.memory_space<vmem>>
          %parallel_loop3A_773 = tpu.memref_squeeze %parallel_loop3A_772 : memref<1x512x32xf32, #tpu.memory_space<vmem>> -> memref<512x32xf32, #tpu.memory_space<vmem>>
          %parallel_loop3A_774 = tpu.vector_load_idx %parallel_loop3A_773[%parallel_loop3A_410, %parallel_loop3A_769] : memref<512x32xf32, #tpu.memory_space<vmem>>[vector<16xi32>, vector<16xi32>], vector<16xf32>,
          %parallel_loop3A_775 = arith.constant 16 : i32
          %parallel_loop3A_776 = arith.muli %parallel_loop3A_406, %parallel_loop3A_775 : i32
          %parallel_loop3A_777 = arith.constant 21 : i32
          %parallel_loop3A_778 = arith.constant 0 : i32
          %parallel_loop3A_779 = arith.constant 0 : i32
          %parallel_loop3A_780 = tpu.memref_slice %arg7[%parallel_loop3A_341, %parallel_loop3A_778, %parallel_loop3A_779] : memref<2x32x512xf32, #tpu.memory_space<vmem>> -> memref<1x32x512xf32, #tpu.memory_space<vmem>>
          %parallel_loop3A_781 = tpu.memref_squeeze %parallel_loop3A_780 : memref<1x32x512xf32, #tpu.memory_space<vmem>> -> memref<32x512xf32, #tpu.memory_space<vmem>>
          %parallel_loop3A_782 = arith.index_cast %parallel_loop3A_777 : i32 to index
          %parallel_loop3A_783 = arith.index_cast %parallel_loop3A_776 : i32 to index
          %parallel_loop3A_784 = tpu.vector_load %parallel_loop3A_781[%parallel_loop3A_782, %parallel_loop3A_783] {strides = array<i32>} : memref<32x512xf32, #tpu.memory_space<vmem>>, vector<16xf32>,
          tpu.vector_store %parallel_loop3A_781[%parallel_loop3A_782, %parallel_loop3A_783], %parallel_loop3A_774 {strides = array<i32>} : memref<32x512xf32, #tpu.memory_space<vmem>>, vector<16xf32>,
          %parallel_loop3A_785 = arith.constant 22 : i32
          %parallel_loop3A_786 = vector.broadcast %parallel_loop3A_785 : i32 to vector<16xi32>
          %parallel_loop3A_787 = arith.constant 0 : i32
          %parallel_loop3A_788 = arith.constant 0 : i32
          %parallel_loop3A_789 = tpu.memref_slice %arg6[%parallel_loop3A_340, %parallel_loop3A_787, %parallel_loop3A_788] : memref<2x512x32xf32, #tpu.memory_space<vmem>> -> memref<1x512x32xf32, #tpu.memory_space<vmem>>
          %parallel_loop3A_790 = tpu.memref_squeeze %parallel_loop3A_789 : memref<1x512x32xf32, #tpu.memory_space<vmem>> -> memref<512x32xf32, #tpu.memory_space<vmem>>
          %parallel_loop3A_791 = tpu.vector_load_idx %parallel_loop3A_790[%parallel_loop3A_410, %parallel_loop3A_786] : memref<512x32xf32, #tpu.memory_space<vmem>>[vector<16xi32>, vector<16xi32>], vector<16xf32>,
          %parallel_loop3A_792 = arith.constant 16 : i32
          %parallel_loop3A_793 = arith.muli %parallel_loop3A_406, %parallel_loop3A_792 : i32
          %parallel_loop3A_794 = arith.constant 22 : i32
          %parallel_loop3A_795 = arith.constant 0 : i32
          %parallel_loop3A_796 = arith.constant 0 : i32
          %parallel_loop3A_797 = tpu.memref_slice %arg7[%parallel_loop3A_341, %parallel_loop3A_795, %parallel_loop3A_796] : memref<2x32x512xf32, #tpu.memory_space<vmem>> -> memref<1x32x512xf32, #tpu.memory_space<vmem>>
          %parallel_loop3A_798 = tpu.memref_squeeze %parallel_loop3A_797 : memref<1x32x512xf32, #tpu.memory_space<vmem>> -> memref<32x512xf32, #tpu.memory_space<vmem>>
          %parallel_loop3A_799 = arith.index_cast %parallel_loop3A_794 : i32 to index
          %parallel_loop3A_800 = arith.index_cast %parallel_loop3A_793 : i32 to index
          %parallel_loop3A_801 = tpu.vector_load %parallel_loop3A_798[%parallel_loop3A_799, %parallel_loop3A_800] {strides = array<i32>} : memref<32x512xf32, #tpu.memory_space<vmem>>, vector<16xf32>,
          tpu.vector_store %parallel_loop3A_798[%parallel_loop3A_799, %parallel_loop3A_800], %parallel_loop3A_791 {strides = array<i32>} : memref<32x512xf32, #tpu.memory_space<vmem>>, vector<16xf32>,
          %parallel_loop3A_802 = arith.constant 23 : i32
          %parallel_loop3A_803 = vector.broadcast %parallel_loop3A_802 : i32 to vector<16xi32>
          %parallel_loop3A_804 = arith.constant 0 : i32
          %parallel_loop3A_805 = arith.constant 0 : i32
          %parallel_loop3A_806 = tpu.memref_slice %arg6[%parallel_loop3A_340, %parallel_loop3A_804, %parallel_loop3A_805] : memref<2x512x32xf32, #tpu.memory_space<vmem>> -> memref<1x512x32xf32, #tpu.memory_space<vmem>>
          %parallel_loop3A_807 = tpu.memref_squeeze %parallel_loop3A_806 : memref<1x512x32xf32, #tpu.memory_space<vmem>> -> memref<512x32xf32, #tpu.memory_space<vmem>>
          %parallel_loop3A_808 = tpu.vector_load_idx %parallel_loop3A_807[%parallel_loop3A_410, %parallel_loop3A_803] : memref<512x32xf32, #tpu.memory_space<vmem>>[vector<16xi32>, vector<16xi32>], vector<16xf32>,
          %parallel_loop3A_809 = arith.constant 16 : i32
          %parallel_loop3A_810 = arith.muli %parallel_loop3A_406, %parallel_loop3A_809 : i32
          %parallel_loop3A_811 = arith.constant 23 : i32
          %parallel_loop3A_812 = arith.constant 0 : i32
          %parallel_loop3A_813 = arith.constant 0 : i32
          %parallel_loop3A_814 = tpu.memref_slice %arg7[%parallel_loop3A_341, %parallel_loop3A_812, %parallel_loop3A_813] : memref<2x32x512xf32, #tpu.memory_space<vmem>> -> memref<1x32x512xf32, #tpu.memory_space<vmem>>
          %parallel_loop3A_815 = tpu.memref_squeeze %parallel_loop3A_814 : memref<1x32x512xf32, #tpu.memory_space<vmem>> -> memref<32x512xf32, #tpu.memory_space<vmem>>
          %parallel_loop3A_816 = arith.index_cast %parallel_loop3A_811 : i32 to index
          %parallel_loop3A_817 = arith.index_cast %parallel_loop3A_810 : i32 to index
          %parallel_loop3A_818 = tpu.vector_load %parallel_loop3A_815[%parallel_loop3A_816, %parallel_loop3A_817] {strides = array<i32>} : memref<32x512xf32, #tpu.memory_space<vmem>>, vector<16xf32>,
          tpu.vector_store %parallel_loop3A_815[%parallel_loop3A_816, %parallel_loop3A_817], %parallel_loop3A_808 {strides = array<i32>} : memref<32x512xf32, #tpu.memory_space<vmem>>, vector<16xf32>,
          %parallel_loop3A_819 = arith.constant 24 : i32
          %parallel_loop3A_820 = vector.broadcast %parallel_loop3A_819 : i32 to vector<16xi32>
          %parallel_loop3A_821 = arith.constant 0 : i32
          %parallel_loop3A_822 = arith.constant 0 : i32
          %parallel_loop3A_823 = tpu.memref_slice %arg6[%parallel_loop3A_340, %parallel_loop3A_821, %parallel_loop3A_822] : memref<2x512x32xf32, #tpu.memory_space<vmem>> -> memref<1x512x32xf32, #tpu.memory_space<vmem>>
          %parallel_loop3A_824 = tpu.memref_squeeze %parallel_loop3A_823 : memref<1x512x32xf32, #tpu.memory_space<vmem>> -> memref<512x32xf32, #tpu.memory_space<vmem>>
          %parallel_loop3A_825 = tpu.vector_load_idx %parallel_loop3A_824[%parallel_loop3A_410, %parallel_loop3A_820] : memref<512x32xf32, #tpu.memory_space<vmem>>[vector<16xi32>, vector<16xi32>], vector<16xf32>,
          %parallel_loop3A_826 = arith.constant 16 : i32
          %parallel_loop3A_827 = arith.muli %parallel_loop3A_406, %parallel_loop3A_826 : i32
          %parallel_loop3A_828 = arith.constant 24 : i32
          %parallel_loop3A_829 = arith.constant 0 : i32
          %parallel_loop3A_830 = arith.constant 0 : i32
          %parallel_loop3A_831 = tpu.memref_slice %arg7[%parallel_loop3A_341, %parallel_loop3A_829, %parallel_loop3A_830] : memref<2x32x512xf32, #tpu.memory_space<vmem>> -> memref<1x32x512xf32, #tpu.memory_space<vmem>>
          %parallel_loop3A_832 = tpu.memref_squeeze %parallel_loop3A_831 : memref<1x32x512xf32, #tpu.memory_space<vmem>> -> memref<32x512xf32, #tpu.memory_space<vmem>>
          %parallel_loop3A_833 = arith.index_cast %parallel_loop3A_828 : i32 to index
          %parallel_loop3A_834 = arith.index_cast %parallel_loop3A_827 : i32 to index
          %parallel_loop3A_835 = tpu.vector_load %parallel_loop3A_832[%parallel_loop3A_833, %parallel_loop3A_834] {strides = array<i32>} : memref<32x512xf32, #tpu.memory_space<vmem>>, vector<16xf32>,
          tpu.vector_store %parallel_loop3A_832[%parallel_loop3A_833, %parallel_loop3A_834], %parallel_loop3A_825 {strides = array<i32>} : memref<32x512xf32, #tpu.memory_space<vmem>>, vector<16xf32>,
          %parallel_loop3A_836 = arith.constant 25 : i32
          %parallel_loop3A_837 = vector.broadcast %parallel_loop3A_836 : i32 to vector<16xi32>
          %parallel_loop3A_838 = arith.constant 0 : i32
          %parallel_loop3A_839 = arith.constant 0 : i32
          %parallel_loop3A_840 = tpu.memref_slice %arg6[%parallel_loop3A_340, %parallel_loop3A_838, %parallel_loop3A_839] : memref<2x512x32xf32, #tpu.memory_space<vmem>> -> memref<1x512x32xf32, #tpu.memory_space<vmem>>
          %parallel_loop3A_841 = tpu.memref_squeeze %parallel_loop3A_840 : memref<1x512x32xf32, #tpu.memory_space<vmem>> -> memref<512x32xf32, #tpu.memory_space<vmem>>
          %parallel_loop3A_842 = tpu.vector_load_idx %parallel_loop3A_841[%parallel_loop3A_410, %parallel_loop3A_837] : memref<512x32xf32, #tpu.memory_space<vmem>>[vector<16xi32>, vector<16xi32>], vector<16xf32>,
          %parallel_loop3A_843 = arith.constant 16 : i32
          %parallel_loop3A_844 = arith.muli %parallel_loop3A_406, %parallel_loop3A_843 : i32
          %parallel_loop3A_845 = arith.constant 25 : i32
          %parallel_loop3A_846 = arith.constant 0 : i32
          %parallel_loop3A_847 = arith.constant 0 : i32
          %parallel_loop3A_848 = tpu.memref_slice %arg7[%parallel_loop3A_341, %parallel_loop3A_846, %parallel_loop3A_847] : memref<2x32x512xf32, #tpu.memory_space<vmem>> -> memref<1x32x512xf32, #tpu.memory_space<vmem>>
          %parallel_loop3A_849 = tpu.memref_squeeze %parallel_loop3A_848 : memref<1x32x512xf32, #tpu.memory_space<vmem>> -> memref<32x512xf32, #tpu.memory_space<vmem>>
          %parallel_loop3A_850 = arith.index_cast %parallel_loop3A_845 : i32 to index
          %parallel_loop3A_851 = arith.index_cast %parallel_loop3A_844 : i32 to index
          %parallel_loop3A_852 = tpu.vector_load %parallel_loop3A_849[%parallel_loop3A_850, %parallel_loop3A_851] {strides = array<i32>} : memref<32x512xf32, #tpu.memory_space<vmem>>, vector<16xf32>,
          tpu.vector_store %parallel_loop3A_849[%parallel_loop3A_850, %parallel_loop3A_851], %parallel_loop3A_842 {strides = array<i32>} : memref<32x512xf32, #tpu.memory_space<vmem>>, vector<16xf32>,
          %parallel_loop3A_853 = arith.constant 26 : i32
          %parallel_loop3A_854 = vector.broadcast %parallel_loop3A_853 : i32 to vector<16xi32>
          %parallel_loop3A_855 = arith.constant 0 : i32
          %parallel_loop3A_856 = arith.constant 0 : i32
          %parallel_loop3A_857 = tpu.memref_slice %arg6[%parallel_loop3A_340, %parallel_loop3A_855, %parallel_loop3A_856] : memref<2x512x32xf32, #tpu.memory_space<vmem>> -> memref<1x512x32xf32, #tpu.memory_space<vmem>>
          %parallel_loop3A_858 = tpu.memref_squeeze %parallel_loop3A_857 : memref<1x512x32xf32, #tpu.memory_space<vmem>> -> memref<512x32xf32, #tpu.memory_space<vmem>>
          %parallel_loop3A_859 = tpu.vector_load_idx %parallel_loop3A_858[%parallel_loop3A_410, %parallel_loop3A_854] : memref<512x32xf32, #tpu.memory_space<vmem>>[vector<16xi32>, vector<16xi32>], vector<16xf32>,
          %parallel_loop3A_860 = arith.constant 16 : i32
          %parallel_loop3A_861 = arith.muli %parallel_loop3A_406, %parallel_loop3A_860 : i32
          %parallel_loop3A_862 = arith.constant 26 : i32
          %parallel_loop3A_863 = arith.constant 0 : i32
          %parallel_loop3A_864 = arith.constant 0 : i32
          %parallel_loop3A_865 = tpu.memref_slice %arg7[%parallel_loop3A_341, %parallel_loop3A_863, %parallel_loop3A_864] : memref<2x32x512xf32, #tpu.memory_space<vmem>> -> memref<1x32x512xf32, #tpu.memory_space<vmem>>
          %parallel_loop3A_866 = tpu.memref_squeeze %parallel_loop3A_865 : memref<1x32x512xf32, #tpu.memory_space<vmem>> -> memref<32x512xf32, #tpu.memory_space<vmem>>
          %parallel_loop3A_867 = arith.index_cast %parallel_loop3A_862 : i32 to index
          %parallel_loop3A_868 = arith.index_cast %parallel_loop3A_861 : i32 to index
          %parallel_loop3A_869 = tpu.vector_load %parallel_loop3A_866[%parallel_loop3A_867, %parallel_loop3A_868] {strides = array<i32>} : memref<32x512xf32, #tpu.memory_space<vmem>>, vector<16xf32>,
          tpu.vector_store %parallel_loop3A_866[%parallel_loop3A_867, %parallel_loop3A_868], %parallel_loop3A_859 {strides = array<i32>} : memref<32x512xf32, #tpu.memory_space<vmem>>, vector<16xf32>,
          %parallel_loop3A_870 = arith.constant 27 : i32
          %parallel_loop3A_871 = vector.broadcast %parallel_loop3A_870 : i32 to vector<16xi32>
          %parallel_loop3A_872 = arith.constant 0 : i32
          %parallel_loop3A_873 = arith.constant 0 : i32
          %parallel_loop3A_874 = tpu.memref_slice %arg6[%parallel_loop3A_340, %parallel_loop3A_872, %parallel_loop3A_873] : memref<2x512x32xf32, #tpu.memory_space<vmem>> -> memref<1x512x32xf32, #tpu.memory_space<vmem>>
          %parallel_loop3A_875 = tpu.memref_squeeze %parallel_loop3A_874 : memref<1x512x32xf32, #tpu.memory_space<vmem>> -> memref<512x32xf32, #tpu.memory_space<vmem>>
          %parallel_loop3A_876 = tpu.vector_load_idx %parallel_loop3A_875[%parallel_loop3A_410, %parallel_loop3A_871] : memref<512x32xf32, #tpu.memory_space<vmem>>[vector<16xi32>, vector<16xi32>], vector<16xf32>,
          %parallel_loop3A_877 = arith.constant 16 : i32
          %parallel_loop3A_878 = arith.muli %parallel_loop3A_406, %parallel_loop3A_877 : i32
          %parallel_loop3A_879 = arith.constant 27 : i32
          %parallel_loop3A_880 = arith.constant 0 : i32
          %parallel_loop3A_881 = arith.constant 0 : i32
          %parallel_loop3A_882 = tpu.memref_slice %arg7[%parallel_loop3A_341, %parallel_loop3A_880, %parallel_loop3A_881] : memref<2x32x512xf32, #tpu.memory_space<vmem>> -> memref<1x32x512xf32, #tpu.memory_space<vmem>>
          %parallel_loop3A_883 = tpu.memref_squeeze %parallel_loop3A_882 : memref<1x32x512xf32, #tpu.memory_space<vmem>> -> memref<32x512xf32, #tpu.memory_space<vmem>>
          %parallel_loop3A_884 = arith.index_cast %parallel_loop3A_879 : i32 to index
          %parallel_loop3A_885 = arith.index_cast %parallel_loop3A_878 : i32 to index
          %parallel_loop3A_886 = tpu.vector_load %parallel_loop3A_883[%parallel_loop3A_884, %parallel_loop3A_885] {strides = array<i32>} : memref<32x512xf32, #tpu.memory_space<vmem>>, vector<16xf32>,
          tpu.vector_store %parallel_loop3A_883[%parallel_loop3A_884, %parallel_loop3A_885], %parallel_loop3A_876 {strides = array<i32>} : memref<32x512xf32, #tpu.memory_space<vmem>>, vector<16xf32>,
          %parallel_loop3A_887 = arith.constant 28 : i32
          %parallel_loop3A_888 = vector.broadcast %parallel_loop3A_887 : i32 to vector<16xi32>
          %parallel_loop3A_889 = arith.constant 0 : i32
          %parallel_loop3A_890 = arith.constant 0 : i32
          %parallel_loop3A_891 = tpu.memref_slice %arg6[%parallel_loop3A_340, %parallel_loop3A_889, %parallel_loop3A_890] : memref<2x512x32xf32, #tpu.memory_space<vmem>> -> memref<1x512x32xf32, #tpu.memory_space<vmem>>
          %parallel_loop3A_892 = tpu.memref_squeeze %parallel_loop3A_891 : memref<1x512x32xf32, #tpu.memory_space<vmem>> -> memref<512x32xf32, #tpu.memory_space<vmem>>
          %parallel_loop3A_893 = tpu.vector_load_idx %parallel_loop3A_892[%parallel_loop3A_410, %parallel_loop3A_888] : memref<512x32xf32, #tpu.memory_space<vmem>>[vector<16xi32>, vector<16xi32>], vector<16xf32>,
          %parallel_loop3A_894 = arith.constant 16 : i32
          %parallel_loop3A_895 = arith.muli %parallel_loop3A_406, %parallel_loop3A_894 : i32
          %parallel_loop3A_896 = arith.constant 28 : i32
          %parallel_loop3A_897 = arith.constant 0 : i32
          %parallel_loop3A_898 = arith.constant 0 : i32
          %parallel_loop3A_899 = tpu.memref_slice %arg7[%parallel_loop3A_341, %parallel_loop3A_897, %parallel_loop3A_898] : memref<2x32x512xf32, #tpu.memory_space<vmem>> -> memref<1x32x512xf32, #tpu.memory_space<vmem>>
          %parallel_loop3A_900 = tpu.memref_squeeze %parallel_loop3A_899 : memref<1x32x512xf32, #tpu.memory_space<vmem>> -> memref<32x512xf32, #tpu.memory_space<vmem>>
          %parallel_loop3A_901 = arith.index_cast %parallel_loop3A_896 : i32 to index
          %parallel_loop3A_902 = arith.index_cast %parallel_loop3A_895 : i32 to index
          %parallel_loop3A_903 = tpu.vector_load %parallel_loop3A_900[%parallel_loop3A_901, %parallel_loop3A_902] {strides = array<i32>} : memref<32x512xf32, #tpu.memory_space<vmem>>, vector<16xf32>,
          tpu.vector_store %parallel_loop3A_900[%parallel_loop3A_901, %parallel_loop3A_902], %parallel_loop3A_893 {strides = array<i32>} : memref<32x512xf32, #tpu.memory_space<vmem>>, vector<16xf32>,
          %parallel_loop3A_904 = arith.constant 29 : i32
          %parallel_loop3A_905 = vector.broadcast %parallel_loop3A_904 : i32 to vector<16xi32>
          %parallel_loop3A_906 = arith.constant 0 : i32
          %parallel_loop3A_907 = arith.constant 0 : i32
          %parallel_loop3A_908 = tpu.memref_slice %arg6[%parallel_loop3A_340, %parallel_loop3A_906, %parallel_loop3A_907] : memref<2x512x32xf32, #tpu.memory_space<vmem>> -> memref<1x512x32xf32, #tpu.memory_space<vmem>>
          %parallel_loop3A_909 = tpu.memref_squeeze %parallel_loop3A_908 : memref<1x512x32xf32, #tpu.memory_space<vmem>> -> memref<512x32xf32, #tpu.memory_space<vmem>>
          %parallel_loop3A_910 = tpu.vector_load_idx %parallel_loop3A_909[%parallel_loop3A_410, %parallel_loop3A_905] : memref<512x32xf32, #tpu.memory_space<vmem>>[vector<16xi32>, vector<16xi32>], vector<16xf32>,
          %parallel_loop3A_911 = arith.constant 16 : i32
          %parallel_loop3A_912 = arith.muli %parallel_loop3A_406, %parallel_loop3A_911 : i32
          %parallel_loop3A_913 = arith.constant 29 : i32
          %parallel_loop3A_914 = arith.constant 0 : i32
          %parallel_loop3A_915 = arith.constant 0 : i32
          %parallel_loop3A_916 = tpu.memref_slice %arg7[%parallel_loop3A_341, %parallel_loop3A_914, %parallel_loop3A_915] : memref<2x32x512xf32, #tpu.memory_space<vmem>> -> memref<1x32x512xf32, #tpu.memory_space<vmem>>
          %parallel_loop3A_917 = tpu.memref_squeeze %parallel_loop3A_916 : memref<1x32x512xf32, #tpu.memory_space<vmem>> -> memref<32x512xf32, #tpu.memory_space<vmem>>
          %parallel_loop3A_918 = arith.index_cast %parallel_loop3A_913 : i32 to index
          %parallel_loop3A_919 = arith.index_cast %parallel_loop3A_912 : i32 to index
          %parallel_loop3A_920 = tpu.vector_load %parallel_loop3A_917[%parallel_loop3A_918, %parallel_loop3A_919] {strides = array<i32>} : memref<32x512xf32, #tpu.memory_space<vmem>>, vector<16xf32>,
          tpu.vector_store %parallel_loop3A_917[%parallel_loop3A_918, %parallel_loop3A_919], %parallel_loop3A_910 {strides = array<i32>} : memref<32x512xf32, #tpu.memory_space<vmem>>, vector<16xf32>,
          %parallel_loop3A_921 = arith.constant 30 : i32
          %parallel_loop3A_922 = vector.broadcast %parallel_loop3A_921 : i32 to vector<16xi32>
          %parallel_loop3A_923 = arith.constant 0 : i32
          %parallel_loop3A_924 = arith.constant 0 : i32
          %parallel_loop3A_925 = tpu.memref_slice %arg6[%parallel_loop3A_340, %parallel_loop3A_923, %parallel_loop3A_924] : memref<2x512x32xf32, #tpu.memory_space<vmem>> -> memref<1x512x32xf32, #tpu.memory_space<vmem>>
          %parallel_loop3A_926 = tpu.memref_squeeze %parallel_loop3A_925 : memref<1x512x32xf32, #tpu.memory_space<vmem>> -> memref<512x32xf32, #tpu.memory_space<vmem>>
          %parallel_loop3A_927 = tpu.vector_load_idx %parallel_loop3A_926[%parallel_loop3A_410, %parallel_loop3A_922] : memref<512x32xf32, #tpu.memory_space<vmem>>[vector<16xi32>, vector<16xi32>], vector<16xf32>,
          %parallel_loop3A_928 = arith.constant 16 : i32
          %parallel_loop3A_929 = arith.muli %parallel_loop3A_406, %parallel_loop3A_928 : i32
          %parallel_loop3A_930 = arith.constant 30 : i32
          %parallel_loop3A_931 = arith.constant 0 : i32
          %parallel_loop3A_932 = arith.constant 0 : i32
          %parallel_loop3A_933 = tpu.memref_slice %arg7[%parallel_loop3A_341, %parallel_loop3A_931, %parallel_loop3A_932] : memref<2x32x512xf32, #tpu.memory_space<vmem>> -> memref<1x32x512xf32, #tpu.memory_space<vmem>>
          %parallel_loop3A_934 = tpu.memref_squeeze %parallel_loop3A_933 : memref<1x32x512xf32, #tpu.memory_space<vmem>> -> memref<32x512xf32, #tpu.memory_space<vmem>>
          %parallel_loop3A_935 = arith.index_cast %parallel_loop3A_930 : i32 to index
          %parallel_loop3A_936 = arith.index_cast %parallel_loop3A_929 : i32 to index
          %parallel_loop3A_937 = tpu.vector_load %parallel_loop3A_934[%parallel_loop3A_935, %parallel_loop3A_936] {strides = array<i32>} : memref<32x512xf32, #tpu.memory_space<vmem>>, vector<16xf32>,
          tpu.vector_store %parallel_loop3A_934[%parallel_loop3A_935, %parallel_loop3A_936], %parallel_loop3A_927 {strides = array<i32>} : memref<32x512xf32, #tpu.memory_space<vmem>>, vector<16xf32>,
          %parallel_loop3A_938 = arith.constant 31 : i32
          %parallel_loop3A_939 = vector.broadcast %parallel_loop3A_938 : i32 to vector<16xi32>
          %parallel_loop3A_940 = arith.constant 0 : i32
          %parallel_loop3A_941 = arith.constant 0 : i32
          %parallel_loop3A_942 = tpu.memref_slice %arg6[%parallel_loop3A_340, %parallel_loop3A_940, %parallel_loop3A_941] : memref<2x512x32xf32, #tpu.memory_space<vmem>> -> memref<1x512x32xf32, #tpu.memory_space<vmem>>
          %parallel_loop3A_943 = tpu.memref_squeeze %parallel_loop3A_942 : memref<1x512x32xf32, #tpu.memory_space<vmem>> -> memref<512x32xf32, #tpu.memory_space<vmem>>
          %parallel_loop3A_944 = tpu.vector_load_idx %parallel_loop3A_943[%parallel_loop3A_410, %parallel_loop3A_939] : memref<512x32xf32, #tpu.memory_space<vmem>>[vector<16xi32>, vector<16xi32>], vector<16xf32>,
          %parallel_loop3A_945 = arith.constant 16 : i32
          %parallel_loop3A_946 = arith.muli %parallel_loop3A_406, %parallel_loop3A_945 : i32
          %parallel_loop3A_947 = arith.constant 31 : i32
          %parallel_loop3A_948 = arith.constant 0 : i32
          %parallel_loop3A_949 = arith.constant 0 : i32
          %parallel_loop3A_950 = tpu.memref_slice %arg7[%parallel_loop3A_341, %parallel_loop3A_948, %parallel_loop3A_949] : memref<2x32x512xf32, #tpu.memory_space<vmem>> -> memref<1x32x512xf32, #tpu.memory_space<vmem>>
          %parallel_loop3A_951 = tpu.memref_squeeze %parallel_loop3A_950 : memref<1x32x512xf32, #tpu.memory_space<vmem>> -> memref<32x512xf32, #tpu.memory_space<vmem>>
          %parallel_loop3A_952 = arith.index_cast %parallel_loop3A_947 : i32 to index
          %parallel_loop3A_953 = arith.index_cast %parallel_loop3A_946 : i32 to index
          %parallel_loop3A_954 = tpu.vector_load %parallel_loop3A_951[%parallel_loop3A_952, %parallel_loop3A_953] {strides = array<i32>} : memref<32x512xf32, #tpu.memory_space<vmem>>, vector<16xf32>,
          tpu.vector_store %parallel_loop3A_951[%parallel_loop3A_952, %parallel_loop3A_953], %parallel_loop3A_944 {strides = array<i32>} : memref<32x512xf32, #tpu.memory_space<vmem>>, vector<16xf32>,
        } {sc.loop_unroll_factor = 4 : i64, sc.parallel_access}
        %add3A_342 = arith.addi %mul3A_2, %scan3A_302 : i32
        %jit3A_343 = arith.constant 32 : i32
        %div3A_344 = arith.divsi %add3A_342, %jit3A_343 : i32
        %sign3A_345 = arith.constant 0 : i32
        %sign3A_346 = arith.cmpi sgt, %add3A_342, %sign3A_345 : i32
        %sign3A_347 = arith.extui %sign3A_346 : i1 to i32
        %sign3A_348 = arith.constant 0 : i32
        %sign3A_349 = arith.cmpi slt, %add3A_342, %sign3A_348 : i32
        %sign3A_350 = arith.extui %sign3A_349 : i1 to i32
        %sign3A_351 = arith.subi %sign3A_347, %sign3A_350 : i32
        %sign3A_352 = arith.constant 0 : i32
        %sign3A_353 = arith.cmpi sgt, %jit3A_343, %sign3A_352 : i32
        %sign3A_354 = arith.extui %sign3A_353 : i1 to i32
        %sign3A_355 = arith.constant 0 : i32
        %sign3A_356 = arith.cmpi slt, %jit3A_343, %sign3A_355 : i32
        %sign3A_357 = arith.extui %sign3A_356 : i1 to i32
        %sign3A_358 = arith.subi %sign3A_354, %sign3A_357 : i32
        %ne3A_359 = arith.cmpi ne, %sign3A_351, %sign3A_358 : i32
        %rem3A_360 = arith.remsi %add3A_342, %jit3A_343 : i32
        %ne3A_361 = arith.constant 0 : i32
        %ne3A_362 = arith.cmpi ne, %rem3A_360, %ne3A_361 : i32
        %and3A_363 = arith.andi %ne3A_359, %ne3A_362 : i1
        %sub3A_364 = arith.constant 1 : i32
        %sub3A_365 = arith.subi %div3A_344, %sub3A_364 : i32
        %select_n3A_366 = arith.select %and3A_363, %sub3A_365, %div3A_344 : i32
        %jit3A_367 = arith.constant 32 : i32
        %eq3A_368 = arith.constant 0 : i32
        %eq3A_369 = arith.cmpi eq, %jit3A_367, %eq3A_368 : i32
        %jit3A_370 = arith.constant 1 : i32
        %select_n3A_371 = arith.select %eq3A_369, %jit3A_370, %jit3A_367 : i32
        %rem3A_372 = arith.remsi %add3A_342, %select_n3A_371 : i32
        %ne3A_373 = arith.constant 0 : i32
        %ne3A_374 = arith.cmpi ne, %rem3A_372, %ne3A_373 : i32
        %lt3A_375 = arith.constant 0 : i32
        %lt3A_376 = arith.cmpi slt, %rem3A_372, %lt3A_375 : i32
        %lt3A_377 = arith.constant 0 : i32
        %lt3A_378 = arith.cmpi slt, %select_n3A_371, %lt3A_377 : i32
        %ne3A_379 = arith.xori %lt3A_376, %lt3A_378 : i1
        %and3A_380 = arith.andi %ne3A_379, %ne3A_374 : i1
        %add3A_381 = arith.addi %rem3A_372, %select_n3A_371 : i32
        %select_n3A_382 = arith.select %and3A_380, %add3A_381, %rem3A_372 : i32
        %mul3A_383 = arith.constant 512 : i32
        %mul3A_384 = arith.muli %select_n3A_382, %mul3A_383 : i32
        %dma_start3A_385 = arith.constant 0 : i32
        %dma_start3A_386 = arith.constant 0 : i32
        %dma_start3A_387 = arith.constant 0 : i32
        %dma_start3A_388 = tpu.memref_slice %arg7[%dma_start3A_385, %dma_start3A_386, %dma_start3A_387] : memref<2x32x512xf32, #tpu.memory_space<vmem>> -> memref<1x32x512xf32, #tpu.memory_space<vmem>>
        %dma_start3A_389 = tpu.memref_squeeze %dma_start3A_388 : memref<1x32x512xf32, #tpu.memory_space<vmem>> -> memref<32x512xf32, #tpu.memory_space<vmem>>
        %dma_start3A_390 = arith.constant 0 : i32
        %dma_start3A_391 = arith.constant 0 : i32
        %dma_start3A_392 = tpu.memref_slice %arg4[%select_n3A_366, %dma_start3A_390, %dma_start3A_391] : memref<50x32x16384xf32, #tpu.memory_space<hbm>> -> memref<1x32x16384xf32, #tpu.memory_space<hbm>>
        %dma_start3A_393 = tpu.memref_squeeze %dma_start3A_392 : memref<1x32x16384xf32, #tpu.memory_space<hbm>> -> memref<32x16384xf32, #tpu.memory_space<hbm>>
        %dma_start3A_394 = arith.constant 0 : i32
        %dma_start3A_395 = tpu.memref_slice %dma_start3A_393[%dma_start3A_394, %mul3A_384] : memref<32x16384xf32, #tpu.memory_space<hbm>> -> memref<32x512xf32, #tpu.memory_space<hbm>>
        %dma_start3A_396 = arith.constant 0 : i32
        %dma_start3A_397 = arith.constant 0 : i32
        %dma_start3A_398 = tpu.memref_slice %arg4[%select_n3A_366, %dma_start3A_396, %dma_start3A_397] : memref<50x32x16384xf32, #tpu.memory_space<hbm>> -> memref<1x32x16384xf32, #tpu.memory_space<hbm>>
        %dma_start3A_399 = tpu.memref_squeeze %dma_start3A_398 : memref<1x32x16384xf32, #tpu.memory_space<hbm>> -> memref<32x16384xf32, #tpu.memory_space<hbm>>
        %dma_start3A_400 = arith.constant 0 : i32
        %dma_start3A_401 = tpu.memref_slice %dma_start3A_399[%dma_start3A_400, %mul3A_384] : memref<32x16384xf32, #tpu.memory_space<hbm>> -> memref<32x512xf32, #tpu.memory_space<hbm>>
        %dma_start3A_402 = arith.constant 0 : i32
        %dma_start3A_403 = arith.constant 0 : i32
        %dma_start3A_404 = tpu.memref_slice %arg7[%dma_start3A_385, %dma_start3A_402, %dma_start3A_403] : memref<2x32x512xf32, #tpu.memory_space<vmem>> -> memref<1x32x512xf32, #tpu.memory_space<vmem>>
        %dma_start3A_405 = tpu.memref_squeeze %dma_start3A_404 : memref<1x32x512xf32, #tpu.memory_space<vmem>> -> memref<32x512xf32, #tpu.memory_space<vmem>>
        tpu.enqueue_dma source(%dma_start3A_405 : memref<32x512xf32, #tpu.memory_space<vmem>>) target(%dma_start3A_401 : memref<32x512xf32, #tpu.memory_space<hbm>>) target_semaphore(%arg12 : memref<!tpu.dma_semaphore, #tpu.memory_space<semaphore_mem>>)
      } else {
      }
      %eq3A_326 = arith.constant 1 : i32
      %eq3A_327 = arith.cmpi eq, %rem3A_304, %eq3A_326 : i32
      %convert_element_type3A_328 = arith.extui %eq3A_327 : i1 to i32
      %cond3A_329 = arith.constant 0 : i32
      %cond3A_330 = arith.cmpi ne, %convert_element_type3A_328, %cond3A_329 : i32
      scf.if %cond3A_330 {
        %parallel_loop3A = arith.constant 0 : i32
        %parallel_loop3A_338 = arith.constant 32 : i32
        %parallel_loop3A_339 = arith.constant 1 : i32
        %parallel_loop3A_340 = arith.constant 1 : i32
        %parallel_loop3A_341 = arith.constant 1 : i32
        scf.for %parallel_loop3A_406 = %parallel_loop3A to %parallel_loop3A_338 step %parallel_loop3A_339  : i32 {
          %parallel_loop3A_407 = arith.constant 16 : i32
          %parallel_loop3A_408 = arith.muli %parallel_loop3A_406, %parallel_loop3A_407 : i32
          %parallel_loop3A_409 = vector.broadcast %parallel_loop3A_408 : i32 to vector<16xi32>
          %parallel_loop3A_410 = arith.addi %iota3A, %parallel_loop3A_409 : vector<16xi32>
          %parallel_loop3A_411 = arith.constant 0 : i32
          %parallel_loop3A_412 = vector.broadcast %parallel_loop3A_411 : i32 to vector<16xi32>
          %parallel_loop3A_413 = arith.constant 0 : i32
          %parallel_loop3A_414 = arith.constant 0 : i32
          %parallel_loop3A_415 = tpu.memref_slice %arg6[%parallel_loop3A_340, %parallel_loop3A_413, %parallel_loop3A_414] : memref<2x512x32xf32, #tpu.memory_space<vmem>> -> memref<1x512x32xf32, #tpu.memory_space<vmem>>
          %parallel_loop3A_416 = tpu.memref_squeeze %parallel_loop3A_415 : memref<1x512x32xf32, #tpu.memory_space<vmem>> -> memref<512x32xf32, #tpu.memory_space<vmem>>
          %parallel_loop3A_417 = tpu.vector_load_idx %parallel_loop3A_416[%parallel_loop3A_410, %parallel_loop3A_412] : memref<512x32xf32, #tpu.memory_space<vmem>>[vector<16xi32>, vector<16xi32>], vector<16xf32>,
          %parallel_loop3A_418 = arith.constant 16 : i32
          %parallel_loop3A_419 = arith.muli %parallel_loop3A_406, %parallel_loop3A_418 : i32
          %parallel_loop3A_420 = arith.constant 0 : i32
          %parallel_loop3A_421 = arith.constant 0 : i32
          %parallel_loop3A_422 = arith.constant 0 : i32
          %parallel_loop3A_423 = tpu.memref_slice %arg7[%parallel_loop3A_341, %parallel_loop3A_421, %parallel_loop3A_422] : memref<2x32x512xf32, #tpu.memory_space<vmem>> -> memref<1x32x512xf32, #tpu.memory_space<vmem>>
          %parallel_loop3A_424 = tpu.memref_squeeze %parallel_loop3A_423 : memref<1x32x512xf32, #tpu.memory_space<vmem>> -> memref<32x512xf32, #tpu.memory_space<vmem>>
          %parallel_loop3A_425 = arith.index_cast %parallel_loop3A_420 : i32 to index
          %parallel_loop3A_426 = arith.index_cast %parallel_loop3A_419 : i32 to index
          %parallel_loop3A_427 = tpu.vector_load %parallel_loop3A_424[%parallel_loop3A_425, %parallel_loop3A_426] {strides = array<i32>} : memref<32x512xf32, #tpu.memory_space<vmem>>, vector<16xf32>,
          tpu.vector_store %parallel_loop3A_424[%parallel_loop3A_425, %parallel_loop3A_426], %parallel_loop3A_417 {strides = array<i32>} : memref<32x512xf32, #tpu.memory_space<vmem>>, vector<16xf32>,
          %parallel_loop3A_428 = arith.constant 1 : i32
          %parallel_loop3A_429 = vector.broadcast %parallel_loop3A_428 : i32 to vector<16xi32>
          %parallel_loop3A_430 = arith.constant 0 : i32
          %parallel_loop3A_431 = arith.constant 0 : i32
          %parallel_loop3A_432 = tpu.memref_slice %arg6[%parallel_loop3A_340, %parallel_loop3A_430, %parallel_loop3A_431] : memref<2x512x32xf32, #tpu.memory_space<vmem>> -> memref<1x512x32xf32, #tpu.memory_space<vmem>>
          %parallel_loop3A_433 = tpu.memref_squeeze %parallel_loop3A_432 : memref<1x512x32xf32, #tpu.memory_space<vmem>> -> memref<512x32xf32, #tpu.memory_space<vmem>>
          %parallel_loop3A_434 = tpu.vector_load_idx %parallel_loop3A_433[%parallel_loop3A_410, %parallel_loop3A_429] : memref<512x32xf32, #tpu.memory_space<vmem>>[vector<16xi32>, vector<16xi32>], vector<16xf32>,
          %parallel_loop3A_435 = arith.constant 16 : i32
          %parallel_loop3A_436 = arith.muli %parallel_loop3A_406, %parallel_loop3A_435 : i32
          %parallel_loop3A_437 = arith.constant 1 : i32
          %parallel_loop3A_438 = arith.constant 0 : i32
          %parallel_loop3A_439 = arith.constant 0 : i32
          %parallel_loop3A_440 = tpu.memref_slice %arg7[%parallel_loop3A_341, %parallel_loop3A_438, %parallel_loop3A_439] : memref<2x32x512xf32, #tpu.memory_space<vmem>> -> memref<1x32x512xf32, #tpu.memory_space<vmem>>
          %parallel_loop3A_441 = tpu.memref_squeeze %parallel_loop3A_440 : memref<1x32x512xf32, #tpu.memory_space<vmem>> -> memref<32x512xf32, #tpu.memory_space<vmem>>
          %parallel_loop3A_442 = arith.index_cast %parallel_loop3A_437 : i32 to index
          %parallel_loop3A_443 = arith.index_cast %parallel_loop3A_436 : i32 to index
          %parallel_loop3A_444 = tpu.vector_load %parallel_loop3A_441[%parallel_loop3A_442, %parallel_loop3A_443] {strides = array<i32>} : memref<32x512xf32, #tpu.memory_space<vmem>>, vector<16xf32>,
          tpu.vector_store %parallel_loop3A_441[%parallel_loop3A_442, %parallel_loop3A_443], %parallel_loop3A_434 {strides = array<i32>} : memref<32x512xf32, #tpu.memory_space<vmem>>, vector<16xf32>,
          %parallel_loop3A_445 = arith.constant 2 : i32
          %parallel_loop3A_446 = vector.broadcast %parallel_loop3A_445 : i32 to vector<16xi32>
          %parallel_loop3A_447 = arith.constant 0 : i32
          %parallel_loop3A_448 = arith.constant 0 : i32
          %parallel_loop3A_449 = tpu.memref_slice %arg6[%parallel_loop3A_340, %parallel_loop3A_447, %parallel_loop3A_448] : memref<2x512x32xf32, #tpu.memory_space<vmem>> -> memref<1x512x32xf32, #tpu.memory_space<vmem>>
          %parallel_loop3A_450 = tpu.memref_squeeze %parallel_loop3A_449 : memref<1x512x32xf32, #tpu.memory_space<vmem>> -> memref<512x32xf32, #tpu.memory_space<vmem>>
          %parallel_loop3A_451 = tpu.vector_load_idx %parallel_loop3A_450[%parallel_loop3A_410, %parallel_loop3A_446] : memref<512x32xf32, #tpu.memory_space<vmem>>[vector<16xi32>, vector<16xi32>], vector<16xf32>,
          %parallel_loop3A_452 = arith.constant 16 : i32
          %parallel_loop3A_453 = arith.muli %parallel_loop3A_406, %parallel_loop3A_452 : i32
          %parallel_loop3A_454 = arith.constant 2 : i32
          %parallel_loop3A_455 = arith.constant 0 : i32
          %parallel_loop3A_456 = arith.constant 0 : i32
          %parallel_loop3A_457 = tpu.memref_slice %arg7[%parallel_loop3A_341, %parallel_loop3A_455, %parallel_loop3A_456] : memref<2x32x512xf32, #tpu.memory_space<vmem>> -> memref<1x32x512xf32, #tpu.memory_space<vmem>>
          %parallel_loop3A_458 = tpu.memref_squeeze %parallel_loop3A_457 : memref<1x32x512xf32, #tpu.memory_space<vmem>> -> memref<32x512xf32, #tpu.memory_space<vmem>>
          %parallel_loop3A_459 = arith.index_cast %parallel_loop3A_454 : i32 to index
          %parallel_loop3A_460 = arith.index_cast %parallel_loop3A_453 : i32 to index
          %parallel_loop3A_461 = tpu.vector_load %parallel_loop3A_458[%parallel_loop3A_459, %parallel_loop3A_460] {strides = array<i32>} : memref<32x512xf32, #tpu.memory_space<vmem>>, vector<16xf32>,
          tpu.vector_store %parallel_loop3A_458[%parallel_loop3A_459, %parallel_loop3A_460], %parallel_loop3A_451 {strides = array<i32>} : memref<32x512xf32, #tpu.memory_space<vmem>>, vector<16xf32>,
          %parallel_loop3A_462 = arith.constant 3 : i32
          %parallel_loop3A_463 = vector.broadcast %parallel_loop3A_462 : i32 to vector<16xi32>
          %parallel_loop3A_464 = arith.constant 0 : i32
          %parallel_loop3A_465 = arith.constant 0 : i32
          %parallel_loop3A_466 = tpu.memref_slice %arg6[%parallel_loop3A_340, %parallel_loop3A_464, %parallel_loop3A_465] : memref<2x512x32xf32, #tpu.memory_space<vmem>> -> memref<1x512x32xf32, #tpu.memory_space<vmem>>
          %parallel_loop3A_467 = tpu.memref_squeeze %parallel_loop3A_466 : memref<1x512x32xf32, #tpu.memory_space<vmem>> -> memref<512x32xf32, #tpu.memory_space<vmem>>
          %parallel_loop3A_468 = tpu.vector_load_idx %parallel_loop3A_467[%parallel_loop3A_410, %parallel_loop3A_463] : memref<512x32xf32, #tpu.memory_space<vmem>>[vector<16xi32>, vector<16xi32>], vector<16xf32>,
          %parallel_loop3A_469 = arith.constant 16 : i32
          %parallel_loop3A_470 = arith.muli %parallel_loop3A_406, %parallel_loop3A_469 : i32
          %parallel_loop3A_471 = arith.constant 3 : i32
          %parallel_loop3A_472 = arith.constant 0 : i32
          %parallel_loop3A_473 = arith.constant 0 : i32
          %parallel_loop3A_474 = tpu.memref_slice %arg7[%parallel_loop3A_341, %parallel_loop3A_472, %parallel_loop3A_473] : memref<2x32x512xf32, #tpu.memory_space<vmem>> -> memref<1x32x512xf32, #tpu.memory_space<vmem>>
          %parallel_loop3A_475 = tpu.memref_squeeze %parallel_loop3A_474 : memref<1x32x512xf32, #tpu.memory_space<vmem>> -> memref<32x512xf32, #tpu.memory_space<vmem>>
          %parallel_loop3A_476 = arith.index_cast %parallel_loop3A_471 : i32 to index
          %parallel_loop3A_477 = arith.index_cast %parallel_loop3A_470 : i32 to index
          %parallel_loop3A_478 = tpu.vector_load %parallel_loop3A_475[%parallel_loop3A_476, %parallel_loop3A_477] {strides = array<i32>} : memref<32x512xf32, #tpu.memory_space<vmem>>, vector<16xf32>,
          tpu.vector_store %parallel_loop3A_475[%parallel_loop3A_476, %parallel_loop3A_477], %parallel_loop3A_468 {strides = array<i32>} : memref<32x512xf32, #tpu.memory_space<vmem>>, vector<16xf32>,
          %parallel_loop3A_479 = arith.constant 4 : i32
          %parallel_loop3A_480 = vector.broadcast %parallel_loop3A_479 : i32 to vector<16xi32>
          %parallel_loop3A_481 = arith.constant 0 : i32
          %parallel_loop3A_482 = arith.constant 0 : i32
          %parallel_loop3A_483 = tpu.memref_slice %arg6[%parallel_loop3A_340, %parallel_loop3A_481, %parallel_loop3A_482] : memref<2x512x32xf32, #tpu.memory_space<vmem>> -> memref<1x512x32xf32, #tpu.memory_space<vmem>>
          %parallel_loop3A_484 = tpu.memref_squeeze %parallel_loop3A_483 : memref<1x512x32xf32, #tpu.memory_space<vmem>> -> memref<512x32xf32, #tpu.memory_space<vmem>>
          %parallel_loop3A_485 = tpu.vector_load_idx %parallel_loop3A_484[%parallel_loop3A_410, %parallel_loop3A_480] : memref<512x32xf32, #tpu.memory_space<vmem>>[vector<16xi32>, vector<16xi32>], vector<16xf32>,
          %parallel_loop3A_486 = arith.constant 16 : i32
          %parallel_loop3A_487 = arith.muli %parallel_loop3A_406, %parallel_loop3A_486 : i32
          %parallel_loop3A_488 = arith.constant 4 : i32
          %parallel_loop3A_489 = arith.constant 0 : i32
          %parallel_loop3A_490 = arith.constant 0 : i32
          %parallel_loop3A_491 = tpu.memref_slice %arg7[%parallel_loop3A_341, %parallel_loop3A_489, %parallel_loop3A_490] : memref<2x32x512xf32, #tpu.memory_space<vmem>> -> memref<1x32x512xf32, #tpu.memory_space<vmem>>
          %parallel_loop3A_492 = tpu.memref_squeeze %parallel_loop3A_491 : memref<1x32x512xf32, #tpu.memory_space<vmem>> -> memref<32x512xf32, #tpu.memory_space<vmem>>
          %parallel_loop3A_493 = arith.index_cast %parallel_loop3A_488 : i32 to index
          %parallel_loop3A_494 = arith.index_cast %parallel_loop3A_487 : i32 to index
          %parallel_loop3A_495 = tpu.vector_load %parallel_loop3A_492[%parallel_loop3A_493, %parallel_loop3A_494] {strides = array<i32>} : memref<32x512xf32, #tpu.memory_space<vmem>>, vector<16xf32>,
          tpu.vector_store %parallel_loop3A_492[%parallel_loop3A_493, %parallel_loop3A_494], %parallel_loop3A_485 {strides = array<i32>} : memref<32x512xf32, #tpu.memory_space<vmem>>, vector<16xf32>,
          %parallel_loop3A_496 = arith.constant 5 : i32
          %parallel_loop3A_497 = vector.broadcast %parallel_loop3A_496 : i32 to vector<16xi32>
          %parallel_loop3A_498 = arith.constant 0 : i32
          %parallel_loop3A_499 = arith.constant 0 : i32
          %parallel_loop3A_500 = tpu.memref_slice %arg6[%parallel_loop3A_340, %parallel_loop3A_498, %parallel_loop3A_499] : memref<2x512x32xf32, #tpu.memory_space<vmem>> -> memref<1x512x32xf32, #tpu.memory_space<vmem>>
          %parallel_loop3A_501 = tpu.memref_squeeze %parallel_loop3A_500 : memref<1x512x32xf32, #tpu.memory_space<vmem>> -> memref<512x32xf32, #tpu.memory_space<vmem>>
          %parallel_loop3A_502 = tpu.vector_load_idx %parallel_loop3A_501[%parallel_loop3A_410, %parallel_loop3A_497] : memref<512x32xf32, #tpu.memory_space<vmem>>[vector<16xi32>, vector<16xi32>], vector<16xf32>,
          %parallel_loop3A_503 = arith.constant 16 : i32
          %parallel_loop3A_504 = arith.muli %parallel_loop3A_406, %parallel_loop3A_503 : i32
          %parallel_loop3A_505 = arith.constant 5 : i32
          %parallel_loop3A_506 = arith.constant 0 : i32
          %parallel_loop3A_507 = arith.constant 0 : i32
          %parallel_loop3A_508 = tpu.memref_slice %arg7[%parallel_loop3A_341, %parallel_loop3A_506, %parallel_loop3A_507] : memref<2x32x512xf32, #tpu.memory_space<vmem>> -> memref<1x32x512xf32, #tpu.memory_space<vmem>>
          %parallel_loop3A_509 = tpu.memref_squeeze %parallel_loop3A_508 : memref<1x32x512xf32, #tpu.memory_space<vmem>> -> memref<32x512xf32, #tpu.memory_space<vmem>>
          %parallel_loop3A_510 = arith.index_cast %parallel_loop3A_505 : i32 to index
          %parallel_loop3A_511 = arith.index_cast %parallel_loop3A_504 : i32 to index
          %parallel_loop3A_512 = tpu.vector_load %parallel_loop3A_509[%parallel_loop3A_510, %parallel_loop3A_511] {strides = array<i32>} : memref<32x512xf32, #tpu.memory_space<vmem>>, vector<16xf32>,
          tpu.vector_store %parallel_loop3A_509[%parallel_loop3A_510, %parallel_loop3A_511], %parallel_loop3A_502 {strides = array<i32>} : memref<32x512xf32, #tpu.memory_space<vmem>>, vector<16xf32>,
          %parallel_loop3A_513 = arith.constant 6 : i32
          %parallel_loop3A_514 = vector.broadcast %parallel_loop3A_513 : i32 to vector<16xi32>
          %parallel_loop3A_515 = arith.constant 0 : i32
          %parallel_loop3A_516 = arith.constant 0 : i32
          %parallel_loop3A_517 = tpu.memref_slice %arg6[%parallel_loop3A_340, %parallel_loop3A_515, %parallel_loop3A_516] : memref<2x512x32xf32, #tpu.memory_space<vmem>> -> memref<1x512x32xf32, #tpu.memory_space<vmem>>
          %parallel_loop3A_518 = tpu.memref_squeeze %parallel_loop3A_517 : memref<1x512x32xf32, #tpu.memory_space<vmem>> -> memref<512x32xf32, #tpu.memory_space<vmem>>
          %parallel_loop3A_519 = tpu.vector_load_idx %parallel_loop3A_518[%parallel_loop3A_410, %parallel_loop3A_514] : memref<512x32xf32, #tpu.memory_space<vmem>>[vector<16xi32>, vector<16xi32>], vector<16xf32>,
          %parallel_loop3A_520 = arith.constant 16 : i32
          %parallel_loop3A_521 = arith.muli %parallel_loop3A_406, %parallel_loop3A_520 : i32
          %parallel_loop3A_522 = arith.constant 6 : i32
          %parallel_loop3A_523 = arith.constant 0 : i32
          %parallel_loop3A_524 = arith.constant 0 : i32
          %parallel_loop3A_525 = tpu.memref_slice %arg7[%parallel_loop3A_341, %parallel_loop3A_523, %parallel_loop3A_524] : memref<2x32x512xf32, #tpu.memory_space<vmem>> -> memref<1x32x512xf32, #tpu.memory_space<vmem>>
          %parallel_loop3A_526 = tpu.memref_squeeze %parallel_loop3A_525 : memref<1x32x512xf32, #tpu.memory_space<vmem>> -> memref<32x512xf32, #tpu.memory_space<vmem>>
          %parallel_loop3A_527 = arith.index_cast %parallel_loop3A_522 : i32 to index
          %parallel_loop3A_528 = arith.index_cast %parallel_loop3A_521 : i32 to index
          %parallel_loop3A_529 = tpu.vector_load %parallel_loop3A_526[%parallel_loop3A_527, %parallel_loop3A_528] {strides = array<i32>} : memref<32x512xf32, #tpu.memory_space<vmem>>, vector<16xf32>,
          tpu.vector_store %parallel_loop3A_526[%parallel_loop3A_527, %parallel_loop3A_528], %parallel_loop3A_519 {strides = array<i32>} : memref<32x512xf32, #tpu.memory_space<vmem>>, vector<16xf32>,
          %parallel_loop3A_530 = arith.constant 7 : i32
          %parallel_loop3A_531 = vector.broadcast %parallel_loop3A_530 : i32 to vector<16xi32>
          %parallel_loop3A_532 = arith.constant 0 : i32
          %parallel_loop3A_533 = arith.constant 0 : i32
          %parallel_loop3A_534 = tpu.memref_slice %arg6[%parallel_loop3A_340, %parallel_loop3A_532, %parallel_loop3A_533] : memref<2x512x32xf32, #tpu.memory_space<vmem>> -> memref<1x512x32xf32, #tpu.memory_space<vmem>>
          %parallel_loop3A_535 = tpu.memref_squeeze %parallel_loop3A_534 : memref<1x512x32xf32, #tpu.memory_space<vmem>> -> memref<512x32xf32, #tpu.memory_space<vmem>>
          %parallel_loop3A_536 = tpu.vector_load_idx %parallel_loop3A_535[%parallel_loop3A_410, %parallel_loop3A_531] : memref<512x32xf32, #tpu.memory_space<vmem>>[vector<16xi32>, vector<16xi32>], vector<16xf32>,
          %parallel_loop3A_537 = arith.constant 16 : i32
          %parallel_loop3A_538 = arith.muli %parallel_loop3A_406, %parallel_loop3A_537 : i32
          %parallel_loop3A_539 = arith.constant 7 : i32
          %parallel_loop3A_540 = arith.constant 0 : i32
          %parallel_loop3A_541 = arith.constant 0 : i32
          %parallel_loop3A_542 = tpu.memref_slice %arg7[%parallel_loop3A_341, %parallel_loop3A_540, %parallel_loop3A_541] : memref<2x32x512xf32, #tpu.memory_space<vmem>> -> memref<1x32x512xf32, #tpu.memory_space<vmem>>
          %parallel_loop3A_543 = tpu.memref_squeeze %parallel_loop3A_542 : memref<1x32x512xf32, #tpu.memory_space<vmem>> -> memref<32x512xf32, #tpu.memory_space<vmem>>
          %parallel_loop3A_544 = arith.index_cast %parallel_loop3A_539 : i32 to index
          %parallel_loop3A_545 = arith.index_cast %parallel_loop3A_538 : i32 to index
          %parallel_loop3A_546 = tpu.vector_load %parallel_loop3A_543[%parallel_loop3A_544, %parallel_loop3A_545] {strides = array<i32>} : memref<32x512xf32, #tpu.memory_space<vmem>>, vector<16xf32>,
          tpu.vector_store %parallel_loop3A_543[%parallel_loop3A_544, %parallel_loop3A_545], %parallel_loop3A_536 {strides = array<i32>} : memref<32x512xf32, #tpu.memory_space<vmem>>, vector<16xf32>,
          %parallel_loop3A_547 = arith.constant 8 : i32
          %parallel_loop3A_548 = vector.broadcast %parallel_loop3A_547 : i32 to vector<16xi32>
          %parallel_loop3A_549 = arith.constant 0 : i32
          %parallel_loop3A_550 = arith.constant 0 : i32
          %parallel_loop3A_551 = tpu.memref_slice %arg6[%parallel_loop3A_340, %parallel_loop3A_549, %parallel_loop3A_550] : memref<2x512x32xf32, #tpu.memory_space<vmem>> -> memref<1x512x32xf32, #tpu.memory_space<vmem>>
          %parallel_loop3A_552 = tpu.memref_squeeze %parallel_loop3A_551 : memref<1x512x32xf32, #tpu.memory_space<vmem>> -> memref<512x32xf32, #tpu.memory_space<vmem>>
          %parallel_loop3A_553 = tpu.vector_load_idx %parallel_loop3A_552[%parallel_loop3A_410, %parallel_loop3A_548] : memref<512x32xf32, #tpu.memory_space<vmem>>[vector<16xi32>, vector<16xi32>], vector<16xf32>,
          %parallel_loop3A_554 = arith.constant 16 : i32
          %parallel_loop3A_555 = arith.muli %parallel_loop3A_406, %parallel_loop3A_554 : i32
          %parallel_loop3A_556 = arith.constant 8 : i32
          %parallel_loop3A_557 = arith.constant 0 : i32
          %parallel_loop3A_558 = arith.constant 0 : i32
          %parallel_loop3A_559 = tpu.memref_slice %arg7[%parallel_loop3A_341, %parallel_loop3A_557, %parallel_loop3A_558] : memref<2x32x512xf32, #tpu.memory_space<vmem>> -> memref<1x32x512xf32, #tpu.memory_space<vmem>>
          %parallel_loop3A_560 = tpu.memref_squeeze %parallel_loop3A_559 : memref<1x32x512xf32, #tpu.memory_space<vmem>> -> memref<32x512xf32, #tpu.memory_space<vmem>>
          %parallel_loop3A_561 = arith.index_cast %parallel_loop3A_556 : i32 to index
          %parallel_loop3A_562 = arith.index_cast %parallel_loop3A_555 : i32 to index
          %parallel_loop3A_563 = tpu.vector_load %parallel_loop3A_560[%parallel_loop3A_561, %parallel_loop3A_562] {strides = array<i32>} : memref<32x512xf32, #tpu.memory_space<vmem>>, vector<16xf32>,
          tpu.vector_store %parallel_loop3A_560[%parallel_loop3A_561, %parallel_loop3A_562], %parallel_loop3A_553 {strides = array<i32>} : memref<32x512xf32, #tpu.memory_space<vmem>>, vector<16xf32>,
          %parallel_loop3A_564 = arith.constant 9 : i32
          %parallel_loop3A_565 = vector.broadcast %parallel_loop3A_564 : i32 to vector<16xi32>
          %parallel_loop3A_566 = arith.constant 0 : i32
          %parallel_loop3A_567 = arith.constant 0 : i32
          %parallel_loop3A_568 = tpu.memref_slice %arg6[%parallel_loop3A_340, %parallel_loop3A_566, %parallel_loop3A_567] : memref<2x512x32xf32, #tpu.memory_space<vmem>> -> memref<1x512x32xf32, #tpu.memory_space<vmem>>
          %parallel_loop3A_569 = tpu.memref_squeeze %parallel_loop3A_568 : memref<1x512x32xf32, #tpu.memory_space<vmem>> -> memref<512x32xf32, #tpu.memory_space<vmem>>
          %parallel_loop3A_570 = tpu.vector_load_idx %parallel_loop3A_569[%parallel_loop3A_410, %parallel_loop3A_565] : memref<512x32xf32, #tpu.memory_space<vmem>>[vector<16xi32>, vector<16xi32>], vector<16xf32>,
          %parallel_loop3A_571 = arith.constant 16 : i32
          %parallel_loop3A_572 = arith.muli %parallel_loop3A_406, %parallel_loop3A_571 : i32
          %parallel_loop3A_573 = arith.constant 9 : i32
          %parallel_loop3A_574 = arith.constant 0 : i32
          %parallel_loop3A_575 = arith.constant 0 : i32
          %parallel_loop3A_576 = tpu.memref_slice %arg7[%parallel_loop3A_341, %parallel_loop3A_574, %parallel_loop3A_575] : memref<2x32x512xf32, #tpu.memory_space<vmem>> -> memref<1x32x512xf32, #tpu.memory_space<vmem>>
          %parallel_loop3A_577 = tpu.memref_squeeze %parallel_loop3A_576 : memref<1x32x512xf32, #tpu.memory_space<vmem>> -> memref<32x512xf32, #tpu.memory_space<vmem>>
          %parallel_loop3A_578 = arith.index_cast %parallel_loop3A_573 : i32 to index
          %parallel_loop3A_579 = arith.index_cast %parallel_loop3A_572 : i32 to index
          %parallel_loop3A_580 = tpu.vector_load %parallel_loop3A_577[%parallel_loop3A_578, %parallel_loop3A_579] {strides = array<i32>} : memref<32x512xf32, #tpu.memory_space<vmem>>, vector<16xf32>,
          tpu.vector_store %parallel_loop3A_577[%parallel_loop3A_578, %parallel_loop3A_579], %parallel_loop3A_570 {strides = array<i32>} : memref<32x512xf32, #tpu.memory_space<vmem>>, vector<16xf32>,
          %parallel_loop3A_581 = arith.constant 10 : i32
          %parallel_loop3A_582 = vector.broadcast %parallel_loop3A_581 : i32 to vector<16xi32>
          %parallel_loop3A_583 = arith.constant 0 : i32
          %parallel_loop3A_584 = arith.constant 0 : i32
          %parallel_loop3A_585 = tpu.memref_slice %arg6[%parallel_loop3A_340, %parallel_loop3A_583, %parallel_loop3A_584] : memref<2x512x32xf32, #tpu.memory_space<vmem>> -> memref<1x512x32xf32, #tpu.memory_space<vmem>>
          %parallel_loop3A_586 = tpu.memref_squeeze %parallel_loop3A_585 : memref<1x512x32xf32, #tpu.memory_space<vmem>> -> memref<512x32xf32, #tpu.memory_space<vmem>>
          %parallel_loop3A_587 = tpu.vector_load_idx %parallel_loop3A_586[%parallel_loop3A_410, %parallel_loop3A_582] : memref<512x32xf32, #tpu.memory_space<vmem>>[vector<16xi32>, vector<16xi32>], vector<16xf32>,
          %parallel_loop3A_588 = arith.constant 16 : i32
          %parallel_loop3A_589 = arith.muli %parallel_loop3A_406, %parallel_loop3A_588 : i32
          %parallel_loop3A_590 = arith.constant 10 : i32
          %parallel_loop3A_591 = arith.constant 0 : i32
          %parallel_loop3A_592 = arith.constant 0 : i32
          %parallel_loop3A_593 = tpu.memref_slice %arg7[%parallel_loop3A_341, %parallel_loop3A_591, %parallel_loop3A_592] : memref<2x32x512xf32, #tpu.memory_space<vmem>> -> memref<1x32x512xf32, #tpu.memory_space<vmem>>
          %parallel_loop3A_594 = tpu.memref_squeeze %parallel_loop3A_593 : memref<1x32x512xf32, #tpu.memory_space<vmem>> -> memref<32x512xf32, #tpu.memory_space<vmem>>
          %parallel_loop3A_595 = arith.index_cast %parallel_loop3A_590 : i32 to index
          %parallel_loop3A_596 = arith.index_cast %parallel_loop3A_589 : i32 to index
          %parallel_loop3A_597 = tpu.vector_load %parallel_loop3A_594[%parallel_loop3A_595, %parallel_loop3A_596] {strides = array<i32>} : memref<32x512xf32, #tpu.memory_space<vmem>>, vector<16xf32>,
          tpu.vector_store %parallel_loop3A_594[%parallel_loop3A_595, %parallel_loop3A_596], %parallel_loop3A_587 {strides = array<i32>} : memref<32x512xf32, #tpu.memory_space<vmem>>, vector<16xf32>,
          %parallel_loop3A_598 = arith.constant 11 : i32
          %parallel_loop3A_599 = vector.broadcast %parallel_loop3A_598 : i32 to vector<16xi32>
          %parallel_loop3A_600 = arith.constant 0 : i32
          %parallel_loop3A_601 = arith.constant 0 : i32
          %parallel_loop3A_602 = tpu.memref_slice %arg6[%parallel_loop3A_340, %parallel_loop3A_600, %parallel_loop3A_601] : memref<2x512x32xf32, #tpu.memory_space<vmem>> -> memref<1x512x32xf32, #tpu.memory_space<vmem>>
          %parallel_loop3A_603 = tpu.memref_squeeze %parallel_loop3A_602 : memref<1x512x32xf32, #tpu.memory_space<vmem>> -> memref<512x32xf32, #tpu.memory_space<vmem>>
          %parallel_loop3A_604 = tpu.vector_load_idx %parallel_loop3A_603[%parallel_loop3A_410, %parallel_loop3A_599] : memref<512x32xf32, #tpu.memory_space<vmem>>[vector<16xi32>, vector<16xi32>], vector<16xf32>,
          %parallel_loop3A_605 = arith.constant 16 : i32
          %parallel_loop3A_606 = arith.muli %parallel_loop3A_406, %parallel_loop3A_605 : i32
          %parallel_loop3A_607 = arith.constant 11 : i32
          %parallel_loop3A_608 = arith.constant 0 : i32
          %parallel_loop3A_609 = arith.constant 0 : i32
          %parallel_loop3A_610 = tpu.memref_slice %arg7[%parallel_loop3A_341, %parallel_loop3A_608, %parallel_loop3A_609] : memref<2x32x512xf32, #tpu.memory_space<vmem>> -> memref<1x32x512xf32, #tpu.memory_space<vmem>>
          %parallel_loop3A_611 = tpu.memref_squeeze %parallel_loop3A_610 : memref<1x32x512xf32, #tpu.memory_space<vmem>> -> memref<32x512xf32, #tpu.memory_space<vmem>>
          %parallel_loop3A_612 = arith.index_cast %parallel_loop3A_607 : i32 to index
          %parallel_loop3A_613 = arith.index_cast %parallel_loop3A_606 : i32 to index
          %parallel_loop3A_614 = tpu.vector_load %parallel_loop3A_611[%parallel_loop3A_612, %parallel_loop3A_613] {strides = array<i32>} : memref<32x512xf32, #tpu.memory_space<vmem>>, vector<16xf32>,
          tpu.vector_store %parallel_loop3A_611[%parallel_loop3A_612, %parallel_loop3A_613], %parallel_loop3A_604 {strides = array<i32>} : memref<32x512xf32, #tpu.memory_space<vmem>>, vector<16xf32>,
          %parallel_loop3A_615 = arith.constant 12 : i32
          %parallel_loop3A_616 = vector.broadcast %parallel_loop3A_615 : i32 to vector<16xi32>
          %parallel_loop3A_617 = arith.constant 0 : i32
          %parallel_loop3A_618 = arith.constant 0 : i32
          %parallel_loop3A_619 = tpu.memref_slice %arg6[%parallel_loop3A_340, %parallel_loop3A_617, %parallel_loop3A_618] : memref<2x512x32xf32, #tpu.memory_space<vmem>> -> memref<1x512x32xf32, #tpu.memory_space<vmem>>
          %parallel_loop3A_620 = tpu.memref_squeeze %parallel_loop3A_619 : memref<1x512x32xf32, #tpu.memory_space<vmem>> -> memref<512x32xf32, #tpu.memory_space<vmem>>
          %parallel_loop3A_621 = tpu.vector_load_idx %parallel_loop3A_620[%parallel_loop3A_410, %parallel_loop3A_616] : memref<512x32xf32, #tpu.memory_space<vmem>>[vector<16xi32>, vector<16xi32>], vector<16xf32>,
          %parallel_loop3A_622 = arith.constant 16 : i32
          %parallel_loop3A_623 = arith.muli %parallel_loop3A_406, %parallel_loop3A_622 : i32
          %parallel_loop3A_624 = arith.constant 12 : i32
          %parallel_loop3A_625 = arith.constant 0 : i32
          %parallel_loop3A_626 = arith.constant 0 : i32
          %parallel_loop3A_627 = tpu.memref_slice %arg7[%parallel_loop3A_341, %parallel_loop3A_625, %parallel_loop3A_626] : memref<2x32x512xf32, #tpu.memory_space<vmem>> -> memref<1x32x512xf32, #tpu.memory_space<vmem>>
          %parallel_loop3A_628 = tpu.memref_squeeze %parallel_loop3A_627 : memref<1x32x512xf32, #tpu.memory_space<vmem>> -> memref<32x512xf32, #tpu.memory_space<vmem>>
          %parallel_loop3A_629 = arith.index_cast %parallel_loop3A_624 : i32 to index
          %parallel_loop3A_630 = arith.index_cast %parallel_loop3A_623 : i32 to index
          %parallel_loop3A_631 = tpu.vector_load %parallel_loop3A_628[%parallel_loop3A_629, %parallel_loop3A_630] {strides = array<i32>} : memref<32x512xf32, #tpu.memory_space<vmem>>, vector<16xf32>,
          tpu.vector_store %parallel_loop3A_628[%parallel_loop3A_629, %parallel_loop3A_630], %parallel_loop3A_621 {strides = array<i32>} : memref<32x512xf32, #tpu.memory_space<vmem>>, vector<16xf32>,
          %parallel_loop3A_632 = arith.constant 13 : i32
          %parallel_loop3A_633 = vector.broadcast %parallel_loop3A_632 : i32 to vector<16xi32>
          %parallel_loop3A_634 = arith.constant 0 : i32
          %parallel_loop3A_635 = arith.constant 0 : i32
          %parallel_loop3A_636 = tpu.memref_slice %arg6[%parallel_loop3A_340, %parallel_loop3A_634, %parallel_loop3A_635] : memref<2x512x32xf32, #tpu.memory_space<vmem>> -> memref<1x512x32xf32, #tpu.memory_space<vmem>>
          %parallel_loop3A_637 = tpu.memref_squeeze %parallel_loop3A_636 : memref<1x512x32xf32, #tpu.memory_space<vmem>> -> memref<512x32xf32, #tpu.memory_space<vmem>>
          %parallel_loop3A_638 = tpu.vector_load_idx %parallel_loop3A_637[%parallel_loop3A_410, %parallel_loop3A_633] : memref<512x32xf32, #tpu.memory_space<vmem>>[vector<16xi32>, vector<16xi32>], vector<16xf32>,
          %parallel_loop3A_639 = arith.constant 16 : i32
          %parallel_loop3A_640 = arith.muli %parallel_loop3A_406, %parallel_loop3A_639 : i32
          %parallel_loop3A_641 = arith.constant 13 : i32
          %parallel_loop3A_642 = arith.constant 0 : i32
          %parallel_loop3A_643 = arith.constant 0 : i32
          %parallel_loop3A_644 = tpu.memref_slice %arg7[%parallel_loop3A_341, %parallel_loop3A_642, %parallel_loop3A_643] : memref<2x32x512xf32, #tpu.memory_space<vmem>> -> memref<1x32x512xf32, #tpu.memory_space<vmem>>
          %parallel_loop3A_645 = tpu.memref_squeeze %parallel_loop3A_644 : memref<1x32x512xf32, #tpu.memory_space<vmem>> -> memref<32x512xf32, #tpu.memory_space<vmem>>
          %parallel_loop3A_646 = arith.index_cast %parallel_loop3A_641 : i32 to index
          %parallel_loop3A_647 = arith.index_cast %parallel_loop3A_640 : i32 to index
          %parallel_loop3A_648 = tpu.vector_load %parallel_loop3A_645[%parallel_loop3A_646, %parallel_loop3A_647] {strides = array<i32>} : memref<32x512xf32, #tpu.memory_space<vmem>>, vector<16xf32>,
          tpu.vector_store %parallel_loop3A_645[%parallel_loop3A_646, %parallel_loop3A_647], %parallel_loop3A_638 {strides = array<i32>} : memref<32x512xf32, #tpu.memory_space<vmem>>, vector<16xf32>,
          %parallel_loop3A_649 = arith.constant 14 : i32
          %parallel_loop3A_650 = vector.broadcast %parallel_loop3A_649 : i32 to vector<16xi32>
          %parallel_loop3A_651 = arith.constant 0 : i32
          %parallel_loop3A_652 = arith.constant 0 : i32
          %parallel_loop3A_653 = tpu.memref_slice %arg6[%parallel_loop3A_340, %parallel_loop3A_651, %parallel_loop3A_652] : memref<2x512x32xf32, #tpu.memory_space<vmem>> -> memref<1x512x32xf32, #tpu.memory_space<vmem>>
          %parallel_loop3A_654 = tpu.memref_squeeze %parallel_loop3A_653 : memref<1x512x32xf32, #tpu.memory_space<vmem>> -> memref<512x32xf32, #tpu.memory_space<vmem>>
          %parallel_loop3A_655 = tpu.vector_load_idx %parallel_loop3A_654[%parallel_loop3A_410, %parallel_loop3A_650] : memref<512x32xf32, #tpu.memory_space<vmem>>[vector<16xi32>, vector<16xi32>], vector<16xf32>,
          %parallel_loop3A_656 = arith.constant 16 : i32
          %parallel_loop3A_657 = arith.muli %parallel_loop3A_406, %parallel_loop3A_656 : i32
          %parallel_loop3A_658 = arith.constant 14 : i32
          %parallel_loop3A_659 = arith.constant 0 : i32
          %parallel_loop3A_660 = arith.constant 0 : i32
          %parallel_loop3A_661 = tpu.memref_slice %arg7[%parallel_loop3A_341, %parallel_loop3A_659, %parallel_loop3A_660] : memref<2x32x512xf32, #tpu.memory_space<vmem>> -> memref<1x32x512xf32, #tpu.memory_space<vmem>>
          %parallel_loop3A_662 = tpu.memref_squeeze %parallel_loop3A_661 : memref<1x32x512xf32, #tpu.memory_space<vmem>> -> memref<32x512xf32, #tpu.memory_space<vmem>>
          %parallel_loop3A_663 = arith.index_cast %parallel_loop3A_658 : i32 to index
          %parallel_loop3A_664 = arith.index_cast %parallel_loop3A_657 : i32 to index
          %parallel_loop3A_665 = tpu.vector_load %parallel_loop3A_662[%parallel_loop3A_663, %parallel_loop3A_664] {strides = array<i32>} : memref<32x512xf32, #tpu.memory_space<vmem>>, vector<16xf32>,
          tpu.vector_store %parallel_loop3A_662[%parallel_loop3A_663, %parallel_loop3A_664], %parallel_loop3A_655 {strides = array<i32>} : memref<32x512xf32, #tpu.memory_space<vmem>>, vector<16xf32>,
          %parallel_loop3A_666 = arith.constant 15 : i32
          %parallel_loop3A_667 = vector.broadcast %parallel_loop3A_666 : i32 to vector<16xi32>
          %parallel_loop3A_668 = arith.constant 0 : i32
          %parallel_loop3A_669 = arith.constant 0 : i32
          %parallel_loop3A_670 = tpu.memref_slice %arg6[%parallel_loop3A_340, %parallel_loop3A_668, %parallel_loop3A_669] : memref<2x512x32xf32, #tpu.memory_space<vmem>> -> memref<1x512x32xf32, #tpu.memory_space<vmem>>
          %parallel_loop3A_671 = tpu.memref_squeeze %parallel_loop3A_670 : memref<1x512x32xf32, #tpu.memory_space<vmem>> -> memref<512x32xf32, #tpu.memory_space<vmem>>
          %parallel_loop3A_672 = tpu.vector_load_idx %parallel_loop3A_671[%parallel_loop3A_410, %parallel_loop3A_667] : memref<512x32xf32, #tpu.memory_space<vmem>>[vector<16xi32>, vector<16xi32>], vector<16xf32>,
          %parallel_loop3A_673 = arith.constant 16 : i32
          %parallel_loop3A_674 = arith.muli %parallel_loop3A_406, %parallel_loop3A_673 : i32
          %parallel_loop3A_675 = arith.constant 15 : i32
          %parallel_loop3A_676 = arith.constant 0 : i32
          %parallel_loop3A_677 = arith.constant 0 : i32
          %parallel_loop3A_678 = tpu.memref_slice %arg7[%parallel_loop3A_341, %parallel_loop3A_676, %parallel_loop3A_677] : memref<2x32x512xf32, #tpu.memory_space<vmem>> -> memref<1x32x512xf32, #tpu.memory_space<vmem>>
          %parallel_loop3A_679 = tpu.memref_squeeze %parallel_loop3A_678 : memref<1x32x512xf32, #tpu.memory_space<vmem>> -> memref<32x512xf32, #tpu.memory_space<vmem>>
          %parallel_loop3A_680 = arith.index_cast %parallel_loop3A_675 : i32 to index
          %parallel_loop3A_681 = arith.index_cast %parallel_loop3A_674 : i32 to index
          %parallel_loop3A_682 = tpu.vector_load %parallel_loop3A_679[%parallel_loop3A_680, %parallel_loop3A_681] {strides = array<i32>} : memref<32x512xf32, #tpu.memory_space<vmem>>, vector<16xf32>,
          tpu.vector_store %parallel_loop3A_679[%parallel_loop3A_680, %parallel_loop3A_681], %parallel_loop3A_672 {strides = array<i32>} : memref<32x512xf32, #tpu.memory_space<vmem>>, vector<16xf32>,
          %parallel_loop3A_683 = arith.constant 16 : i32
          %parallel_loop3A_684 = vector.broadcast %parallel_loop3A_683 : i32 to vector<16xi32>
          %parallel_loop3A_685 = arith.constant 0 : i32
          %parallel_loop3A_686 = arith.constant 0 : i32
          %parallel_loop3A_687 = tpu.memref_slice %arg6[%parallel_loop3A_340, %parallel_loop3A_685, %parallel_loop3A_686] : memref<2x512x32xf32, #tpu.memory_space<vmem>> -> memref<1x512x32xf32, #tpu.memory_space<vmem>>
          %parallel_loop3A_688 = tpu.memref_squeeze %parallel_loop3A_687 : memref<1x512x32xf32, #tpu.memory_space<vmem>> -> memref<512x32xf32, #tpu.memory_space<vmem>>
          %parallel_loop3A_689 = tpu.vector_load_idx %parallel_loop3A_688[%parallel_loop3A_410, %parallel_loop3A_684] : memref<512x32xf32, #tpu.memory_space<vmem>>[vector<16xi32>, vector<16xi32>], vector<16xf32>,
          %parallel_loop3A_690 = arith.constant 16 : i32
          %parallel_loop3A_691 = arith.muli %parallel_loop3A_406, %parallel_loop3A_690 : i32
          %parallel_loop3A_692 = arith.constant 16 : i32
          %parallel_loop3A_693 = arith.constant 0 : i32
          %parallel_loop3A_694 = arith.constant 0 : i32
          %parallel_loop3A_695 = tpu.memref_slice %arg7[%parallel_loop3A_341, %parallel_loop3A_693, %parallel_loop3A_694] : memref<2x32x512xf32, #tpu.memory_space<vmem>> -> memref<1x32x512xf32, #tpu.memory_space<vmem>>
          %parallel_loop3A_696 = tpu.memref_squeeze %parallel_loop3A_695 : memref<1x32x512xf32, #tpu.memory_space<vmem>> -> memref<32x512xf32, #tpu.memory_space<vmem>>
          %parallel_loop3A_697 = arith.index_cast %parallel_loop3A_692 : i32 to index
          %parallel_loop3A_698 = arith.index_cast %parallel_loop3A_691 : i32 to index
          %parallel_loop3A_699 = tpu.vector_load %parallel_loop3A_696[%parallel_loop3A_697, %parallel_loop3A_698] {strides = array<i32>} : memref<32x512xf32, #tpu.memory_space<vmem>>, vector<16xf32>,
          tpu.vector_store %parallel_loop3A_696[%parallel_loop3A_697, %parallel_loop3A_698], %parallel_loop3A_689 {strides = array<i32>} : memref<32x512xf32, #tpu.memory_space<vmem>>, vector<16xf32>,
          %parallel_loop3A_700 = arith.constant 17 : i32
          %parallel_loop3A_701 = vector.broadcast %parallel_loop3A_700 : i32 to vector<16xi32>
          %parallel_loop3A_702 = arith.constant 0 : i32
          %parallel_loop3A_703 = arith.constant 0 : i32
          %parallel_loop3A_704 = tpu.memref_slice %arg6[%parallel_loop3A_340, %parallel_loop3A_702, %parallel_loop3A_703] : memref<2x512x32xf32, #tpu.memory_space<vmem>> -> memref<1x512x32xf32, #tpu.memory_space<vmem>>
          %parallel_loop3A_705 = tpu.memref_squeeze %parallel_loop3A_704 : memref<1x512x32xf32, #tpu.memory_space<vmem>> -> memref<512x32xf32, #tpu.memory_space<vmem>>
          %parallel_loop3A_706 = tpu.vector_load_idx %parallel_loop3A_705[%parallel_loop3A_410, %parallel_loop3A_701] : memref<512x32xf32, #tpu.memory_space<vmem>>[vector<16xi32>, vector<16xi32>], vector<16xf32>,
          %parallel_loop3A_707 = arith.constant 16 : i32
          %parallel_loop3A_708 = arith.muli %parallel_loop3A_406, %parallel_loop3A_707 : i32
          %parallel_loop3A_709 = arith.constant 17 : i32
          %parallel_loop3A_710 = arith.constant 0 : i32
          %parallel_loop3A_711 = arith.constant 0 : i32
          %parallel_loop3A_712 = tpu.memref_slice %arg7[%parallel_loop3A_341, %parallel_loop3A_710, %parallel_loop3A_711] : memref<2x32x512xf32, #tpu.memory_space<vmem>> -> memref<1x32x512xf32, #tpu.memory_space<vmem>>
          %parallel_loop3A_713 = tpu.memref_squeeze %parallel_loop3A_712 : memref<1x32x512xf32, #tpu.memory_space<vmem>> -> memref<32x512xf32, #tpu.memory_space<vmem>>
          %parallel_loop3A_714 = arith.index_cast %parallel_loop3A_709 : i32 to index
          %parallel_loop3A_715 = arith.index_cast %parallel_loop3A_708 : i32 to index
          %parallel_loop3A_716 = tpu.vector_load %parallel_loop3A_713[%parallel_loop3A_714, %parallel_loop3A_715] {strides = array<i32>} : memref<32x512xf32, #tpu.memory_space<vmem>>, vector<16xf32>,
          tpu.vector_store %parallel_loop3A_713[%parallel_loop3A_714, %parallel_loop3A_715], %parallel_loop3A_706 {strides = array<i32>} : memref<32x512xf32, #tpu.memory_space<vmem>>, vector<16xf32>,
          %parallel_loop3A_717 = arith.constant 18 : i32
          %parallel_loop3A_718 = vector.broadcast %parallel_loop3A_717 : i32 to vector<16xi32>
          %parallel_loop3A_719 = arith.constant 0 : i32
          %parallel_loop3A_720 = arith.constant 0 : i32
          %parallel_loop3A_721 = tpu.memref_slice %arg6[%parallel_loop3A_340, %parallel_loop3A_719, %parallel_loop3A_720] : memref<2x512x32xf32, #tpu.memory_space<vmem>> -> memref<1x512x32xf32, #tpu.memory_space<vmem>>
          %parallel_loop3A_722 = tpu.memref_squeeze %parallel_loop3A_721 : memref<1x512x32xf32, #tpu.memory_space<vmem>> -> memref<512x32xf32, #tpu.memory_space<vmem>>
          %parallel_loop3A_723 = tpu.vector_load_idx %parallel_loop3A_722[%parallel_loop3A_410, %parallel_loop3A_718] : memref<512x32xf32, #tpu.memory_space<vmem>>[vector<16xi32>, vector<16xi32>], vector<16xf32>,
          %parallel_loop3A_724 = arith.constant 16 : i32
          %parallel_loop3A_725 = arith.muli %parallel_loop3A_406, %parallel_loop3A_724 : i32
          %parallel_loop3A_726 = arith.constant 18 : i32
          %parallel_loop3A_727 = arith.constant 0 : i32
          %parallel_loop3A_728 = arith.constant 0 : i32
          %parallel_loop3A_729 = tpu.memref_slice %arg7[%parallel_loop3A_341, %parallel_loop3A_727, %parallel_loop3A_728] : memref<2x32x512xf32, #tpu.memory_space<vmem>> -> memref<1x32x512xf32, #tpu.memory_space<vmem>>
          %parallel_loop3A_730 = tpu.memref_squeeze %parallel_loop3A_729 : memref<1x32x512xf32, #tpu.memory_space<vmem>> -> memref<32x512xf32, #tpu.memory_space<vmem>>
          %parallel_loop3A_731 = arith.index_cast %parallel_loop3A_726 : i32 to index
          %parallel_loop3A_732 = arith.index_cast %parallel_loop3A_725 : i32 to index
          %parallel_loop3A_733 = tpu.vector_load %parallel_loop3A_730[%parallel_loop3A_731, %parallel_loop3A_732] {strides = array<i32>} : memref<32x512xf32, #tpu.memory_space<vmem>>, vector<16xf32>,
          tpu.vector_store %parallel_loop3A_730[%parallel_loop3A_731, %parallel_loop3A_732], %parallel_loop3A_723 {strides = array<i32>} : memref<32x512xf32, #tpu.memory_space<vmem>>, vector<16xf32>,
          %parallel_loop3A_734 = arith.constant 19 : i32
          %parallel_loop3A_735 = vector.broadcast %parallel_loop3A_734 : i32 to vector<16xi32>
          %parallel_loop3A_736 = arith.constant 0 : i32
          %parallel_loop3A_737 = arith.constant 0 : i32
          %parallel_loop3A_738 = tpu.memref_slice %arg6[%parallel_loop3A_340, %parallel_loop3A_736, %parallel_loop3A_737] : memref<2x512x32xf32, #tpu.memory_space<vmem>> -> memref<1x512x32xf32, #tpu.memory_space<vmem>>
          %parallel_loop3A_739 = tpu.memref_squeeze %parallel_loop3A_738 : memref<1x512x32xf32, #tpu.memory_space<vmem>> -> memref<512x32xf32, #tpu.memory_space<vmem>>
          %parallel_loop3A_740 = tpu.vector_load_idx %parallel_loop3A_739[%parallel_loop3A_410, %parallel_loop3A_735] : memref<512x32xf32, #tpu.memory_space<vmem>>[vector<16xi32>, vector<16xi32>], vector<16xf32>,
          %parallel_loop3A_741 = arith.constant 16 : i32
          %parallel_loop3A_742 = arith.muli %parallel_loop3A_406, %parallel_loop3A_741 : i32
          %parallel_loop3A_743 = arith.constant 19 : i32
          %parallel_loop3A_744 = arith.constant 0 : i32
          %parallel_loop3A_745 = arith.constant 0 : i32
          %parallel_loop3A_746 = tpu.memref_slice %arg7[%parallel_loop3A_341, %parallel_loop3A_744, %parallel_loop3A_745] : memref<2x32x512xf32, #tpu.memory_space<vmem>> -> memref<1x32x512xf32, #tpu.memory_space<vmem>>
          %parallel_loop3A_747 = tpu.memref_squeeze %parallel_loop3A_746 : memref<1x32x512xf32, #tpu.memory_space<vmem>> -> memref<32x512xf32, #tpu.memory_space<vmem>>
          %parallel_loop3A_748 = arith.index_cast %parallel_loop3A_743 : i32 to index
          %parallel_loop3A_749 = arith.index_cast %parallel_loop3A_742 : i32 to index
          %parallel_loop3A_750 = tpu.vector_load %parallel_loop3A_747[%parallel_loop3A_748, %parallel_loop3A_749] {strides = array<i32>} : memref<32x512xf32, #tpu.memory_space<vmem>>, vector<16xf32>,
          tpu.vector_store %parallel_loop3A_747[%parallel_loop3A_748, %parallel_loop3A_749], %parallel_loop3A_740 {strides = array<i32>} : memref<32x512xf32, #tpu.memory_space<vmem>>, vector<16xf32>,
          %parallel_loop3A_751 = arith.constant 20 : i32
          %parallel_loop3A_752 = vector.broadcast %parallel_loop3A_751 : i32 to vector<16xi32>
          %parallel_loop3A_753 = arith.constant 0 : i32
          %parallel_loop3A_754 = arith.constant 0 : i32
          %parallel_loop3A_755 = tpu.memref_slice %arg6[%parallel_loop3A_340, %parallel_loop3A_753, %parallel_loop3A_754] : memref<2x512x32xf32, #tpu.memory_space<vmem>> -> memref<1x512x32xf32, #tpu.memory_space<vmem>>
          %parallel_loop3A_756 = tpu.memref_squeeze %parallel_loop3A_755 : memref<1x512x32xf32, #tpu.memory_space<vmem>> -> memref<512x32xf32, #tpu.memory_space<vmem>>
          %parallel_loop3A_757 = tpu.vector_load_idx %parallel_loop3A_756[%parallel_loop3A_410, %parallel_loop3A_752] : memref<512x32xf32, #tpu.memory_space<vmem>>[vector<16xi32>, vector<16xi32>], vector<16xf32>,
          %parallel_loop3A_758 = arith.constant 16 : i32
          %parallel_loop3A_759 = arith.muli %parallel_loop3A_406, %parallel_loop3A_758 : i32
          %parallel_loop3A_760 = arith.constant 20 : i32
          %parallel_loop3A_761 = arith.constant 0 : i32
          %parallel_loop3A_762 = arith.constant 0 : i32
          %parallel_loop3A_763 = tpu.memref_slice %arg7[%parallel_loop3A_341, %parallel_loop3A_761, %parallel_loop3A_762] : memref<2x32x512xf32, #tpu.memory_space<vmem>> -> memref<1x32x512xf32, #tpu.memory_space<vmem>>
          %parallel_loop3A_764 = tpu.memref_squeeze %parallel_loop3A_763 : memref<1x32x512xf32, #tpu.memory_space<vmem>> -> memref<32x512xf32, #tpu.memory_space<vmem>>
          %parallel_loop3A_765 = arith.index_cast %parallel_loop3A_760 : i32 to index
          %parallel_loop3A_766 = arith.index_cast %parallel_loop3A_759 : i32 to index
          %parallel_loop3A_767 = tpu.vector_load %parallel_loop3A_764[%parallel_loop3A_765, %parallel_loop3A_766] {strides = array<i32>} : memref<32x512xf32, #tpu.memory_space<vmem>>, vector<16xf32>,
          tpu.vector_store %parallel_loop3A_764[%parallel_loop3A_765, %parallel_loop3A_766], %parallel_loop3A_757 {strides = array<i32>} : memref<32x512xf32, #tpu.memory_space<vmem>>, vector<16xf32>,
          %parallel_loop3A_768 = arith.constant 21 : i32
          %parallel_loop3A_769 = vector.broadcast %parallel_loop3A_768 : i32 to vector<16xi32>
          %parallel_loop3A_770 = arith.constant 0 : i32
          %parallel_loop3A_771 = arith.constant 0 : i32
          %parallel_loop3A_772 = tpu.memref_slice %arg6[%parallel_loop3A_340, %parallel_loop3A_770, %parallel_loop3A_771] : memref<2x512x32xf32, #tpu.memory_space<vmem>> -> memref<1x512x32xf32, #tpu.memory_space<vmem>>
          %parallel_loop3A_773 = tpu.memref_squeeze %parallel_loop3A_772 : memref<1x512x32xf32, #tpu.memory_space<vmem>> -> memref<512x32xf32, #tpu.memory_space<vmem>>
          %parallel_loop3A_774 = tpu.vector_load_idx %parallel_loop3A_773[%parallel_loop3A_410, %parallel_loop3A_769] : memref<512x32xf32, #tpu.memory_space<vmem>>[vector<16xi32>, vector<16xi32>], vector<16xf32>,
          %parallel_loop3A_775 = arith.constant 16 : i32
          %parallel_loop3A_776 = arith.muli %parallel_loop3A_406, %parallel_loop3A_775 : i32
          %parallel_loop3A_777 = arith.constant 21 : i32
          %parallel_loop3A_778 = arith.constant 0 : i32
          %parallel_loop3A_779 = arith.constant 0 : i32
          %parallel_loop3A_780 = tpu.memref_slice %arg7[%parallel_loop3A_341, %parallel_loop3A_778, %parallel_loop3A_779] : memref<2x32x512xf32, #tpu.memory_space<vmem>> -> memref<1x32x512xf32, #tpu.memory_space<vmem>>
          %parallel_loop3A_781 = tpu.memref_squeeze %parallel_loop3A_780 : memref<1x32x512xf32, #tpu.memory_space<vmem>> -> memref<32x512xf32, #tpu.memory_space<vmem>>
          %parallel_loop3A_782 = arith.index_cast %parallel_loop3A_777 : i32 to index
          %parallel_loop3A_783 = arith.index_cast %parallel_loop3A_776 : i32 to index
          %parallel_loop3A_784 = tpu.vector_load %parallel_loop3A_781[%parallel_loop3A_782, %parallel_loop3A_783] {strides = array<i32>} : memref<32x512xf32, #tpu.memory_space<vmem>>, vector<16xf32>,
          tpu.vector_store %parallel_loop3A_781[%parallel_loop3A_782, %parallel_loop3A_783], %parallel_loop3A_774 {strides = array<i32>} : memref<32x512xf32, #tpu.memory_space<vmem>>, vector<16xf32>,
          %parallel_loop3A_785 = arith.constant 22 : i32
          %parallel_loop3A_786 = vector.broadcast %parallel_loop3A_785 : i32 to vector<16xi32>
          %parallel_loop3A_787 = arith.constant 0 : i32
          %parallel_loop3A_788 = arith.constant 0 : i32
          %parallel_loop3A_789 = tpu.memref_slice %arg6[%parallel_loop3A_340, %parallel_loop3A_787, %parallel_loop3A_788] : memref<2x512x32xf32, #tpu.memory_space<vmem>> -> memref<1x512x32xf32, #tpu.memory_space<vmem>>
          %parallel_loop3A_790 = tpu.memref_squeeze %parallel_loop3A_789 : memref<1x512x32xf32, #tpu.memory_space<vmem>> -> memref<512x32xf32, #tpu.memory_space<vmem>>
          %parallel_loop3A_791 = tpu.vector_load_idx %parallel_loop3A_790[%parallel_loop3A_410, %parallel_loop3A_786] : memref<512x32xf32, #tpu.memory_space<vmem>>[vector<16xi32>, vector<16xi32>], vector<16xf32>,
          %parallel_loop3A_792 = arith.constant 16 : i32
          %parallel_loop3A_793 = arith.muli %parallel_loop3A_406, %parallel_loop3A_792 : i32
          %parallel_loop3A_794 = arith.constant 22 : i32
          %parallel_loop3A_795 = arith.constant 0 : i32
          %parallel_loop3A_796 = arith.constant 0 : i32
          %parallel_loop3A_797 = tpu.memref_slice %arg7[%parallel_loop3A_341, %parallel_loop3A_795, %parallel_loop3A_796] : memref<2x32x512xf32, #tpu.memory_space<vmem>> -> memref<1x32x512xf32, #tpu.memory_space<vmem>>
          %parallel_loop3A_798 = tpu.memref_squeeze %parallel_loop3A_797 : memref<1x32x512xf32, #tpu.memory_space<vmem>> -> memref<32x512xf32, #tpu.memory_space<vmem>>
          %parallel_loop3A_799 = arith.index_cast %parallel_loop3A_794 : i32 to index
          %parallel_loop3A_800 = arith.index_cast %parallel_loop3A_793 : i32 to index
          %parallel_loop3A_801 = tpu.vector_load %parallel_loop3A_798[%parallel_loop3A_799, %parallel_loop3A_800] {strides = array<i32>} : memref<32x512xf32, #tpu.memory_space<vmem>>, vector<16xf32>,
          tpu.vector_store %parallel_loop3A_798[%parallel_loop3A_799, %parallel_loop3A_800], %parallel_loop3A_791 {strides = array<i32>} : memref<32x512xf32, #tpu.memory_space<vmem>>, vector<16xf32>,
          %parallel_loop3A_802 = arith.constant 23 : i32
          %parallel_loop3A_803 = vector.broadcast %parallel_loop3A_802 : i32 to vector<16xi32>
          %parallel_loop3A_804 = arith.constant 0 : i32
          %parallel_loop3A_805 = arith.constant 0 : i32
          %parallel_loop3A_806 = tpu.memref_slice %arg6[%parallel_loop3A_340, %parallel_loop3A_804, %parallel_loop3A_805] : memref<2x512x32xf32, #tpu.memory_space<vmem>> -> memref<1x512x32xf32, #tpu.memory_space<vmem>>
          %parallel_loop3A_807 = tpu.memref_squeeze %parallel_loop3A_806 : memref<1x512x32xf32, #tpu.memory_space<vmem>> -> memref<512x32xf32, #tpu.memory_space<vmem>>
          %parallel_loop3A_808 = tpu.vector_load_idx %parallel_loop3A_807[%parallel_loop3A_410, %parallel_loop3A_803] : memref<512x32xf32, #tpu.memory_space<vmem>>[vector<16xi32>, vector<16xi32>], vector<16xf32>,
          %parallel_loop3A_809 = arith.constant 16 : i32
          %parallel_loop3A_810 = arith.muli %parallel_loop3A_406, %parallel_loop3A_809 : i32
          %parallel_loop3A_811 = arith.constant 23 : i32
          %parallel_loop3A_812 = arith.constant 0 : i32
          %parallel_loop3A_813 = arith.constant 0 : i32
          %parallel_loop3A_814 = tpu.memref_slice %arg7[%parallel_loop3A_341, %parallel_loop3A_812, %parallel_loop3A_813] : memref<2x32x512xf32, #tpu.memory_space<vmem>> -> memref<1x32x512xf32, #tpu.memory_space<vmem>>
          %parallel_loop3A_815 = tpu.memref_squeeze %parallel_loop3A_814 : memref<1x32x512xf32, #tpu.memory_space<vmem>> -> memref<32x512xf32, #tpu.memory_space<vmem>>
          %parallel_loop3A_816 = arith.index_cast %parallel_loop3A_811 : i32 to index
          %parallel_loop3A_817 = arith.index_cast %parallel_loop3A_810 : i32 to index
          %parallel_loop3A_818 = tpu.vector_load %parallel_loop3A_815[%parallel_loop3A_816, %parallel_loop3A_817] {strides = array<i32>} : memref<32x512xf32, #tpu.memory_space<vmem>>, vector<16xf32>,
          tpu.vector_store %parallel_loop3A_815[%parallel_loop3A_816, %parallel_loop3A_817], %parallel_loop3A_808 {strides = array<i32>} : memref<32x512xf32, #tpu.memory_space<vmem>>, vector<16xf32>,
          %parallel_loop3A_819 = arith.constant 24 : i32
          %parallel_loop3A_820 = vector.broadcast %parallel_loop3A_819 : i32 to vector<16xi32>
          %parallel_loop3A_821 = arith.constant 0 : i32
          %parallel_loop3A_822 = arith.constant 0 : i32
          %parallel_loop3A_823 = tpu.memref_slice %arg6[%parallel_loop3A_340, %parallel_loop3A_821, %parallel_loop3A_822] : memref<2x512x32xf32, #tpu.memory_space<vmem>> -> memref<1x512x32xf32, #tpu.memory_space<vmem>>
          %parallel_loop3A_824 = tpu.memref_squeeze %parallel_loop3A_823 : memref<1x512x32xf32, #tpu.memory_space<vmem>> -> memref<512x32xf32, #tpu.memory_space<vmem>>
          %parallel_loop3A_825 = tpu.vector_load_idx %parallel_loop3A_824[%parallel_loop3A_410, %parallel_loop3A_820] : memref<512x32xf32, #tpu.memory_space<vmem>>[vector<16xi32>, vector<16xi32>], vector<16xf32>,
          %parallel_loop3A_826 = arith.constant 16 : i32
          %parallel_loop3A_827 = arith.muli %parallel_loop3A_406, %parallel_loop3A_826 : i32
          %parallel_loop3A_828 = arith.constant 24 : i32
          %parallel_loop3A_829 = arith.constant 0 : i32
          %parallel_loop3A_830 = arith.constant 0 : i32
          %parallel_loop3A_831 = tpu.memref_slice %arg7[%parallel_loop3A_341, %parallel_loop3A_829, %parallel_loop3A_830] : memref<2x32x512xf32, #tpu.memory_space<vmem>> -> memref<1x32x512xf32, #tpu.memory_space<vmem>>
          %parallel_loop3A_832 = tpu.memref_squeeze %parallel_loop3A_831 : memref<1x32x512xf32, #tpu.memory_space<vmem>> -> memref<32x512xf32, #tpu.memory_space<vmem>>
          %parallel_loop3A_833 = arith.index_cast %parallel_loop3A_828 : i32 to index
          %parallel_loop3A_834 = arith.index_cast %parallel_loop3A_827 : i32 to index
          %parallel_loop3A_835 = tpu.vector_load %parallel_loop3A_832[%parallel_loop3A_833, %parallel_loop3A_834] {strides = array<i32>} : memref<32x512xf32, #tpu.memory_space<vmem>>, vector<16xf32>,
          tpu.vector_store %parallel_loop3A_832[%parallel_loop3A_833, %parallel_loop3A_834], %parallel_loop3A_825 {strides = array<i32>} : memref<32x512xf32, #tpu.memory_space<vmem>>, vector<16xf32>,
          %parallel_loop3A_836 = arith.constant 25 : i32
          %parallel_loop3A_837 = vector.broadcast %parallel_loop3A_836 : i32 to vector<16xi32>
          %parallel_loop3A_838 = arith.constant 0 : i32
          %parallel_loop3A_839 = arith.constant 0 : i32
          %parallel_loop3A_840 = tpu.memref_slice %arg6[%parallel_loop3A_340, %parallel_loop3A_838, %parallel_loop3A_839] : memref<2x512x32xf32, #tpu.memory_space<vmem>> -> memref<1x512x32xf32, #tpu.memory_space<vmem>>
          %parallel_loop3A_841 = tpu.memref_squeeze %parallel_loop3A_840 : memref<1x512x32xf32, #tpu.memory_space<vmem>> -> memref<512x32xf32, #tpu.memory_space<vmem>>
          %parallel_loop3A_842 = tpu.vector_load_idx %parallel_loop3A_841[%parallel_loop3A_410, %parallel_loop3A_837] : memref<512x32xf32, #tpu.memory_space<vmem>>[vector<16xi32>, vector<16xi32>], vector<16xf32>,
          %parallel_loop3A_843 = arith.constant 16 : i32
          %parallel_loop3A_844 = arith.muli %parallel_loop3A_406, %parallel_loop3A_843 : i32
          %parallel_loop3A_845 = arith.constant 25 : i32
          %parallel_loop3A_846 = arith.constant 0 : i32
          %parallel_loop3A_847 = arith.constant 0 : i32
          %parallel_loop3A_848 = tpu.memref_slice %arg7[%parallel_loop3A_341, %parallel_loop3A_846, %parallel_loop3A_847] : memref<2x32x512xf32, #tpu.memory_space<vmem>> -> memref<1x32x512xf32, #tpu.memory_space<vmem>>
          %parallel_loop3A_849 = tpu.memref_squeeze %parallel_loop3A_848 : memref<1x32x512xf32, #tpu.memory_space<vmem>> -> memref<32x512xf32, #tpu.memory_space<vmem>>
          %parallel_loop3A_850 = arith.index_cast %parallel_loop3A_845 : i32 to index
          %parallel_loop3A_851 = arith.index_cast %parallel_loop3A_844 : i32 to index
          %parallel_loop3A_852 = tpu.vector_load %parallel_loop3A_849[%parallel_loop3A_850, %parallel_loop3A_851] {strides = array<i32>} : memref<32x512xf32, #tpu.memory_space<vmem>>, vector<16xf32>,
          tpu.vector_store %parallel_loop3A_849[%parallel_loop3A_850, %parallel_loop3A_851], %parallel_loop3A_842 {strides = array<i32>} : memref<32x512xf32, #tpu.memory_space<vmem>>, vector<16xf32>,
          %parallel_loop3A_853 = arith.constant 26 : i32
          %parallel_loop3A_854 = vector.broadcast %parallel_loop3A_853 : i32 to vector<16xi32>
          %parallel_loop3A_855 = arith.constant 0 : i32
          %parallel_loop3A_856 = arith.constant 0 : i32
          %parallel_loop3A_857 = tpu.memref_slice %arg6[%parallel_loop3A_340, %parallel_loop3A_855, %parallel_loop3A_856] : memref<2x512x32xf32, #tpu.memory_space<vmem>> -> memref<1x512x32xf32, #tpu.memory_space<vmem>>
          %parallel_loop3A_858 = tpu.memref_squeeze %parallel_loop3A_857 : memref<1x512x32xf32, #tpu.memory_space<vmem>> -> memref<512x32xf32, #tpu.memory_space<vmem>>
          %parallel_loop3A_859 = tpu.vector_load_idx %parallel_loop3A_858[%parallel_loop3A_410, %parallel_loop3A_854] : memref<512x32xf32, #tpu.memory_space<vmem>>[vector<16xi32>, vector<16xi32>], vector<16xf32>,
          %parallel_loop3A_860 = arith.constant 16 : i32
          %parallel_loop3A_861 = arith.muli %parallel_loop3A_406, %parallel_loop3A_860 : i32
          %parallel_loop3A_862 = arith.constant 26 : i32
          %parallel_loop3A_863 = arith.constant 0 : i32
          %parallel_loop3A_864 = arith.constant 0 : i32
          %parallel_loop3A_865 = tpu.memref_slice %arg7[%parallel_loop3A_341, %parallel_loop3A_863, %parallel_loop3A_864] : memref<2x32x512xf32, #tpu.memory_space<vmem>> -> memref<1x32x512xf32, #tpu.memory_space<vmem>>
          %parallel_loop3A_866 = tpu.memref_squeeze %parallel_loop3A_865 : memref<1x32x512xf32, #tpu.memory_space<vmem>> -> memref<32x512xf32, #tpu.memory_space<vmem>>
          %parallel_loop3A_867 = arith.index_cast %parallel_loop3A_862 : i32 to index
          %parallel_loop3A_868 = arith.index_cast %parallel_loop3A_861 : i32 to index
          %parallel_loop3A_869 = tpu.vector_load %parallel_loop3A_866[%parallel_loop3A_867, %parallel_loop3A_868] {strides = array<i32>} : memref<32x512xf32, #tpu.memory_space<vmem>>, vector<16xf32>,
          tpu.vector_store %parallel_loop3A_866[%parallel_loop3A_867, %parallel_loop3A_868], %parallel_loop3A_859 {strides = array<i32>} : memref<32x512xf32, #tpu.memory_space<vmem>>, vector<16xf32>,
          %parallel_loop3A_870 = arith.constant 27 : i32
          %parallel_loop3A_871 = vector.broadcast %parallel_loop3A_870 : i32 to vector<16xi32>
          %parallel_loop3A_872 = arith.constant 0 : i32
          %parallel_loop3A_873 = arith.constant 0 : i32
          %parallel_loop3A_874 = tpu.memref_slice %arg6[%parallel_loop3A_340, %parallel_loop3A_872, %parallel_loop3A_873] : memref<2x512x32xf32, #tpu.memory_space<vmem>> -> memref<1x512x32xf32, #tpu.memory_space<vmem>>
          %parallel_loop3A_875 = tpu.memref_squeeze %parallel_loop3A_874 : memref<1x512x32xf32, #tpu.memory_space<vmem>> -> memref<512x32xf32, #tpu.memory_space<vmem>>
          %parallel_loop3A_876 = tpu.vector_load_idx %parallel_loop3A_875[%parallel_loop3A_410, %parallel_loop3A_871] : memref<512x32xf32, #tpu.memory_space<vmem>>[vector<16xi32>, vector<16xi32>], vector<16xf32>,
          %parallel_loop3A_877 = arith.constant 16 : i32
          %parallel_loop3A_878 = arith.muli %parallel_loop3A_406, %parallel_loop3A_877 : i32
          %parallel_loop3A_879 = arith.constant 27 : i32
          %parallel_loop3A_880 = arith.constant 0 : i32
          %parallel_loop3A_881 = arith.constant 0 : i32
          %parallel_loop3A_882 = tpu.memref_slice %arg7[%parallel_loop3A_341, %parallel_loop3A_880, %parallel_loop3A_881] : memref<2x32x512xf32, #tpu.memory_space<vmem>> -> memref<1x32x512xf32, #tpu.memory_space<vmem>>
          %parallel_loop3A_883 = tpu.memref_squeeze %parallel_loop3A_882 : memref<1x32x512xf32, #tpu.memory_space<vmem>> -> memref<32x512xf32, #tpu.memory_space<vmem>>
          %parallel_loop3A_884 = arith.index_cast %parallel_loop3A_879 : i32 to index
          %parallel_loop3A_885 = arith.index_cast %parallel_loop3A_878 : i32 to index
          %parallel_loop3A_886 = tpu.vector_load %parallel_loop3A_883[%parallel_loop3A_884, %parallel_loop3A_885] {strides = array<i32>} : memref<32x512xf32, #tpu.memory_space<vmem>>, vector<16xf32>,
          tpu.vector_store %parallel_loop3A_883[%parallel_loop3A_884, %parallel_loop3A_885], %parallel_loop3A_876 {strides = array<i32>} : memref<32x512xf32, #tpu.memory_space<vmem>>, vector<16xf32>,
          %parallel_loop3A_887 = arith.constant 28 : i32
          %parallel_loop3A_888 = vector.broadcast %parallel_loop3A_887 : i32 to vector<16xi32>
          %parallel_loop3A_889 = arith.constant 0 : i32
          %parallel_loop3A_890 = arith.constant 0 : i32
          %parallel_loop3A_891 = tpu.memref_slice %arg6[%parallel_loop3A_340, %parallel_loop3A_889, %parallel_loop3A_890] : memref<2x512x32xf32, #tpu.memory_space<vmem>> -> memref<1x512x32xf32, #tpu.memory_space<vmem>>
          %parallel_loop3A_892 = tpu.memref_squeeze %parallel_loop3A_891 : memref<1x512x32xf32, #tpu.memory_space<vmem>> -> memref<512x32xf32, #tpu.memory_space<vmem>>
          %parallel_loop3A_893 = tpu.vector_load_idx %parallel_loop3A_892[%parallel_loop3A_410, %parallel_loop3A_888] : memref<512x32xf32, #tpu.memory_space<vmem>>[vector<16xi32>, vector<16xi32>], vector<16xf32>,
          %parallel_loop3A_894 = arith.constant 16 : i32
          %parallel_loop3A_895 = arith.muli %parallel_loop3A_406, %parallel_loop3A_894 : i32
          %parallel_loop3A_896 = arith.constant 28 : i32
          %parallel_loop3A_897 = arith.constant 0 : i32
          %parallel_loop3A_898 = arith.constant 0 : i32
          %parallel_loop3A_899 = tpu.memref_slice %arg7[%parallel_loop3A_341, %parallel_loop3A_897, %parallel_loop3A_898] : memref<2x32x512xf32, #tpu.memory_space<vmem>> -> memref<1x32x512xf32, #tpu.memory_space<vmem>>
          %parallel_loop3A_900 = tpu.memref_squeeze %parallel_loop3A_899 : memref<1x32x512xf32, #tpu.memory_space<vmem>> -> memref<32x512xf32, #tpu.memory_space<vmem>>
          %parallel_loop3A_901 = arith.index_cast %parallel_loop3A_896 : i32 to index
          %parallel_loop3A_902 = arith.index_cast %parallel_loop3A_895 : i32 to index
          %parallel_loop3A_903 = tpu.vector_load %parallel_loop3A_900[%parallel_loop3A_901, %parallel_loop3A_902] {strides = array<i32>} : memref<32x512xf32, #tpu.memory_space<vmem>>, vector<16xf32>,
          tpu.vector_store %parallel_loop3A_900[%parallel_loop3A_901, %parallel_loop3A_902], %parallel_loop3A_893 {strides = array<i32>} : memref<32x512xf32, #tpu.memory_space<vmem>>, vector<16xf32>,
          %parallel_loop3A_904 = arith.constant 29 : i32
          %parallel_loop3A_905 = vector.broadcast %parallel_loop3A_904 : i32 to vector<16xi32>
          %parallel_loop3A_906 = arith.constant 0 : i32
          %parallel_loop3A_907 = arith.constant 0 : i32
          %parallel_loop3A_908 = tpu.memref_slice %arg6[%parallel_loop3A_340, %parallel_loop3A_906, %parallel_loop3A_907] : memref<2x512x32xf32, #tpu.memory_space<vmem>> -> memref<1x512x32xf32, #tpu.memory_space<vmem>>
          %parallel_loop3A_909 = tpu.memref_squeeze %parallel_loop3A_908 : memref<1x512x32xf32, #tpu.memory_space<vmem>> -> memref<512x32xf32, #tpu.memory_space<vmem>>
          %parallel_loop3A_910 = tpu.vector_load_idx %parallel_loop3A_909[%parallel_loop3A_410, %parallel_loop3A_905] : memref<512x32xf32, #tpu.memory_space<vmem>>[vector<16xi32>, vector<16xi32>], vector<16xf32>,
          %parallel_loop3A_911 = arith.constant 16 : i32
          %parallel_loop3A_912 = arith.muli %parallel_loop3A_406, %parallel_loop3A_911 : i32
          %parallel_loop3A_913 = arith.constant 29 : i32
          %parallel_loop3A_914 = arith.constant 0 : i32
          %parallel_loop3A_915 = arith.constant 0 : i32
          %parallel_loop3A_916 = tpu.memref_slice %arg7[%parallel_loop3A_341, %parallel_loop3A_914, %parallel_loop3A_915] : memref<2x32x512xf32, #tpu.memory_space<vmem>> -> memref<1x32x512xf32, #tpu.memory_space<vmem>>
          %parallel_loop3A_917 = tpu.memref_squeeze %parallel_loop3A_916 : memref<1x32x512xf32, #tpu.memory_space<vmem>> -> memref<32x512xf32, #tpu.memory_space<vmem>>
          %parallel_loop3A_918 = arith.index_cast %parallel_loop3A_913 : i32 to index
          %parallel_loop3A_919 = arith.index_cast %parallel_loop3A_912 : i32 to index
          %parallel_loop3A_920 = tpu.vector_load %parallel_loop3A_917[%parallel_loop3A_918, %parallel_loop3A_919] {strides = array<i32>} : memref<32x512xf32, #tpu.memory_space<vmem>>, vector<16xf32>,
          tpu.vector_store %parallel_loop3A_917[%parallel_loop3A_918, %parallel_loop3A_919], %parallel_loop3A_910 {strides = array<i32>} : memref<32x512xf32, #tpu.memory_space<vmem>>, vector<16xf32>,
          %parallel_loop3A_921 = arith.constant 30 : i32
          %parallel_loop3A_922 = vector.broadcast %parallel_loop3A_921 : i32 to vector<16xi32>
          %parallel_loop3A_923 = arith.constant 0 : i32
          %parallel_loop3A_924 = arith.constant 0 : i32
          %parallel_loop3A_925 = tpu.memref_slice %arg6[%parallel_loop3A_340, %parallel_loop3A_923, %parallel_loop3A_924] : memref<2x512x32xf32, #tpu.memory_space<vmem>> -> memref<1x512x32xf32, #tpu.memory_space<vmem>>
          %parallel_loop3A_926 = tpu.memref_squeeze %parallel_loop3A_925 : memref<1x512x32xf32, #tpu.memory_space<vmem>> -> memref<512x32xf32, #tpu.memory_space<vmem>>
          %parallel_loop3A_927 = tpu.vector_load_idx %parallel_loop3A_926[%parallel_loop3A_410, %parallel_loop3A_922] : memref<512x32xf32, #tpu.memory_space<vmem>>[vector<16xi32>, vector<16xi32>], vector<16xf32>,
          %parallel_loop3A_928 = arith.constant 16 : i32
          %parallel_loop3A_929 = arith.muli %parallel_loop3A_406, %parallel_loop3A_928 : i32
          %parallel_loop3A_930 = arith.constant 30 : i32
          %parallel_loop3A_931 = arith.constant 0 : i32
          %parallel_loop3A_932 = arith.constant 0 : i32
          %parallel_loop3A_933 = tpu.memref_slice %arg7[%parallel_loop3A_341, %parallel_loop3A_931, %parallel_loop3A_932] : memref<2x32x512xf32, #tpu.memory_space<vmem>> -> memref<1x32x512xf32, #tpu.memory_space<vmem>>
          %parallel_loop3A_934 = tpu.memref_squeeze %parallel_loop3A_933 : memref<1x32x512xf32, #tpu.memory_space<vmem>> -> memref<32x512xf32, #tpu.memory_space<vmem>>
          %parallel_loop3A_935 = arith.index_cast %parallel_loop3A_930 : i32 to index
          %parallel_loop3A_936 = arith.index_cast %parallel_loop3A_929 : i32 to index
          %parallel_loop3A_937 = tpu.vector_load %parallel_loop3A_934[%parallel_loop3A_935, %parallel_loop3A_936] {strides = array<i32>} : memref<32x512xf32, #tpu.memory_space<vmem>>, vector<16xf32>,
          tpu.vector_store %parallel_loop3A_934[%parallel_loop3A_935, %parallel_loop3A_936], %parallel_loop3A_927 {strides = array<i32>} : memref<32x512xf32, #tpu.memory_space<vmem>>, vector<16xf32>,
          %parallel_loop3A_938 = arith.constant 31 : i32
          %parallel_loop3A_939 = vector.broadcast %parallel_loop3A_938 : i32 to vector<16xi32>
          %parallel_loop3A_940 = arith.constant 0 : i32
          %parallel_loop3A_941 = arith.constant 0 : i32
          %parallel_loop3A_942 = tpu.memref_slice %arg6[%parallel_loop3A_340, %parallel_loop3A_940, %parallel_loop3A_941] : memref<2x512x32xf32, #tpu.memory_space<vmem>> -> memref<1x512x32xf32, #tpu.memory_space<vmem>>
          %parallel_loop3A_943 = tpu.memref_squeeze %parallel_loop3A_942 : memref<1x512x32xf32, #tpu.memory_space<vmem>> -> memref<512x32xf32, #tpu.memory_space<vmem>>
          %parallel_loop3A_944 = tpu.vector_load_idx %parallel_loop3A_943[%parallel_loop3A_410, %parallel_loop3A_939] : memref<512x32xf32, #tpu.memory_space<vmem>>[vector<16xi32>, vector<16xi32>], vector<16xf32>,
          %parallel_loop3A_945 = arith.constant 16 : i32
          %parallel_loop3A_946 = arith.muli %parallel_loop3A_406, %parallel_loop3A_945 : i32
          %parallel_loop3A_947 = arith.constant 31 : i32
          %parallel_loop3A_948 = arith.constant 0 : i32
          %parallel_loop3A_949 = arith.constant 0 : i32
          %parallel_loop3A_950 = tpu.memref_slice %arg7[%parallel_loop3A_341, %parallel_loop3A_948, %parallel_loop3A_949] : memref<2x32x512xf32, #tpu.memory_space<vmem>> -> memref<1x32x512xf32, #tpu.memory_space<vmem>>
          %parallel_loop3A_951 = tpu.memref_squeeze %parallel_loop3A_950 : memref<1x32x512xf32, #tpu.memory_space<vmem>> -> memref<32x512xf32, #tpu.memory_space<vmem>>
          %parallel_loop3A_952 = arith.index_cast %parallel_loop3A_947 : i32 to index
          %parallel_loop3A_953 = arith.index_cast %parallel_loop3A_946 : i32 to index
          %parallel_loop3A_954 = tpu.vector_load %parallel_loop3A_951[%parallel_loop3A_952, %parallel_loop3A_953] {strides = array<i32>} : memref<32x512xf32, #tpu.memory_space<vmem>>, vector<16xf32>,
          tpu.vector_store %parallel_loop3A_951[%parallel_loop3A_952, %parallel_loop3A_953], %parallel_loop3A_944 {strides = array<i32>} : memref<32x512xf32, #tpu.memory_space<vmem>>, vector<16xf32>,
        } {sc.loop_unroll_factor = 4 : i64, sc.parallel_access}
        %add3A_342 = arith.addi %mul3A_2, %scan3A_302 : i32
        %jit3A_343 = arith.constant 32 : i32
        %div3A_344 = arith.divsi %add3A_342, %jit3A_343 : i32
        %sign3A_345 = arith.constant 0 : i32
        %sign3A_346 = arith.cmpi sgt, %add3A_342, %sign3A_345 : i32
        %sign3A_347 = arith.extui %sign3A_346 : i1 to i32
        %sign3A_348 = arith.constant 0 : i32
        %sign3A_349 = arith.cmpi slt, %add3A_342, %sign3A_348 : i32
        %sign3A_350 = arith.extui %sign3A_349 : i1 to i32
        %sign3A_351 = arith.subi %sign3A_347, %sign3A_350 : i32
        %sign3A_352 = arith.constant 0 : i32
        %sign3A_353 = arith.cmpi sgt, %jit3A_343, %sign3A_352 : i32
        %sign3A_354 = arith.extui %sign3A_353 : i1 to i32
        %sign3A_355 = arith.constant 0 : i32
        %sign3A_356 = arith.cmpi slt, %jit3A_343, %sign3A_355 : i32
        %sign3A_357 = arith.extui %sign3A_356 : i1 to i32
        %sign3A_358 = arith.subi %sign3A_354, %sign3A_357 : i32
        %ne3A_359 = arith.cmpi ne, %sign3A_351, %sign3A_358 : i32
        %rem3A_360 = arith.remsi %add3A_342, %jit3A_343 : i32
        %ne3A_361 = arith.constant 0 : i32
        %ne3A_362 = arith.cmpi ne, %rem3A_360, %ne3A_361 : i32
        %and3A_363 = arith.andi %ne3A_359, %ne3A_362 : i1
        %sub3A_364 = arith.constant 1 : i32
        %sub3A_365 = arith.subi %div3A_344, %sub3A_364 : i32
        %select_n3A_366 = arith.select %and3A_363, %sub3A_365, %div3A_344 : i32
        %jit3A_367 = arith.constant 32 : i32
        %eq3A_368 = arith.constant 0 : i32
        %eq3A_369 = arith.cmpi eq, %jit3A_367, %eq3A_368 : i32
        %jit3A_370 = arith.constant 1 : i32
        %select_n3A_371 = arith.select %eq3A_369, %jit3A_370, %jit3A_367 : i32
        %rem3A_372 = arith.remsi %add3A_342, %select_n3A_371 : i32
        %ne3A_373 = arith.constant 0 : i32
        %ne3A_374 = arith.cmpi ne, %rem3A_372, %ne3A_373 : i32
        %lt3A_375 = arith.constant 0 : i32
        %lt3A_376 = arith.cmpi slt, %rem3A_372, %lt3A_375 : i32
        %lt3A_377 = arith.constant 0 : i32
        %lt3A_378 = arith.cmpi slt, %select_n3A_371, %lt3A_377 : i32
        %ne3A_379 = arith.xori %lt3A_376, %lt3A_378 : i1
        %and3A_380 = arith.andi %ne3A_379, %ne3A_374 : i1
        %add3A_381 = arith.addi %rem3A_372, %select_n3A_371 : i32
        %select_n3A_382 = arith.select %and3A_380, %add3A_381, %rem3A_372 : i32
        %mul3A_383 = arith.constant 512 : i32
        %mul3A_384 = arith.muli %select_n3A_382, %mul3A_383 : i32
        %dma_start3A_385 = arith.constant 1 : i32
        %dma_start3A_386 = arith.constant 0 : i32
        %dma_start3A_387 = arith.constant 0 : i32
        %dma_start3A_388 = tpu.memref_slice %arg7[%dma_start3A_385, %dma_start3A_386, %dma_start3A_387] : memref<2x32x512xf32, #tpu.memory_space<vmem>> -> memref<1x32x512xf32, #tpu.memory_space<vmem>>
        %dma_start3A_389 = tpu.memref_squeeze %dma_start3A_388 : memref<1x32x512xf32, #tpu.memory_space<vmem>> -> memref<32x512xf32, #tpu.memory_space<vmem>>
        %dma_start3A_390 = arith.constant 0 : i32
        %dma_start3A_391 = arith.constant 0 : i32
        %dma_start3A_392 = tpu.memref_slice %arg4[%select_n3A_366, %dma_start3A_390, %dma_start3A_391] : memref<50x32x16384xf32, #tpu.memory_space<hbm>> -> memref<1x32x16384xf32, #tpu.memory_space<hbm>>
        %dma_start3A_393 = tpu.memref_squeeze %dma_start3A_392 : memref<1x32x16384xf32, #tpu.memory_space<hbm>> -> memref<32x16384xf32, #tpu.memory_space<hbm>>
        %dma_start3A_394 = arith.constant 0 : i32
        %dma_start3A_395 = tpu.memref_slice %dma_start3A_393[%dma_start3A_394, %mul3A_384] : memref<32x16384xf32, #tpu.memory_space<hbm>> -> memref<32x512xf32, #tpu.memory_space<hbm>>
        %dma_start3A_396 = arith.constant 0 : i32
        %dma_start3A_397 = arith.constant 0 : i32
        %dma_start3A_398 = tpu.memref_slice %arg4[%select_n3A_366, %dma_start3A_396, %dma_start3A_397] : memref<50x32x16384xf32, #tpu.memory_space<hbm>> -> memref<1x32x16384xf32, #tpu.memory_space<hbm>>
        %dma_start3A_399 = tpu.memref_squeeze %dma_start3A_398 : memref<1x32x16384xf32, #tpu.memory_space<hbm>> -> memref<32x16384xf32, #tpu.memory_space<hbm>>
        %dma_start3A_400 = arith.constant 0 : i32
        %dma_start3A_401 = tpu.memref_slice %dma_start3A_399[%dma_start3A_400, %mul3A_384] : memref<32x16384xf32, #tpu.memory_space<hbm>> -> memref<32x512xf32, #tpu.memory_space<hbm>>
        %dma_start3A_402 = arith.constant 0 : i32
        %dma_start3A_403 = arith.constant 0 : i32
        %dma_start3A_404 = tpu.memref_slice %arg7[%dma_start3A_385, %dma_start3A_402, %dma_start3A_403] : memref<2x32x512xf32, #tpu.memory_space<vmem>> -> memref<1x32x512xf32, #tpu.memory_space<vmem>>
        %dma_start3A_405 = tpu.memref_squeeze %dma_start3A_404 : memref<1x32x512xf32, #tpu.memory_space<vmem>> -> memref<32x512xf32, #tpu.memory_space<vmem>>
        tpu.enqueue_dma source(%dma_start3A_405 : memref<32x512xf32, #tpu.memory_space<vmem>>) target(%dma_start3A_401 : memref<32x512xf32, #tpu.memory_space<hbm>>) target_semaphore(%arg13 : memref<!tpu.dma_semaphore, #tpu.memory_space<semaphore_mem>>)
      } else {
      }
      %add3A_331 = arith.constant 1 : i32
      %add3A_332 = arith.addi %scan3A_302, %add3A_331 : i32
      %lt3A_333 = arith.constant 50 : i32
      %lt3A_334 = arith.cmpi slt, %add3A_332, %lt3A_333 : i32
      %convert_element_type3A_335 = arith.extui %lt3A_334 : i1 to i32
      %cond3A_336 = arith.constant 0 : i32
      %cond3A_337 = arith.cmpi ne, %convert_element_type3A_335, %cond3A_336 : i32
      scf.if %cond3A_337 {
        %eq3A_338 = arith.constant 0 : i32
        %eq3A_339 = arith.cmpi eq, %rem3A_304, %eq3A_338 : i32
        %convert_element_type3A_340 = arith.extui %eq3A_339 : i1 to i32
        %cond3A_341 = arith.constant 0 : i32
        %cond3A_342 = arith.cmpi ne, %convert_element_type3A_340, %cond3A_341 : i32
        scf.if %cond3A_342 {
          %dma_wait3A_348 = arith.constant 1 : i32
          %dma_wait3A_349 = arith.constant 1 : i32
          %dma_wait3A_350 = arith.constant 0 : i32
          %dma_wait3A_351 = arith.constant 0 : i32
          %dma_wait3A_352 = tpu.memref_slice %arg6[%dma_wait3A_349, %dma_wait3A_350, %dma_wait3A_351] : memref<2x512x32xf32, #tpu.memory_space<vmem>> -> memref<1x512x32xf32, #tpu.memory_space<vmem>>
          %dma_wait3A_353 = tpu.memref_squeeze %dma_wait3A_352 : memref<1x512x32xf32, #tpu.memory_space<vmem>> -> memref<512x32xf32, #tpu.memory_space<vmem>>
          %dma_wait3A_354 = arith.constant 0 : i32
          %dma_wait3A_355 = arith.constant 0 : i32
          %dma_wait3A_356 = tpu.memref_slice %dma_wait3A_353[%dma_wait3A_354, %dma_wait3A_355] : memref<512x32xf32, #tpu.memory_space<vmem>> -> memref<128x32xf32, #tpu.memory_space<vmem>>
          %dma_wait3A_357 = arith.constant 0 : i32
          %dma_wait3A_358 = tpu.memref_slice %arg5[%dma_wait3A_348, %dma_wait3A_357] : memref<2x512xi32, #tpu.memory_space<vmem>> -> memref<1x512xi32, #tpu.memory_space<vmem>>
          %dma_wait3A_359 = tpu.memref_squeeze %dma_wait3A_358 : memref<1x512xi32, #tpu.memory_space<vmem>> -> memref<512xi32, #tpu.memory_space<vmem>>
          %dma_wait3A_360 = arith.constant 0 : i32
          %dma_wait3A_361 = tpu.memref_slice %dma_wait3A_359[%dma_wait3A_360] : memref<512xi32, #tpu.memory_space<vmem>> -> memref<128xi32, #tpu.memory_space<vmem>>
          %dma_wait3A_362 = arith.constant 0 : i32
          %dma_wait3A_363 = arith.constant 0 : i32
          %dma_wait3A_364 = tpu.memref_slice %arg3[%dma_wait3A_362, %dma_wait3A_363] : memref<1000000x32xf32, #tpu.memory_space<hbm>> -> memref<1000000x32xf32, #tpu.memory_space<hbm>>
          tpu.wait_indirect_dma semaphore(%arg11 : memref<!tpu.dma_semaphore, #tpu.memory_space<semaphore_mem>>) src(%dma_wait3A_364 : memref<1000000x32xf32, #tpu.memory_space<hbm>>) dst(%dma_wait3A_356 : memref<128x32xf32, #tpu.memory_space<vmem>>)
          %dma_wait3A_365 = arith.constant 1 : i32
          %dma_wait3A_366 = arith.constant 1 : i32
          %dma_wait3A_367 = arith.constant 0 : i32
          %dma_wait3A_368 = arith.constant 0 : i32
          %dma_wait3A_369 = tpu.memref_slice %arg6[%dma_wait3A_366, %dma_wait3A_367, %dma_wait3A_368] : memref<2x512x32xf32, #tpu.memory_space<vmem>> -> memref<1x512x32xf32, #tpu.memory_space<vmem>>
          %dma_wait3A_370 = tpu.memref_squeeze %dma_wait3A_369 : memref<1x512x32xf32, #tpu.memory_space<vmem>> -> memref<512x32xf32, #tpu.memory_space<vmem>>
          %dma_wait3A_371 = arith.constant 128 : i32
          %dma_wait3A_372 = arith.constant 0 : i32
          %dma_wait3A_373 = tpu.memref_slice %dma_wait3A_370[%dma_wait3A_371, %dma_wait3A_372] : memref<512x32xf32, #tpu.memory_space<vmem>> -> memref<128x32xf32, #tpu.memory_space<vmem>>
          %dma_wait3A_374 = arith.constant 0 : i32
          %dma_wait3A_375 = tpu.memref_slice %arg5[%dma_wait3A_365, %dma_wait3A_374] : memref<2x512xi32, #tpu.memory_space<vmem>> -> memref<1x512xi32, #tpu.memory_space<vmem>>
          %dma_wait3A_376 = tpu.memref_squeeze %dma_wait3A_375 : memref<1x512xi32, #tpu.memory_space<vmem>> -> memref<512xi32, #tpu.memory_space<vmem>>
          %dma_wait3A_377 = arith.constant 128 : i32
          %dma_wait3A_378 = tpu.memref_slice %dma_wait3A_376[%dma_wait3A_377] : memref<512xi32, #tpu.memory_space<vmem>> -> memref<128xi32, #tpu.memory_space<vmem>>
          %dma_wait3A_379 = arith.constant 0 : i32
          %dma_wait3A_380 = arith.constant 0 : i32
          %dma_wait3A_381 = tpu.memref_slice %arg3[%dma_wait3A_379, %dma_wait3A_380] : memref<1000000x32xf32, #tpu.memory_space<hbm>> -> memref<1000000x32xf32, #tpu.memory_space<hbm>>
          tpu.wait_indirect_dma semaphore(%arg11 : memref<!tpu.dma_semaphore, #tpu.memory_space<semaphore_mem>>) src(%dma_wait3A_381 : memref<1000000x32xf32, #tpu.memory_space<hbm>>) dst(%dma_wait3A_373 : memref<128x32xf32, #tpu.memory_space<vmem>>)
          %dma_wait3A_382 = arith.constant 1 : i32
          %dma_wait3A_383 = arith.constant 1 : i32
          %dma_wait3A_384 = arith.constant 0 : i32
          %dma_wait3A_385 = arith.constant 0 : i32
          %dma_wait3A_386 = tpu.memref_slice %arg6[%dma_wait3A_383, %dma_wait3A_384, %dma_wait3A_385] : memref<2x512x32xf32, #tpu.memory_space<vmem>> -> memref<1x512x32xf32, #tpu.memory_space<vmem>>
          %dma_wait3A_387 = tpu.memref_squeeze %dma_wait3A_386 : memref<1x512x32xf32, #tpu.memory_space<vmem>> -> memref<512x32xf32, #tpu.memory_space<vmem>>
          %dma_wait3A_388 = arith.constant 256 : i32
          %dma_wait3A_389 = arith.constant 0 : i32
          %dma_wait3A_390 = tpu.memref_slice %dma_wait3A_387[%dma_wait3A_388, %dma_wait3A_389] : memref<512x32xf32, #tpu.memory_space<vmem>> -> memref<128x32xf32, #tpu.memory_space<vmem>>
          %dma_wait3A_391 = arith.constant 0 : i32
          %dma_wait3A_392 = tpu.memref_slice %arg5[%dma_wait3A_382, %dma_wait3A_391] : memref<2x512xi32, #tpu.memory_space<vmem>> -> memref<1x512xi32, #tpu.memory_space<vmem>>
          %dma_wait3A_393 = tpu.memref_squeeze %dma_wait3A_392 : memref<1x512xi32, #tpu.memory_space<vmem>> -> memref<512xi32, #tpu.memory_space<vmem>>
          %dma_wait3A_394 = arith.constant 256 : i32
          %dma_wait3A_395 = tpu.memref_slice %dma_wait3A_393[%dma_wait3A_394] : memref<512xi32, #tpu.memory_space<vmem>> -> memref<128xi32, #tpu.memory_space<vmem>>
          %dma_wait3A_396 = arith.constant 0 : i32
          %dma_wait3A_397 = arith.constant 0 : i32
          %dma_wait3A_398 = tpu.memref_slice %arg3[%dma_wait3A_396, %dma_wait3A_397] : memref<1000000x32xf32, #tpu.memory_space<hbm>> -> memref<1000000x32xf32, #tpu.memory_space<hbm>>
          tpu.wait_indirect_dma semaphore(%arg11 : memref<!tpu.dma_semaphore, #tpu.memory_space<semaphore_mem>>) src(%dma_wait3A_398 : memref<1000000x32xf32, #tpu.memory_space<hbm>>) dst(%dma_wait3A_390 : memref<128x32xf32, #tpu.memory_space<vmem>>)
          %dma_wait3A_399 = arith.constant 1 : i32
          %dma_wait3A_400 = arith.constant 1 : i32
          %dma_wait3A_401 = arith.constant 0 : i32
          %dma_wait3A_402 = arith.constant 0 : i32
          %dma_wait3A_403 = tpu.memref_slice %arg6[%dma_wait3A_400, %dma_wait3A_401, %dma_wait3A_402] : memref<2x512x32xf32, #tpu.memory_space<vmem>> -> memref<1x512x32xf32, #tpu.memory_space<vmem>>
          %dma_wait3A_404 = tpu.memref_squeeze %dma_wait3A_403 : memref<1x512x32xf32, #tpu.memory_space<vmem>> -> memref<512x32xf32, #tpu.memory_space<vmem>>
          %dma_wait3A_405 = arith.constant 384 : i32
          %dma_wait3A_406 = arith.constant 0 : i32
          %dma_wait3A_407 = tpu.memref_slice %dma_wait3A_404[%dma_wait3A_405, %dma_wait3A_406] : memref<512x32xf32, #tpu.memory_space<vmem>> -> memref<128x32xf32, #tpu.memory_space<vmem>>
          %dma_wait3A_408 = arith.constant 0 : i32
          %dma_wait3A_409 = tpu.memref_slice %arg5[%dma_wait3A_399, %dma_wait3A_408] : memref<2x512xi32, #tpu.memory_space<vmem>> -> memref<1x512xi32, #tpu.memory_space<vmem>>
          %dma_wait3A_410 = tpu.memref_squeeze %dma_wait3A_409 : memref<1x512xi32, #tpu.memory_space<vmem>> -> memref<512xi32, #tpu.memory_space<vmem>>
          %dma_wait3A_411 = arith.constant 384 : i32
          %dma_wait3A_412 = tpu.memref_slice %dma_wait3A_410[%dma_wait3A_411] : memref<512xi32, #tpu.memory_space<vmem>> -> memref<128xi32, #tpu.memory_space<vmem>>
          %dma_wait3A_413 = arith.constant 0 : i32
          %dma_wait3A_414 = arith.constant 0 : i32
          %dma_wait3A_415 = tpu.memref_slice %arg3[%dma_wait3A_413, %dma_wait3A_414] : memref<1000000x32xf32, #tpu.memory_space<hbm>> -> memref<1000000x32xf32, #tpu.memory_space<hbm>>
          tpu.wait_indirect_dma semaphore(%arg11 : memref<!tpu.dma_semaphore, #tpu.memory_space<semaphore_mem>>) src(%dma_wait3A_415 : memref<1000000x32xf32, #tpu.memory_space<hbm>>) dst(%dma_wait3A_407 : memref<128x32xf32, #tpu.memory_space<vmem>>)
        } else {
        }
        %eq3A_343 = arith.constant 1 : i32
        %eq3A_344 = arith.cmpi eq, %rem3A_304, %eq3A_343 : i32
        %convert_element_type3A_345 = arith.extui %eq3A_344 : i1 to i32
        %cond3A_346 = arith.constant 0 : i32
        %cond3A_347 = arith.cmpi ne, %convert_element_type3A_345, %cond3A_346 : i32
        scf.if %cond3A_347 {
          %dma_wait3A_348 = arith.constant 0 : i32
          %dma_wait3A_349 = arith.constant 0 : i32
          %dma_wait3A_350 = arith.constant 0 : i32
          %dma_wait3A_351 = arith.constant 0 : i32
          %dma_wait3A_352 = tpu.memref_slice %arg6[%dma_wait3A_349, %dma_wait3A_350, %dma_wait3A_351] : memref<2x512x32xf32, #tpu.memory_space<vmem>> -> memref<1x512x32xf32, #tpu.memory_space<vmem>>
          %dma_wait3A_353 = tpu.memref_squeeze %dma_wait3A_352 : memref<1x512x32xf32, #tpu.memory_space<vmem>> -> memref<512x32xf32, #tpu.memory_space<vmem>>
          %dma_wait3A_354 = arith.constant 0 : i32
          %dma_wait3A_355 = arith.constant 0 : i32
          %dma_wait3A_356 = tpu.memref_slice %dma_wait3A_353[%dma_wait3A_354, %dma_wait3A_355] : memref<512x32xf32, #tpu.memory_space<vmem>> -> memref<128x32xf32, #tpu.memory_space<vmem>>
          %dma_wait3A_357 = arith.constant 0 : i32
          %dma_wait3A_358 = tpu.memref_slice %arg5[%dma_wait3A_348, %dma_wait3A_357] : memref<2x512xi32, #tpu.memory_space<vmem>> -> memref<1x512xi32, #tpu.memory_space<vmem>>
          %dma_wait3A_359 = tpu.memref_squeeze %dma_wait3A_358 : memref<1x512xi32, #tpu.memory_space<vmem>> -> memref<512xi32, #tpu.memory_space<vmem>>
          %dma_wait3A_360 = arith.constant 0 : i32
          %dma_wait3A_361 = tpu.memref_slice %dma_wait3A_359[%dma_wait3A_360] : memref<512xi32, #tpu.memory_space<vmem>> -> memref<128xi32, #tpu.memory_space<vmem>>
          %dma_wait3A_362 = arith.constant 0 : i32
          %dma_wait3A_363 = arith.constant 0 : i32
          %dma_wait3A_364 = tpu.memref_slice %arg3[%dma_wait3A_362, %dma_wait3A_363] : memref<1000000x32xf32, #tpu.memory_space<hbm>> -> memref<1000000x32xf32, #tpu.memory_space<hbm>>
          tpu.wait_indirect_dma semaphore(%arg10 : memref<!tpu.dma_semaphore, #tpu.memory_space<semaphore_mem>>) src(%dma_wait3A_364 : memref<1000000x32xf32, #tpu.memory_space<hbm>>) dst(%dma_wait3A_356 : memref<128x32xf32, #tpu.memory_space<vmem>>)
          %dma_wait3A_365 = arith.constant 0 : i32
          %dma_wait3A_366 = arith.constant 0 : i32
          %dma_wait3A_367 = arith.constant 0 : i32
          %dma_wait3A_368 = arith.constant 0 : i32
          %dma_wait3A_369 = tpu.memref_slice %arg6[%dma_wait3A_366, %dma_wait3A_367, %dma_wait3A_368] : memref<2x512x32xf32, #tpu.memory_space<vmem>> -> memref<1x512x32xf32, #tpu.memory_space<vmem>>
          %dma_wait3A_370 = tpu.memref_squeeze %dma_wait3A_369 : memref<1x512x32xf32, #tpu.memory_space<vmem>> -> memref<512x32xf32, #tpu.memory_space<vmem>>
          %dma_wait3A_371 = arith.constant 128 : i32
          %dma_wait3A_372 = arith.constant 0 : i32
          %dma_wait3A_373 = tpu.memref_slice %dma_wait3A_370[%dma_wait3A_371, %dma_wait3A_372] : memref<512x32xf32, #tpu.memory_space<vmem>> -> memref<128x32xf32, #tpu.memory_space<vmem>>
          %dma_wait3A_374 = arith.constant 0 : i32
          %dma_wait3A_375 = tpu.memref_slice %arg5[%dma_wait3A_365, %dma_wait3A_374] : memref<2x512xi32, #tpu.memory_space<vmem>> -> memref<1x512xi32, #tpu.memory_space<vmem>>
          %dma_wait3A_376 = tpu.memref_squeeze %dma_wait3A_375 : memref<1x512xi32, #tpu.memory_space<vmem>> -> memref<512xi32, #tpu.memory_space<vmem>>
          %dma_wait3A_377 = arith.constant 128 : i32
          %dma_wait3A_378 = tpu.memref_slice %dma_wait3A_376[%dma_wait3A_377] : memref<512xi32, #tpu.memory_space<vmem>> -> memref<128xi32, #tpu.memory_space<vmem>>
          %dma_wait3A_379 = arith.constant 0 : i32
          %dma_wait3A_380 = arith.constant 0 : i32
          %dma_wait3A_381 = tpu.memref_slice %arg3[%dma_wait3A_379, %dma_wait3A_380] : memref<1000000x32xf32, #tpu.memory_space<hbm>> -> memref<1000000x32xf32, #tpu.memory_space<hbm>>
          tpu.wait_indirect_dma semaphore(%arg10 : memref<!tpu.dma_semaphore, #tpu.memory_space<semaphore_mem>>) src(%dma_wait3A_381 : memref<1000000x32xf32, #tpu.memory_space<hbm>>) dst(%dma_wait3A_373 : memref<128x32xf32, #tpu.memory_space<vmem>>)
          %dma_wait3A_382 = arith.constant 0 : i32
          %dma_wait3A_383 = arith.constant 0 : i32
          %dma_wait3A_384 = arith.constant 0 : i32
          %dma_wait3A_385 = arith.constant 0 : i32
          %dma_wait3A_386 = tpu.memref_slice %arg6[%dma_wait3A_383, %dma_wait3A_384, %dma_wait3A_385] : memref<2x512x32xf32, #tpu.memory_space<vmem>> -> memref<1x512x32xf32, #tpu.memory_space<vmem>>
          %dma_wait3A_387 = tpu.memref_squeeze %dma_wait3A_386 : memref<1x512x32xf32, #tpu.memory_space<vmem>> -> memref<512x32xf32, #tpu.memory_space<vmem>>
          %dma_wait3A_388 = arith.constant 256 : i32
          %dma_wait3A_389 = arith.constant 0 : i32
          %dma_wait3A_390 = tpu.memref_slice %dma_wait3A_387[%dma_wait3A_388, %dma_wait3A_389] : memref<512x32xf32, #tpu.memory_space<vmem>> -> memref<128x32xf32, #tpu.memory_space<vmem>>
          %dma_wait3A_391 = arith.constant 0 : i32
          %dma_wait3A_392 = tpu.memref_slice %arg5[%dma_wait3A_382, %dma_wait3A_391] : memref<2x512xi32, #tpu.memory_space<vmem>> -> memref<1x512xi32, #tpu.memory_space<vmem>>
          %dma_wait3A_393 = tpu.memref_squeeze %dma_wait3A_392 : memref<1x512xi32, #tpu.memory_space<vmem>> -> memref<512xi32, #tpu.memory_space<vmem>>
          %dma_wait3A_394 = arith.constant 256 : i32
          %dma_wait3A_395 = tpu.memref_slice %dma_wait3A_393[%dma_wait3A_394] : memref<512xi32, #tpu.memory_space<vmem>> -> memref<128xi32, #tpu.memory_space<vmem>>
          %dma_wait3A_396 = arith.constant 0 : i32
          %dma_wait3A_397 = arith.constant 0 : i32
          %dma_wait3A_398 = tpu.memref_slice %arg3[%dma_wait3A_396, %dma_wait3A_397] : memref<1000000x32xf32, #tpu.memory_space<hbm>> -> memref<1000000x32xf32, #tpu.memory_space<hbm>>
          tpu.wait_indirect_dma semaphore(%arg10 : memref<!tpu.dma_semaphore, #tpu.memory_space<semaphore_mem>>) src(%dma_wait3A_398 : memref<1000000x32xf32, #tpu.memory_space<hbm>>) dst(%dma_wait3A_390 : memref<128x32xf32, #tpu.memory_space<vmem>>)
          %dma_wait3A_399 = arith.constant 0 : i32
          %dma_wait3A_400 = arith.constant 0 : i32
          %dma_wait3A_401 = arith.constant 0 : i32
          %dma_wait3A_402 = arith.constant 0 : i32
          %dma_wait3A_403 = tpu.memref_slice %arg6[%dma_wait3A_400, %dma_wait3A_401, %dma_wait3A_402] : memref<2x512x32xf32, #tpu.memory_space<vmem>> -> memref<1x512x32xf32, #tpu.memory_space<vmem>>
          %dma_wait3A_404 = tpu.memref_squeeze %dma_wait3A_403 : memref<1x512x32xf32, #tpu.memory_space<vmem>> -> memref<512x32xf32, #tpu.memory_space<vmem>>
          %dma_wait3A_405 = arith.constant 384 : i32
          %dma_wait3A_406 = arith.constant 0 : i32
          %dma_wait3A_407 = tpu.memref_slice %dma_wait3A_404[%dma_wait3A_405, %dma_wait3A_406] : memref<512x32xf32, #tpu.memory_space<vmem>> -> memref<128x32xf32, #tpu.memory_space<vmem>>
          %dma_wait3A_408 = arith.constant 0 : i32
          %dma_wait3A_409 = tpu.memref_slice %arg5[%dma_wait3A_399, %dma_wait3A_408] : memref<2x512xi32, #tpu.memory_space<vmem>> -> memref<1x512xi32, #tpu.memory_space<vmem>>
          %dma_wait3A_410 = tpu.memref_squeeze %dma_wait3A_409 : memref<1x512xi32, #tpu.memory_space<vmem>> -> memref<512xi32, #tpu.memory_space<vmem>>
          %dma_wait3A_411 = arith.constant 384 : i32
          %dma_wait3A_412 = tpu.memref_slice %dma_wait3A_410[%dma_wait3A_411] : memref<512xi32, #tpu.memory_space<vmem>> -> memref<128xi32, #tpu.memory_space<vmem>>
          %dma_wait3A_413 = arith.constant 0 : i32
          %dma_wait3A_414 = arith.constant 0 : i32
          %dma_wait3A_415 = tpu.memref_slice %arg3[%dma_wait3A_413, %dma_wait3A_414] : memref<1000000x32xf32, #tpu.memory_space<hbm>> -> memref<1000000x32xf32, #tpu.memory_space<hbm>>
          tpu.wait_indirect_dma semaphore(%arg10 : memref<!tpu.dma_semaphore, #tpu.memory_space<semaphore_mem>>) src(%dma_wait3A_415 : memref<1000000x32xf32, #tpu.memory_space<hbm>>) dst(%dma_wait3A_407 : memref<128x32xf32, #tpu.memory_space<vmem>>)
        } else {
        }
      } else {
      }
    }
    %scan3A_253 = arith.constant 50 : i32
    %dma_wait3A_254 = arith.constant 0 : i32
    %dma_wait3A_255 = arith.constant 0 : i32
    %dma_wait3A_256 = arith.constant 0 : i32
    %dma_wait3A_257 = arith.constant 0 : i32
    %dma_wait3A_258 = tpu.memref_slice %arg7[%dma_wait3A_254, %dma_wait3A_256, %dma_wait3A_257] : memref<2x32x512xf32, #tpu.memory_space<vmem>> -> memref<1x32x512xf32, #tpu.memory_space<vmem>>
    %dma_wait3A_259 = tpu.memref_squeeze %dma_wait3A_258 : memref<1x32x512xf32, #tpu.memory_space<vmem>> -> memref<32x512xf32, #tpu.memory_space<vmem>>
    %dma_wait3A_260 = arith.constant 0 : i32
    %dma_wait3A_261 = arith.constant 0 : i32
    %dma_wait3A_262 = tpu.memref_slice %arg4[%dma_wait3A_255, %dma_wait3A_260, %dma_wait3A_261] : memref<50x32x16384xf32, #tpu.memory_space<hbm>> -> memref<1x32x16384xf32, #tpu.memory_space<hbm>>
    %dma_wait3A_263 = tpu.memref_squeeze %dma_wait3A_262 : memref<1x32x16384xf32, #tpu.memory_space<hbm>> -> memref<32x16384xf32, #tpu.memory_space<hbm>>
    %dma_wait3A_264 = arith.constant 0 : i32
    %dma_wait3A_265 = arith.constant 0 : i32
    %dma_wait3A_266 = tpu.memref_slice %dma_wait3A_263[%dma_wait3A_264, %dma_wait3A_265] : memref<32x16384xf32, #tpu.memory_space<hbm>> -> memref<32x512xf32, #tpu.memory_space<hbm>>
    %dma_wait3A_267 = arith.constant 0 : i32
    %dma_wait3A_268 = arith.constant 0 : i32
    %dma_wait3A_269 = tpu.memref_slice %arg4[%dma_wait3A_255, %dma_wait3A_267, %dma_wait3A_268] : memref<50x32x16384xf32, #tpu.memory_space<hbm>> -> memref<1x32x16384xf32, #tpu.memory_space<hbm>>
    %dma_wait3A_270 = tpu.memref_squeeze %dma_wait3A_269 : memref<1x32x16384xf32, #tpu.memory_space<hbm>> -> memref<32x16384xf32, #tpu.memory_space<hbm>>
    %dma_wait3A_271 = arith.constant 0 : i32
    %dma_wait3A_272 = arith.constant 0 : i32
    %dma_wait3A_273 = tpu.memref_slice %dma_wait3A_270[%dma_wait3A_271, %dma_wait3A_272] : memref<32x16384xf32, #tpu.memory_space<hbm>> -> memref<32x512xf32, #tpu.memory_space<hbm>>
    %dma_wait3A_274 = arith.constant 0 : i32
    %dma_wait3A_275 = arith.constant 0 : i32
    %dma_wait3A_276 = tpu.memref_slice %arg7[%dma_wait3A_254, %dma_wait3A_274, %dma_wait3A_275] : memref<2x32x512xf32, #tpu.memory_space<vmem>> -> memref<1x32x512xf32, #tpu.memory_space<vmem>>
    %dma_wait3A_277 = tpu.memref_squeeze %dma_wait3A_276 : memref<1x32x512xf32, #tpu.memory_space<vmem>> -> memref<32x512xf32, #tpu.memory_space<vmem>>
    tpu.wait_dma2 semaphore(%arg12 : memref<!tpu.dma_semaphore, #tpu.memory_space<semaphore_mem>>) src(%dma_wait3A_277 : memref<32x512xf32, #tpu.memory_space<vmem>>) dst(%dma_wait3A_273 : memref<32x512xf32, #tpu.memory_space<hbm>>)
    %dma_wait3A_278 = arith.constant 1 : i32
    %dma_wait3A_279 = arith.constant 0 : i32
    %dma_wait3A_280 = arith.constant 0 : i32
    %dma_wait3A_281 = arith.constant 0 : i32
    %dma_wait3A_282 = tpu.memref_slice %arg7[%dma_wait3A_278, %dma_wait3A_280, %dma_wait3A_281] : memref<2x32x512xf32, #tpu.memory_space<vmem>> -> memref<1x32x512xf32, #tpu.memory_space<vmem>>
    %dma_wait3A_283 = tpu.memref_squeeze %dma_wait3A_282 : memref<1x32x512xf32, #tpu.memory_space<vmem>> -> memref<32x512xf32, #tpu.memory_space<vmem>>
    %dma_wait3A_284 = arith.constant 0 : i32
    %dma_wait3A_285 = arith.constant 0 : i32
    %dma_wait3A_286 = tpu.memref_slice %arg4[%dma_wait3A_279, %dma_wait3A_284, %dma_wait3A_285] : memref<50x32x16384xf32, #tpu.memory_space<hbm>> -> memref<1x32x16384xf32, #tpu.memory_space<hbm>>
    %dma_wait3A_287 = tpu.memref_squeeze %dma_wait3A_286 : memref<1x32x16384xf32, #tpu.memory_space<hbm>> -> memref<32x16384xf32, #tpu.memory_space<hbm>>
    %dma_wait3A_288 = arith.constant 0 : i32
    %dma_wait3A_289 = arith.constant 0 : i32
    %dma_wait3A_290 = tpu.memref_slice %dma_wait3A_287[%dma_wait3A_288, %dma_wait3A_289] : memref<32x16384xf32, #tpu.memory_space<hbm>> -> memref<32x512xf32, #tpu.memory_space<hbm>>
    %dma_wait3A_291 = arith.constant 0 : i32
    %dma_wait3A_292 = arith.constant 0 : i32
    %dma_wait3A_293 = tpu.memref_slice %arg4[%dma_wait3A_279, %dma_wait3A_291, %dma_wait3A_292] : memref<50x32x16384xf32, #tpu.memory_space<hbm>> -> memref<1x32x16384xf32, #tpu.memory_space<hbm>>
    %dma_wait3A_294 = tpu.memref_squeeze %dma_wait3A_293 : memref<1x32x16384xf32, #tpu.memory_space<hbm>> -> memref<32x16384xf32, #tpu.memory_space<hbm>>
    %dma_wait3A_295 = arith.constant 0 : i32
    %dma_wait3A_296 = arith.constant 0 : i32
    %dma_wait3A_297 = tpu.memref_slice %dma_wait3A_294[%dma_wait3A_295, %dma_wait3A_296] : memref<32x16384xf32, #tpu.memory_space<hbm>> -> memref<32x512xf32, #tpu.memory_space<hbm>>
    %dma_wait3A_298 = arith.constant 0 : i32
    %dma_wait3A_299 = arith.constant 0 : i32
    %dma_wait3A_300 = tpu.memref_slice %arg7[%dma_wait3A_278, %dma_wait3A_298, %dma_wait3A_299] : memref<2x32x512xf32, #tpu.memory_space<vmem>> -> memref<1x32x512xf32, #tpu.memory_space<vmem>>
    %dma_wait3A_301 = tpu.memref_squeeze %dma_wait3A_300 : memref<1x32x512xf32, #tpu.memory_space<vmem>> -> memref<32x512xf32, #tpu.memory_space<vmem>>
    tpu.wait_dma2 semaphore(%arg13 : memref<!tpu.dma_semaphore, #tpu.memory_space<semaphore_mem>>) src(%dma_wait3A_301 : memref<32x512xf32, #tpu.memory_space<vmem>>) dst(%dma_wait3A_297 : memref<32x512xf32, #tpu.memory_space<hbm>>)
    return
  }
}

</mosaic_0001>

<sc_bundles>
// kernel: kernel.3.cloned.1.call-start
scs
__scs_entry_jumppad:
0x0: {  	(pc) =	sbr.rel $0x88, $3  }
0x1: {  	(tag) =	ssettag $0x0;
	lr =	simm.s32 $0x1  }
0x2: {  	[smem:$0x3F9F] =	sst lr;
	_ =	strace $0xD0000000  }
0x3: {  	_ = 	snop  }
0x4: {  	_ = 	snop  }
0x5: {  	_ = 	snop  }
0x6: {  	_ = 	snop  }
0x7: {  	_ = 	snop  }
__scs_overlays_trampoline_lowered:
0x8: {  	[smem:$0x3FAE] =	sst s0  }
0x9: {  	[smem:$0x3FAF] =	sst s1  }
0xa: {  	[smem:$0x3FB0] =	sst s2  }
0xb: {  	[smem:$0x3FB1] =	sst s3  }
0xc: {  	[smem:$0x3FB2] =	sst s4  }
0xd: {  	[smem:$0x3FB3] =	sst s5  }
0xe: {  	[smem:$0x3FB4] =	sst s6  }
0xf: {  	[smem:$0x3FB5] =	sst s7  }
0x10: {  	[smem:$0x3FB6] =	sst s8  }
0x11: {  	[smem:$0x3FB7] =	sst s9;
	s0 =	simm.s32 @!p0 $0x0  }
0x12: {  	s1 =	sld [smem:$0x3F9D];
	s0 =	simm.s32 @p0 $0x1  }
0x13: {  	[smem:$0x3FB8] =	sst s0;
	s0 =	simm.s32 @!p1 $0x0  }
0x14: {  	s2 =	sld [smem:$0x3F9C];
	s0 =	simm.s32 @p1 $0x1  }
0x15: {  	[smem:$0x3FB9] =	sst s0;
	s0 =	simm.s32 @!p2 $0x0  }
0x16: {  	s3 =	sld [smem:$0x3FDB];
	s0 =	simm.s32 @p2 $0x1  }
0x17: {  	s4 =	simm.s32 $0x1BF5;
	[smem:$0x3FBB] =	sst s0  }
0x18: {  	s0 =	sld [smem:$0x3F9E];
	_ =	swait.ge [sflag:s4], $0x0  }
0x19: {  	s7 =	sld [smem:$0x3F9F]  }
0x1a: {  	s8 =	sadd.s32 $0xFFFFE003, lr  }
0x1b: {  	s9 =	sadd.s32 $0xFFFFFEF7, lr;
	s5 =	simm.s32 $0xFFFFFFFF;
	p2 =	slt.u32 s8, $0xFFFFF086  }
0x1c: {  	p1 =	slt.u32 s9, $0xF7A;
	s5 =	simm.s32 @!p2 $0x0  }
0x1d: {  	s5 =	simm.s32 @p1 $0x1;
	p0 =	seq.s32 s7, s2  }
0x1e: {  	s7 =	smul.u32 @!p0 $0xF7A, s2;
	p2 =	seq.s32 @!p0 s5, $0x0  }
0x1f: {  	s9 =	smul.u32 $0xF7A, s1;
	s8 =	simm.s32 @!p0 $0x1BF5;
	p2 =	por !p2, p0  }
0x20: {  	[sflag:s8] =	ssyncset.s32 @!p0 $0xFFFFF086;
	s6 =	sadd.s32 @!p0 s3, s7;
	s7 =	simm.s32 @!p0 $0x108  }
0x21: {  	s3 =	sadd.s32 s3, s9;
	s6 =	sadd.s32 @!p0 $0x88, s6;
	s7 =	simm.s32 @p2 $0x1082  }
0x22: {  	[simem:s7], [sflag:s8] =	dma.local @!p0 [hbm:s6], $0xF7A  }
0x23: {  	s9 =	sor.u32 $0xD0000000, s2;
	s6 =	simm.s32 $0x108;
	_ =	swait.ge @!p0 [sflag:s8], $0x0  }
0x24: {  	s3 =	sadd.s32 $0x88, s3;
	s6 =	simm.s32 @!p1 $0x1082;
	[sflag:s4] =	ssyncset.s32 $0xFFFFF086  }
0x25: {  	[simem:s6], [sflag:s4] =	dma.local [hbm:s3], $0xF7A  }
0x26: {  	[smem:$0x3F9F] =	sst s1;
	(tag) =	ssettag s2;
	_ =	strace s9  }
0x27: {  	s1 =	sld [smem:$0x3FAF]  }
0x28: {  	s2 =	sld [smem:$0x3FB0]  }
0x29: {  	s4 =	sld [smem:$0x3FB2]  }
0x2a: {  	p0 =	seq.s32 s5, $0x0;
	s5 =	sld [smem:$0x3FB3]  }
0x2b: {  	s6 =	sld [smem:$0x3FB4]  }
0x2c: {  	s7 =	sld [smem:$0x3FB5]  }
0x2d: {  	s3 =	simm.s32 $0x108;
	s8 =	sld [smem:$0x3FB6]  }
0x2e: {  	s3 =	simm.s32 @!p0 $0x1082;
	s9 =	sld [smem:$0x3FB7]  }
0x2f: {  	lr =	sadd.s32 s0, s3;
	s0 =	sld [smem:$0x3FAE]  }
0x30: {  	s3 =	sld [smem:$0x3FB1]  }
0x31: {  	[smem:$0x3FBA] =	sst s10  }
0x32: {  	s10 =	sld [smem:$0x3FB8];
	_ =	sdelay $0x3  }
0x33: {  	p0 =	seq.s32 s10, $0x1;
	s10 =	sld [smem:$0x3FBA];
	_ =	sdelay $0x3  }
0x34: {  	[smem:$0x3FBA] =	sst s10  }
0x35: {  	s10 =	sld [smem:$0x3FB9];
	_ =	sdelay $0x3  }
0x36: {  	p1 =	seq.s32 s10, $0x1;
	s10 =	sld [smem:$0x3FBA];
	_ =	sdelay $0x3  }
0x37: {  	[smem:$0x3FBA] =	sst s10  }
0x38: {  	s10 =	sld [smem:$0x3FBB]  }
0x39: {  	_ = 	snop;
	(pc) =	sbr.ind lr, $3  }
0x3a: {  	_ = 	snop  }
0x3b: {  	_ = 	snop  }
0x3c: {  	p2 =	seq.s32 s10, $0x1;
	s10 =	sld [smem:$0x3FBA]  }
0x3d: {  	_ =	shalt  }
0x3e: {  	_ =	shalt  }
0x3f: {  	_ =	shalt  }
0x40: {  	_ =	shalt  }
0x41: {  	_ =	shalt  }
0x42: {  	_ =	shalt  }
0x43: {  	_ =	shalt  }
0x44: {  	_ =	shalt  }
0x45: {  	_ =	shalt  }
0x46: {  	_ =	shalt  }
0x47: {  	_ =	shalt  }
0x48: {  	_ =	shalt  }
0x49: {  	_ =	shalt  }
0x4a: {  	_ =	shalt  }
0x4b: {  	_ =	shalt  }
0x4c: {  	_ =	shalt  }
0x4d: {  	_ =	shalt  }
0x4e: {  	_ =	shalt  }
0x4f: {  	_ =	shalt  }
0x50: {  	_ =	shalt  }
0x51: {  	_ =	shalt  }
0x52: {  	_ =	shalt  }
0x53: {  	_ =	shalt  }
0x54: {  	_ =	shalt  }
0x55: {  	_ =	shalt  }
0x56: {  	_ =	shalt  }
0x57: {  	_ =	shalt  }
0x58: {  	_ =	shalt  }
0x59: {  	_ =	shalt  }
0x5a: {  	_ =	shalt  }
0x5b: {  	_ =	shalt  }
0x5c: {  	_ =	shalt  }
0x5d: {  	_ =	shalt  }
0x5e: {  	_ =	shalt  }
0x5f: {  	_ =	shalt  }
0x60: {  	_ =	shalt  }
0x61: {  	_ =	shalt  }
0x62: {  	_ =	shalt  }
0x63: {  	_ =	shalt  }
0x64: {  	_ =	shalt  }
0x65: {  	_ =	shalt  }
0x66: {  	_ =	shalt  }
0x67: {  	_ =	shalt  }
0x68: {  	_ =	shalt  }
0x69: {  	_ =	shalt  }
0x6a: {  	_ =	shalt  }
0x6b: {  	_ =	shalt  }
0x6c: {  	_ =	shalt  }
0x6d: {  	_ =	shalt  }
0x6e: {  	_ =	shalt  }
0x6f: {  	_ =	shalt  }
0x70: {  	_ =	shalt  }
0x71: {  	_ =	shalt  }
0x72: {  	_ =	shalt  }
0x73: {  	_ =	shalt  }
0x74: {  	_ =	shalt  }
0x75: {  	_ =	shalt  }
0x76: {  	_ =	shalt  }
0x77: {  	_ =	shalt  }
0x78: {  	_ =	shalt  }
0x79: {  	_ =	shalt  }
0x7a: {  	_ =	shalt  }
0x7b: {  	_ =	shalt  }
0x7c: {  	_ =	shalt  }
0x7d: {  	_ =	shalt  }
0x7e: {  	_ =	shalt  }
0x7f: {  	_ =	shalt  }
0x80: {  	_ =	shalt  }
0x81: {  	_ =	shalt  }
0x82: {  	_ =	shalt  }
0x83: {  	_ =	shalt  }
0x84: {  	_ =	shalt  }
0x85: {  	_ =	shalt  }
0x86: {  	_ =	shalt  }
0x87: {  	_ =	shalt  }
.Lfunc_end0:
.L_simem_size_0:
called_computation_lowered:
.L_overlay_start_0:
0x88: {  	s2 =	sld [smem:$0x3FD9]  }
0x89: {  	s3 =	sld [smem:$0x3FFE];
	_ =	sdelay $0x1  }
0x8a: {  	s1 =	srdreg.scid  }
0x8b: {  	s0 =	sand.u32 $0x1, s1  }
0x8c: {  	s17 =	sshll.u32 s0, $0xA;
	s2 =	sadd.s32 s3, s2  }
0x8d: {  	s2 =	sadd.s32 s2, s17  }
0x8e: {  	[smem:$0x3FC6] =	sst s2  }
0x8f: {  	_ = 	snop  }
0x90: {  	s2 =	sld [smem:$0x3FD0];
	(tm) =	ssettm $0x1  }
0x91: {  	s18 =	sld [smem:$0x3FFB];
	_ =	sdelay $0x3  }
0x92: {  	_ =	strace s18  }
0x93: {  	s3 =	sld [smem:$0x3FFC];
	_ =	sdelay $0x3  }
0x94: {  	_ =	strace s3  }
0x95: {  	s3 =	sld [smem:$0x3FFD];
	_ =	sdelay $0x3  }
0x96: {  	_ =	strace s3  }
0x97: {  	_ =	strace $0x8FFFFFFF  }
0x98: {  	s19 =	sld [smem:$0x3FDB];
	_ =	sdelay $0x1  }
0x99: {  	s4 =	simm.s32 $_scs_section_size  }
0x9a: {  	s5 =	simm.s32 $_size__tile_overlayer_lowered;
	s6 =	simm.s32 $_tile_overlayer_lowered  }
0x9b: {  	s22 =	simm.s32 $0x1BFF;
	s21 =	sshll.u32 s6, $0x1;
	s3 =	sadd.s32 s4, s19  }
0x9c: {  	s7 =	simm.s32 $0x0;
	s20 =	sshll.u32 s5, $0x1;
	s5 =	sadd.s32 s21, s3  }
0x9d: {  	[timem:s7], [sflag:s22] =	dma.local [hbm:s5], s20  }
0x9e: {  	_ =	swait.ge [sflag:s22], s20  }
0x9f: {  	s4 =	ssub.s32 $0x0, s20;
	[sflag:s22] =	ssyncset.done $0x0  }
0xa0: {  	[sflag:s22] =	ssyncadd.s32 s4;
	_ =	sdelay $0x1  }
0xa1: {  	s23 =	simm.s32 $0x1B8B  }
0xa2: {  	_ =	swait.ge [sflag:s23], $0x1  }
0xa3: {  	[sflag:s23] =	ssyncset.done $0x0  }
0xa4: {  	s25 =	simm.s32 $0x1B8E;
	s24 =	sld [smem:$0x3FFE];
	[sflag:s23] =	ssyncadd.s32 $0xFFFFFFFF  }
0xa5: {  	s26 =	simm.s32 $execute0_lowered;
	[smem:$0x3FD2] =	sst s25  }
0xa6: {  	s5 =	sshll.u32 s26, $0x1;
	_ =	strace $0x80000046;
	[dreg:$0x1] =	wrdreg $0xFFFFFFFF  }
0xa7: {  	s28 =	simm.s32 $_size_execute0_lowered;
	s3 =	sadd.s32 s3, s5;
	[dreg:$0x0] =	wrdreg $0x0  }
0xa8: {  	s5 =	sshll.u32 s28, $0x1;
	[dreg:$0x2] =	wrdreg s3  }
0xa9: {  	[dreg:$0x3] =	wrdreg s5  }
0xaa: {  	[dreg:$0x4] =	wrdreg $0xC0  }
0xab: {  	_ =	task [dreg:s7], $0x5FFFF  }
0xac: {  	[dreg:$0x1] =	wrdreg $0xFFFFFFFF  }
0xad: {  	[dreg:$0x0] =	wrdreg $0x60  }
0xae: {  	[dreg:$0x2] =	wrdreg s2  }
0xaf: {  	[dreg:$0x3] =	wrdreg s24  }
0xb0: {  	[dreg:$0x4] =	wrdreg $0x9  }
0xb1: {  	_ =	task.clear_ibuf [dreg:s7], $0x5FFFF;
	_ =	strace $0x90000046  }
0xb2: {  	s29 =	simm.s32 $0x9;
	_ =	strace $0x80000048  }
0xb3: {  	_ =	swait.ge [sflag:s29], $0x1  }
0xb4: {  	[sflag:s29] =	ssyncadd.s32 $0xFFFFFFFF  }
0xb5: {  	_ =	strace $0x90000048  }
0xb6: {  	_ =	sfence  }
0xb7: {  	s30 =	sld [smem:$0x0];
	_ =	sdelay $0x2  }
0xb8: {  	s31 =	sshll.u32 s1, $0xD;
	s1 =	sshrl.u32 s1, $0x2  }
0xb9: {  	s3 =	sand.u32 $0x4000, s31;
	s1 =	sadd.s32 s1, s30  }
0xba: {  	s0 =	sor.u32 s3, s0;
	s1 =	sshll.u32 s1, $0x11  }
0xbb: {  	s0 =	sor.u32 s1, s0  }
0xbc: {  	s0 =	sadd.s32 $0x8F2B, s0  }
0xbd: {  	[sflag:s0] =	ssyncadd.remote.s32 $0x1  }
0xbe: {  	_ =	sfence.sel $0xFFFF  }
0xbf: {  	[dreg:$0x0] =	wrdreg $0xFFFFFFFF;
	(pc) =	sbr.abs _section_cstart, $3  }
0xc0: {  	[dreg:$0x1] =	wrdreg $0xFFFFFFFF  }
0xc1: {  	_ =	task.clear_ibuf [dreg:s7], $0x2FFFF;
	_ =	strace $0x9FFFFFFF  }
0xc2: {  	(tm) =	ssettm $0x7FFFFFFF  }
0xc3: {  	_ =	shalt  }
tec
execute0_lowered:
.L_overlay_start_1:
0x0: {  	(tag) =	ssettag $0x1  }
0x1: {  	s0 =	srdreg.scid  }
0x2: {  	s1 =	stileid.u32;
	s2 =	rddreg [dreg:$0x0]  }
0x3: {  	s5 =	rddreg [dreg:$0x1];
	s3 =	simm.s32 $0x0;
	s11 =	simm.s32 $0x200  }
0x4: {  	s12 =	simm.s32 $0x1;
	s13 =	simm.s32 $0x80;
	s14 =	simm.s32 $0x400  }
0x5: {  	s15 =	simm.s32 $0x1400;
	s16 =	simm.s32 $0x100;
	s17 =	simm.s32 $0x2400  }
0x6: {  	s18 =	simm.s32 $0x180;
	s19 =	simm.s32 $0x3400;
	s20 =	simm.s32 $0x3  }
0x7: {  	s21 =	simm.s32 $0x4000;
	s0 =	sand.u32 $0x1, s0;
	s1 =	sshll.u32 s1, $0x1  }
0x8: {  	s22 =	simm.s32 $0x8400;
	s25 =	simm.s32 $0x4400;
	s1 =	sor.u32 s0, s1  }
0x9: {  	s26 =	simm.s32 $0xC400;
	s28 =	simm.s32 $0x2;
	s4 =	smul.u32 $0x6400, s1  }
0xa: {  	s9 =	simm.s32 $0x0;
	[smem:$0x7FF] =	sst s3;
	s6 =	smul.u32 $0x2400, s1  }
0xb: {  	s10 =	sadd.s32 $0x80, s2;
	_ =	strace $0x80000047;
	s0 =	ssub.s32 $0x2, s0  }
0xc: {  	s30 =	sshrl.u32 s0, $0x1;
	s7 =	sand.u32 $0xFC000, s4;
	s6 =	sand.u32 $0x3C00, s6  }
.Ltmp0:
0xd: {  	s0 =	ssub.s32 s0, s30;
	s6 =	sor.u32 s6, s7;
	(pc) =	sbr.rel .LBB2_1-.Ltmp0, $4  }
0xe: {  	v0 =	vlaneseq.u32;
	s4 =	sadd.s32 $0xF42A00, s5;
	s0 =	smax.u32 s0, $0x1;
	s8 =	sshrl.u32 s6, $0x3  }
0xf: {  	v23 =	vmul.u32 $0x20, v0;
	s5 =	sadd.s32 $0x600, s5;
	[dreg:$0x5] =	wrdreg s0;
	s31 =	sadd.s32 s2, s8  }
0x10: {  	s6 =	smul.u32 $0x32, s1;
	[dreg:$0x3] =	wrdreg s31;
	s1 =	sadd.s32 $0x40, s31  }
0x11: {  	[tilespmem:$0x1FFF0] =	vst v23;
	s0 =	smov.u32 s2;
	s8 =	simm.s32 $0x7400;
	[dreg:$0x4] =	wrdreg s1  }
.LBB2_17:
0x12: {  	s1 =	simm.s32 $0x5  }
0x13: {  	_ =	swait.ge [sflag:s1], $0x4000  }
0x14: {  	[sflag:s1] =	ssyncset.done $0x0  }
0x15: {  	s2 =	simm.s32 $0x6;
	[sflag:s1] =	ssyncadd.s32 $0xFFFFC000  }
0x16: {  	_ =	swait.ge [sflag:s2], $0x4000  }
0x17: {  	s9 =	sadd.s32 $0x1, s9;
	s31 =	rddreg [dreg:$0x5]  }
0x18: {  	p0 =	sne.s32 s9, s31  }
.Ltmp1:
0x19: {  	_ = 	snop;
	(pc) =	sbr.rel @!p0 .LBB2_18-.Ltmp1, $3  }
0x1a: {  	_ =	sdelay $0x1  }
0x1b: {  	[sflag:s2] =	ssyncset.done $0x0  }
0x1c: {  	[sflag:s2] =	ssyncadd.s32 $0xFFFFC000  }
.LBB2_1:
0x1d: {  	s1 =	rddreg [dreg:$0x3]  }
0x1e: {  	[tilespmem:s3], [sflag:$0x1] =	stream.linear.gather [hbm4b:s1+s3], $0x200, $0x38;
	[tilespmem:$0x10400] =	vst v63  }
0x1f: {  	s31 =	rddreg [dreg:$0x4]  }
0x20: {  	[tilespmem:s11], [sflag:$0x2] =	stream.linear.gather [hbm4b:s31+s3], $0x200, $0x38;
	[tilespmem:$0x10400] =	vst v63  }
0x21: {  	_ =	swait.ge [sflag:s12], $0x200  }
0x22: {  	[sflag:s12] =	ssyncset.done $0x0  }
0x23: {  	[sflag:s12] =	ssyncadd.s32 $0xFFFFFE00  }
0x24: {  	[tilespmem:s14], [sflag:$0x3] =	stream.indirect.gather [hbm4b:s4+s13], $0x20, s3, s13, $0xb8;
	[tilespmem:$0x10400] =	vst v63  }
0x25: {  	_ = 	snop  }
0x26: {  	[tilespmem:s15], [sflag:$0x3] =	stream.indirect.gather [hbm4b:s4+s13], $0x20, s13, s13, $0xb8;
	[tilespmem:$0x10400] =	vst v63  }
0x27: {  	_ = 	snop  }
0x28: {  	[tilespmem:s17], [sflag:$0x3] =	stream.indirect.gather [hbm4b:s4+s13], $0x20, s16, s13, $0xb8;
	[tilespmem:$0x10400] =	vst v63  }
0x29: {  	_ = 	snop  }
0x2a: {  	[tilespmem:s19], [sflag:$0x3] =	stream.indirect.gather [hbm4b:s4+s13], $0x20, s18, s13, $0xb8;
	[tilespmem:$0x10400] =	vst v63  }
0x2b: {  	_ =	swait.ge [sflag:s20], $0x1000  }
0x2c: {  	[sflag:s20] =	ssyncset.done $0x0  }
0x2d: {  	[sflag:s20] =	ssyncadd.s32 $0xFFFFF000  }
0x2e: {  	_ =	swait.ge [sflag:s20], $0x1000  }
0x2f: {  	[sflag:s20] =	ssyncset.done $0x0  }
0x30: {  	[sflag:s20] =	ssyncadd.s32 $0xFFFFF000  }
0x31: {  	_ =	swait.ge [sflag:s20], $0x1000  }
.Ltmp2:
0x32: {  	[sflag:s20] =	ssyncset.done $0x0;
	(pc) =	sbr.rel .LBB2_2-.Ltmp2, $4  }
0x33: {  	[sflag:s20] =	ssyncadd.s32 $0xFFFFF000  }
0x34: {  	_ =	swait.ge [sflag:s20], $0x1000  }
0x35: {  	[sflag:s20] =	ssyncset.done $0x0  }
0x36: {  	s7 =	simm.s32 $0x0;
	[sflag:s20] =	ssyncadd.s32 $0xFFFFF000  }
.LBB2_16:
0x37: {  	_ =	swait.ge [sflag:s23], $0x1000  }
0x38: {  	[sflag:s23] =	ssyncset.done $0x0  }
0x39: {  	[sflag:s23] =	ssyncadd.s32 $0xFFFFF000  }
0x3a: {  	_ =	swait.ge [sflag:s23], $0x1000  }
0x3b: {  	[sflag:s23] =	ssyncset.done $0x0  }
0x3c: {  	s7 =	sadd.s32 $0x1, s7;
	[sflag:s23] =	ssyncadd.s32 $0xFFFFF000  }
0x3d: {  	p0 =	sne.s32 s7, $0x32;
	_ =	swait.ge [sflag:s23], $0x1000  }
.Ltmp3:
0x3e: {  	[sflag:s23] =	ssyncset.done $0x0;
	(pc) =	sbr.rel @!p0 .LBB2_17-.Ltmp3, $4  }
0x3f: {  	[sflag:s23] =	ssyncadd.s32 $0xFFFFF000  }
0x40: {  	_ =	swait.ge [sflag:s23], $0x1000  }
0x41: {  	[sflag:s23] =	ssyncset.done $0x0  }
0x42: {  	[sflag:s23] =	ssyncadd.s32 $0xFFFFF000  }
.LBB2_2:
0x43: {  	p0 =	seq.s32 s7, $0x31  }
.Ltmp4:
0x44: {  	_ = 	snop;
	(pc) =	sbr.rel @!p0 .LBB2_3-.Ltmp4, $2  }
0x45: {  	_ =	sdelay $0x2  }
0x46: {  	s23 =	sand.u32 $0x1, s7;
	s24 =	simm.s32 $0x6  }
.LBB2_8:
0x47: {  	_ =	swait.ge [sflag:s24], $0x4000  }
0x48: {  	[sflag:s24] =	ssyncset.done $0x0  }
0x49: {  	[sflag:s24] =	ssyncadd.s32 $0xFFFFC000  }
.LBB2_9:
0x4a: {  	p1 =	sne.s32 s23, $0x0  }
.Ltmp5:
0x4b: {  	_ = 	snop;
	(pc) =	sbr.rel @p1 .LBB2_10-.Ltmp5, $1  }
0x4c: {  	_ =	sdelay $0x3  }
0x4d: {  	s23 =	simm.s32 $0x30  }
0x4e: {  	s24 =	simm.s32 $0x10;
	v0 =	vmov s23  }
0x4f: {  	v1 =	vmov s24;
	v0 =	vshll.u32 v0, $0x5  }
0x50: {  	s31 =	simm.s32 $0x20;
	v1 =	vshll.u32 v1, $0x5;
	v5 =	vor.u32 v23, v0  }
0x51: {  	v2 =	vmov s31;
	v3 =	vor.u32 v23, v1  }
0x52: {  	s1 =	simm.s32 $0x0;
	v0 =	vshll.u32 v2, $0x5  }
0x53: {  	v2 =	vor.u32 v23, v0;
	v0 =	vmov s1  }
0x54: {  	v0 =	vshll.u32 v0, $0x5  }
0x55: {  	v4 =	vor.u32 v23, v0;
	v0 =	vld.idx.msk [tilespmem:v5+s14+$0x0], $0xffff  }
0x56: {  	v6 =	vor.u32 $0x1, v5;
	v1 =	vld.idx.msk [tilespmem:v3+s14+$0x0], $0xffff  }
0x57: {  	v7 =	vor.u32 $0x1, v3  }
0x58: {  	v8 =	vld.idx.msk [tilespmem:v2+s14+$0x0], $0xffff  }
0x59: {  	s23 =	simm.s32 $0xA400;
	v9 =	vor.u32 $0x1, v2  }
0x5a: {  	v10 =	vld.idx.msk [tilespmem:v4+s14+$0x0], $0xffff;
	[tilespmem:s23+$0xFFFFE030] =	vst v0  }
0x5b: {  	v0 =	vor.u32 $0x1, v4;
	[tilespmem:s23+$0xFFFFE010] =	vst v1;
	v1 =	vld.idx.msk [tilespmem:v6+s14+$0x0], $0xffff  }
0x5c: {  	v6 =	vld.idx.msk [tilespmem:v7+s14+$0x0], $0xffff;
	v7 =	vor.u32 $0x2, v5  }
0x5d: {  	[tilespmem:s23+$0xFFFFE020] =	vst v8;
	v8 =	vor.u32 $0x2, v3  }
0x5e: {  	v9 =	vld.idx.msk [tilespmem:v9+s14+$0x0], $0xffff  }
0x5f: {  	v11 =	vor.u32 $0x2, v2;
	[tilespmem:s23+$0xFFFFE000] =	vst v10  }
0x60: {  	v0 =	vld.idx.msk [tilespmem:v0+s14+$0x0], $0xffff;
	[tilespmem:s23+$0xFFFFE230] =	vst v1  }
0x61: {  	v1 =	vor.u32 $0x2, v4;
	[tilespmem:s23+$0xFFFFE210] =	vst v6;
	v6 =	vld.idx.msk [tilespmem:v7+s14+$0x0], $0xffff  }
0x62: {  	v7 =	vld.idx.msk [tilespmem:v8+s14+$0x0], $0xffff;
	v8 =	vor.u32 $0x3, v5  }
0x63: {  	v51 =	vor.u32 $0x3, v3;
	[tilespmem:s23+$0xFFFFE220] =	vst v9  }
0x64: {  	v52 =	vld.idx.msk [tilespmem:v11+s14+$0x0], $0xffff  }
0x65: {  	v53 =	vor.u32 $0x3, v2;
	[tilespmem:s23+$0xFFFFE200] =	vst v0  }
0x66: {  	v0 =	vld.idx.msk [tilespmem:v1+s14+$0x0], $0xffff;
	[tilespmem:s23+$0xFFFFE430] =	vst v6  }
0x67: {  	v1 =	vor.u32 $0x3, v4;
	[tilespmem:s23+$0xFFFFE410] =	vst v7;
	v6 =	vld.idx.msk [tilespmem:v8+s14+$0x0], $0xffff  }
0x68: {  	v7 =	vld.idx.msk [tilespmem:v51+s14+$0x0], $0xffff;
	v8 =	vor.u32 $0x4, v5  }
0x69: {  	v54 =	vor.u32 $0x4, v3;
	[tilespmem:s23+$0xFFFFE420] =	vst v52  }
0x6a: {  	v10 =	vld.idx.msk [tilespmem:v53+s14+$0x0], $0xffff  }
0x6b: {  	v55 =	vor.u32 $0x4, v2;
	[tilespmem:s23+$0xFFFFE400] =	vst v0  }
0x6c: {  	v0 =	vld.idx.msk [tilespmem:v1+s14+$0x0], $0xffff;
	[tilespmem:s23+$0xFFFFE630] =	vst v6  }
0x6d: {  	v1 =	vor.u32 $0x4, v4;
	[tilespmem:s23+$0xFFFFE610] =	vst v7;
	v6 =	vld.idx.msk [tilespmem:v8+s14+$0x0], $0xffff  }
0x6e: {  	v7 =	vld.idx.msk [tilespmem:v54+s14+$0x0], $0xffff;
	v8 =	vor.u32 $0x5, v5  }
0x6f: {  	v56 =	vor.u32 $0x5, v3;
	[tilespmem:s23+$0xFFFFE620] =	vst v10  }
0x70: {  	v10 =	vld.idx.msk [tilespmem:v55+s14+$0x0], $0xffff  }
0x71: {  	v57 =	vor.u32 $0x5, v2;
	[tilespmem:s23+$0xFFFFE600] =	vst v0  }
0x72: {  	v0 =	vld.idx.msk [tilespmem:v1+s14+$0x0], $0xffff;
	[tilespmem:s23+$0xFFFFE830] =	vst v6  }
0x73: {  	v1 =	vor.u32 $0x5, v4;
	[tilespmem:s23+$0xFFFFE810] =	vst v7;
	v6 =	vld.idx.msk [tilespmem:v8+s14+$0x0], $0xffff  }
0x74: {  	v7 =	vld.idx.msk [tilespmem:v56+s14+$0x0], $0xffff;
	v8 =	vor.u32 $0x6, v5  }
0x75: {  	v58 =	vor.u32 $0x6, v3;
	[tilespmem:s23+$0xFFFFE820] =	vst v10  }
0x76: {  	v10 =	vld.idx.msk [tilespmem:v57+s14+$0x0], $0xffff  }
0x77: {  	v59 =	vor.u32 $0x6, v2;
	[tilespmem:s23+$0xFFFFE800] =	vst v0  }
0x78: {  	v0 =	vld.idx.msk [tilespmem:v1+s14+$0x0], $0xffff;
	[tilespmem:s23+$0xFFFFEA30] =	vst v6  }
0x79: {  	v1 =	vor.u32 $0x6, v4;
	[tilespmem:s23+$0xFFFFEA10] =	vst v7;
	v6 =	vld.idx.msk [tilespmem:v8+s14+$0x0], $0xffff  }
0x7a: {  	v7 =	vld.idx.msk [tilespmem:v58+s14+$0x0], $0xffff;
	v8 =	vor.u32 $0x7, v5  }
0x7b: {  	v60 =	vor.u32 $0x7, v3;
	[tilespmem:s23+$0xFFFFEA20] =	vst v10  }
0x7c: {  	v10 =	vld.idx.msk [tilespmem:v59+s14+$0x0], $0xffff  }
0x7d: {  	v61 =	vor.u32 $0x7, v2;
	[tilespmem:s23+$0xFFFFEA00] =	vst v0  }
0x7e: {  	v0 =	vld.idx.msk [tilespmem:v1+s14+$0x0], $0xffff;
	[tilespmem:s23+$0xFFFFEC30] =	vst v6  }
0x7f: {  	v1 =	vor.u32 $0x7, v4;
	[tilespmem:s23+$0xFFFFEC10] =	vst v7;
	v6 =	vld.idx.msk [tilespmem:v8+s14+$0x0], $0xffff  }
0x80: {  	v7 =	vld.idx.msk [tilespmem:v60+s14+$0x0], $0xffff;
	v8 =	vor.u32 $0x8, v5  }
0x81: {  	v62 =	vor.u32 $0x8, v3;
	[tilespmem:s23+$0xFFFFEC20] =	vst v10  }
0x82: {  	v10 =	vld.idx.msk [tilespmem:v61+s14+$0x0], $0xffff  }
0x83: {  	v63 =	vor.u32 $0x8, v2;
	[tilespmem:s23+$0xFFFFEC00] =	vst v0  }
0x84: {  	v0 =	vld.idx.msk [tilespmem:v1+s14+$0x0], $0xffff;
	[tilespmem:s23+$0xFFFFEE30] =	vst v6  }
0x85: {  	v1 =	vor.u32 $0x8, v4;
	[tilespmem:s23+$0xFFFFEE10] =	vst v7;
	v6 =	vld.idx.msk [tilespmem:v8+s14+$0x0], $0xffff  }
0x86: {  	v7 =	vld.idx.msk [tilespmem:v62+s14+$0x0], $0xffff;
	v8 =	vor.u32 $0x9, v5  }
0x87: {  	v32 =	vor.u32 $0x9, v3;
	[tilespmem:s23+$0xFFFFEE20] =	vst v10  }
0x88: {  	v10 =	vld.idx.msk [tilespmem:v63+s14+$0x0], $0xffff  }
0x89: {  	v33 =	vor.u32 $0x9, v2;
	[tilespmem:s23+$0xFFFFEE00] =	vst v0  }
0x8a: {  	v0 =	vld.idx.msk [tilespmem:v1+s14+$0x0], $0xffff;
	[tilespmem:s23+$0xFFFFF030] =	vst v6  }
0x8b: {  	v1 =	vor.u32 $0x9, v4;
	[tilespmem:s23+$0xFFFFF010] =	vst v7;
	v6 =	vld.idx.msk [tilespmem:v8+s14+$0x0], $0xffff  }
0x8c: {  	v7 =	vld.idx.msk [tilespmem:v32+s14+$0x0], $0xffff;
	v8 =	vor.u32 $0xA, v5  }
0x8d: {  	v34 =	vor.u32 $0xA, v3;
	[tilespmem:s23+$0xFFFFF020] =	vst v10  }
0x8e: {  	v10 =	vld.idx.msk [tilespmem:v33+s14+$0x0], $0xffff  }
0x8f: {  	v35 =	vor.u32 $0xA, v2;
	[tilespmem:s23+$0xFFFFF000] =	vst v0  }
0x90: {  	v0 =	vld.idx.msk [tilespmem:v1+s14+$0x0], $0xffff;
	[tilespmem:s23+$0xFFFFF230] =	vst v6  }
0x91: {  	v1 =	vor.u32 $0xA, v4;
	[tilespmem:s23+$0xFFFFF210] =	vst v7;
	v6 =	vld.idx.msk [tilespmem:v8+s14+$0x0], $0xffff  }
0x92: {  	v7 =	vld.idx.msk [tilespmem:v34+s14+$0x0], $0xffff;
	v8 =	vor.u32 $0xB, v5  }
0x93: {  	v36 =	vor.u32 $0xB, v3;
	[tilespmem:s23+$0xFFFFF220] =	vst v10  }
0x94: {  	v10 =	vld.idx.msk [tilespmem:v35+s14+$0x0], $0xffff  }
0x95: {  	v37 =	vor.u32 $0xB, v2;
	[tilespmem:s23+$0xFFFFF200] =	vst v0  }
0x96: {  	v0 =	vld.idx.msk [tilespmem:v1+s14+$0x0], $0xffff;
	[tilespmem:s23+$0xFFFFF430] =	vst v6  }
0x97: {  	v1 =	vor.u32 $0xB, v4;
	[tilespmem:s23+$0xFFFFF410] =	vst v7;
	v6 =	vld.idx.msk [tilespmem:v8+s14+$0x0], $0xffff  }
0x98: {  	v7 =	vld.idx.msk [tilespmem:v36+s14+$0x0], $0xffff;
	v8 =	vor.u32 $0xC, v5  }
0x99: {  	v38 =	vor.u32 $0xC, v3;
	[tilespmem:s23+$0xFFFFF420] =	vst v10  }
0x9a: {  	v10 =	vld.idx.msk [tilespmem:v37+s14+$0x0], $0xffff  }
0x9b: {  	v39 =	vor.u32 $0xC, v2;
	[tilespmem:s23+$0xFFFFF400] =	vst v0  }
0x9c: {  	v0 =	vld.idx.msk [tilespmem:v1+s14+$0x0], $0xffff;
	[tilespmem:s23+$0xFFFFF630] =	vst v6  }
0x9d: {  	v1 =	vor.u32 $0xC, v4;
	[tilespmem:s23+$0xFFFFF610] =	vst v7;
	v6 =	vld.idx.msk [tilespmem:v8+s14+$0x0], $0xffff  }
0x9e: {  	v7 =	vld.idx.msk [tilespmem:v38+s14+$0x0], $0xffff;
	v8 =	vor.u32 $0xD, v5  }
0x9f: {  	v40 =	vor.u32 $0xD, v3;
	[tilespmem:s23+$0xFFFFF620] =	vst v10  }
0xa0: {  	v10 =	vld.idx.msk [tilespmem:v39+s14+$0x0], $0xffff  }
0xa1: {  	v41 =	vor.u32 $0xD, v2;
	[tilespmem:s23+$0xFFFFF600] =	vst v0  }
0xa2: {  	v0 =	vld.idx.msk [tilespmem:v1+s14+$0x0], $0xffff;
	[tilespmem:s23+$0xFFFFF830] =	vst v6  }
0xa3: {  	v1 =	vor.u32 $0xD, v4;
	[tilespmem:s23+$0xFFFFF810] =	vst v7;
	v6 =	vld.idx.msk [tilespmem:v8+s14+$0x0], $0xffff  }
0xa4: {  	v7 =	vld.idx.msk [tilespmem:v40+s14+$0x0], $0xffff;
	v8 =	vor.u32 $0xE, v5  }
0xa5: {  	v42 =	vor.u32 $0xE, v3;
	[tilespmem:s23+$0xFFFFF820] =	vst v10  }
0xa6: {  	v10 =	vld.idx.msk [tilespmem:v41+s14+$0x0], $0xffff  }
0xa7: {  	v43 =	vor.u32 $0xE, v2;
	[tilespmem:s23+$0xFFFFF800] =	vst v0  }
0xa8: {  	v0 =	vld.idx.msk [tilespmem:v1+s14+$0x0], $0xffff;
	[tilespmem:s23+$0xFFFFFA30] =	vst v6  }
0xa9: {  	v1 =	vor.u32 $0xE, v4;
	[tilespmem:s23+$0xFFFFFA10] =	vst v7;
	v6 =	vld.idx.msk [tilespmem:v8+s14+$0x0], $0xffff  }
0xaa: {  	v7 =	vld.idx.msk [tilespmem:v42+s14+$0x0], $0xffff;
	v8 =	vor.u32 $0xF, v5  }
0xab: {  	v44 =	vor.u32 $0xF, v3;
	[tilespmem:s23+$0xFFFFFA20] =	vst v10  }
0xac: {  	v10 =	vld.idx.msk [tilespmem:v43+s14+$0x0], $0xffff  }
0xad: {  	v45 =	vor.u32 $0xF, v2;
	[tilespmem:s23+$0xFFFFFA00] =	vst v0  }
0xae: {  	v0 =	vld.idx.msk [tilespmem:v1+s14+$0x0], $0xffff;
	[tilespmem:s23+$0xFFFFFC30] =	vst v6  }
0xaf: {  	v1 =	vor.u32 $0xF, v4;
	[tilespmem:s23+$0xFFFFFC10] =	vst v7;
	v6 =	vld.idx.msk [tilespmem:v8+s14+$0x0], $0xffff  }
0xb0: {  	v7 =	vld.idx.msk [tilespmem:v44+s14+$0x0], $0xffff;
	v8 =	vor.u32 $0x10, v5  }
0xb1: {  	v46 =	vor.u32 $0x10, v3;
	[tilespmem:s23+$0xFFFFFC20] =	vst v10  }
0xb2: {  	v10 =	vld.idx.msk [tilespmem:v45+s14+$0x0], $0xffff  }
0xb3: {  	v47 =	vor.u32 $0x10, v2;
	[tilespmem:s23+$0xFFFFFC00] =	vst v0  }
0xb4: {  	v0 =	vld.idx.msk [tilespmem:v1+s14+$0x0], $0xffff;
	[tilespmem:s23+$0xFFFFFE30] =	vst v6  }
0xb5: {  	v1 =	vor.u32 $0x10, v4;
	[tilespmem:s23+$0xFFFFFE10] =	vst v7;
	v6 =	vld.idx.msk [tilespmem:v8+s14+$0x0], $0xffff  }
0xb6: {  	v7 =	vld.idx.msk [tilespmem:v46+s14+$0x0], $0xffff;
	v8 =	vor.u32 $0x11, v5  }
0xb7: {  	v48 =	vor.u32 $0x11, v3;
	[tilespmem:s23+$0xFFFFFE20] =	vst v10  }
0xb8: {  	v10 =	vld.idx.msk [tilespmem:v47+s14+$0x0], $0xffff  }
0xb9: {  	v49 =	vor.u32 $0x11, v2;
	[tilespmem:s23+$0xFFFFFE00] =	vst v0  }
0xba: {  	v0 =	vld.idx.msk [tilespmem:v1+s14+$0x0], $0xffff;
	[tilespmem:s23+$0x30] =	vst v6  }
0xbb: {  	s2 =	simm.s32 $0x70;
	v6 =	vor.u32 $0x11, v4;
	[tilespmem:s23+$0x10] =	vst v7;
	v7 =	vld.idx.msk [tilespmem:v8+s14+$0x0], $0xffff  }
0xbc: {  	v50 =	vor.u32 $0x12, v5;
	v1 =	vmov s2;
	v9 =	vld.idx.msk [tilespmem:v48+s14+$0x0], $0xffff  }
0xbd: {  	s29 =	simm.s32 $0x50;
	v12 =	vor.u32 $0x12, v3;
	v1 =	vshll.u32 v1, $0x5;
	[tilespmem:s23+$0x20] =	vst v10  }
0xbe: {  	s31 =	simm.s32 $0x60;
	v8 =	vmov s29;
	v60 =	vor.u32 v23, v1;
	v11 =	vld.idx.msk [tilespmem:v49+s14+$0x0], $0xffff  }
0xbf: {  	v14 =	vmov s31;
	v13 =	vor.u32 $0x12, v2;
	s29 =	simm.s32 $0x40;
	[tilespmem:s23+$0x0] =	vst v0;
	v0 =	vshll.u32 v8, $0x5  }
0xc0: {  	v15 =	vmov s29;
	v6 =	vld.idx.msk [tilespmem:v6+s14+$0x0], $0xffff;
	v8 =	vor.u32 v23, v0;
	v0 =	vshll.u32 v14, $0x5;
	[tilespmem:s23+$0x230] =	vst v7  }
0xc1: {  	v7 =	vshll.u32 v15, $0x5;
	v47 =	vor.u32 v23, v0;
	[tilespmem:s23+$0x210] =	vst v9;
	v0 =	vld.idx.msk [tilespmem:v50+s14+$0x0], $0xffff  }
0xc2: {  	v53 =	vor.u32 $0x12, v4;
	v46 =	vor.u32 v23, v7;
	v7 =	vld.idx.msk [tilespmem:v12+s14+$0x0], $0xffff  }
0xc3: {  	[tilespmem:s23+$0x220] =	vst v11;
	v12 =	vld.idx.msk [tilespmem:v60+s14+$0x0], $0xffff  }
0xc4: {  	v52 =	vor.u32 $0x13, v5;
	v51 =	vld.idx.msk [tilespmem:v13+s14+$0x0], $0xffff  }
0xc5: {  	v13 =	vor.u32 $0x13, v3;
	v14 =	vld.idx.msk [tilespmem:v8+s14+$0x0], $0xffff;
	[tilespmem:s23+$0x200] =	vst v6  }
0xc6: {  	v15 =	vor.u32 $0x1, v60;
	v6 =	vld.idx.msk [tilespmem:v47+s14+$0x0], $0xffff;
	[tilespmem:s23+$0x430] =	vst v0  }
0xc7: {  	s24 =	simm.s32 $0xA440;
	v16 =	vor.u32 $0x1, v8;
	v11 =	vld.idx.msk [tilespmem:v53+s14+$0x0], $0xffff;
	[tilespmem:s23+$0x410] =	vst v7  }
0xc8: {  	v17 =	vld.idx.msk [tilespmem:v46+s14+$0x0], $0xffff;
	v0 =	vor.u32 $0x1, v47;
	[tilespmem:s24+$0xFFFFE030] =	vst v12  }
0xc9: {  	v54 =	vor.u32 $0x1, v46;
	v7 =	vld.idx.msk [tilespmem:v52+s14+$0x0], $0xffff;
	[tilespmem:s23+$0x420] =	vst v51  }
0xca: {  	v55 =	vld.idx.msk [tilespmem:v13+s14+$0x0], $0xffff;
	v13 =	vor.u32 $0x13, v2;
	[tilespmem:s24+$0xFFFFE010] =	vst v14  }
0xcb: {  	v12 =	vor.u32 $0x14, v5;
	v14 =	vld.idx.msk [tilespmem:v15+s14+$0x0], $0xffff;
	[tilespmem:s24+$0xFFFFE020] =	vst v6  }
0xcc: {  	v15 =	vor.u32 $0x13, v4;
	v16 =	vld.idx.msk [tilespmem:v16+s14+$0x0], $0xffff;
	[tilespmem:s23+$0x400] =	vst v11  }
0xcd: {  	v6 =	vor.u32 $0x2, v60;
	[tilespmem:s24+$0xFFFFE000] =	vst v17;
	v0 =	vld.idx.msk [tilespmem:v0+s14+$0x0], $0xffff  }
0xce: {  	v17 =	vor.u32 $0x2, v8;
	v10 =	vld.idx.msk [tilespmem:v54+s14+$0x0], $0xffff;
	[tilespmem:s23+$0x630] =	vst v7  }
0xcf: {  	v7 =	vor.u32 $0x2, v47;
	[tilespmem:s23+$0x610] =	vst v55;
	v57 =	vld.idx.msk [tilespmem:v13+s14+$0x0], $0xffff  }
0xd0: {  	v56 =	vld.idx.msk [tilespmem:v12+s14+$0x0], $0xffff;
	v12 =	vor.u32 $0x2, v46;
	[tilespmem:s24+$0xFFFFE230] =	vst v14  }
0xd1: {  	v13 =	vld.idx.msk [tilespmem:v15+s14+$0x0], $0xffff;
	v14 =	vor.u32 $0x15, v5;
	[tilespmem:s24+$0xFFFFE210] =	vst v16  }
0xd2: {  	v15 =	vor.u32 $0x14, v3;
	v6 =	vld.idx.msk [tilespmem:v6+s14+$0x0], $0xffff;
	[tilespmem:s24+$0xFFFFE220] =	vst v0  }
0xd3: {  	v16 =	vor.u32 $0x14, v2;
	v17 =	vld.idx.msk [tilespmem:v17+s14+$0x0], $0xffff;
	[tilespmem:s24+$0xFFFFE200] =	vst v10  }
0xd4: {  	v0 =	vld.idx.msk [tilespmem:v7+s14+$0x0], $0xffff;
	v7 =	vor.u32 $0x3, v60;
	[tilespmem:s23+$0x620] =	vst v57  }
0xd5: {  	v58 =	vor.u32 $0x3, v8;
	v12 =	vld.idx.msk [tilespmem:v12+s14+$0x0], $0xffff;
	[tilespmem:s23+$0x830] =	vst v56  }
0xd6: {  	v59 =	vor.u32 $0x3, v47;
	v61 =	vld.idx.msk [tilespmem:v14+s14+$0x0], $0xffff;
	[tilespmem:s23+$0x600] =	vst v13  }
0xd7: {  	v14 =	vor.u32 $0x3, v46;
	v13 =	vld.idx.msk [tilespmem:v15+s14+$0x0], $0xffff;
	[tilespmem:s24+$0xFFFFE430] =	vst v6  }
0xd8: {  	v15 =	vor.u32 $0x16, v5;
	v6 =	vld.idx.msk [tilespmem:v16+s14+$0x0], $0xffff;
	[tilespmem:s24+$0xFFFFE410] =	vst v17  }
0xd9: {  	v16 =	vor.u32 $0x14, v4;
	v7 =	vld.idx.msk [tilespmem:v7+s14+$0x0], $0xffff;
	[tilespmem:s24+$0xFFFFE420] =	vst v0  }
0xda: {  	v17 =	vor.u32 $0x15, v3;
	v10 =	vld.idx.msk [tilespmem:v58+s14+$0x0], $0xffff;
	[tilespmem:s24+$0xFFFFE400] =	vst v12  }
0xdb: {  	v62 =	vor.u32 $0x4, v60;
	v0 =	vld.idx.msk [tilespmem:v59+s14+$0x0], $0xffff;
	[tilespmem:s23+$0xA30] =	vst v61  }
0xdc: {  	v12 =	vor.u32 $0x4, v8;
	v14 =	vld.idx.msk [tilespmem:v14+s14+$0x0], $0xffff;
	[tilespmem:s23+$0x810] =	vst v13  }
0xdd: {  	v63 =	vor.u32 $0x4, v47;
	v13 =	vld.idx.msk [tilespmem:v15+s14+$0x0], $0xffff;
	[tilespmem:s23+$0x820] =	vst v6  }
0xde: {  	v15 =	vor.u32 $0x4, v46;
	v16 =	vld.idx.msk [tilespmem:v16+s14+$0x0], $0xffff;
	[tilespmem:s24+$0xFFFFE630] =	vst v7  }
0xdf: {  	v6 =	vld.idx.msk [tilespmem:v17+s14+$0x0], $0xffff;
	v17 =	vor.u32 $0x15, v2;
	[tilespmem:s24+$0xFFFFE610] =	vst v10  }
0xe0: {  	v33 =	vor.u32 $0x15, v4;
	v32 =	vld.idx.msk [tilespmem:v62+s14+$0x0], $0xffff;
	[tilespmem:s24+$0xFFFFE620] =	vst v0  }
0xe1: {  	v7 =	vor.u32 $0x17, v5;
	v12 =	vld.idx.msk [tilespmem:v12+s14+$0x0], $0xffff;
	[tilespmem:s24+$0xFFFFE600] =	vst v14  }
0xe2: {  	v34 =	vor.u32 $0x5, v60;
	v0 =	vld.idx.msk [tilespmem:v63+s14+$0x0], $0xffff;
	[tilespmem:s23+$0xC30] =	vst v13  }
0xe3: {  	v14 =	vor.u32 $0x5, v8;
	v15 =	vld.idx.msk [tilespmem:v15+s14+$0x0], $0xffff;
	[tilespmem:s23+$0x800] =	vst v16  }
0xe4: {  	v13 =	vor.u32 $0x5, v47;
	[tilespmem:s23+$0xA10] =	vst v6;
	v6 =	vld.idx.msk [tilespmem:v17+s14+$0x0], $0xffff  }
0xe5: {  	v16 =	vor.u32 $0x5, v46;
	v35 =	vld.idx.msk [tilespmem:v33+s14+$0x0], $0xffff  }
0xe6: {  	v17 =	vor.u32 $0x16, v3;
	v7 =	vld.idx.msk [tilespmem:v7+s14+$0x0], $0xffff;
	[tilespmem:s24+$0xFFFFE830] =	vst v32  }
0xe7: {  	v36 =	vor.u32 $0x18, v5;
	[tilespmem:s24+$0xFFFFE810] =	vst v12;
	v9 =	vld.idx.msk [tilespmem:v34+s14+$0x0], $0xffff  }
0xe8: {  	v12 =	vor.u32 $0x16, v2;
	v14 =	vld.idx.msk [tilespmem:v14+s14+$0x0], $0xffff;
	[tilespmem:s24+$0xFFFFE820] =	vst v0  }
0xe9: {  	[tilespmem:s24+$0xFFFFE800] =	vst v15;
	v0 =	vld.idx.msk [tilespmem:v13+s14+$0x0], $0xffff;
	v13 =	vor.u32 $0x6, v60  }
0xea: {  	v15 =	vor.u32 $0x6, v8;
	v16 =	vld.idx.msk [tilespmem:v16+s14+$0x0], $0xffff;
	[tilespmem:s23+$0xA20] =	vst v6  }
0xeb: {  	v38 =	vld.idx.msk [tilespmem:v17+s14+$0x0], $0xffff;
	v17 =	vor.u32 $0x16, v4;
	[tilespmem:s23+$0xE30] =	vst v7  }
0xec: {  	[tilespmem:s23+$0xA00] =	vst v35;
	v7 =	vor.u32 $0x6, v47;
	v6 =	vld.idx.msk [tilespmem:v36+s14+$0x0], $0xffff  }
0xed: {  	v37 =	vor.u32 $0x6, v46;
	v39 =	vld.idx.msk [tilespmem:v12+s14+$0x0], $0xffff;
	[tilespmem:s24+$0xFFFFEA30] =	vst v9  }
0xee: {  	v12 =	vor.u32 $0x19, v5;
	[tilespmem:s24+$0xFFFFEA10] =	vst v14;
	v13 =	vld.idx.msk [tilespmem:v13+s14+$0x0], $0xffff  }
0xef: {  	v14 =	vor.u32 $0x17, v3;
	v15 =	vld.idx.msk [tilespmem:v15+s14+$0x0], $0xffff;
	[tilespmem:s24+$0xFFFFEA20] =	vst v0  }
0xf0: {  	[tilespmem:s24+$0xFFFFEA00] =	vst v16;
	v16 =	vor.u32 $0x7, v8;
	v17 =	vld.idx.msk [tilespmem:v17+s14+$0x0], $0xffff  }
0xf1: {  	[tilespmem:s23+$0xC10] =	vst v38;
	v0 =	vld.idx.msk [tilespmem:v7+s14+$0x0], $0xffff;
	v7 =	vor.u32 $0x7, v60  }
0xf2: {  	v11 =	vld.idx.msk [tilespmem:v37+s14+$0x0], $0xffff;
	[tilespmem:s23+$0x1030] =	vst v6;
	v6 =	vor.u32 $0x7, v47  }
0xf3: {  	[tilespmem:s23+$0xC20] =	vst v39;
	v40 =	vld.idx.msk [tilespmem:v12+s14+$0x0], $0xffff;
	v12 =	vor.u32 $0x7, v46  }
0xf4: {  	v41 =	vld.idx.msk [tilespmem:v14+s14+$0x0], $0xffff;
	v14 =	vor.u32 $0x17, v2;
	[tilespmem:s24+$0xFFFFEC10] =	vst v15  }
0xf5: {  	[tilespmem:s24+$0xFFFFEC30] =	vst v13;
	v13 =	vor.u32 $0x1A, v5;
	v16 =	vld.idx.msk [tilespmem:v16+s14+$0x0], $0xffff  }
0xf6: {  	v15 =	vor.u32 $0x17, v4;
	v7 =	vld.idx.msk [tilespmem:v7+s14+$0x0], $0xffff;
	[tilespmem:s24+$0xFFFFEC20] =	vst v0  }
0xf7: {  	v42 =	vor.u32 $0x8, v8;
	[tilespmem:s24+$0xFFFFEC00] =	vst v11;
	v0 =	vld.idx.msk [tilespmem:v6+s14+$0x0], $0xffff  }
0xf8: {  	[tilespmem:s23+$0xC00] =	vst v17;
	v6 =	vor.u32 $0x8, v60;
	v12 =	vld.idx.msk [tilespmem:v12+s14+$0x0], $0xffff  }
0xf9: {  	v43 =	vor.u32 $0x8, v47;
	[tilespmem:s23+$0x1230] =	vst v40;
	v44 =	vld.idx.msk [tilespmem:v14+s14+$0x0], $0xffff  }
0xfa: {  	v17 =	vor.u32 $0x8, v46;
	v13 =	vld.idx.msk [tilespmem:v13+s14+$0x0], $0xffff;
	[tilespmem:s24+$0xFFFFEE10] =	vst v16  }
0xfb: {  	v14 =	vor.u32 $0x1B, v5;
	[tilespmem:s24+$0xFFFFEE30] =	vst v7;
	v7 =	vld.idx.msk [tilespmem:v15+s14+$0x0], $0xffff  }
0xfc: {  	[tilespmem:s23+$0xE10] =	vst v41;
	v15 =	vor.u32 $0x18, v3;
	v11 =	vld.idx.msk [tilespmem:v42+s14+$0x0], $0xffff  }
0xfd: {  	v16 =	vor.u32 $0x18, v2;
	v6 =	vld.idx.msk [tilespmem:v6+s14+$0x0], $0xffff;
	[tilespmem:s24+$0xFFFFEE20] =	vst v0  }
0xfe: {  	v45 =	vor.u32 $0x9, v60;
	[tilespmem:s24+$0xFFFFEE00] =	vst v12;
	v0 =	vld.idx.msk [tilespmem:v43+s14+$0x0], $0xffff  }
0xff: {  	v12 =	vor.u32 $0x9, v8;
	v17 =	vld.idx.msk [tilespmem:v17+s14+$0x0], $0xffff;
	[tilespmem:s23+$0x1430] =	vst v13  }
0x100: {  	[tilespmem:s23+$0xE20] =	vst v44;
	v13 =	vor.u32 $0x9, v47;
	v48 =	vld.idx.msk [tilespmem:v14+s14+$0x0], $0xffff  }
0x101: {  	v14 =	vor.u32 $0x9, v46;
	[tilespmem:s23+$0xE00] =	vst v7;
	v7 =	vld.idx.msk [tilespmem:v15+s14+$0x0], $0xffff  }
0x102: {  	v15 =	vor.u32 $0x1C, v5;
	[tilespmem:s24+$0xFFFFF030] =	vst v6;
	v6 =	vld.idx.msk [tilespmem:v16+s14+$0x0], $0xffff  }
0x103: {  	[tilespmem:s24+$0xFFFFF010] =	vst v11;
	v16 =	vor.u32 $0x18, v4;
	v10 =	vld.idx.msk [tilespmem:v45+s14+$0x0], $0xffff  }
0x104: {  	v49 =	vor.u32 $0x19, v3;
	v12 =	vld.idx.msk [tilespmem:v12+s14+$0x0], $0xffff;
	[tilespmem:s24+$0xFFFFF020] =	vst v0  }
0x105: {  	[tilespmem:s24+$0xFFFFF000] =	vst v17;
	v0 =	vld.idx.msk [tilespmem:v13+s14+$0x0], $0xffff;
	v13 =	vor.u32 $0xA, v60  }
0x106: {  	v17 =	vor.u32 $0xA, v8;
	v14 =	vld.idx.msk [tilespmem:v14+s14+$0x0], $0xffff;
	[tilespmem:s23+$0x1630] =	vst v48  }
0x107: {  	v50 =	vor.u32 $0xA, v47;
	[tilespmem:s23+$0x1010] =	vst v7;
	v7 =	vld.idx.msk [tilespmem:v15+s14+$0x0], $0xffff  }
0x108: {  	v15 =	vor.u32 $0xA, v46;
	v16 =	vld.idx.msk [tilespmem:v16+s14+$0x0], $0xffff;
	[tilespmem:s23+$0x1020] =	vst v6  }
0x109: {  	v51 =	vor.u32 $0x1D, v5;
	v6 =	vld.idx.msk [tilespmem:v49+s14+$0x0], $0xffff;
	[tilespmem:s24+$0xFFFFF230] =	vst v10  }
0x10a: {  	v52 =	vor.u32 $0x19, v2;
	[tilespmem:s24+$0xFFFFF210] =	vst v12;
	v12 =	vld.idx.msk [tilespmem:v13+s14+$0x0], $0xffff  }
0x10b: {  	v13 =	vor.u32 $0x19, v4;
	v17 =	vld.idx.msk [tilespmem:v17+s14+$0x0], $0xffff;
	[tilespmem:s24+$0xFFFFF220] =	vst v0  }
0x10c: {  	v53 =	vor.u32 $0xB, v60;
	[tilespmem:s24+$0xFFFFF200] =	vst v14;
	v0 =	vld.idx.msk [tilespmem:v50+s14+$0x0], $0xffff  }
0x10d: {  	v14 =	vor.u32 $0xB, v8;
	v15 =	vld.idx.msk [tilespmem:v15+s14+$0x0], $0xffff;
	[tilespmem:s23+$0x1830] =	vst v7  }
0x10e: {  	v7 =	vor.u32 $0xB, v47;
	[tilespmem:s23+$0x1000] =	vst v16;
	v10 =	vld.idx.msk [tilespmem:v51+s14+$0x0], $0xffff  }
0x10f: {  	v16 =	vor.u32 $0xB, v46;
	[tilespmem:s23+$0x1210] =	vst v6;
	v6 =	vld.idx.msk [tilespmem:v52+s14+$0x0], $0xffff  }
0x110: {  	[tilespmem:s24+$0xFFFFF430] =	vst v12;
	v54 =	vld.idx.msk [tilespmem:v13+s14+$0x0], $0xffff;
	v12 =	vor.u32 $0x1E, v5  }
0x111: {  	v13 =	vor.u32 $0x1A, v3;
	[tilespmem:s24+$0xFFFFF410] =	vst v17;
	v9 =	vld.idx.msk [tilespmem:v53+s14+$0x0], $0xffff  }
0x112: {  	v17 =	vor.u32 $0x1A, v2;
	v14 =	vld.idx.msk [tilespmem:v14+s14+$0x0], $0xffff;
	[tilespmem:s24+$0xFFFFF420] =	vst v0  }
0x113: {  	[tilespmem:s24+$0xFFFFF400] =	vst v15;
	v0 =	vld.idx.msk [tilespmem:v7+s14+$0x0], $0xffff;
	v7 =	vor.u32 $0xC, v60  }
0x114: {  	v15 =	vor.u32 $0xC, v8;
	v16 =	vld.idx.msk [tilespmem:v16+s14+$0x0], $0xffff;
	[tilespmem:s23+$0x1A30] =	vst v10  }
0x115: {  	v55 =	vor.u32 $0xC, v47;
	[tilespmem:s23+$0x1220] =	vst v6;
	v6 =	vld.idx.msk [tilespmem:v12+s14+$0x0], $0xffff  }
0x116: {  	v12 =	vor.u32 $0xC, v46;
	[tilespmem:s23+$0x1200] =	vst v54;
	v56 =	vld.idx.msk [tilespmem:v13+s14+$0x0], $0xffff  }
0x117: {  	v57 =	vld.idx.msk [tilespmem:v17+s14+$0x0], $0xffff;
	v13 =	vor.u32 $0x1A, v4;
	[tilespmem:s24+$0xFFFFF630] =	vst v9  }
0x118: {  	v5 =	vor.u32 $0x1F, v5;
	[tilespmem:s24+$0xFFFFF610] =	vst v14;
	v7 =	vld.idx.msk [tilespmem:v7+s14+$0x0], $0xffff  }
0x119: {  	v61 =	vor.u32 $0x1B, v2;
	v15 =	vld.idx.msk [tilespmem:v15+s14+$0x0], $0xffff;
	[tilespmem:s24+$0xFFFFF620] =	vst v0  }
0x11a: {  	v14 =	vor.u32 $0x1B, v3;
	[tilespmem:s24+$0xFFFFF600] =	vst v16;
	v0 =	vld.idx.msk [tilespmem:v55+s14+$0x0], $0xffff  }
0x11b: {  	v58 =	vor.u32 $0xD, v60;
	v12 =	vld.idx.msk [tilespmem:v12+s14+$0x0], $0xffff;
	[tilespmem:s23+$0x1C30] =	vst v6  }
0x11c: {  	v16 =	vor.u32 $0xD, v8;
	[tilespmem:s23+$0x1410] =	vst v56;
	v13 =	vld.idx.msk [tilespmem:v13+s14+$0x0], $0xffff  }
0x11d: {  	v6 =	vor.u32 $0xD, v47;
	[tilespmem:s23+$0x1420] =	vst v57;
	v5 =	vld.idx.msk [tilespmem:v5+s14+$0x0], $0xffff  }
0x11e: {  	v9 =	vld.idx.msk [tilespmem:v61+s14+$0x0], $0xffff;
	[tilespmem:s24+$0xFFFFF830] =	vst v7  }
0x11f: {  	v59 =	vor.u32 $0xD, v46;
	v7 =	vld.idx.msk [tilespmem:v14+s14+$0x0], $0xffff;
	[tilespmem:s24+$0xFFFFF810] =	vst v15  }
0x120: {  	v14 =	vor.u32 $0x1B, v4;
	v10 =	vld.idx.msk [tilespmem:v58+s14+$0x0], $0xffff;
	[tilespmem:s24+$0xFFFFF820] =	vst v0  }
0x121: {  	v15 =	vor.u32 $0x1C, v3;
	v16 =	vld.idx.msk [tilespmem:v16+s14+$0x0], $0xffff;
	[tilespmem:s24+$0xFFFFF800] =	vst v12  }
0x122: {  	v0 =	vld.idx.msk [tilespmem:v6+s14+$0x0], $0xffff;
	v6 =	vor.u32 $0xE, v60;
	[tilespmem:s23+$0x1400] =	vst v13  }
0x123: {  	v12 =	vor.u32 $0xE, v8;
	[tilespmem:s23+$0x1E30] =	vst v5  }
0x124: {  	v11 =	vld.idx.msk [tilespmem:v59+s14+$0x0], $0xffff;
	v5 =	vor.u32 $0xE, v47;
	[tilespmem:s23+$0x1620] =	vst v9  }
0x125: {  	v13 =	vor.u32 $0xE, v46;
	v14 =	vld.idx.msk [tilespmem:v14+s14+$0x0], $0xffff;
	[tilespmem:s23+$0x1610] =	vst v7  }
0x126: {  	v7 =	vor.u32 $0x1C, v2;
	[tilespmem:s24+$0xFFFFFA30] =	vst v10;
	v62 =	vld.idx.msk [tilespmem:v15+s14+$0x0], $0xffff  }
0x127: {  	v15 =	vor.u32 $0x1C, v4;
	[tilespmem:s24+$0xFFFFFA10] =	vst v16;
	v6 =	vld.idx.msk [tilespmem:v6+s14+$0x0], $0xffff  }
0x128: {  	v16 =	vor.u32 $0x1D, v3;
	v12 =	vld.idx.msk [tilespmem:v12+s14+$0x0], $0xffff;
	[tilespmem:s24+$0xFFFFFA20] =	vst v0  }
0x129: {  	v18 =	vor.u32 $0x1D, v2;
	v63 =	vor.u32 $0xF, v60;
	[tilespmem:s24+$0xFFFFFA00] =	vst v11;
	v5 =	vld.idx.msk [tilespmem:v5+s14+$0x0], $0xffff  }
0x12a: {  	v22 =	vor.u32 $0x1F, v2;
	v24 =	vor.u32 $0x1F, v4;
	v19 =	vor.u32 $0xF, v8;
	v13 =	vld.idx.msk [tilespmem:v13+s14+$0x0], $0xffff;
	[tilespmem:s23+$0x1600] =	vst v14  }
0x12b: {  	v21 =	vor.u32 $0x11, v8;
	v29 =	vor.u32 $0x1A, v8;
	v20 =	vor.u32 $0xF, v47;
	v7 =	vld.idx.msk [tilespmem:v7+s14+$0x0], $0xffff;
	[tilespmem:s23+$0x1810] =	vst v62  }
0x12c: {  	v9 =	vor.u32 $0x1E, v4;
	v0 =	vor.u32 $0x1D, v4;
	v4 =	vor.u32 $0xF, v46;
	v15 =	vld.idx.msk [tilespmem:v15+s14+$0x0], $0xffff;
	[tilespmem:s24+$0xFFFFFC30] =	vst v6  }
0x12d: {  	v27 =	vor.u32 $0x1B, v8;
	v25 =	vor.u32 $0x1C, v8;
	v1 =	vor.u32 $0x14, v47;
	v6 =	vld.idx.msk [tilespmem:v16+s14+$0x0], $0xffff;
	[tilespmem:s24+$0xFFFFFC10] =	vst v12  }
0x12e: {  	v31 =	vor.u32 $0x1A, v47;
	v26 =	vor.u32 $0x1B, v47;
	v30 =	vor.u32 $0x1A, v46;
	v11 =	vld.idx.msk [tilespmem:v63+s14+$0x0], $0xffff;
	[tilespmem:s24+$0xFFFFFC20] =	vst v5  }
0x12f: {  	v28 =	vor.u32 $0x1B, v46;
	v33 =	vor.u32 $0x19, v47;
	v17 =	vor.u32 $0x1E, v3;
	v12 =	vld.idx.msk [tilespmem:v19+s14+$0x0], $0xffff;
	[tilespmem:s24+$0xFFFFFC00] =	vst v13  }
0x130: {  	v32 =	vor.u32 $0x19, v8;
	v34 =	vor.u32 $0x18, v46;
	v5 =	vld.idx.msk [tilespmem:v20+s14+$0x0], $0xffff;
	v13 =	vor.u32 $0x10, v60;
	[tilespmem:s23+$0x1820] =	vst v7  }
0x131: {  	v14 =	vor.u32 $0x1E, v2;
	v2 =	vor.u32 $0x10, v8;
	v4 =	vld.idx.msk [tilespmem:v4+s14+$0x0], $0xffff;
	[tilespmem:s23+$0x1800] =	vst v15;
	v15 =	vor.u32 $0x15, v47  }
0x132: {  	v35 =	vor.u32 $0x19, v46;
	v36 =	vor.u32 $0x17, v46;
	v10 =	vor.u32 $0x10, v47;
	v7 =	vld.idx.msk [tilespmem:v18+s14+$0x0], $0xffff;
	[tilespmem:$0x1FFE0] =	vst v15  }
0x133: {  	v38 =	vor.u32 $0x18, v47;
	v39 =	vor.u32 $0x14, v8;
	v16 =	vor.u32 $0x10, v46;
	v0 =	vld.idx.msk [tilespmem:v0+s14+$0x0], $0xffff;
	[tilespmem:s23+$0x1A10] =	vst v6  }
0x134: {  	v40 =	vor.u32 $0x13, v8;
	v41 =	vor.u32 $0x17, v47;
	v42 =	vor.u32 $0x13, v46;
	[tilespmem:s24+$0xFFFFFE30] =	vst v11;
	v6 =	vld.idx.msk [tilespmem:v17+s14+$0x0], $0xffff  }
0x135: {  	v44 =	vor.u32 $0x12, v46;
	v43 =	vor.u32 $0x13, v47;
	v45 =	vor.u32 $0x15, v8;
	[tilespmem:s24+$0xFFFFFE10] =	vst v12;
	v11 =	vld.idx.msk [tilespmem:v13+s14+$0x0], $0xffff  }
0x136: {  	v48 =	vor.u32 $0x17, v8;
	v49 =	vor.u32 $0x12, v47;
	v3 =	vor.u32 $0x1F, v3;
	v2 =	vld.idx.msk [tilespmem:v2+s14+$0x0], $0xffff;
	[tilespmem:s24+$0xFFFFFE20] =	vst v5  }
0x137: {  	v50 =	vor.u32 $0x11, v46;
	v52 =	vor.u32 $0x12, v8;
	v12 =	vor.u32 $0x11, v60;
	[tilespmem:s24+$0xFFFFFE00] =	vst v4;
	v10 =	vld.idx.msk [tilespmem:v10+s14+$0x0], $0xffff  }
0x138: {  	v53 =	vor.u32 $0x11, v47;
	v55 =	vor.u32 $0x16, v47;
	v57 =	vor.u32 $0x14, v46;
	[tilespmem:s23+$0x1A20] =	vst v7;
	v5 =	vld.idx.msk [tilespmem:v16+s14+$0x0], $0xffff  }
0x139: {  	v56 =	vor.u32 $0x15, v46;
	v61 =	vor.u32 $0x18, v8;
	v62 =	vor.u32 $0x16, v8;
	v4 =	vld.idx.msk [tilespmem:v14+s14+$0x0], $0xffff;
	[tilespmem:s23+$0x1A00] =	vst v0  }
0x13a: {  	v63 =	vor.u32 $0x16, v46;
	v19 =	vor.u32 $0x1D, v47;
	v20 =	vor.u32 $0x1C, v46;
	v0 =	vld.idx.msk [tilespmem:v9+s14+$0x0], $0xffff;
	[tilespmem:s23+$0x1C10] =	vst v6  }
0x13b: {  	v18 =	vor.u32 $0x1C, v47;
	v15 =	vor.u32 $0x1E, v46;
	v17 =	vor.u32 $0x1D, v8;
	[tilespmem:s24+$0x30] =	vst v11;
	v3 =	vld.idx.msk [tilespmem:v3+s14+$0x0], $0xffff  }
0x13c: {  	v13 =	vor.u32 $0x1F, v8;
	v16 =	vor.u32 $0x1D, v46;
	v14 =	vor.u32 $0x1E, v8;
	[tilespmem:s24+$0x10] =	vst v2;
	v6 =	vld.idx.msk [tilespmem:v12+s14+$0x0], $0xffff  }
0x13d: {  	s30 =	simm.s32 $0x80;
	s29 =	simm.s32 $0x4;
	v46 =	vor.u32 $0x1F, v46;
	[tilespmem:s24+$0x20] =	vst v10;
	v12 =	vor.u32 $0x1E, v47;
	v47 =	vor.u32 $0x1F, v47;
	v7 =	vld.idx.msk [tilespmem:v21+s14+$0x0], $0xffff  }
.LBB2_14:
0x13e: {  	[tilespmem:$0x1FCB0] =	vst v34  }
0x13f: {  	[tilespmem:$0x1FD10] =	vst v35  }
0x140: {  	[tilespmem:$0x1FCC0] =	vst v32  }
0x141: {  	[tilespmem:$0x1FD00] =	vst v33  }
0x142: {  	[tilespmem:$0x1FD70] =	vst v31  }
0x143: {  	[tilespmem:$0x1FD60] =	vst v29  }
0x144: {  	[tilespmem:$0x1FDC0] =	vst v30  }
0x145: {  	[tilespmem:$0x1FDD0] =	vst v27  }
0x146: {  	[tilespmem:$0x1FE20] =	vst v28  }
0x147: {  	[tilespmem:$0x1FE10] =	vst v26  }
0x148: {  	[tilespmem:$0x1FE30] =	vst v25  }
0x149: {  	[tilespmem:$0x1FE70] =	vst v18  }
0x14a: {  	[tilespmem:$0x1FEA0] =	vst v17  }
0x14b: {  	[tilespmem:$0x1FE90] =	vst v20  }
0x14c: {  	[tilespmem:$0x1FEF0] =	vst v19  }
0x14d: {  	[tilespmem:$0x1FF30] =	vst v14  }
0x14e: {  	[tilespmem:$0x1FFC0] =	vst v13  }
0x14f: {  	[tilespmem:$0x1FF10] =	vst v16  }
0x150: {  	[tilespmem:$0x1FFA0] =	vst v15  }
0x151: {  	[tilespmem:$0x1FF80] =	vst v12  }
0x152: {  	[tilespmem:s24+$0x0] =	vst v5;
	v12 =	vmov v47  }
0x153: {  	[tilespmem:$0x1FD20] =	vst v12  }
0x154: {  	[tilespmem:s23+$0x1E10] =	vst v3  }
0x155: {  	v5 =	vld.idx.msk [tilespmem:v53+s14+$0x0], $0xffff;
	[tilespmem:s23+$0x1C20] =	vst v4  }
0x156: {  	v2 =	vmov s30;
	s31 =	sadd.s32 $0x10, s30;
	v8 =	vor.u32 $0x12, v60;
	v11 =	vld.idx.msk [tilespmem:v50+s14+$0x0], $0xffff;
	[tilespmem:s23+$0x1C00] =	vst v0  }
0x157: {  	s1 =	sadd.s32 $0x30, s30;
	v9 =	vshll.u32 v2, $0x5;
	v2 =	vmov s31;
	[tilespmem:s24+$0x230] =	vst v6;
	v0 =	vld.idx.msk [tilespmem:v22+s14+$0x0], $0xffff  }
0x158: {  	s2 =	sadd.s32 $0x20, s30;
	v10 =	vmov s1;
	v2 =	vshll.u32 v2, $0x5;
	v3 =	vmov v46;
	[tilespmem:s24+$0x210] =	vst v7;
	v53 =	vld.idx.msk [tilespmem:v24+s14+$0x0], $0xffff  }
0x159: {  	v10 =	vshll.u32 v10, $0x5;
	v4 =	vmov s2;
	v2 =	vor.u32 v23, v2;
	[tilespmem:$0x1FC30] =	vst v3;
	v6 =	vld.idx.msk [tilespmem:v52+s14+$0x0], $0xffff  }
0x15a: {  	v50 =	vor.u32 v23, v10;
	v4 =	vshll.u32 v4, $0x5;
	[tilespmem:s24+$0x220] =	vst v5  }
0x15b: {  	v21 =	vor.u32 v23, v4;
	v4 =	vld.idx.msk [tilespmem:v8+s14+$0x0], $0xffff;
	[tilespmem:s24+$0x200] =	vst v11  }
0x15c: {  	v5 =	vld.idx.msk [tilespmem:v49+s14+$0x0], $0xffff;
	[tilespmem:s23+$0x1E20] =	vst v0  }
0x15d: {  	[tilespmem:s23+$0x1E00] =	vst v53  }
0x15e: {  	v47 =	vor.u32 v23, v9;
	v30 =	vld.idx.msk [tilespmem:v2+s14+$0x0], $0xffff;
	v0 =	vor.u32 $0x7, v21;
	[tilespmem:s24+$0x410] =	vst v6  }
0x15f: {  	v54 =	vor.u32 $0x13, v60;
	v28 =	vld.idx.msk [tilespmem:v50+s14+$0x0], $0xffff;
	[tilespmem:$0x1FC20] =	vst v0  }
0x160: {  	[tilespmem:s24+$0x430] =	vst v4;
	v0 =	vor.u32 $0x8, v2  }
0x161: {  	[tilespmem:$0x1FC40] =	vst v0;
	v0 =	vor.u32 $0x8, v21  }
0x162: {  	v31 =	vld.idx.msk [tilespmem:v21+s14+$0x0], $0xffff;
	[tilespmem:$0x1FC50] =	vst v0;
	v0 =	vor.u32 $0x8, v47  }
0x163: {  	s23 =	smov.u32 s24;
	v59 =	vld.idx.msk [tilespmem:v47+s14+$0x0], $0xffff;
	s24 =	sadd.s32 $0x40, s24;
	[tilespmem:$0x1FC60] =	vst v0  }
0x164: {  	v11 =	vld.idx.msk [tilespmem:v54+s14+$0x0], $0xffff;
	[tilespmem:s24+$0xFFFFE030] =	vst v28  }
0x165: {  	v0 =	vor.u32 $0x9, v2;
	v28 =	vld.idx.msk [tilespmem:v40+s14+$0x0], $0xffff;
	[tilespmem:s24+$0xFFFFE010] =	vst v30  }
0x166: {  	[tilespmem:$0x1FC80] =	vst v0  }
0x167: {  	v58 =	vor.u32 $0x1, v50;
	v0 =	vor.u32 $0x9, v21;
	[tilespmem:s23+$0x420] =	vst v5  }
0x168: {  	v15 =	vor.u32 $0x1, v47;
	v35 =	vld.idx.msk [tilespmem:v44+s14+$0x0], $0xffff;
	[tilespmem:$0x1FC90] =	vst v0  }
0x169: {  	v12 =	vor.u32 $0x1, v2;
	[tilespmem:s24+$0xFFFFE020] =	vst v31  }
0x16a: {  	v0 =	vor.u32 $0x9, v47;
	[tilespmem:s24+$0xFFFFE000] =	vst v59  }
0x16b: {  	[tilespmem:$0x1FCA0] =	vst v0  }
0x16c: {  	v22 =	vor.u32 $0x1, v21;
	v30 =	vld.idx.msk [tilespmem:v58+s14+$0x0], $0xffff;
	[tilespmem:s23+$0x630] =	vst v11  }
0x16d: {  	v37 =	vor.u32 $0x14, v60;
	v0 =	vor.u32 $0xA, v2;
	v15 =	vld.idx.msk [tilespmem:v15+s14+$0x0], $0xffff;
	[tilespmem:s23+$0x400] =	vst v35  }
0x16e: {  	v12 =	vld.idx.msk [tilespmem:v12+s14+$0x0], $0xffff;
	[tilespmem:$0x1FCD0] =	vst v0;
	v0 =	vor.u32 $0xA, v47  }
0x16f: {  	[tilespmem:$0x1FCF0] =	vst v0  }
0x170: {  	v0 =	vor.u32 $0xB, v2;
	[tilespmem:s23+$0x610] =	vst v28  }
0x171: {  	v22 =	vld.idx.msk [tilespmem:v22+s14+$0x0], $0xffff;
	[tilespmem:$0x1FD30] =	vst v0  }
0x172: {  	v11 =	vld.idx.msk [tilespmem:v37+s14+$0x0], $0xffff;
	[tilespmem:s24+$0xFFFFE230] =	vst v30  }
0x173: {  	v0 =	vor.u32 $0xA, v21;
	[tilespmem:s24+$0xFFFFE210] =	vst v12  }
0x174: {  	v31 =	vor.u32 $0x2, v50;
	[tilespmem:$0x1FCE0] =	vst v0;
	v0 =	vor.u32 $0xB, v47  }
0x175: {  	v16 =	vor.u32 $0x2, v2;
	[tilespmem:$0x1FD50] =	vst v0  }
0x176: {  	v27 =	vor.u32 $0x2, v21;
	v28 =	vld.idx.msk [tilespmem:v43+s14+$0x0], $0xffff;
	[tilespmem:s24+$0xFFFFE220] =	vst v22  }
0x177: {  	v30 =	vld.idx.msk [tilespmem:v42+s14+$0x0], $0xffff;
	v0 =	vor.u32 $0xC, v2;
	[tilespmem:s24+$0xFFFFE200] =	vst v15  }
0x178: {  	v23 =	vor.u32 $0x2, v47;
	[tilespmem:$0x1FD90] =	vst v0  }
0x179: {  	v12 =	vld.idx.msk [tilespmem:v31+s14+$0x0], $0xffff;
	v0 =	vor.u32 $0xB, v21;
	[tilespmem:s23+$0x830] =	vst v11  }
0x17a: {  	v44 =	vor.u32 $0x15, v60;
	v16 =	vld.idx.msk [tilespmem:v16+s14+$0x0], $0xffff;
	[tilespmem:$0x1FD40] =	vst v0  }
0x17b: {  	v15 =	vld.idx.msk [tilespmem:v27+s14+$0x0], $0xffff;
	v0 =	vor.u32 $0xC, v47;
	[tilespmem:s23+$0x620] =	vst v28  }
0x17c: {  	[tilespmem:$0x1FDB0] =	vst v0  }
0x17d: {  	v23 =	vld.idx.msk [tilespmem:v23+s14+$0x0], $0xffff;
	v0 =	vor.u32 $0xC, v21;
	[tilespmem:s23+$0x600] =	vst v30  }
0x17e: {  	v8 =	vor.u32 $0x3, v2;
	v5 =	vmov v56;
	v56 =	vld.idx.msk [tilespmem:v39+s14+$0x0], $0xffff;
	[tilespmem:$0x1FDA0] =	vst v0  }
0x17f: {  	v51 =	vor.u32 $0x14, v47;
	v54 =	vld.idx.msk [tilespmem:v44+s14+$0x0], $0xffff;
	[tilespmem:s24+$0xFFFFE430] =	vst v12  }
0x180: {  	v58 =	vld.idx.msk [tilespmem:v1+s14+$0x0], $0xffff;
	v1 =	vmov v51;
	v51 =	vor.u32 $0x1D, v2;
	[tilespmem:s24+$0xFFFFE410] =	vst v16  }
0x181: {  	v0 =	vor.u32 $0xD, v47;
	[tilespmem:$0x1FEB0] =	vst v51  }
0x182: {  	[tilespmem:$0x1FE00] =	vst v0  }
0x183: {  	v22 =	vor.u32 $0x3, v50;
	v0 =	vor.u32 $0xD, v2;
	v52 =	vld.idx.msk [tilespmem:v8+s14+$0x0], $0xffff;
	[tilespmem:s23+$0x810] =	vst v56  }
0x184: {  	[tilespmem:$0x1FDE0] =	vst v0  }
0x185: {  	v7 =	vor.u32 $0x3, v21;
	[tilespmem:s24+$0xFFFFE420] =	vst v15  }
0x186: {  	v0 =	vor.u32 $0xD, v21;
	[tilespmem:s24+$0xFFFFE400] =	vst v23  }
0x187: {  	[tilespmem:$0x1FDF0] =	vst v0  }
0x188: {  	v49 =	vld.idx.msk [tilespmem:v22+s14+$0x0], $0xffff;
	v0 =	vor.u32 $0xE, v47;
	[tilespmem:s23+$0xA30] =	vst v54  }
0x189: {  	[tilespmem:$0x1FE60] =	vst v0  }
0x18a: {  	v39 =	vld.idx.msk [tilespmem:v7+s14+$0x0], $0xffff;
	v0 =	vor.u32 $0xE, v2;
	[tilespmem:s23+$0x820] =	vst v58  }
0x18b: {  	[tilespmem:$0x1FE40] =	vst v0;
	v0 =	vor.u32 $0xE, v21  }
0x18c: {  	[tilespmem:$0x1FE50] =	vst v0;
	v0 =	vor.u32 $0xF, v47  }
0x18d: {  	[tilespmem:$0x1FEE0] =	vst v0;
	v0 =	vor.u32 $0xF, v2  }
0x18e: {  	v3 =	vor.u32 $0x3, v47;
	[tilespmem:$0x1FEC0] =	vst v0;
	v0 =	vor.u32 $0xF, v21  }
0x18f: {  	[tilespmem:$0x1FED0] =	vst v0;
	v0 =	vor.u32 $0x10, v2  }
0x190: {  	[tilespmem:$0x1FF50] =	vst v0;
	v0 =	vor.u32 $0x10, v21  }
0x191: {  	v26 =	vor.u32 $0x4, v47;
	[tilespmem:$0x1FF60] =	vst v0;
	v0 =	vor.u32 $0x10, v47  }
0x192: {  	v46 =	vor.u32 $0x4, v2;
	v20 =	vor.u32 $0x5, v47;
	[tilespmem:$0x1FF70] =	vst v0;
	v0 =	vor.u32 $0x11, v2  }
0x193: {  	v25 =	vor.u32 $0x5, v2;
	v18 =	vor.u32 $0x6, v47;
	v3 =	vld.idx.msk [tilespmem:v3+s14+$0x0], $0xffff;
	[tilespmem:$0x1FFD0] =	vst v0;
	v0 =	vor.u32 $0x11, v21  }
0x194: {  	v13 =	vor.u32 $0x7, v47;
	v9 =	vor.u32 $0x13, v47;
	v56 =	vld.idx.msk [tilespmem:v57+s14+$0x0], $0xffff;
	[tilespmem:$0x1FF40] =	vst v0;
	v0 =	vor.u32 $0x11, v47  }
0x195: {  	v34 =	vor.u32 $0x15, v47;
	v32 =	vor.u32 $0x17, v47;
	[tilespmem:$0x1FD80] =	vst v0;
	v0 =	vor.u32 $0x12, v2  }
0x196: {  	v29 =	vor.u32 $0x4, v21;
	v24 =	vor.u32 $0x5, v21;
	[tilespmem:$0x1FF00] =	vst v0;
	v0 =	vor.u32 $0x12, v21  }
0x197: {  	v17 =	vor.u32 $0x6, v21;
	v59 =	vor.u32 $0x16, v60;
	[tilespmem:$0x1FF20] =	vst v0;
	v0 =	vor.u32 $0x13, v2  }
0x198: {  	v33 =	vor.u32 $0x17, v21;
	v6 =	vor.u32 $0x12, v47;
	v4 =	vor.u32 $0x13, v21;
	[tilespmem:s24+$0xFFFFE600] =	vst v3  }
0x199: {  	v40 =	vor.u32 $0x4, v50;
	v37 =	vor.u32 $0x16, v47;
	v42 =	vmovc v36;
	v27 =	vor.u32 $0x14, v2;
	v26 =	vld.idx.msk [tilespmem:v26+s14+$0x0], $0xffff;
	[tilespmem:s23+$0x800] =	vst v56  }
0x19a: {  	v36 =	vor.u32 $0x15, v21;
	v11 =	vor.u32 $0x14, v21;
	v44 =	vmovc v48;
	v48 =	vor.u32 $0x16, v21;
	v56 =	vld [tilespmem:$0x1FFE0];
	[tilespmem:$0x1FFB0] =	vst v0;
	v0 =	vmovc v27  }
0x19b: {  	v30 =	vor.u32 $0x18, v21;
	v12 =	vor.u32 $0x1A, v47;
	v51 =	vld.idx.msk [tilespmem:v45+s14+$0x0], $0xffff;
	[tilespmem:$0x1FF90] =	vst v0;
	v0 =	vor.u32 $0x1C, v21  }
0x19c: {  	v22 =	vor.u32 $0x19, v47;
	v8 =	vor.u32 $0x1B, v21;
	v23 =	vor.u32 $0x19, v21;
	v54 =	vld.idx.msk [tilespmem:v59+s14+$0x0], $0xffff;
	[tilespmem:s24+$0xFFFFE630] =	vst v49  }
0x19d: {  	v15 =	vor.u32 $0x1A, v21;
	v7 =	vor.u32 $0x1B, v47;
	v58 =	vor.u32 $0x1C, v47;
	[tilespmem:s24+$0xFFFFE610] =	vst v52  }
0x19e: {  	v10 =	vmovc v41;
	v49 =	vor.u32 $0x1D, v47;
	v52 =	vor.u32 $0x1D, v21;
	v41 =	vld.idx.msk [tilespmem:v46+s14+$0x0], $0xffff;
	[tilespmem:$0x1FE80] =	vst v0;
	v0 =	vmovc v55;
	v55 =	vor.u32 $0x17, v60  }
0x19f: {  	v57 =	vld.idx.msk [tilespmem:v40+s14+$0x0], $0xffff;
	v40 =	vor.u32 $0x1E, v47;
	v46 =	vor.u32 $0x1F, v47;
	[tilespmem:s24+$0xFFFFE620] =	vst v39;
	v39 =	vor.u32 $0x1E, v21  }
0x1a0: {  	[tilespmem:s23+$0xA10] =	vst v51;
	v3 =	vld.idx.msk [tilespmem:v29+s14+$0x0], $0xffff;
	v27 =	vor.u32 $0x18, v47;
	v47 =	vor.u32 $0x1F, v21;
	v21 =	vor.u32 $0x5, v50  }
0x1a1: {  	[tilespmem:s23+$0xC30] =	vst v54;
	v54 =	vmov v36;
	v36 =	vld.idx.msk [tilespmem:v5+s14+$0x0], $0xffff  }
0x1a2: {  	[tilespmem:$0x1FFE0] =	vst v54;
	v51 =	vld.idx.msk [tilespmem:v56+s14+$0x0], $0xffff  }
0x1a3: {  	[tilespmem:s24+$0xFFFFE810] =	vst v41;
	v29 =	vld.idx.msk [tilespmem:v55+s14+$0x0], $0xffff  }
0x1a4: {  	v54 =	vor.u32 $0x18, v60;
	v25 =	vld.idx.msk [tilespmem:v25+s14+$0x0], $0xffff;
	[tilespmem:s24+$0xFFFFE830] =	vst v57  }
0x1a5: {  	[tilespmem:s24+$0xFFFFE800] =	vst v26;
	v21 =	vld.idx.msk [tilespmem:v21+s14+$0x0], $0xffff  }
0x1a6: {  	v19 =	vor.u32 $0x6, v2;
	[tilespmem:s24+$0xFFFFE820] =	vst v3  }
0x1a7: {  	v3 =	vld.idx.msk [tilespmem:v24+s14+$0x0], $0xffff;
	[tilespmem:s23+$0xA20] =	vst v51  }
0x1a8: {  	[tilespmem:s23+$0xE30] =	vst v29;
	v29 =	vld.idx.msk [tilespmem:v62+s14+$0x0], $0xffff  }
0x1a9: {  	[tilespmem:s24+$0xFFFFEA10] =	vst v25;
	v26 =	vld.idx.msk [tilespmem:v54+s14+$0x0], $0xffff  }
0x1aa: {  	[tilespmem:s24+$0xFFFFEA30] =	vst v21;
	v21 =	vld.idx.msk [tilespmem:v0+s14+$0x0], $0xffff  }
0x1ab: {  	[tilespmem:$0x1FC70] =	vst v4;
	v19 =	vld.idx.msk [tilespmem:v19+s14+$0x0], $0xffff  }
0x1ac: {  	v14 =	vor.u32 $0x7, v2;
	v20 =	vld.idx.msk [tilespmem:v20+s14+$0x0], $0xffff;
	[tilespmem:s23+$0xA00] =	vst v36  }
0x1ad: {  	v4 =	vmov v11;
	[tilespmem:s24+$0xFFFFEA20] =	vst v3  }
0x1ae: {  	v24 =	vor.u32 $0x6, v50;
	v57 =	vmov v1;
	v1 =	vmov v4;
	v4 =	vld [tilespmem:$0x1FC40];
	[tilespmem:s23+$0xC10] =	vst v29  }
0x1af: {  	v3 =	vld.idx.msk [tilespmem:v17+s14+$0x0], $0xffff;
	[tilespmem:s23+$0xC20] =	vst v21  }
0x1b0: {  	v21 =	vld.idx.msk [tilespmem:v44+s14+$0x0], $0xffff;
	[tilespmem:s24+$0xFFFFEC10] =	vst v19  }
0x1b1: {  	[tilespmem:s24+$0xFFFFEA00] =	vst v20;
	v51 =	vor.u32 $0x19, v60;
	v14 =	vld.idx.msk [tilespmem:v14+s14+$0x0], $0xffff  }
0x1b2: {  	v18 =	vld.idx.msk [tilespmem:v18+s14+$0x0], $0xffff  }
0x1b3: {  	v24 =	vld.idx.msk [tilespmem:v24+s14+$0x0], $0xffff  }
0x1b4: {  	v25 =	vld.idx.msk [tilespmem:v63+s14+$0x0], $0xffff;
	v17 =	vor.u32 $0x7, v50;
	[tilespmem:s23+$0x1030] =	vst v26  }
0x1b5: {  	v0 =	vld [tilespmem:$0x1FC20];
	[tilespmem:s23+$0xE10] =	vst v21  }
0x1b6: {  	v20 =	vld.idx.msk [tilespmem:v51+s14+$0x0], $0xffff;
	[tilespmem:s24+$0xFFFFEE10] =	vst v14  }
0x1b7: {  	v56 =	vmov v34;
	v34 =	vld.idx.msk [tilespmem:v4+s14+$0x0], $0xffff  }
0x1b8: {  	[tilespmem:s24+$0xFFFFEC30] =	vst v24;
	v4 =	vld [tilespmem:$0x1FC60]  }
0x1b9: {  	[tilespmem:s24+$0xFFFFEC00] =	vst v18;
	v24 =	vor.u32 $0x1A, v60;
	v17 =	vld.idx.msk [tilespmem:v17+s14+$0x0], $0xffff  }
0x1ba: {  	v13 =	vld.idx.msk [tilespmem:v13+s14+$0x0], $0xffff  }
0x1bb: {  	[tilespmem:s23+$0xC00] =	vst v25  }
0x1bc: {  	[tilespmem:s24+$0xFFFFEC20] =	vst v3  }
0x1bd: {  	v0 =	vld.idx.msk [tilespmem:v0+s14+$0x0], $0xffff;
	[tilespmem:s23+$0x1230] =	vst v20  }
0x1be: {  	v18 =	vld.idx.msk [tilespmem:v24+s14+$0x0], $0xffff;
	[tilespmem:s24+$0xFFFFEE30] =	vst v17  }
0x1bf: {  	v17 =	vld.idx.msk [tilespmem:v42+s14+$0x0], $0xffff;
	[tilespmem:s24+$0xFFFFEE00] =	vst v13  }
0x1c0: {  	v13 =	vld.idx.msk [tilespmem:v4+s14+$0x0], $0xffff  }
0x1c1: {  	v4 =	vld [tilespmem:$0x1FC80]  }
0x1c2: {  	v3 =	vor.u32 $0x8, v50  }
0x1c3: {  	v19 =	vld.idx.msk [tilespmem:v10+s14+$0x0], $0xffff  }
0x1c4: {  	[tilespmem:s24+$0xFFFFEE20] =	vst v0;
	v0 =	vld [tilespmem:$0x1FC50];
	_ =	sdelay $0x2  }
0x1c5: {  	v3 =	vld.idx.msk [tilespmem:v3+s14+$0x0], $0xffff;
	[tilespmem:s23+$0xE00] =	vst v17  }
0x1c6: {  	v17 =	vld.idx.msk [tilespmem:v61+s14+$0x0], $0xffff;
	[tilespmem:s24+$0xFFFFF010] =	vst v34  }
0x1c7: {  	v44 =	vmov v6;
	v20 =	vor.u32 $0x1B, v60;
	v6 =	vld.idx.msk [tilespmem:v4+s14+$0x0], $0xffff  }
0x1c8: {  	v4 =	vld [tilespmem:$0x1FCA0]  }
0x1c9: {  	v43 =	vmov v38  }
0x1ca: {  	v0 =	vld.idx.msk [tilespmem:v0+s14+$0x0], $0xffff  }
0x1cb: {  	[tilespmem:s23+$0x1430] =	vst v18  }
0x1cc: {  	v14 =	vld.idx.msk [tilespmem:v20+s14+$0x0], $0xffff;
	[tilespmem:s24+$0xFFFFF030] =	vst v3  }
0x1cd: {  	[tilespmem:s23+$0xE20] =	vst v19  }
0x1ce: {  	v3 =	vld.idx.msk [tilespmem:v43+s14+$0x0], $0xffff;
	[tilespmem:s24+$0xFFFFF000] =	vst v13  }
0x1cf: {  	[tilespmem:s24+$0xFFFFF020] =	vst v0;
	v0 =	vld [tilespmem:$0x1FC90]  }
0x1d0: {  	v35 =	vor.u32 $0x16, v2;
	v5 =	vld.idx.msk [tilespmem:v4+s14+$0x0], $0xffff  }
0x1d1: {  	v62 =	vmov v35;
	v35 =	vor.u32 $0x9, v50;
	v4 =	vld [tilespmem:$0x1FCB0];
	_ =	sdelay $0x4  }
0x1d2: {  	v42 =	vmov v9;
	v9 =	vld.idx.msk [tilespmem:v35+s14+$0x0], $0xffff  }
0x1d3: {  	v0 =	vld.idx.msk [tilespmem:v0+s14+$0x0], $0xffff  }
0x1d4: {  	[tilespmem:s23+$0x1020] =	vst v3;
	v3 =	vld [tilespmem:$0x1FCC0]  }
0x1d5: {  	[tilespmem:s23+$0x1630] =	vst v14;
	v14 =	vld.idx.msk [tilespmem:v4+s14+$0x0], $0xffff  }
0x1d6: {  	v4 =	vld [tilespmem:$0x1FCD0];
	_ =	sdelay $0x5  }
0x1d7: {  	[tilespmem:s23+$0x1010] =	vst v17  }
0x1d8: {  	v3 =	vld.idx.msk [tilespmem:v3+s14+$0x0], $0xffff;
	[tilespmem:s24+$0xFFFFF210] =	vst v6  }
0x1d9: {  	v54 =	vld.idx.msk [tilespmem:v4+s14+$0x0], $0xffff  }
0x1da: {  	v4 =	vld [tilespmem:$0x1FCF0];
	_ =	sdelay $0x4  }
0x1db: {  	v18 =	vor.u32 $0x1C, v60;
	_ =	sdelay $0x1  }
0x1dc: {  	v63 =	vmov v37;
	v37 =	vor.u32 $0xA, v50;
	[tilespmem:s24+$0xFFFFF200] =	vst v5  }
0x1dd: {  	v17 =	vld.idx.msk [tilespmem:v4+s14+$0x0], $0xffff  }
0x1de: {  	v4 =	vld [tilespmem:$0x1FD10]  }
0x1df: {  	v13 =	vld.idx.msk [tilespmem:v18+s14+$0x0], $0xffff  }
0x1e0: {  	v51 =	vor.u32 $0x1D, v60;
	[tilespmem:s24+$0xFFFFF230] =	vst v9  }
0x1e1: {  	v6 =	vld.idx.msk [tilespmem:v37+s14+$0x0], $0xffff;
	_ =	sdelay $0x2  }
0x1e2: {  	[tilespmem:s23+$0x1830] =	vst v13  }
0x1e3: {  	v9 =	vld.idx.msk [tilespmem:v51+s14+$0x0], $0xffff;
	[tilespmem:s23+$0x1000] =	vst v14  }
0x1e4: {  	[tilespmem:s24+$0xFFFFF430] =	vst v6;
	v6 =	vld.idx.msk [tilespmem:v4+s14+$0x0], $0xffff  }
0x1e5: {  	v4 =	vld [tilespmem:$0x1FD30];
	_ =	sdelay $0x5  }
0x1e6: {  	[tilespmem:s23+$0x1210] =	vst v3  }
0x1e7: {  	[tilespmem:s24+$0xFFFFF410] =	vst v54  }
0x1e8: {  	v10 =	vld.idx.msk [tilespmem:v4+s14+$0x0], $0xffff  }
0x1e9: {  	v4 =	vld [tilespmem:$0x1FD50];
	_ =	sdelay $0x2  }
0x1ea: {  	[tilespmem:s24+$0xFFFFF220] =	vst v0;
	v0 =	vld [tilespmem:$0x1FCE0];
	_ =	sdelay $0x3  }
0x1eb: {  	v3 =	vld [tilespmem:$0x1FD00];
	[tilespmem:s24+$0xFFFFF400] =	vst v17  }
0x1ec: {  	v17 =	vld.idx.msk [tilespmem:v4+s14+$0x0], $0xffff  }
0x1ed: {  	v4 =	vld [tilespmem:$0x1FD60];
	_ =	sdelay $0x1  }
0x1ee: {  	v0 =	vld.idx.msk [tilespmem:v0+s14+$0x0], $0xffff;
	_ =	sdelay $0x3  }
0x1ef: {  	v3 =	vld.idx.msk [tilespmem:v3+s14+$0x0], $0xffff  }
0x1f0: {  	v5 =	vor.u32 $0xB, v50;
	[tilespmem:s24+$0xFFFFF420] =	vst v0;
	v0 =	vld [tilespmem:$0x1FD40]  }
0x1f1: {  	[tilespmem:s23+$0x1200] =	vst v6;
	v6 =	vld.idx.msk [tilespmem:v4+s14+$0x0], $0xffff  }
0x1f2: {  	v4 =	vld [tilespmem:$0x1FD70];
	_ =	sdelay $0x1  }
0x1f3: {  	v13 =	vor.u32 $0x1E, v60  }
0x1f4: {  	v5 =	vld.idx.msk [tilespmem:v5+s14+$0x0], $0xffff;
	_ =	sdelay $0x2  }
0x1f5: {  	[tilespmem:s23+$0x1A30] =	vst v9;
	v0 =	vld.idx.msk [tilespmem:v0+s14+$0x0], $0xffff  }
0x1f6: {  	[tilespmem:s23+$0x1220] =	vst v3;
	v3 =	vld.idx.msk [tilespmem:v13+s14+$0x0], $0xffff  }
0x1f7: {  	[tilespmem:s24+$0xFFFFF630] =	vst v5;
	v5 =	vld.idx.msk [tilespmem:v4+s14+$0x0], $0xffff  }
0x1f8: {  	v4 =	vld [tilespmem:$0x1FD90];
	_ =	sdelay $0x6  }
0x1f9: {  	[tilespmem:s24+$0xFFFFF610] =	vst v10  }
0x1fa: {  	v13 =	vld.idx.msk [tilespmem:v4+s14+$0x0], $0xffff  }
0x1fb: {  	v4 =	vld [tilespmem:$0x1FDB0];
	_ =	sdelay $0x4  }
0x1fc: {  	v31 =	vor.u32 $0x18, v2;
	_ =	sdelay $0x1  }
0x1fd: {  	[tilespmem:s24+$0xFFFFF600] =	vst v17  }
0x1fe: {  	v61 =	vmov v31;
	v31 =	vmov v15;
	v15 =	vld.idx.msk [tilespmem:v4+s14+$0x0], $0xffff  }
0x1ff: {  	v4 =	vld [tilespmem:$0x1FDC0];
	_ =	sdelay $0x6  }
0x200: {  	[tilespmem:s24+$0xFFFFF620] =	vst v0;
	v0 =	vld [tilespmem:$0x1FDA0]  }
0x201: {  	[tilespmem:s23+$0x1410] =	vst v6;
	v6 =	vld.idx.msk [tilespmem:v4+s14+$0x0], $0xffff  }
0x202: {  	v4 =	vld [tilespmem:$0x1FDD0];
	_ =	sdelay $0x6  }
0x203: {  	v0 =	vld.idx.msk [tilespmem:v0+s14+$0x0], $0xffff  }
0x204: {  	[tilespmem:s23+$0x1420] =	vst v5;
	v5 =	vld.idx.msk [tilespmem:v4+s14+$0x0], $0xffff  }
0x205: {  	v4 =	vld [tilespmem:$0x1FDE0];
	_ =	sdelay $0x6  }
0x206: {  	[tilespmem:s24+$0xFFFFF810] =	vst v13  }
0x207: {  	v51 =	vld.idx.msk [tilespmem:v4+s14+$0x0], $0xffff  }
0x208: {  	v14 =	vor.u32 $0xC, v50;
	v4 =	vld [tilespmem:$0x1FE00]  }
0x209: {  	v37 =	vor.u32 $0x1F, v60;
	_ =	sdelay $0x3  }
0x20a: {  	v38 =	vor.u32 $0x17, v2;
	v60 =	vmov v50;
	v54 =	vld.idx.msk [tilespmem:v14+s14+$0x0], $0xffff;
	[tilespmem:s23+$0x1C30] =	vst v3  }
0x20b: {  	v14 =	vor.u32 $0xD, v60;
	v3 =	vld.idx.msk [tilespmem:v37+s14+$0x0], $0xffff;
	[tilespmem:s24+$0xFFFFF820] =	vst v0  }
0x20c: {  	v0 =	vld [tilespmem:$0x1FDF0];
	[tilespmem:s24+$0xFFFFF800] =	vst v15  }
0x20d: {  	v55 =	vmovc v48;
	v48 =	vmov v38;
	v38 =	vmov v30;
	v30 =	vmov v12;
	v12 =	vld.idx.msk [tilespmem:v4+s14+$0x0], $0xffff  }
0x20e: {  	v4 =	vld [tilespmem:$0x1FE20]  }
0x20f: {  	[tilespmem:s24+$0xFFFFF830] =	vst v54  }
0x210: {  	v37 =	vld.idx.msk [tilespmem:v14+s14+$0x0], $0xffff  }
0x211: {  	[tilespmem:s23+$0x1E30] =	vst v3;
	v3 =	vld [tilespmem:$0x1FE10];
	_ =	sdelay $0x3  }
0x212: {  	v0 =	vld.idx.msk [tilespmem:v0+s14+$0x0], $0xffff;
	[tilespmem:s23+$0x1400] =	vst v6  }
0x213: {  	v6 =	vld.idx.msk [tilespmem:v4+s14+$0x0], $0xffff  }
0x214: {  	v4 =	vld [tilespmem:$0x1FE30];
	_ =	sdelay $0x1  }
0x215: {  	v3 =	vld.idx.msk [tilespmem:v3+s14+$0x0], $0xffff  }
0x216: {  	[tilespmem:s24+$0xFFFFFA20] =	vst v0;
	v0 =	vld [tilespmem:$0x1FE50];
	_ =	sdelay $0x3  }
0x217: {  	[tilespmem:s23+$0x1610] =	vst v5  }
0x218: {  	v5 =	vld.idx.msk [tilespmem:v4+s14+$0x0], $0xffff  }
0x219: {  	v4 =	vld [tilespmem:$0x1FE40];
	_ =	sdelay $0x1  }
0x21a: {  	v0 =	vld.idx.msk [tilespmem:v0+s14+$0x0], $0xffff  }
0x21b: {  	[tilespmem:s23+$0x1620] =	vst v3;
	v3 =	vld [tilespmem:$0x1FE70];
	_ =	sdelay $0x3  }
0x21c: {  	[tilespmem:s24+$0xFFFFFA10] =	vst v51  }
0x21d: {  	v26 =	vmov v8;
	v8 =	vld.idx.msk [tilespmem:v4+s14+$0x0], $0xffff  }
0x21e: {  	v4 =	vld [tilespmem:$0x1FE60];
	_ =	sdelay $0x1  }
0x21f: {  	v3 =	vld.idx.msk [tilespmem:v3+s14+$0x0], $0xffff  }
0x220: {  	[tilespmem:s24+$0xFFFFFC20] =	vst v0;
	v0 =	vld [tilespmem:$0x1FED0];
	_ =	sdelay $0x3  }
0x221: {  	[tilespmem:s24+$0xFFFFFA00] =	vst v12  }
0x222: {  	v51 =	vld.idx.msk [tilespmem:v4+s14+$0x0], $0xffff  }
0x223: {  	v4 =	vld [tilespmem:$0x1FE80];
	_ =	sdelay $0x1  }
0x224: {  	v0 =	vld.idx.msk [tilespmem:v0+s14+$0x0], $0xffff  }
0x225: {  	[tilespmem:s23+$0x1820] =	vst v3;
	v3 =	vld [tilespmem:$0x1FEF0];
	_ =	sdelay $0x1  }
0x226: {  	v54 =	vor.u32 $0xE, v60;
	v18 =	vmov v4;
	v4 =	vld [tilespmem:$0x1FE90];
	_ =	sdelay $0x1  }
0x227: {  	v28 =	vor.u32 $0x19, v2;
	_ =	sdelay $0x1  }
0x228: {  	[tilespmem:s24+$0xFFFFFA30] =	vst v37  }
0x229: {  	v36 =	vmov v32;
	v32 =	vmov v28;
	v28 =	vmov v7;
	v7 =	vld.idx.msk [tilespmem:v54+s14+$0x0], $0xffff  }
0x22a: {  	v3 =	vld.idx.msk [tilespmem:v3+s14+$0x0], $0xffff;
	[tilespmem:s24+$0xFFFFFE20] =	vst v0  }
0x22b: {  	v0 =	vld [tilespmem:$0x1FF60];
	[tilespmem:s23+$0x1600] =	vst v6  }
0x22c: {  	v6 =	vld.idx.msk [tilespmem:v4+s14+$0x0], $0xffff  }
0x22d: {  	v4 =	vld [tilespmem:$0x1FEA0];
	_ =	sdelay $0x1  }
0x22e: {  	v54 =	vld [tilespmem:$0x1FEE0];
	_ =	sdelay $0x1  }
0x22f: {  	[tilespmem:s24+$0xFFFFFC30] =	vst v7;
	v7 =	vld [tilespmem:$0x1FEC0];
	_ =	sdelay $0x1  }
0x230: {  	v20 =	vmov v58;
	v58 =	vld.idx.msk [tilespmem:v0+s14+$0x0], $0xffff  }
0x231: {  	v0 =	vld [tilespmem:$0x1FF70];
	[tilespmem:s23+$0x1810] =	vst v5  }
0x232: {  	v4 =	vld.idx.msk [tilespmem:v4+s14+$0x0], $0xffff  }
0x233: {  	v5 =	vld [tilespmem:$0x1FEB0];
	[tilespmem:s24+$0xFFFFFC00] =	vst v51  }
0x234: {  	v37 =	vor.u32 $0xF, v60;
	v9 =	vld.idx.msk [tilespmem:v54+s14+$0x0], $0xffff;
	[tilespmem:s23+$0x1800] =	vst v6  }
0x235: {  	v6 =	vld [tilespmem:$0x1FF10];
	[tilespmem:s24+$0xFFFFFC10] =	vst v8  }
0x236: {  	v7 =	vld.idx.msk [tilespmem:v7+s14+$0x0], $0xffff  }
0x237: {  	[tilespmem:s23+$0x1A10] =	vst v4;
	v4 =	vld [tilespmem:$0x1FF30]  }
0x238: {  	v16 =	vor.u32 $0x1A, v2  }
0x239: {  	v17 =	vmov v5;
	v5 =	vld.idx.msk [tilespmem:v37+s14+$0x0], $0xffff  }
0x23a: {  	v41 =	vmov v33;
	v33 =	vmov v23;
	v23 =	vld [tilespmem:$0x1FFF0]  }
0x23b: {  	v29 =	vmov v16;
	v16 =	vmov v49;
	v49 =	vld [tilespmem:$0x1FF20]  }
0x23c: {  	v24 =	vld [tilespmem:$0x1FC30]  }
0x23d: {  	v6 =	vld.idx.msk [tilespmem:v6+s14+$0x0], $0xffff;
	[tilespmem:s24+$0xFFFFFE00] =	vst v9  }
0x23e: {  	[tilespmem:s24+$0xFFFFFE30] =	vst v5;
	v5 =	vld.idx.msk [tilespmem:v0+s14+$0x0], $0xffff  }
0x23f: {  	v10 =	vld.idx.msk [tilespmem:v4+s14+$0x0], $0xffff  }
0x240: {  	v4 =	vld [tilespmem:$0x1FF50]  }
0x241: {  	v0 =	vld [tilespmem:$0x1FF80]  }
0x242: {  	v35 =	vmov v22;
	v22 =	vld [tilespmem:$0x1FD20];
	v8 =	vor.u32 $0x10, v60  }
0x243: {  	v53 =	vor.u32 $0x15, v2;
	v11 =	vor.u32 $0x1B, v2;
	v19 =	vmov v52;
	v52 =	vld [tilespmem:$0x1FF00]  }
0x244: {  	v45 =	vmovc v53;
	v53 =	vor.u32 $0x1E, v2;
	v59 =	vor.u32 $0x1C, v2;
	v2 =	vor.u32 $0x1F, v2;
	v43 =	vld [tilespmem:$0x1FC70]  }
0x245: {  	v13 =	vmov v2;
	v2 =	vld [tilespmem:$0x1FFD0]  }
0x246: {  	[tilespmem:s23+$0x1A20] =	vst v3;
	v3 =	vld [tilespmem:$0x1FFC0]  }
0x247: {  	[tilespmem:s24+$0xFFFFFE10] =	vst v7;
	v7 =	vld.idx.msk [tilespmem:v8+s14+$0x0], $0xffff  }
0x248: {  	v8 =	vld.idx.msk [tilespmem:v4+s14+$0x0], $0xffff  }
0x249: {  	v4 =	vld.idx.msk [tilespmem:v0+s14+$0x0], $0xffff  }
0x24a: {  	v25 =	vmov v59;
	v59 =	vor.u32 $0x11, v60;
	v0 =	vld [tilespmem:$0x1FFA0]  }
0x24b: {  	v50 =	vld [tilespmem:$0x1FD80]  }
0x24c: {  	s29 =	sadd.s32 $0x4, s29;
	v14 =	vmov v53;
	v53 =	vld [tilespmem:$0x1FF40]  }
0x24d: {  	p1 =	slt.u32 s29, $0x1C;
	v15 =	vmov v40;
	v40 =	vld [tilespmem:$0x1FFB0];
	[tilespmem:s23+$0x1A00] =	vst v6  }
.Ltmp6:
0x24e: {  	v12 =	vmov v39;
	v39 =	vld [tilespmem:$0x1FF90];
	[tilespmem:s24+$0x30] =	vst v7;
	(pc) =	sbr.rel @p1 .LBB2_14-.Ltmp6, $4  }
0x24f: {  	v6 =	vld.idx.msk [tilespmem:v59+s14+$0x0], $0xffff;
	[tilespmem:s23+$0x1C10] =	vst v10  }
0x250: {  	v3 =	vld.idx.msk [tilespmem:v3+s14+$0x0], $0xffff;
	[tilespmem:s24+$0x10] =	vst v8  }
0x251: {  	v7 =	vld.idx.msk [tilespmem:v2+s14+$0x0], $0xffff  }
0x252: {  	s30 =	sadd.s32 $0x40, s30;
	v34 =	vmov v27;
	v27 =	vmov v11;
	[tilespmem:s24+$0x20] =	vst v58;
	v0 =	vld.idx.msk [tilespmem:v0+s14+$0x0], $0xffff  }
0x253: {  	_ =	sdelay $0x3  }
0x254: {  	v2 =	vor.u32 $0x12, v60;
	[tilespmem:s24+$0x0] =	vst v5;
	v51 =	vld.idx.msk [tilespmem:v53+s14+$0x0], $0xffff  }
0x255: {  	v8 =	vld.idx.msk [tilespmem:v50+s14+$0x0], $0xffff;
	_ =	sdelay $0x1  }
0x256: {  	[tilespmem:s24+$0x210] =	vst v7  }
0x257: {  	[tilespmem:s24+$0x230] =	vst v6;
	v53 =	vld.idx.msk [tilespmem:v52+s14+$0x0], $0xffff  }
0x258: {  	v2 =	vld.idx.msk [tilespmem:v2+s14+$0x0], $0xffff;
	[tilespmem:s24+$0x220] =	vst v51  }
0x259: {  	v54 =	vor.u32 $0x13, v60;
	[tilespmem:s24+$0x200] =	vst v8;
	v58 =	vld.idx.msk [tilespmem:v49+s14+$0x0], $0xffff  }
0x25a: {  	v8 =	vld.idx.msk [tilespmem:v44+s14+$0x0], $0xffff;
	_ =	sdelay $0x1  }
0x25b: {  	[tilespmem:s24+$0x410] =	vst v53  }
0x25c: {  	[tilespmem:s24+$0x430] =	vst v2;
	v59 =	vld.idx.msk [tilespmem:v40+s14+$0x0], $0xffff  }
0x25d: {  	v2 =	vld.idx.msk [tilespmem:v54+s14+$0x0], $0xffff;
	[tilespmem:s24+$0x420] =	vst v58  }
0x25e: {  	v37 =	vor.u32 $0x14, v60;
	[tilespmem:s24+$0x400] =	vst v8;
	v7 =	vld.idx.msk [tilespmem:v43+s14+$0x0], $0xffff  }
0x25f: {  	v8 =	vld.idx.msk [tilespmem:v42+s14+$0x0], $0xffff;
	_ =	sdelay $0x1  }
0x260: {  	[tilespmem:s24+$0x610] =	vst v59  }
0x261: {  	[tilespmem:s24+$0x630] =	vst v2;
	v42 =	vld.idx.msk [tilespmem:v39+s14+$0x0], $0xffff  }
0x262: {  	v2 =	vld.idx.msk [tilespmem:v37+s14+$0x0], $0xffff;
	[tilespmem:s24+$0x620] =	vst v7  }
0x263: {  	[tilespmem:s24+$0x600] =	vst v8;
	v7 =	vld.idx.msk [tilespmem:v1+s14+$0x0], $0xffff  }
0x264: {  	v8 =	vld.idx.msk [tilespmem:v57+s14+$0x0], $0xffff;
	_ =	sdelay $0x1  }
0x265: {  	[tilespmem:s24+$0x810] =	vst v42  }
0x266: {  	[tilespmem:s24+$0x830] =	vst v2  }
0x267: {  	[tilespmem:s24+$0x820] =	vst v7  }
0x268: {  	[tilespmem:s24+$0x800] =	vst v8  }
0x269: {  	v7 =	vld [tilespmem:$0x1FFE0]  }
0x26a: {  	v40 =	vor.u32 $0x15, v60;
	_ =	sdelay $0x3  }
0x26b: {  	v6 =	vld.idx.msk [tilespmem:v45+s14+$0x0], $0xffff  }
0x26c: {  	v2 =	vld.idx.msk [tilespmem:v40+s14+$0x0], $0xffff  }
0x26d: {  	v43 =	vor.u32 $0x16, v60;
	v8 =	vld.idx.msk [tilespmem:v56+s14+$0x0], $0xffff  }
0x26e: {  	v7 =	vld.idx.msk [tilespmem:v7+s14+$0x0], $0xffff;
	_ =	sdelay $0x1  }
0x26f: {  	[tilespmem:s24+$0xA10] =	vst v6  }
0x270: {  	[tilespmem:s24+$0xA30] =	vst v2;
	v6 =	vld.idx.msk [tilespmem:v62+s14+$0x0], $0xffff  }
0x271: {  	v2 =	vld.idx.msk [tilespmem:v43+s14+$0x0], $0xffff;
	[tilespmem:s24+$0xA00] =	vst v8  }
0x272: {  	v44 =	vor.u32 $0x17, v60;
	v8 =	vld.idx.msk [tilespmem:v63+s14+$0x0], $0xffff;
	[tilespmem:s24+$0xA20] =	vst v7  }
0x273: {  	v7 =	vld.idx.msk [tilespmem:v55+s14+$0x0], $0xffff;
	_ =	sdelay $0x1  }
0x274: {  	[tilespmem:s24+$0xC10] =	vst v6  }
0x275: {  	[tilespmem:s24+$0xC30] =	vst v2;
	v6 =	vld.idx.msk [tilespmem:v48+s14+$0x0], $0xffff  }
0x276: {  	v2 =	vld.idx.msk [tilespmem:v44+s14+$0x0], $0xffff;
	[tilespmem:s24+$0xC00] =	vst v8  }
0x277: {  	v45 =	vor.u32 $0x18, v60;
	v8 =	vld.idx.msk [tilespmem:v36+s14+$0x0], $0xffff;
	[tilespmem:s24+$0xC20] =	vst v7  }
0x278: {  	v7 =	vld.idx.msk [tilespmem:v41+s14+$0x0], $0xffff;
	_ =	sdelay $0x1  }
0x279: {  	[tilespmem:s24+$0xE10] =	vst v6  }
0x27a: {  	[tilespmem:s24+$0xE30] =	vst v2;
	v6 =	vld.idx.msk [tilespmem:v61+s14+$0x0], $0xffff  }
0x27b: {  	v2 =	vld.idx.msk [tilespmem:v45+s14+$0x0], $0xffff;
	[tilespmem:s24+$0xE00] =	vst v8  }
0x27c: {  	v49 =	vor.u32 $0x19, v60;
	v8 =	vld.idx.msk [tilespmem:v34+s14+$0x0], $0xffff;
	[tilespmem:s24+$0xE20] =	vst v7  }
0x27d: {  	v7 =	vld.idx.msk [tilespmem:v38+s14+$0x0], $0xffff;
	_ =	sdelay $0x1  }
0x27e: {  	[tilespmem:s24+$0x1010] =	vst v6  }
0x27f: {  	[tilespmem:s24+$0x1030] =	vst v2;
	v6 =	vld.idx.msk [tilespmem:v32+s14+$0x0], $0xffff  }
0x280: {  	v2 =	vld.idx.msk [tilespmem:v49+s14+$0x0], $0xffff;
	[tilespmem:s24+$0x1000] =	vst v8  }
0x281: {  	v50 =	vor.u32 $0x1A, v60;
	v8 =	vld.idx.msk [tilespmem:v35+s14+$0x0], $0xffff;
	[tilespmem:s24+$0x1020] =	vst v7  }
0x282: {  	v7 =	vld.idx.msk [tilespmem:v33+s14+$0x0], $0xffff;
	_ =	sdelay $0x1  }
0x283: {  	[tilespmem:s24+$0x1210] =	vst v6  }
0x284: {  	[tilespmem:s24+$0x1230] =	vst v2;
	v6 =	vld.idx.msk [tilespmem:v29+s14+$0x0], $0xffff  }
0x285: {  	v2 =	vld.idx.msk [tilespmem:v50+s14+$0x0], $0xffff;
	[tilespmem:s24+$0x1200] =	vst v8  }
0x286: {  	v51 =	vor.u32 $0x1B, v60;
	v8 =	vld.idx.msk [tilespmem:v30+s14+$0x0], $0xffff;
	[tilespmem:s24+$0x1220] =	vst v7  }
0x287: {  	v7 =	vld.idx.msk [tilespmem:v31+s14+$0x0], $0xffff;
	_ =	sdelay $0x1  }
0x288: {  	[tilespmem:s24+$0x1410] =	vst v6  }
0x289: {  	[tilespmem:s24+$0x1430] =	vst v2;
	v6 =	vld.idx.msk [tilespmem:v27+s14+$0x0], $0xffff  }
0x28a: {  	v2 =	vld.idx.msk [tilespmem:v51+s14+$0x0], $0xffff;
	[tilespmem:s24+$0x1400] =	vst v8  }
0x28b: {  	v52 =	vor.u32 $0x1C, v60;
	v8 =	vld.idx.msk [tilespmem:v28+s14+$0x0], $0xffff;
	[tilespmem:s24+$0x1420] =	vst v7  }
0x28c: {  	v7 =	vld.idx.msk [tilespmem:v26+s14+$0x0], $0xffff;
	_ =	sdelay $0x1  }
0x28d: {  	[tilespmem:s24+$0x1610] =	vst v6  }
0x28e: {  	[tilespmem:s24+$0x1630] =	vst v2;
	v6 =	vld.idx.msk [tilespmem:v25+s14+$0x0], $0xffff  }
0x28f: {  	v2 =	vld.idx.msk [tilespmem:v52+s14+$0x0], $0xffff;
	[tilespmem:s24+$0x1600] =	vst v8  }
0x290: {  	v53 =	vor.u32 $0x1D, v60;
	v8 =	vld.idx.msk [tilespmem:v20+s14+$0x0], $0xffff;
	[tilespmem:s24+$0x1620] =	vst v7  }
0x291: {  	v7 =	vld.idx.msk [tilespmem:v18+s14+$0x0], $0xffff;
	_ =	sdelay $0x1  }
0x292: {  	[tilespmem:s24+$0x1810] =	vst v6  }
0x293: {  	[tilespmem:s24+$0x1830] =	vst v2;
	v6 =	vld.idx.msk [tilespmem:v17+s14+$0x0], $0xffff  }
0x294: {  	v2 =	vld.idx.msk [tilespmem:v53+s14+$0x0], $0xffff;
	[tilespmem:s24+$0x1800] =	vst v8  }
0x295: {  	v54 =	vor.u32 $0x1E, v60;
	v8 =	vld.idx.msk [tilespmem:v16+s14+$0x0], $0xffff;
	[tilespmem:s24+$0x1820] =	vst v7  }
0x296: {  	v7 =	vld.idx.msk [tilespmem:v19+s14+$0x0], $0xffff  }
0x297: {  	[tilespmem:s23+$0x1C20] =	vst v4  }
0x298: {  	[tilespmem:s24+$0x1A10] =	vst v6  }
0x299: {  	[tilespmem:s24+$0x1A30] =	vst v2;
	v56 =	vld.idx.msk [tilespmem:v14+s14+$0x0], $0xffff  }
0x29a: {  	v2 =	vld.idx.msk [tilespmem:v54+s14+$0x0], $0xffff;
	[tilespmem:s24+$0x1A00] =	vst v8  }
0x29b: {  	v55 =	vor.u32 $0x1F, v60;
	v58 =	vld.idx.msk [tilespmem:v15+s14+$0x0], $0xffff;
	[tilespmem:s24+$0x1A20] =	vst v7  }
0x29c: {  	[tilespmem:s23+$0x1C00] =	vst v0;
	v57 =	vld.idx.msk [tilespmem:v12+s14+$0x0], $0xffff  }
0x29d: {  	[tilespmem:s23+$0x1E10] =	vst v3;
	v59 =	vld.idx.msk [tilespmem:v22+s14+$0x0], $0xffff  }
0x29e: {  	v60 =	vld.idx.msk [tilespmem:v24+s14+$0x0], $0xffff;
	[tilespmem:s24+$0x1C10] =	vst v56  }
0x29f: {  	[tilespmem:s24+$0x1C30] =	vst v2;
	v61 =	vld.idx.msk [tilespmem:v13+s14+$0x0], $0xffff  }
0x2a0: {  	v1 =	vld.idx.msk [tilespmem:v55+s14+$0x0], $0xffff;
	[tilespmem:s24+$0x1C00] =	vst v58  }
0x2a1: {  	v63 =	vld.idx.msk [tilespmem:v46+s14+$0x0], $0xffff;
	[tilespmem:s24+$0x1C20] =	vst v57  }
0x2a2: {  	[tilespmem:s23+$0x1E20] =	vst v59;
	v62 =	vld.idx.msk [tilespmem:v47+s14+$0x0], $0xffff  }
0x2a3: {  	s1 =	sadd.s32 s6, s7;
	[tilespmem:s23+$0x1E00] =	vst v60  }
.Ltmp7:
0x2a4: {  	s31 =	sshll.u32 s1, $0xB;
	[tilespmem:s24+$0x1E10] =	vst v61;
	(pc) =	sbr.rel @!p0 .LBB2_16-.Ltmp7, $4  }
.Ltmp8:
0x2a5: {  	s1 =	sshll.u32 s1, $0x6;
	s23 =	sand.u32 $0x1FFF0000, s31;
	[tilespmem:s24+$0x1E30] =	vst v1;
	(pc) =	sbr.rel @p0 .LBB2_17-.Ltmp8, $4  }
0x2a6: {  	s1 =	sand.u32 $0x780, s1;
	s23 =	sadd.s32 s5, s23;
	[tilespmem:s24+$0x1E00] =	vst v63  }
0x2a7: {  	s1 =	sadd.s32 s1, s23;
	s23 =	simm.s32 $0x4;
	[tilespmem:s24+$0x1E20] =	vst v62  }
0x2a8: {  	[hbm4b:s1+s11] =	stream.strided.scatter [tilespmem:s22], [sflag:$0x5], $0x4000, s21, s11, $0x38;
	[tilespmem:$0x10400] =	vst v63  }
0x2a9: {  	_ = 	snop  }
.LBB2_3:
0x2aa: {  	p2 =	seq.s32 s23, $0x0  }
.Ltmp9:
0x2ab: {  	_ = 	snop;
	(pc) =	sbr.rel @p2 .LBB2_6-.Ltmp9, $3  }
0x2ac: {  	_ =	sdelay $0x1  }
0x2ad: {  	p1 =	slt.u32 s7, $0x30  }
0x2ae: {  	s24 =	sadd.s32 @p1 s6, s7  }
0x2af: {  	_ =	swait.ge [sflag:s12], $0x200  }
0x2b0: {  	[sflag:s12] =	ssyncset.done $0x0  }
0x2b1: {  	[sflag:s12] =	ssyncadd.s32 $0xFFFFFE00  }
0x2b2: {  	[tilespmem:s14], [sflag:$0x3] =	stream.indirect.gather [hbm4b:s4+s13], $0x20, s3, s13, $0xb8;
	[tilespmem:$0x10400] =	vst v63  }
0x2b3: {  	p2 =	sgt.u32 @p1 s7, $0x1  }
0x2b4: {  	[tilespmem:s15], [sflag:$0x3] =	stream.indirect.gather [hbm4b:s4+s13], $0x20, s13, s13, $0xb8;
	[tilespmem:$0x10400] =	vst v63  }
0x2b5: {  	p2 =	por !p1, p2  }
0x2b6: {  	[tilespmem:s17], [sflag:$0x3] =	stream.indirect.gather [hbm4b:s4+s13], $0x20, s16, s13, $0xb8;
	[tilespmem:$0x10400] =	vst v63  }
.Ltmp10:
0x2b7: {  	_ = 	snop;
	(pc) =	sbr.rel @!p2 .LBB2_9-.Ltmp10, $4  }
0x2b8: {  	s24 =	sshll.u32 @p1 s24, $0x6  }
0x2b9: {  	[tilespmem:s19], [sflag:$0x3] =	stream.indirect.gather [hbm4b:s4+s13], $0x20, s18, s13, $0xb8;
	[tilespmem:$0x10400] =	vst v63  }
0x2ba: {  	s29 =	simm.s32 @p1 $0x0;
	s30 =	simm.s32 @p1 $0x200;
	s24 =	sadd.s32 @p1 s10, s24  }
0x2bb: {  	[tilespmem:s30], [sflag:$0x2] =	stream.linear.gather @p1 [hbm4b:s24+s29], $0x200, $0x38;
	[tilespmem:$0x10400] =	vst v63  }
.Ltmp11:
0x2bc: {  	(pc) =	sbr.rel .LBB2_8-.Ltmp11, $3  }
0x2bd: {  	_ =	sdelay $0x1  }
0x2be: {  	s24 =	simm.s32 $0x5  }
0x2bf: {  	s24 =	simm.s32 @p1 $0x6  }
.LBB2_10:
0x2c0: {  	s1 =	simm.s32 $0x20  }
0x2c1: {  	s29 =	simm.s32 $0x0;
	v0 =	vmov s1  }
0x2c2: {  	v1 =	vmov s29;
	v0 =	vshll.u32 v0, $0x5  }
0x2c3: {  	s2 =	simm.s32 $0x10;
	v1 =	vshll.u32 v1, $0x5;
	v5 =	vor.u32 v23, v0  }
0x2c4: {  	v2 =	vmov s2;
	v4 =	vor.u32 v23, v1  }
0x2c5: {  	s24 =	simm.s32 $0x30;
	v0 =	vshll.u32 v2, $0x5  }
0x2c6: {  	v2 =	vor.u32 v23, v0;
	v0 =	vmov s24  }
0x2c7: {  	v0 =	vshll.u32 v0, $0x5  }
0x2c8: {  	v3 =	vor.u32 v23, v0;
	v0 =	vld.idx.msk [tilespmem:v5+s25+$0x0], $0xffff  }
0x2c9: {  	v6 =	vor.u32 $0x1, v5;
	v1 =	vld.idx.msk [tilespmem:v4+s25+$0x0], $0xffff  }
0x2ca: {  	v7 =	vor.u32 $0x1, v4  }
0x2cb: {  	v8 =	vld.idx.msk [tilespmem:v2+s25+$0x0], $0xffff  }
0x2cc: {  	s23 =	simm.s32 $0x10230;
	v9 =	vor.u32 $0x1, v2  }
0x2cd: {  	v10 =	vld.idx.msk [tilespmem:v3+s25+$0x0], $0xffff;
	[tilespmem:s23+$0xFFFFC1F0] =	vst v0  }
0x2ce: {  	v0 =	vor.u32 $0x1, v3;
	[tilespmem:s23+$0xFFFFC1D0] =	vst v1;
	v1 =	vld.idx.msk [tilespmem:v6+s25+$0x0], $0xffff  }
0x2cf: {  	v6 =	vld.idx.msk [tilespmem:v7+s25+$0x0], $0xffff;
	v7 =	vor.u32 $0x2, v5  }
0x2d0: {  	[tilespmem:s23+$0xFFFFC1E0] =	vst v8;
	v8 =	vor.u32 $0x2, v4  }
0x2d1: {  	v9 =	vld.idx.msk [tilespmem:v9+s25+$0x0], $0xffff  }
0x2d2: {  	v11 =	vor.u32 $0x2, v2;
	[tilespmem:s23+$0xFFFFC200] =	vst v10  }
0x2d3: {  	v0 =	vld.idx.msk [tilespmem:v0+s25+$0x0], $0xffff;
	[tilespmem:s23+$0xFFFFC3F0] =	vst v1  }
0x2d4: {  	v1 =	vor.u32 $0x2, v3;
	[tilespmem:s23+$0xFFFFC3D0] =	vst v6;
	v6 =	vld.idx.msk [tilespmem:v7+s25+$0x0], $0xffff  }
0x2d5: {  	v7 =	vld.idx.msk [tilespmem:v8+s25+$0x0], $0xffff;
	v8 =	vor.u32 $0x3, v5  }
0x2d6: {  	v37 =	vor.u32 $0x3, v4;
	[tilespmem:s23+$0xFFFFC3E0] =	vst v9  }
0x2d7: {  	v38 =	vld.idx.msk [tilespmem:v11+s25+$0x0], $0xffff  }
0x2d8: {  	v39 =	vor.u32 $0x3, v2;
	[tilespmem:s23+$0xFFFFC400] =	vst v0  }
0x2d9: {  	v0 =	vld.idx.msk [tilespmem:v1+s25+$0x0], $0xffff;
	[tilespmem:s23+$0xFFFFC5F0] =	vst v6  }
0x2da: {  	v1 =	vor.u32 $0x3, v3;
	[tilespmem:s23+$0xFFFFC5D0] =	vst v7;
	v6 =	vld.idx.msk [tilespmem:v8+s25+$0x0], $0xffff  }
0x2db: {  	v7 =	vld.idx.msk [tilespmem:v37+s25+$0x0], $0xffff;
	v8 =	vor.u32 $0x4, v5  }
0x2dc: {  	v40 =	vor.u32 $0x4, v4;
	[tilespmem:s23+$0xFFFFC5E0] =	vst v38  }
0x2dd: {  	v10 =	vld.idx.msk [tilespmem:v39+s25+$0x0], $0xffff  }
0x2de: {  	v41 =	vor.u32 $0x4, v2;
	[tilespmem:s23+$0xFFFFC600] =	vst v0  }
0x2df: {  	v0 =	vld.idx.msk [tilespmem:v1+s25+$0x0], $0xffff;
	[tilespmem:s23+$0xFFFFC7F0] =	vst v6  }
0x2e0: {  	v1 =	vor.u32 $0x4, v3;
	[tilespmem:s23+$0xFFFFC7D0] =	vst v7;
	v6 =	vld.idx.msk [tilespmem:v8+s25+$0x0], $0xffff  }
0x2e1: {  	v7 =	vld.idx.msk [tilespmem:v40+s25+$0x0], $0xffff;
	v8 =	vor.u32 $0x5, v5  }
0x2e2: {  	v42 =	vor.u32 $0x5, v4;
	[tilespmem:s23+$0xFFFFC7E0] =	vst v10  }
0x2e3: {  	v10 =	vld.idx.msk [tilespmem:v41+s25+$0x0], $0xffff  }
0x2e4: {  	v43 =	vor.u32 $0x5, v2;
	[tilespmem:s23+$0xFFFFC800] =	vst v0  }
0x2e5: {  	v0 =	vld.idx.msk [tilespmem:v1+s25+$0x0], $0xffff;
	[tilespmem:s23+$0xFFFFC9F0] =	vst v6  }
0x2e6: {  	v1 =	vor.u32 $0x5, v3;
	[tilespmem:s23+$0xFFFFC9D0] =	vst v7;
	v6 =	vld.idx.msk [tilespmem:v8+s25+$0x0], $0xffff  }
0x2e7: {  	v7 =	vld.idx.msk [tilespmem:v42+s25+$0x0], $0xffff;
	v8 =	vor.u32 $0x6, v5  }
0x2e8: {  	v44 =	vor.u32 $0x6, v4;
	[tilespmem:s23+$0xFFFFC9E0] =	vst v10  }
0x2e9: {  	v10 =	vld.idx.msk [tilespmem:v43+s25+$0x0], $0xffff  }
0x2ea: {  	v45 =	vor.u32 $0x6, v2;
	[tilespmem:s23+$0xFFFFCA00] =	vst v0  }
0x2eb: {  	v0 =	vld.idx.msk [tilespmem:v1+s25+$0x0], $0xffff;
	[tilespmem:s23+$0xFFFFCBF0] =	vst v6  }
0x2ec: {  	v1 =	vor.u32 $0x6, v3;
	[tilespmem:s23+$0xFFFFCBD0] =	vst v7;
	v6 =	vld.idx.msk [tilespmem:v8+s25+$0x0], $0xffff  }
0x2ed: {  	v7 =	vld.idx.msk [tilespmem:v44+s25+$0x0], $0xffff;
	v8 =	vor.u32 $0x7, v5  }
0x2ee: {  	v46 =	vor.u32 $0x7, v4;
	[tilespmem:s23+$0xFFFFCBE0] =	vst v10  }
0x2ef: {  	v10 =	vld.idx.msk [tilespmem:v45+s25+$0x0], $0xffff  }
0x2f0: {  	v47 =	vor.u32 $0x7, v2;
	[tilespmem:s23+$0xFFFFCC00] =	vst v0  }
0x2f1: {  	v0 =	vld.idx.msk [tilespmem:v1+s25+$0x0], $0xffff;
	[tilespmem:s23+$0xFFFFCDF0] =	vst v6  }
0x2f2: {  	v1 =	vor.u32 $0x7, v3;
	[tilespmem:s23+$0xFFFFCDD0] =	vst v7;
	v6 =	vld.idx.msk [tilespmem:v8+s25+$0x0], $0xffff  }
0x2f3: {  	v7 =	vld.idx.msk [tilespmem:v46+s25+$0x0], $0xffff;
	v8 =	vor.u32 $0x8, v5  }
0x2f4: {  	v48 =	vor.u32 $0x8, v4;
	[tilespmem:s23+$0xFFFFCDE0] =	vst v10  }
0x2f5: {  	v10 =	vld.idx.msk [tilespmem:v47+s25+$0x0], $0xffff  }
0x2f6: {  	v49 =	vor.u32 $0x8, v2;
	[tilespmem:s23+$0xFFFFCE00] =	vst v0  }
0x2f7: {  	v0 =	vld.idx.msk [tilespmem:v1+s25+$0x0], $0xffff;
	[tilespmem:s23+$0xFFFFCFF0] =	vst v6  }
0x2f8: {  	v1 =	vor.u32 $0x8, v3;
	[tilespmem:s23+$0xFFFFCFD0] =	vst v7;
	v6 =	vld.idx.msk [tilespmem:v8+s25+$0x0], $0xffff  }
0x2f9: {  	v7 =	vld.idx.msk [tilespmem:v48+s25+$0x0], $0xffff;
	v8 =	vor.u32 $0x9, v5  }
0x2fa: {  	v50 =	vor.u32 $0x9, v4;
	[tilespmem:s23+$0xFFFFCFE0] =	vst v10  }
0x2fb: {  	v10 =	vld.idx.msk [tilespmem:v49+s25+$0x0], $0xffff  }
0x2fc: {  	v51 =	vor.u32 $0x9, v2;
	[tilespmem:s23+$0xFFFFD000] =	vst v0  }
0x2fd: {  	v0 =	vld.idx.msk [tilespmem:v1+s25+$0x0], $0xffff;
	[tilespmem:s23+$0xFFFFD1F0] =	vst v6  }
0x2fe: {  	v1 =	vor.u32 $0x9, v3;
	[tilespmem:s23+$0xFFFFD1D0] =	vst v7;
	v6 =	vld.idx.msk [tilespmem:v8+s25+$0x0], $0xffff  }
0x2ff: {  	v7 =	vld.idx.msk [tilespmem:v50+s25+$0x0], $0xffff;
	v8 =	vor.u32 $0xA, v5  }
0x300: {  	v52 =	vor.u32 $0xA, v4;
	[tilespmem:s23+$0xFFFFD1E0] =	vst v10  }
0x301: {  	v10 =	vld.idx.msk [tilespmem:v51+s25+$0x0], $0xffff  }
0x302: {  	v53 =	vor.u32 $0xA, v2;
	[tilespmem:s23+$0xFFFFD200] =	vst v0  }
0x303: {  	v0 =	vld.idx.msk [tilespmem:v1+s25+$0x0], $0xffff;
	[tilespmem:s23+$0xFFFFD3F0] =	vst v6  }
0x304: {  	v1 =	vor.u32 $0xA, v3;
	[tilespmem:s23+$0xFFFFD3D0] =	vst v7;
	v6 =	vld.idx.msk [tilespmem:v8+s25+$0x0], $0xffff  }
0x305: {  	v7 =	vld.idx.msk [tilespmem:v52+s25+$0x0], $0xffff;
	v8 =	vor.u32 $0xB, v5  }
0x306: {  	v54 =	vor.u32 $0xB, v4;
	[tilespmem:s23+$0xFFFFD3E0] =	vst v10  }
0x307: {  	v10 =	vld.idx.msk [tilespmem:v53+s25+$0x0], $0xffff  }
0x308: {  	v55 =	vor.u32 $0xB, v2;
	[tilespmem:s23+$0xFFFFD400] =	vst v0  }
0x309: {  	v0 =	vld.idx.msk [tilespmem:v1+s25+$0x0], $0xffff;
	[tilespmem:s23+$0xFFFFD5F0] =	vst v6  }
0x30a: {  	v1 =	vor.u32 $0xB, v3;
	[tilespmem:s23+$0xFFFFD5D0] =	vst v7;
	v6 =	vld.idx.msk [tilespmem:v8+s25+$0x0], $0xffff  }
0x30b: {  	v7 =	vld.idx.msk [tilespmem:v54+s25+$0x0], $0xffff;
	v8 =	vor.u32 $0xC, v5  }
0x30c: {  	v56 =	vor.u32 $0xC, v4;
	[tilespmem:s23+$0xFFFFD5E0] =	vst v10  }
0x30d: {  	v10 =	vld.idx.msk [tilespmem:v55+s25+$0x0], $0xffff  }
0x30e: {  	v57 =	vor.u32 $0xC, v2;
	[tilespmem:s23+$0xFFFFD600] =	vst v0  }
0x30f: {  	v0 =	vld.idx.msk [tilespmem:v1+s25+$0x0], $0xffff;
	[tilespmem:s23+$0xFFFFD7F0] =	vst v6  }
0x310: {  	v1 =	vor.u32 $0xC, v3;
	[tilespmem:s23+$0xFFFFD7D0] =	vst v7;
	v6 =	vld.idx.msk [tilespmem:v8+s25+$0x0], $0xffff  }
0x311: {  	v7 =	vld.idx.msk [tilespmem:v56+s25+$0x0], $0xffff;
	v8 =	vor.u32 $0xD, v5  }
0x312: {  	v58 =	vor.u32 $0xD, v4;
	[tilespmem:s23+$0xFFFFD7E0] =	vst v10  }
0x313: {  	v10 =	vld.idx.msk [tilespmem:v57+s25+$0x0], $0xffff  }
0x314: {  	v59 =	vor.u32 $0xD, v2;
	[tilespmem:s23+$0xFFFFD800] =	vst v0  }
0x315: {  	v0 =	vld.idx.msk [tilespmem:v1+s25+$0x0], $0xffff;
	[tilespmem:s23+$0xFFFFD9F0] =	vst v6  }
0x316: {  	v1 =	vor.u32 $0xD, v3;
	[tilespmem:s23+$0xFFFFD9D0] =	vst v7;
	v6 =	vld.idx.msk [tilespmem:v8+s25+$0x0], $0xffff  }
0x317: {  	v7 =	vld.idx.msk [tilespmem:v58+s25+$0x0], $0xffff;
	v8 =	vor.u32 $0xE, v5  }
0x318: {  	v60 =	vor.u32 $0xE, v4;
	[tilespmem:s23+$0xFFFFD9E0] =	vst v10  }
0x319: {  	v10 =	vld.idx.msk [tilespmem:v59+s25+$0x0], $0xffff  }
0x31a: {  	v61 =	vor.u32 $0xE, v2;
	[tilespmem:s23+$0xFFFFDA00] =	vst v0  }
0x31b: {  	v0 =	vld.idx.msk [tilespmem:v1+s25+$0x0], $0xffff;
	[tilespmem:s23+$0xFFFFDBF0] =	vst v6  }
0x31c: {  	v1 =	vor.u32 $0xE, v3;
	[tilespmem:s23+$0xFFFFDBD0] =	vst v7;
	v6 =	vld.idx.msk [tilespmem:v8+s25+$0x0], $0xffff  }
0x31d: {  	v7 =	vld.idx.msk [tilespmem:v60+s25+$0x0], $0xffff;
	v8 =	vor.u32 $0xF, v5  }
0x31e: {  	v62 =	vor.u32 $0xF, v4;
	[tilespmem:s23+$0xFFFFDBE0] =	vst v10  }
0x31f: {  	v10 =	vld.idx.msk [tilespmem:v61+s25+$0x0], $0xffff  }
0x320: {  	v63 =	vor.u32 $0xF, v2;
	[tilespmem:s23+$0xFFFFDC00] =	vst v0  }
0x321: {  	v0 =	vld.idx.msk [tilespmem:v1+s25+$0x0], $0xffff;
	[tilespmem:s23+$0xFFFFDDF0] =	vst v6  }
0x322: {  	v1 =	vor.u32 $0xF, v3;
	[tilespmem:s23+$0xFFFFDDD0] =	vst v7;
	v6 =	vld.idx.msk [tilespmem:v8+s25+$0x0], $0xffff  }
0x323: {  	v7 =	vld.idx.msk [tilespmem:v62+s25+$0x0], $0xffff;
	v8 =	vor.u32 $0x10, v5  }
0x324: {  	v32 =	vor.u32 $0x10, v4;
	[tilespmem:s23+$0xFFFFDDE0] =	vst v10  }
0x325: {  	v10 =	vld.idx.msk [tilespmem:v63+s25+$0x0], $0xffff  }
0x326: {  	v33 =	vor.u32 $0x10, v2;
	[tilespmem:s23+$0xFFFFDE00] =	vst v0  }
0x327: {  	v0 =	vld.idx.msk [tilespmem:v1+s25+$0x0], $0xffff;
	[tilespmem:s23+$0xFFFFDFF0] =	vst v6  }
0x328: {  	v1 =	vor.u32 $0x10, v3;
	[tilespmem:s23+$0xFFFFDFD0] =	vst v7;
	v6 =	vld.idx.msk [tilespmem:v8+s25+$0x0], $0xffff  }
0x329: {  	v7 =	vld.idx.msk [tilespmem:v32+s25+$0x0], $0xffff;
	v8 =	vor.u32 $0x11, v5  }
0x32a: {  	v34 =	vor.u32 $0x11, v4;
	[tilespmem:s23+$0xFFFFDFE0] =	vst v10  }
0x32b: {  	v10 =	vld.idx.msk [tilespmem:v33+s25+$0x0], $0xffff  }
0x32c: {  	v35 =	vor.u32 $0x11, v2;
	[tilespmem:s23+$0xFFFFE000] =	vst v0  }
0x32d: {  	v0 =	vld.idx.msk [tilespmem:v1+s25+$0x0], $0xffff;
	[tilespmem:s23+$0xFFFFE1F0] =	vst v6  }
0x32e: {  	s31 =	simm.s32 $0x40;
	v6 =	vor.u32 $0x11, v3;
	[tilespmem:s23+$0xFFFFE1D0] =	vst v7;
	v8 =	vld.idx.msk [tilespmem:v8+s25+$0x0], $0xffff  }
0x32f: {  	v36 =	vor.u32 $0x12, v5;
	v7 =	vmov s31;
	v9 =	vld.idx.msk [tilespmem:v34+s25+$0x0], $0xffff  }
0x330: {  	s24 =	simm.s32 $0x60;
	v12 =	vor.u32 $0x12, v4;
	[tilespmem:s23+$0xFFFFE1E0] =	vst v10;
	v7 =	vshll.u32 v7, $0x5  }
0x331: {  	s2 =	simm.s32 $0x50;
	v1 =	vmov s24;
	v11 =	vld.idx.msk [tilespmem:v35+s25+$0x0], $0xffff;
	v7 =	vor.u32 v23, v7  }
0x332: {  	v13 =	vor.u32 $0x12, v2;
	v1 =	vshll.u32 v1, $0x5;
	s31 =	simm.s32 $0x70;
	[tilespmem:s23+$0xFFFFE200] =	vst v0;
	v0 =	vmov s2  }
0x333: {  	v1 =	vor.u32 v23, v1;
	v14 =	vmov s31;
	v6 =	vld.idx.msk [tilespmem:v6+s25+$0x0], $0xffff;
	v0 =	vshll.u32 v0, $0x5;
	[tilespmem:s23+$0xFFFFE3F0] =	vst v8  }
0x334: {  	v8 =	vshll.u32 v14, $0x5;
	v46 =	vor.u32 v23, v0;
	[tilespmem:s23+$0xFFFFE3D0] =	vst v9;
	v37 =	vld.idx.msk [tilespmem:v36+s25+$0x0], $0xffff  }
0x335: {  	v0 =	vor.u32 v23, v8;
	v8 =	vld.idx.msk [tilespmem:v12+s25+$0x0], $0xffff  }
0x336: {  	[tilespmem:s23+$0xFFFFE3E0] =	vst v11;
	v12 =	vor.u32 $0x12, v3;
	v15 =	vld.idx.msk [tilespmem:v7+s25+$0x0], $0xffff  }
0x337: {  	v39 =	vor.u32 $0x13, v5;
	v38 =	vld.idx.msk [tilespmem:v13+s25+$0x0], $0xffff  }
0x338: {  	v14 =	vor.u32 $0x13, v4;
	v13 =	vld.idx.msk [tilespmem:v1+s25+$0x0], $0xffff;
	[tilespmem:s23+$0xFFFFE400] =	vst v6  }
0x339: {  	v17 =	vor.u32 $0x1, v7;
	v6 =	vld.idx.msk [tilespmem:v46+s25+$0x0], $0xffff;
	[tilespmem:s23+$0xFFFFE5F0] =	vst v37  }
0x33a: {  	s24 =	simm.s32 $0x10270;
	v16 =	vor.u32 $0x1, v1;
	v18 =	vld.idx.msk [tilespmem:v0+s25+$0x0], $0xffff;
	[tilespmem:s23+$0xFFFFE5D0] =	vst v8  }
0x33b: {  	v40 =	vor.u32 $0x1, v46;
	v42 =	vld.idx.msk [tilespmem:v12+s25+$0x0], $0xffff;
	[tilespmem:s24+$0xFFFFC1D0] =	vst v15  }
0x33c: {  	v41 =	vor.u32 $0x1, v0;
	v8 =	vld.idx.msk [tilespmem:v39+s25+$0x0], $0xffff;
	[tilespmem:s23+$0xFFFFE5E0] =	vst v38  }
0x33d: {  	[tilespmem:s24+$0xFFFFC1F0] =	vst v13;
	v12 =	vld.idx.msk [tilespmem:v14+s25+$0x0], $0xffff;
	v14 =	vor.u32 $0x13, v2  }
0x33e: {  	v13 =	vor.u32 $0x14, v5;
	v17 =	vld.idx.msk [tilespmem:v17+s25+$0x0], $0xffff;
	[tilespmem:s24+$0xFFFFC1E0] =	vst v6  }
0x33f: {  	v15 =	vld.idx.msk [tilespmem:v16+s25+$0x0], $0xffff;
	v16 =	vor.u32 $0x13, v3;
	[tilespmem:s24+$0xFFFFC200] =	vst v18  }
0x340: {  	v43 =	vor.u32 $0x2, v1;
	v6 =	vld.idx.msk [tilespmem:v40+s25+$0x0], $0xffff;
	[tilespmem:s23+$0xFFFFE600] =	vst v42  }
0x341: {  	v18 =	vor.u32 $0x2, v7;
	v11 =	vld.idx.msk [tilespmem:v41+s25+$0x0], $0xffff;
	[tilespmem:s23+$0xFFFFE7F0] =	vst v8  }
0x342: {  	v8 =	vor.u32 $0x2, v46;
	[tilespmem:s23+$0xFFFFE7D0] =	vst v12;
	v12 =	vld.idx.msk [tilespmem:v14+s25+$0x0], $0xffff  }
0x343: {  	v44 =	vor.u32 $0x2, v0;
	[tilespmem:s24+$0xFFFFC3D0] =	vst v17;
	v13 =	vld.idx.msk [tilespmem:v13+s25+$0x0], $0xffff  }
0x344: {  	[tilespmem:s24+$0xFFFFC3F0] =	vst v15;
	v15 =	vld.idx.msk [tilespmem:v16+s25+$0x0], $0xffff;
	v16 =	vor.u32 $0x14, v4  }
0x345: {  	v17 =	vor.u32 $0x14, v2;
	v9 =	vld.idx.msk [tilespmem:v43+s25+$0x0], $0xffff;
	[tilespmem:s24+$0xFFFFC3E0] =	vst v6  }
0x346: {  	v14 =	vor.u32 $0x15, v5;
	v18 =	vld.idx.msk [tilespmem:v18+s25+$0x0], $0xffff;
	[tilespmem:s24+$0xFFFFC400] =	vst v11  }
0x347: {  	v6 =	vld.idx.msk [tilespmem:v8+s25+$0x0], $0xffff;
	v8 =	vor.u32 $0x3, v1;
	[tilespmem:s23+$0xFFFFE7E0] =	vst v12  }
0x348: {  	v45 =	vor.u32 $0x3, v7;
	v10 =	vld.idx.msk [tilespmem:v44+s25+$0x0], $0xffff;
	[tilespmem:s23+$0xFFFFE9F0] =	vst v13  }
0x349: {  	v13 =	vor.u32 $0x3, v46;
	v16 =	vld.idx.msk [tilespmem:v16+s25+$0x0], $0xffff;
	[tilespmem:s23+$0xFFFFE800] =	vst v15  }
0x34a: {  	v47 =	vld.idx.msk [tilespmem:v17+s25+$0x0], $0xffff;
	v17 =	vor.u32 $0x14, v3;
	[tilespmem:s24+$0xFFFFC5F0] =	vst v9  }
0x34b: {  	v12 =	vld.idx.msk [tilespmem:v14+s25+$0x0], $0xffff;
	v14 =	vor.u32 $0x3, v0;
	[tilespmem:s24+$0xFFFFC5D0] =	vst v18  }
0x34c: {  	v15 =	vor.u32 $0x16, v5;
	v8 =	vld.idx.msk [tilespmem:v8+s25+$0x0], $0xffff;
	[tilespmem:s24+$0xFFFFC5E0] =	vst v6  }
0x34d: {  	v18 =	vor.u32 $0x15, v4;
	v11 =	vld.idx.msk [tilespmem:v45+s25+$0x0], $0xffff;
	[tilespmem:s24+$0xFFFFC600] =	vst v10  }
0x34e: {  	v6 =	vld.idx.msk [tilespmem:v13+s25+$0x0], $0xffff;
	v13 =	vor.u32 $0x4, v1;
	[tilespmem:s23+$0xFFFFE9D0] =	vst v16  }
0x34f: {  	v48 =	vor.u32 $0x4, v7;
	[tilespmem:s23+$0xFFFFE9E0] =	vst v47;
	v49 =	vld.idx.msk [tilespmem:v17+s25+$0x0], $0xffff  }
0x350: {  	v14 =	vld.idx.msk [tilespmem:v14+s25+$0x0], $0xffff;
	[tilespmem:s23+$0xFFFFEBF0] =	vst v12;
	v12 =	vor.u32 $0x4, v46  }
0x351: {  	v16 =	vor.u32 $0x4, v0;
	v15 =	vld.idx.msk [tilespmem:v15+s25+$0x0], $0xffff;
	[tilespmem:s24+$0xFFFFC7F0] =	vst v8  }
0x352: {  	v17 =	vor.u32 $0x17, v5;
	v8 =	vld.idx.msk [tilespmem:v18+s25+$0x0], $0xffff;
	[tilespmem:s24+$0xFFFFC7D0] =	vst v11  }
0x353: {  	v18 =	vor.u32 $0x15, v2;
	v50 =	vld.idx.msk [tilespmem:v13+s25+$0x0], $0xffff;
	[tilespmem:s24+$0xFFFFC7E0] =	vst v6  }
0x354: {  	v13 =	vor.u32 $0x15, v3;
	v10 =	vld.idx.msk [tilespmem:v48+s25+$0x0], $0xffff;
	[tilespmem:s23+$0xFFFFEA00] =	vst v49  }
0x355: {  	v6 =	vld.idx.msk [tilespmem:v12+s25+$0x0], $0xffff;
	v12 =	vor.u32 $0x5, v1;
	[tilespmem:s24+$0xFFFFC800] =	vst v14  }
0x356: {  	v14 =	vor.u32 $0x5, v7;
	v16 =	vld.idx.msk [tilespmem:v16+s25+$0x0], $0xffff;
	[tilespmem:s23+$0xFFFFEDF0] =	vst v15  }
0x357: {  	v15 =	vor.u32 $0x5, v46;
	v17 =	vld.idx.msk [tilespmem:v17+s25+$0x0], $0xffff;
	[tilespmem:s23+$0xFFFFEBD0] =	vst v8  }
0x358: {  	v51 =	vor.u32 $0x5, v0;
	v8 =	vld.idx.msk [tilespmem:v18+s25+$0x0], $0xffff;
	[tilespmem:s24+$0xFFFFC9F0] =	vst v50  }
0x359: {  	v52 =	vor.u32 $0x18, v5;
	v13 =	vld.idx.msk [tilespmem:v13+s25+$0x0], $0xffff;
	[tilespmem:s24+$0xFFFFC9D0] =	vst v10  }
0x35a: {  	v18 =	vor.u32 $0x16, v4;
	v53 =	vld.idx.msk [tilespmem:v12+s25+$0x0], $0xffff;
	[tilespmem:s24+$0xFFFFC9E0] =	vst v6  }
0x35b: {  	v12 =	vor.u32 $0x16, v2;
	v14 =	vld.idx.msk [tilespmem:v14+s25+$0x0], $0xffff;
	[tilespmem:s24+$0xFFFFCA00] =	vst v16  }
0x35c: {  	v6 =	vld.idx.msk [tilespmem:v15+s25+$0x0], $0xffff;
	v15 =	vor.u32 $0x6, v1;
	[tilespmem:s23+$0xFFFFEFF0] =	vst v17  }
0x35d: {  	v16 =	vor.u32 $0x6, v7;
	v9 =	vld.idx.msk [tilespmem:v51+s25+$0x0], $0xffff;
	[tilespmem:s23+$0xFFFFEBE0] =	vst v8  }
0x35e: {  	v17 =	vor.u32 $0x6, v46;
	v8 =	vld.idx.msk [tilespmem:v52+s25+$0x0], $0xffff;
	[tilespmem:s23+$0xFFFFEC00] =	vst v13  }
0x35f: {  	v54 =	vor.u32 $0x6, v0;
	v18 =	vld.idx.msk [tilespmem:v18+s25+$0x0], $0xffff;
	[tilespmem:s24+$0xFFFFCBF0] =	vst v53  }
0x360: {  	v13 =	vor.u32 $0x16, v3;
	v55 =	vld.idx.msk [tilespmem:v12+s25+$0x0], $0xffff;
	[tilespmem:s24+$0xFFFFCBD0] =	vst v14  }
0x361: {  	v12 =	vor.u32 $0x19, v5;
	v14 =	vld.idx.msk [tilespmem:v15+s25+$0x0], $0xffff;
	[tilespmem:s24+$0xFFFFCBE0] =	vst v6  }
0x362: {  	v15 =	vor.u32 $0x17, v4;
	v16 =	vld.idx.msk [tilespmem:v16+s25+$0x0], $0xffff;
	[tilespmem:s24+$0xFFFFCC00] =	vst v9  }
0x363: {  	v6 =	vld.idx.msk [tilespmem:v17+s25+$0x0], $0xffff;
	v17 =	vor.u32 $0x7, v1;
	[tilespmem:s23+$0xFFFFF1F0] =	vst v8  }
0x364: {  	v56 =	vor.u32 $0x7, v7;
	v11 =	vld.idx.msk [tilespmem:v54+s25+$0x0], $0xffff;
	[tilespmem:s23+$0xFFFFEDD0] =	vst v18  }
0x365: {  	v8 =	vor.u32 $0x7, v46;
	v57 =	vld.idx.msk [tilespmem:v13+s25+$0x0], $0xffff;
	[tilespmem:s23+$0xFFFFEDE0] =	vst v55  }
0x366: {  	v18 =	vor.u32 $0x7, v0;
	v12 =	vld.idx.msk [tilespmem:v12+s25+$0x0], $0xffff;
	[tilespmem:s24+$0xFFFFCDF0] =	vst v14  }
0x367: {  	v13 =	vld.idx.msk [tilespmem:v15+s25+$0x0], $0xffff;
	v14 =	vor.u32 $0x1A, v5;
	[tilespmem:s24+$0xFFFFCDD0] =	vst v16  }
0x368: {  	v15 =	vor.u32 $0x17, v2;
	v16 =	vld.idx.msk [tilespmem:v17+s25+$0x0], $0xffff;
	[tilespmem:s24+$0xFFFFCDE0] =	vst v6  }
0x369: {  	v17 =	vor.u32 $0x17, v3;
	v9 =	vld.idx.msk [tilespmem:v56+s25+$0x0], $0xffff;
	[tilespmem:s24+$0xFFFFCE00] =	vst v11  }
0x36a: {  	v6 =	vld.idx.msk [tilespmem:v8+s25+$0x0], $0xffff;
	v8 =	vor.u32 $0x8, v1;
	[tilespmem:s23+$0xFFFFEE00] =	vst v57  }
0x36b: {  	v58 =	vor.u32 $0x8, v7;
	v18 =	vld.idx.msk [tilespmem:v18+s25+$0x0], $0xffff;
	[tilespmem:s23+$0xFFFFF3F0] =	vst v12  }
0x36c: {  	v12 =	vor.u32 $0x8, v46;
	v14 =	vld.idx.msk [tilespmem:v14+s25+$0x0], $0xffff;
	[tilespmem:s23+$0xFFFFEFD0] =	vst v13  }
0x36d: {  	v59 =	vor.u32 $0x8, v0;
	v13 =	vld.idx.msk [tilespmem:v15+s25+$0x0], $0xffff;
	[tilespmem:s24+$0xFFFFCFF0] =	vst v16  }
0x36e: {  	v15 =	vor.u32 $0x1B, v5;
	v16 =	vld.idx.msk [tilespmem:v17+s25+$0x0], $0xffff;
	[tilespmem:s24+$0xFFFFCFD0] =	vst v9  }
0x36f: {  	v17 =	vor.u32 $0x18, v4;
	v8 =	vld.idx.msk [tilespmem:v8+s25+$0x0], $0xffff;
	[tilespmem:s24+$0xFFFFCFE0] =	vst v6  }
0x370: {  	v60 =	vor.u32 $0x18, v2;
	v11 =	vld.idx.msk [tilespmem:v58+s25+$0x0], $0xffff;
	[tilespmem:s24+$0xFFFFD000] =	vst v18  }
0x371: {  	v18 =	vor.u32 $0x9, v7;
	v6 =	vld.idx.msk [tilespmem:v12+s25+$0x0], $0xffff;
	[tilespmem:s23+$0xFFFFF5F0] =	vst v14  }
0x372: {  	v12 =	vor.u32 $0x9, v1;
	v10 =	vld.idx.msk [tilespmem:v59+s25+$0x0], $0xffff;
	[tilespmem:s23+$0xFFFFEFE0] =	vst v13  }
0x373: {  	v14 =	vor.u32 $0x9, v46;
	v13 =	vld.idx.msk [tilespmem:v15+s25+$0x0], $0xffff;
	[tilespmem:s23+$0xFFFFF000] =	vst v16  }
0x374: {  	v15 =	vor.u32 $0x9, v0;
	v17 =	vld.idx.msk [tilespmem:v17+s25+$0x0], $0xffff;
	[tilespmem:s24+$0xFFFFD1F0] =	vst v8  }
0x375: {  	v61 =	vor.u32 $0x1C, v5;
	v8 =	vld.idx.msk [tilespmem:v60+s25+$0x0], $0xffff;
	[tilespmem:s24+$0xFFFFD1D0] =	vst v11  }
0x376: {  	v16 =	vor.u32 $0x18, v3;
	v18 =	vld.idx.msk [tilespmem:v18+s25+$0x0], $0xffff;
	[tilespmem:s24+$0xFFFFD1E0] =	vst v6  }
0x377: {  	v62 =	vld.idx.msk [tilespmem:v12+s25+$0x0], $0xffff;
	v12 =	vor.u32 $0x19, v4;
	[tilespmem:s24+$0xFFFFD200] =	vst v10  }
0x378: {  	v63 =	vor.u32 $0xA, v7;
	v6 =	vld.idx.msk [tilespmem:v14+s25+$0x0], $0xffff;
	[tilespmem:s23+$0xFFFFF7F0] =	vst v13  }
0x379: {  	v14 =	vor.u32 $0xA, v1;
	v15 =	vld.idx.msk [tilespmem:v15+s25+$0x0], $0xffff;
	[tilespmem:s23+$0xFFFFF1D0] =	vst v17  }
0x37a: {  	v13 =	vor.u32 $0xA, v46;
	v9 =	vld.idx.msk [tilespmem:v61+s25+$0x0], $0xffff;
	[tilespmem:s23+$0xFFFFF1E0] =	vst v8  }
0x37b: {  	v17 =	vor.u32 $0xA, v0;
	v8 =	vld.idx.msk [tilespmem:v16+s25+$0x0], $0xffff;
	[tilespmem:s24+$0xFFFFD3D0] =	vst v18  }
0x37c: {  	v16 =	vor.u32 $0x19, v2;
	[tilespmem:s24+$0xFFFFD3F0] =	vst v62;
	v32 =	vld.idx.msk [tilespmem:v12+s25+$0x0], $0xffff  }
0x37d: {  	v18 =	vor.u32 $0x19, v3;
	v10 =	vld.idx.msk [tilespmem:v63+s25+$0x0], $0xffff;
	[tilespmem:s24+$0xFFFFD3E0] =	vst v6  }
0x37e: {  	v12 =	vor.u32 $0x1D, v5;
	v14 =	vld.idx.msk [tilespmem:v14+s25+$0x0], $0xffff;
	[tilespmem:s24+$0xFFFFD400] =	vst v15  }
0x37f: {  	v6 =	vld.idx.msk [tilespmem:v13+s25+$0x0], $0xffff;
	v13 =	vor.u32 $0xB, v1;
	[tilespmem:s23+$0xFFFFF9F0] =	vst v9  }
0x380: {  	v15 =	vor.u32 $0xB, v7;
	v17 =	vld.idx.msk [tilespmem:v17+s25+$0x0], $0xffff;
	[tilespmem:s23+$0xFFFFF200] =	vst v8  }
0x381: {  	v33 =	vor.u32 $0xB, v46;
	v34 =	vld.idx.msk [tilespmem:v16+s25+$0x0], $0xffff;
	[tilespmem:s23+$0xFFFFF3D0] =	vst v32  }
0x382: {  	v8 =	vor.u32 $0xB, v0;
	v16 =	vld.idx.msk [tilespmem:v18+s25+$0x0], $0xffff;
	[tilespmem:s24+$0xFFFFD5D0] =	vst v10  }
0x383: {  	v18 =	vor.u32 $0x1A, v4;
	v12 =	vld.idx.msk [tilespmem:v12+s25+$0x0], $0xffff;
	[tilespmem:s24+$0xFFFFD5F0] =	vst v14  }
0x384: {  	v14 =	vor.u32 $0x1E, v5;
	v35 =	vld.idx.msk [tilespmem:v13+s25+$0x0], $0xffff;
	[tilespmem:s24+$0xFFFFD5E0] =	vst v6  }
0x385: {  	v13 =	vor.u32 $0x1A, v2;
	v15 =	vld.idx.msk [tilespmem:v15+s25+$0x0], $0xffff;
	[tilespmem:s24+$0xFFFFD600] =	vst v17  }
0x386: {  	v36 =	vor.u32 $0xC, v1;
	v6 =	vld.idx.msk [tilespmem:v33+s25+$0x0], $0xffff;
	[tilespmem:s23+$0xFFFFF3E0] =	vst v34  }
0x387: {  	v17 =	vor.u32 $0xC, v7;
	v8 =	vld.idx.msk [tilespmem:v8+s25+$0x0], $0xffff;
	[tilespmem:s23+$0xFFFFF400] =	vst v16  }
0x388: {  	v18 =	vld.idx.msk [tilespmem:v18+s25+$0x0], $0xffff;
	[tilespmem:s23+$0xFFFFFBF0] =	vst v12;
	v12 =	vor.u32 $0xC, v46  }
0x389: {  	v37 =	vld.idx.msk [tilespmem:v14+s25+$0x0], $0xffff;
	v14 =	vor.u32 $0xC, v0;
	[tilespmem:s24+$0xFFFFD7F0] =	vst v35  }
0x38a: {  	v5 =	vor.u32 $0x1F, v5;
	v38 =	vld.idx.msk [tilespmem:v13+s25+$0x0], $0xffff;
	[tilespmem:s24+$0xFFFFD7D0] =	vst v15  }
0x38b: {  	v13 =	vor.u32 $0x1A, v3;
	v9 =	vld.idx.msk [tilespmem:v36+s25+$0x0], $0xffff;
	[tilespmem:s24+$0xFFFFD7E0] =	vst v6  }
0x38c: {  	v15 =	vor.u32 $0x1B, v4;
	v16 =	vld.idx.msk [tilespmem:v17+s25+$0x0], $0xffff;
	[tilespmem:s24+$0xFFFFD800] =	vst v8  }
0x38d: {  	v8 =	vor.u32 $0xD, v7;
	[tilespmem:s23+$0xFFFFF5D0] =	vst v18;
	v6 =	vld.idx.msk [tilespmem:v12+s25+$0x0], $0xffff  }
0x38e: {  	v12 =	vor.u32 $0xD, v1;
	v14 =	vld.idx.msk [tilespmem:v14+s25+$0x0], $0xffff;
	[tilespmem:s23+$0xFFFFFDF0] =	vst v37  }
0x38f: {  	v39 =	vor.u32 $0xD, v46;
	v5 =	vld.idx.msk [tilespmem:v5+s25+$0x0], $0xffff;
	[tilespmem:s23+$0xFFFFF5E0] =	vst v38  }
0x390: {  	v17 =	vor.u32 $0xD, v0;
	v40 =	vld.idx.msk [tilespmem:v13+s25+$0x0], $0xffff;
	[tilespmem:s24+$0xFFFFD9F0] =	vst v9  }
0x391: {  	v13 =	vor.u32 $0x1B, v2;
	v41 =	vld.idx.msk [tilespmem:v15+s25+$0x0], $0xffff;
	[tilespmem:s24+$0xFFFFD9D0] =	vst v16  }
0x392: {  	v15 =	vor.u32 $0x1B, v3;
	v8 =	vld.idx.msk [tilespmem:v8+s25+$0x0], $0xffff;
	[tilespmem:s24+$0xFFFFD9E0] =	vst v6  }
0x393: {  	v16 =	vor.u32 $0x1C, v4;
	v12 =	vld.idx.msk [tilespmem:v12+s25+$0x0], $0xffff;
	[tilespmem:s24+$0xFFFFDA00] =	vst v14  }
0x394: {  	v42 =	vor.u32 $0xE, v1;
	v6 =	vld.idx.msk [tilespmem:v39+s25+$0x0], $0xffff;
	[tilespmem:s23+$0xFFFFFFF0] =	vst v5  }
0x395: {  	v14 =	vor.u32 $0xE, v7;
	v17 =	vld.idx.msk [tilespmem:v17+s25+$0x0], $0xffff;
	[tilespmem:s23+$0xFFFFF600] =	vst v40  }
0x396: {  	v5 =	vor.u32 $0xE, v46;
	v13 =	vld.idx.msk [tilespmem:v13+s25+$0x0], $0xffff;
	[tilespmem:s23+$0xFFFFF7D0] =	vst v41  }
0x397: {  	v43 =	vor.u32 $0xE, v0;
	v44 =	vld.idx.msk [tilespmem:v15+s25+$0x0], $0xffff;
	[tilespmem:s24+$0xFFFFDBD0] =	vst v8  }
0x398: {  	v15 =	vor.u32 $0x1C, v2;
	[tilespmem:s24+$0xFFFFDBF0] =	vst v12;
	v12 =	vld.idx.msk [tilespmem:v16+s25+$0x0], $0xffff  }
0x399: {  	v16 =	vor.u32 $0x1C, v3;
	v8 =	vld.idx.msk [tilespmem:v42+s25+$0x0], $0xffff;
	[tilespmem:s24+$0xFFFFDBE0] =	vst v6  }
0x39a: {  	v45 =	vor.u32 $0x1D, v4;
	v14 =	vld.idx.msk [tilespmem:v14+s25+$0x0], $0xffff;
	[tilespmem:s24+$0xFFFFDC00] =	vst v17  }
0x39b: {  	v18 =	vor.u32 $0xF, v1;
	v5 =	vld.idx.msk [tilespmem:v5+s25+$0x0], $0xffff;
	[tilespmem:s23+$0xFFFFF7E0] =	vst v13  }
0x39c: {  	v20 =	vor.u32 $0xF, v7;
	v10 =	vld.idx.msk [tilespmem:v43+s25+$0x0], $0xffff;
	[tilespmem:s23+$0xFFFFF800] =	vst v44  }
0x39d: {  	v24 =	vor.u32 $0x1F, v2;
	v19 =	vor.u32 $0x1D, v3;
	v21 =	vor.u32 $0xF, v46;
	v15 =	vld.idx.msk [tilespmem:v15+s25+$0x0], $0xffff;
	[tilespmem:s23+$0xFFFFF9D0] =	vst v12  }
0x39e: {  	v17 =	vor.u32 $0x1D, v2;
	v13 =	vor.u32 $0x1E, v2;
	v2 =	vor.u32 $0xF, v0;
	v12 =	vld.idx.msk [tilespmem:v16+s25+$0x0], $0xffff;
	[tilespmem:s24+$0xFFFFDDF0] =	vst v8  }
0x39f: {  	v25 =	vor.u32 $0x1F, v3;
	v29 =	vor.u32 $0x1A, v7;
	v26 =	vor.u32 $0x1B, v7;
	v8 =	vld.idx.msk [tilespmem:v45+s25+$0x0], $0xffff;
	[tilespmem:s24+$0xFFFFDDD0] =	vst v14  }
0x3a0: {  	v31 =	vor.u32 $0x1A, v46;
	v28 =	vor.u32 $0x1B, v46;
	v22 =	vor.u32 $0x10, v0;
	v14 =	vld.idx.msk [tilespmem:v18+s25+$0x0], $0xffff;
	[tilespmem:s24+$0xFFFFDDE0] =	vst v5  }
0x3a1: {  	v30 =	vor.u32 $0x1B, v0;
	v27 =	vor.u32 $0x1C, v0;
	v49 =	vor.u32 $0x14, v46;
	v18 =	vld.idx.msk [tilespmem:v20+s25+$0x0], $0xffff;
	[tilespmem:s24+$0xFFFFDE00] =	vst v10  }
0x3a2: {  	v48 =	vor.u32 $0x1F, v0;
	v50 =	vor.u32 $0x11, v46;
	v6 =	vor.u32 $0x1E, v4;
	v5 =	vld.idx.msk [tilespmem:v21+s25+$0x0], $0xffff;
	[tilespmem:s23+$0xFFFFF9E0] =	vst v15  }
0x3a3: {  	v51 =	vor.u32 $0x16, v7;
	v20 =	vor.u32 $0x10, v1;
	v2 =	vld.idx.msk [tilespmem:v2+s25+$0x0], $0xffff;
	[tilespmem:s23+$0xFFFFFA00] =	vst v12;
	v12 =	vor.u32 $0x15, v46  }
0x3a4: {  	v9 =	vor.u32 $0x1E, v3;
	v3 =	vor.u32 $0x10, v7;
	v47 =	vld.idx.msk [tilespmem:v17+s25+$0x0], $0xffff;
	[tilespmem:$0x1FC00] =	vst v12;
	v12 =	vor.u32 $0x15, v0  }
0x3a5: {  	v52 =	vor.u32 $0x13, v46;
	v53 =	vor.u32 $0x13, v7;
	v16 =	vor.u32 $0x10, v46;
	[tilespmem:$0x1FC10] =	vst v12  }
0x3a6: {  	v54 =	vor.u32 $0x12, v0;
	v55 =	vor.u32 $0x16, v46;
	v56 =	vor.u32 $0x15, v7;
	[tilespmem:s23+$0xFFFFFBD0] =	vst v8;
	v8 =	vld.idx.msk [tilespmem:v19+s25+$0x0], $0xffff  }
0x3a7: {  	v57 =	vor.u32 $0x14, v0;
	v58 =	vor.u32 $0x12, v7;
	v59 =	vor.u32 $0x11, v0;
	[tilespmem:s24+$0xFFFFDFF0] =	vst v14;
	v12 =	vld.idx.msk [tilespmem:v6+s25+$0x0], $0xffff  }
0x3a8: {  	v11 =	vor.u32 $0x11, v7;
	v63 =	vor.u32 $0x16, v0;
	v62 =	vor.u32 $0x17, v7;
	[tilespmem:s24+$0xFFFFDFD0] =	vst v18;
	v14 =	vld.idx.msk [tilespmem:v20+s25+$0x0], $0xffff  }
0x3a9: {  	v32 =	vor.u32 $0x19, v7;
	v33 =	vor.u32 $0x19, v46;
	v4 =	vor.u32 $0x1F, v4;
	[tilespmem:s24+$0xFFFFDFE0] =	vst v5;
	v15 =	vld.idx.msk [tilespmem:v3+s25+$0x0], $0xffff  }
0x3aa: {  	v34 =	vor.u32 $0x1A, v0;
	v35 =	vor.u32 $0x18, v7;
	v17 =	vor.u32 $0x11, v1;
	v16 =	vld.idx.msk [tilespmem:v16+s25+$0x0], $0xffff;
	[tilespmem:s24+$0xFFFFE000] =	vst v2  }
0x3ab: {  	v36 =	vor.u32 $0x18, v0;
	v37 =	vor.u32 $0x18, v46;
	v38 =	vor.u32 $0x19, v0;
	[tilespmem:s23+$0xFFFFFBE0] =	vst v47;
	v6 =	vld.idx.msk [tilespmem:v22+s25+$0x0], $0xffff  }
0x3ac: {  	v40 =	vor.u32 $0x17, v46;
	v41 =	vor.u32 $0x17, v0;
	v42 =	vor.u32 $0x12, v46;
	v5 =	vld.idx.msk [tilespmem:v13+s25+$0x0], $0xffff;
	[tilespmem:s23+$0xFFFFFC00] =	vst v8  }
0x3ad: {  	v43 =	vor.u32 $0x14, v7;
	v44 =	vor.u32 $0x13, v0;
	v21 =	vor.u32 $0x1D, v0;
	[tilespmem:s23+$0xFFFFFDD0] =	vst v12;
	v3 =	vld.idx.msk [tilespmem:v9+s25+$0x0], $0xffff  }
0x3ae: {  	v19 =	vor.u32 $0x1C, v7;
	v18 =	vor.u32 $0x1D, v7;
	v20 =	vor.u32 $0x1D, v46;
	[tilespmem:s24+$0xFFFFE1F0] =	vst v14;
	v4 =	vld.idx.msk [tilespmem:v4+s25+$0x0], $0xffff  }
0x3af: {  	v47 =	vor.u32 $0x1F, v46;
	v13 =	vor.u32 $0x1E, v7;
	v12 =	vor.u32 $0x1F, v7;
	[tilespmem:s24+$0xFFFFE1D0] =	vst v15;
	v7 =	vld.idx.msk [tilespmem:v17+s25+$0x0], $0xffff  }
0x3b0: {  	s30 =	simm.s32 $0xB0;
	s29 =	simm.s32 $0x4;
	v22 =	vor.u32 $0x1C, v46;
	v14 =	vor.u32 $0x1E, v46;
	[tilespmem:s24+$0xFFFFE1E0] =	vst v16;
	v15 =	vor.u32 $0x1E, v0;
	v0 =	vld.idx.msk [tilespmem:v11+s25+$0x0], $0xffff  }
.LBB2_11:
0x3b1: {  	[tilespmem:$0x1F9A0] =	vst v34  }
0x3b2: {  	[tilespmem:$0x1F950] =	vst v31  }
0x3b3: {  	[tilespmem:$0x1F940] =	vst v29  }
0x3b4: {  	[tilespmem:$0x1FA30] =	vst v19  }
0x3b5: {  	[tilespmem:$0x1F9B0] =	vst v26  }
0x3b6: {  	[tilespmem:$0x1FA10] =	vst v30  }
0x3b7: {  	[tilespmem:$0x1F9F0] =	vst v28  }
0x3b8: {  	[tilespmem:$0x1FAB0] =	vst v18  }
0x3b9: {  	[tilespmem:$0x1FAA0] =	vst v27  }
0x3ba: {  	[tilespmem:$0x1FA80] =	vst v22  }
0x3bb: {  	[tilespmem:$0x1FB20] =	vst v21  }
0x3bc: {  	[tilespmem:$0x1FB90] =	vst v14  }
0x3bd: {  	[tilespmem:$0x1FB00] =	vst v20  }
0x3be: {  	[tilespmem:$0x1FBB0] =	vst v15  }
0x3bf: {  	[tilespmem:$0x1FBD0] =	vst v12  }
0x3c0: {  	[tilespmem:s24+$0xFFFFE200] =	vst v6  }
0x3c1: {  	[tilespmem:s23+$0xFFFFFFD0] =	vst v4  }
0x3c2: {  	[tilespmem:s24+$0xFFFFE3F0] =	vst v7;
	v4 =	vmov v48  }
0x3c3: {  	v2 =	vmov s30;
	s2 =	sadd.s32 $0xFFFFFFD0, s30;
	[tilespmem:$0x1F840] =	vst v4  }
0x3c4: {  	s1 =	sadd.s32 $0xFFFFFFE0, s30;
	v11 =	vshll.u32 v2, $0x5;
	v2 =	vmov s2;
	v9 =	vld.idx.msk [tilespmem:v50+s25+$0x0], $0xffff;
	[tilespmem:s23+$0xFFFFFDE0] =	vst v5  }
0x3c5: {  	v6 =	vmov s1;
	v2 =	vshll.u32 v2, $0x5;
	v12 =	vld.idx.msk [tilespmem:v59+s25+$0x0], $0xffff;
	[tilespmem:s23+$0xFFFFFE00] =	vst v3  }
0x3c6: {  	v8 =	vor.u32 $0x12, v1;
	v5 =	vshll.u32 v6, $0x5;
	v3 =	vmovc v47;
	v2 =	vor.u32 v23, v2;
	[tilespmem:s24+$0xFFFFE3D0] =	vst v0  }
0x3c7: {  	[tilespmem:$0x1F900] =	vst v3;
	v47 =	vor.u32 v23, v5;
	v0 =	vor.u32 $0x8, v2  }
0x3c8: {  	s31 =	sadd.s32 $0xFFFFFFF0, s30;
	[tilespmem:$0x1F850] =	vst v0;
	v0 =	vor.u32 $0x8, v47  }
0x3c9: {  	v10 =	vmov s31;
	v39 =	vld.idx.msk [tilespmem:v24+s25+$0x0], $0xffff;
	[tilespmem:$0x1F860] =	vst v0;
	v0 =	vor.u32 $0x9, v2  }
0x3ca: {  	v6 =	vshll.u32 v10, $0x5;
	v3 =	vld.idx.msk [tilespmem:v25+s25+$0x0], $0xffff;
	[tilespmem:$0x1F880] =	vst v0  }
0x3cb: {  	v50 =	vor.u32 v23, v6;
	v5 =	vld.idx.msk [tilespmem:v8+s25+$0x0], $0xffff;
	[tilespmem:s24+$0xFFFFE3E0] =	vst v9  }
0x3cc: {  	v6 =	vld.idx.msk [tilespmem:v58+s25+$0x0], $0xffff;
	v0 =	vor.u32 $0x9, v47;
	[tilespmem:s24+$0xFFFFE400] =	vst v12  }
0x3cd: {  	[tilespmem:$0x1F890] =	vst v0  }
0x3ce: {  	v9 =	vld.idx.msk [tilespmem:v42+s25+$0x0], $0xffff;
	[tilespmem:s23+$0xFFFFFFE0] =	vst v39  }
0x3cf: {  	[tilespmem:s23+$0x0] =	vst v3  }
0x3d0: {  	v20 =	vor.u32 v23, v11;
	v12 =	vld.idx.msk [tilespmem:v50+s25+$0x0], $0xffff;
	[tilespmem:s24+$0xFFFFE5F0] =	vst v5  }
0x3d1: {  	v30 =	vld.idx.msk [tilespmem:v2+s25+$0x0], $0xffff;
	v0 =	vor.u32 $0x8, v20;
	[tilespmem:s24+$0xFFFFE5D0] =	vst v6  }
0x3d2: {  	[tilespmem:$0x1F870] =	vst v0;
	v0 =	vor.u32 $0xA, v2  }
0x3d3: {  	v29 =	vor.u32 $0x13, v1;
	[tilespmem:$0x1F8C0] =	vst v0;
	v0 =	vor.u32 $0x9, v20  }
0x3d4: {  	[tilespmem:$0x1F8A0] =	vst v0;
	v0 =	vor.u32 $0xB, v2  }
0x3d5: {  	[tilespmem:$0x1F910] =	vst v0;
	v0 =	vor.u32 $0xA, v47  }
0x3d6: {  	s23 =	smov.u32 s24;
	v31 =	vld.idx.msk [tilespmem:v47+s25+$0x0], $0xffff;
	[tilespmem:$0x1F8D0] =	vst v0  }
0x3d7: {  	s24 =	sadd.s32 $0x40, s24;
	v59 =	vld.idx.msk [tilespmem:v20+s25+$0x0], $0xffff;
	[tilespmem:s23+$0xFFFFE5E0] =	vst v9  }
0x3d8: {  	v29 =	vld.idx.msk [tilespmem:v29+s25+$0x0], $0xffff;
	[tilespmem:s24+$0xFFFFC1F0] =	vst v12  }
0x3d9: {  	v58 =	vor.u32 $0x1, v50;
	v0 =	vor.u32 $0xA, v20;
	v12 =	vld.idx.msk [tilespmem:v53+s25+$0x0], $0xffff;
	[tilespmem:s24+$0xFFFFC1D0] =	vst v30  }
0x3da: {  	[tilespmem:$0x1F8E0] =	vst v0;
	v0 =	vor.u32 $0xC, v2  }
0x3db: {  	v24 =	vor.u32 $0x1, v20;
	v60 =	vld.idx.msk [tilespmem:v54+s25+$0x0], $0xffff;
	[tilespmem:$0x1F970] =	vst v0  }
0x3dc: {  	[tilespmem:s24+$0xFFFFC1E0] =	vst v31  }
0x3dd: {  	v16 =	vor.u32 $0x1, v2;
	[tilespmem:s24+$0xFFFFC200] =	vst v59  }
0x3de: {  	v30 =	vld.idx.msk [tilespmem:v58+s25+$0x0], $0xffff;
	v0 =	vor.u32 $0xB, v47;
	[tilespmem:s23+$0xFFFFE7F0] =	vst v29  }
0x3df: {  	v15 =	vor.u32 $0x1, v47;
	[tilespmem:$0x1F920] =	vst v0  }
0x3e0: {  	v0 =	vor.u32 $0xB, v20;
	v24 =	vld.idx.msk [tilespmem:v24+s25+$0x0], $0xffff;
	[tilespmem:s23+$0xFFFFE600] =	vst v60  }
0x3e1: {  	v34 =	vor.u32 $0x14, v1;
	[tilespmem:$0x1F930] =	vst v0;
	v0 =	vor.u32 $0xC, v47  }
0x3e2: {  	v16 =	vld.idx.msk [tilespmem:v16+s25+$0x0], $0xffff;
	[tilespmem:$0x1F980] =	vst v0;
	v0 =	vor.u32 $0xC, v20  }
0x3e3: {  	[tilespmem:$0x1F990] =	vst v0  }
0x3e4: {  	v15 =	vld.idx.msk [tilespmem:v15+s25+$0x0], $0xffff;
	v0 =	vor.u32 $0xD, v2;
	[tilespmem:s23+$0xFFFFE7D0] =	vst v12  }
0x3e5: {  	[tilespmem:$0x1F9C0] =	vst v0  }
0x3e6: {  	v31 =	vor.u32 $0x2, v50;
	v29 =	vld.idx.msk [tilespmem:v34+s25+$0x0], $0xffff;
	[tilespmem:s24+$0xFFFFC3F0] =	vst v30  }
0x3e7: {  	v0 =	vor.u32 $0xD, v47;
	[tilespmem:s24+$0xFFFFC3D0] =	vst v16  }
0x3e8: {  	v26 =	vor.u32 $0x2, v47;
	v42 =	vld.idx.msk [tilespmem:v52+s25+$0x0], $0xffff;
	[tilespmem:$0x1F9D0] =	vst v0  }
0x3e9: {  	[tilespmem:s24+$0xFFFFC3E0] =	vst v15  }
0x3ea: {  	v22 =	vor.u32 $0x2, v2;
	v30 =	vld.idx.msk [tilespmem:v44+s25+$0x0], $0xffff;
	[tilespmem:s24+$0xFFFFC400] =	vst v24  }
0x3eb: {  	v0 =	vor.u32 $0xD, v20;
	v16 =	vld.idx.msk [tilespmem:v31+s25+$0x0], $0xffff;
	[tilespmem:s23+$0xFFFFE9F0] =	vst v29  }
0x3ec: {  	v28 =	vor.u32 $0x2, v20;
	[tilespmem:$0x1F9E0] =	vst v0  }
0x3ed: {  	v0 =	vor.u32 $0xE, v2;
	v15 =	vld.idx.msk [tilespmem:v26+s25+$0x0], $0xffff;
	[tilespmem:s23+$0xFFFFE7E0] =	vst v42  }
0x3ee: {  	v12 =	vor.u32 $0x15, v1;
	[tilespmem:$0x1FA50] =	vst v0;
	v0 =	vor.u32 $0xE, v47  }
0x3ef: {  	v22 =	vld.idx.msk [tilespmem:v22+s25+$0x0], $0xffff;
	[tilespmem:$0x1FA60] =	vst v0;
	v0 =	vor.u32 $0xE, v20  }
0x3f0: {  	[tilespmem:$0x1FA70] =	vst v0  }
0x3f1: {  	v45 =	vmov v51;
	v51 =	vld.idx.msk [tilespmem:v28+s25+$0x0], $0xffff;
	v0 =	vor.u32 $0xF, v2;
	[tilespmem:s23+$0xFFFFE800] =	vst v30  }
0x3f2: {  	v58 =	vld.idx.msk [tilespmem:v43+s25+$0x0], $0xffff;
	[tilespmem:$0x1FAD0] =	vst v0  }
0x3f3: {  	v8 =	vor.u32 $0x3, v2;
	v9 =	vld.idx.msk [tilespmem:v12+s25+$0x0], $0xffff;
	[tilespmem:s24+$0xFFFFC5F0] =	vst v16  }
0x3f4: {  	v0 =	vor.u32 $0xF, v47;
	[tilespmem:s24+$0xFFFFC5D0] =	vst v22  }
0x3f5: {  	v7 =	vor.u32 $0x3, v47;
	v60 =	vld.idx.msk [tilespmem:v49+s25+$0x0], $0xffff;
	[tilespmem:$0x1FAE0] =	vst v0  }
0x3f6: {  	[tilespmem:s24+$0xFFFFC5E0] =	vst v15  }
0x3f7: {  	v26 =	vor.u32 $0x3, v50;
	[tilespmem:s24+$0xFFFFC600] =	vst v51  }
0x3f8: {  	v4 =	vor.u32 $0x3, v20;
	v0 =	vor.u32 $0xF, v20;
	v52 =	vld.idx.msk [tilespmem:v8+s25+$0x0], $0xffff;
	[tilespmem:s23+$0xFFFFE9D0] =	vst v58  }
0x3f9: {  	v46 =	vor.u32 $0x16, v1;
	[tilespmem:$0x1FAF0] =	vst v0  }
0x3fa: {  	v0 =	vor.u32 $0x10, v2;
	v53 =	vld.idx.msk [tilespmem:v7+s25+$0x0], $0xffff;
	[tilespmem:s23+$0xFFFFE9E0] =	vst v60  }
0x3fb: {  	[tilespmem:$0x1FB60] =	vst v0  }
0x3fc: {  	v49 =	vld.idx.msk [tilespmem:v26+s25+$0x0], $0xffff;
	v0 =	vor.u32 $0x10, v47;
	[tilespmem:s23+$0xFFFFEBF0] =	vst v9  }
0x3fd: {  	v51 =	vld.idx.msk [tilespmem:v4+s25+$0x0], $0xffff;
	[tilespmem:$0x1FB70] =	vst v0;
	v0 =	vor.u32 $0x11, v2  }
0x3fe: {  	v4 =	vld.idx.msk [tilespmem:v46+s25+$0x0], $0xffff;
	v46 =	vor.u32 $0x1C, v47;
	[tilespmem:$0x1FBF0] =	vst v0  }
0x3ff: {  	v0 =	vor.u32 $0x11, v47;
	[tilespmem:$0x1FA90] =	vst v46  }
0x400: {  	[tilespmem:$0x1F960] =	vst v0;
	v0 =	vor.u32 $0x10, v20  }
0x401: {  	[tilespmem:$0x1FB80] =	vst v0;
	v0 =	vor.u32 $0x12, v2  }
0x402: {  	[tilespmem:$0x1FA20] =	vst v0;
	v0 =	vor.u32 $0x12, v47  }
0x403: {  	v39 =	vor.u32 $0x4, v50;
	[tilespmem:$0x1F8F0] =	vst v0;
	v0 =	vor.u32 $0x11, v20  }
0x404: {  	[tilespmem:$0x1FA40] =	vst v0;
	v0 =	vor.u32 $0x13, v2  }
0x405: {  	[tilespmem:$0x1FBA0] =	vst v0;
	v0 =	vor.u32 $0x12, v20  }
0x406: {  	v46 =	vor.u32 $0x17, v1;
	[tilespmem:$0x1FB50] =	vst v0;
	v0 =	vor.u32 $0x13, v47  }
0x407: {  	[tilespmem:s24+$0xFFFFC7F0] =	vst v49  }
0x408: {  	v28 =	vor.u32 $0x14, v47;
	v39 =	vld.idx.msk [tilespmem:v39+s25+$0x0], $0xffff;
	[tilespmem:s23+$0xFFFFEDF0] =	vst v4  }
0x409: {  	v48 =	vor.u32 $0x4, v2;
	v27 =	vor.u32 $0x4, v20;
	v21 =	vor.u32 $0x5, v20;
	[tilespmem:$0x1FB30] =	vst v0;
	v0 =	vmovc v28  }
0x40a: {  	v10 =	vmovc v40;
	v19 =	vor.u32 $0x6, v20;
	v40 =	vld.idx.msk [tilespmem:v57+s25+$0x0], $0xffff;
	v60 =	vor.u32 $0x1D, v2;
	[tilespmem:$0x1FB10] =	vst v0;
	v0 =	vor.u32 $0x1B, v47  }
0x40b: {  	v14 =	vor.u32 $0x7, v20;
	v6 =	vor.u32 $0x13, v20;
	v3 =	vmovc v55;
	v55 =	vor.u32 $0x14, v20;
	[tilespmem:$0x1FAC0] =	vst v60;
	v4 =	vld.idx.msk [tilespmem:v46+s25+$0x0], $0xffff  }
0x40c: {  	v5 =	vmovc v35;
	v35 =	vor.u32 $0x15, v20;
	v44 =	vmovc v37;
	v37 =	vor.u32 $0x16, v20;
	v24 =	vor.u32 $0x14, v2;
	v46 =	vld [tilespmem:$0x1FC10];
	[tilespmem:$0x1FA00] =	vst v0  }
0x40d: {  	v31 =	vor.u32 $0x17, v20;
	v12 =	vmovc v24;
	v24 =	vor.u32 $0x19, v20;
	v8 =	vor.u32 $0x1A, v20;
	v0 =	vmovc v55;
	v55 =	vld.idx.msk [tilespmem:v56+s25+$0x0], $0xffff;
	[tilespmem:s24+$0xFFFFC7D0] =	vst v52  }
0x40e: {  	v58 =	vor.u32 $0x1B, v20;
	v60 =	vor.u32 $0x1C, v20;
	[tilespmem:s24+$0xFFFFC800] =	vst v51;
	v57 =	vld.idx.msk [tilespmem:v48+s25+$0x0], $0xffff;
	v48 =	vor.u32 $0x1E, v20  }
0x40f: {  	v28 =	vor.u32 $0x18, v20;
	v52 =	vor.u32 $0x1D, v20;
	[tilespmem:$0x1FBC0] =	vst v48;
	v48 =	vor.u32 $0x1F, v20;
	v20 =	vld.idx.msk [tilespmem:v27+s25+$0x0], $0xffff  }
0x410: {  	[tilespmem:$0x1FB40] =	vst v13;
	v25 =	vor.u32 $0x5, v2;
	v18 =	vor.u32 $0x6, v2  }
0x411: {  	v13 =	vor.u32 $0x7, v2;
	v61 =	vor.u32 $0x4, v47;
	v54 =	vor.u32 $0x15, v2;
	[tilespmem:s24+$0xFFFFC7E0] =	vst v53  }
0x412: {  	v59 =	vor.u32 $0x1C, v2;
	v42 =	vmovc v33;
	v33 =	vor.u32 $0x16, v2;
	v30 =	vor.u32 $0x18, v2;
	[tilespmem:s24+$0xFFFFC9F0] =	vst v39;
	v27 =	vld [tilespmem:$0x1FC00]  }
0x413: {  	v16 =	vmovc v38;
	v38 =	vor.u32 $0x17, v2;
	v26 =	vor.u32 $0x19, v2;
	v7 =	vor.u32 $0x1A, v2;
	[tilespmem:s23+$0xFFFFEA00] =	vst v40  }
0x414: {  	v9 =	vor.u32 $0x1B, v2;
	v56 =	vmovc v54;
	v54 =	vor.u32 $0x1E, v2;
	v2 =	vor.u32 $0x1F, v2;
	v39 =	vld.idx.msk [tilespmem:v46+s25+$0x0], $0xffff;
	[tilespmem:s24+$0xFFFFCA00] =	vst v20  }
0x415: {  	[tilespmem:$0x1FBE0] =	vst v2;
	v20 =	vld.idx.msk [tilespmem:v21+s25+$0x0], $0xffff  }
0x416: {  	[tilespmem:s23+$0xFFFFEBD0] =	vst v55  }
0x417: {  	v2 =	vmov v41;
	v41 =	vld.idx.msk [tilespmem:v61+s25+$0x0], $0xffff;
	[tilespmem:s24+$0xFFFFC9D0] =	vst v57  }
0x418: {  	v23 =	vor.u32 $0x5, v47;
	v25 =	vld.idx.msk [tilespmem:v25+s25+$0x0], $0xffff  }
0x419: {  	v21 =	vld.idx.msk [tilespmem:v45+s25+$0x0], $0xffff;
	[tilespmem:s23+$0xFFFFEC00] =	vst v39  }
0x41a: {  	v27 =	vld.idx.msk [tilespmem:v27+s25+$0x0], $0xffff;
	[tilespmem:s24+$0xFFFFCC00] =	vst v20  }
0x41b: {  	v19 =	vld.idx.msk [tilespmem:v19+s25+$0x0], $0xffff  }
0x41c: {  	[tilespmem:s24+$0xFFFFC9E0] =	vst v41;
	v20 =	vld.idx.msk [tilespmem:v63+s25+$0x0], $0xffff  }
0x41d: {  	v23 =	vld.idx.msk [tilespmem:v23+s25+$0x0], $0xffff;
	[tilespmem:s24+$0xFFFFCBD0] =	vst v25  }
0x41e: {  	v18 =	vld.idx.msk [tilespmem:v18+s25+$0x0], $0xffff;
	[tilespmem:s23+$0xFFFFEDD0] =	vst v21  }
0x41f: {  	v17 =	vor.u32 $0x6, v47;
	v21 =	vld.idx.msk [tilespmem:v62+s25+$0x0], $0xffff;
	[tilespmem:s23+$0xFFFFEBE0] =	vst v27  }
0x420: {  	v27 =	vld.idx.msk [tilespmem:v3+s25+$0x0], $0xffff;
	[tilespmem:s24+$0xFFFFCE00] =	vst v19  }
0x421: {  	v61 =	vor.u32 $0x5, v50;
	v14 =	vld.idx.msk [tilespmem:v14+s25+$0x0], $0xffff;
	[tilespmem:s23+$0xFFFFEE00] =	vst v20  }
0x422: {  	v20 =	vld.idx.msk [tilespmem:v2+s25+$0x0], $0xffff  }
0x423: {  	v34 =	vor.u32 $0x15, v47;
	[tilespmem:s24+$0xFFFFCBE0] =	vst v23;
	v2 =	vld [tilespmem:$0x1F850]  }
0x424: {  	v40 =	vmov v34;
	v34 =	vor.u32 $0x18, v1;
	v17 =	vld.idx.msk [tilespmem:v17+s25+$0x0], $0xffff;
	[tilespmem:s24+$0xFFFFCDD0] =	vst v18  }
0x425: {  	v11 =	vor.u32 $0x7, v47;
	v13 =	vld.idx.msk [tilespmem:v13+s25+$0x0], $0xffff  }
0x426: {  	v55 =	vld.idx.msk [tilespmem:v61+s25+$0x0], $0xffff;
	[tilespmem:s23+$0xFFFFEFF0] =	vst v4  }
0x427: {  	[tilespmem:s23+$0xFFFFEFD0] =	vst v21  }
0x428: {  	v61 =	vor.u32 $0x6, v50;
	[tilespmem:s23+$0xFFFFEDE0] =	vst v27  }
0x429: {  	v4 =	vld.idx.msk [tilespmem:v34+s25+$0x0], $0xffff;
	[tilespmem:s24+$0xFFFFCDE0] =	vst v17  }
0x42a: {  	v57 =	vmov v0;
	v0 =	vld.idx.msk [tilespmem:v11+s25+$0x0], $0xffff;
	[tilespmem:s24+$0xFFFFCFD0] =	vst v13  }
0x42b: {  	v11 =	vld.idx.msk [tilespmem:v2+s25+$0x0], $0xffff  }
0x42c: {  	[tilespmem:s24+$0xFFFFCBF0] =	vst v55;
	v2 =	vld [tilespmem:$0x1F870]  }
0x42d: {  	v46 =	vor.u32 $0x19, v1;
	v25 =	vld.idx.msk [tilespmem:v61+s25+$0x0], $0xffff  }
0x42e: {  	v23 =	vor.u32 $0x7, v50;
	_ =	sdelay $0x2  }
0x42f: {  	[tilespmem:s23+$0xFFFFF1F0] =	vst v4  }
0x430: {  	v4 =	vld.idx.msk [tilespmem:v46+s25+$0x0], $0xffff;
	[tilespmem:s24+$0xFFFFCDF0] =	vst v25  }
0x431: {  	v18 =	vld.idx.msk [tilespmem:v23+s25+$0x0], $0xffff;
	[tilespmem:s24+$0xFFFFD000] =	vst v14  }
0x432: {  	v25 =	vor.u32 $0x1A, v1;
	v14 =	vld.idx.msk [tilespmem:v2+s25+$0x0], $0xffff  }
0x433: {  	v17 =	vor.u32 $0x8, v50;
	v2 =	vld [tilespmem:$0x1F880];
	_ =	sdelay $0x2  }
0x434: {  	[tilespmem:s23+$0xFFFFF3F0] =	vst v4;
	v19 =	vld.idx.msk [tilespmem:v10+s25+$0x0], $0xffff  }
0x435: {  	v4 =	vld.idx.msk [tilespmem:v25+s25+$0x0], $0xffff;
	[tilespmem:s24+$0xFFFFCFF0] =	vst v18  }
0x436: {  	v13 =	vld.idx.msk [tilespmem:v17+s25+$0x0], $0xffff  }
0x437: {  	[tilespmem:s24+$0xFFFFCFE0] =	vst v0;
	v0 =	vld [tilespmem:$0x1F860]  }
0x438: {  	v17 =	vld.idx.msk [tilespmem:v5+s25+$0x0], $0xffff;
	[tilespmem:s24+$0xFFFFD1D0] =	vst v11  }
0x439: {  	v18 =	vor.u32 $0x1B, v1;
	v5 =	vld.idx.msk [tilespmem:v2+s25+$0x0], $0xffff  }
0x43a: {  	v2 =	vld [tilespmem:$0x1F8A0];
	_ =	sdelay $0x2  }
0x43b: {  	[tilespmem:s23+$0xFFFFF5F0] =	vst v4  }
0x43c: {  	v4 =	vld.idx.msk [tilespmem:v18+s25+$0x0], $0xffff;
	[tilespmem:s24+$0xFFFFD1F0] =	vst v13  }
0x43d: {  	v0 =	vld.idx.msk [tilespmem:v0+s25+$0x0], $0xffff;
	[tilespmem:s23+$0xFFFFEFE0] =	vst v19  }
0x43e: {  	[tilespmem:s23+$0xFFFFF000] =	vst v20  }
0x43f: {  	v13 =	vld.idx.msk [tilespmem:v44+s25+$0x0], $0xffff;
	[tilespmem:s24+$0xFFFFD200] =	vst v14  }
0x440: {  	[tilespmem:$0x1F8B0] =	vst v32;
	v44 =	vmov v6;
	v6 =	vld.idx.msk [tilespmem:v2+s25+$0x0], $0xffff  }
0x441: {  	v2 =	vld [tilespmem:$0x1F8B0];
	_ =	sdelay $0x6  }
0x442: {  	[tilespmem:s23+$0xFFFFF1D0] =	vst v17  }
0x443: {  	v46 =	vld.idx.msk [tilespmem:v2+s25+$0x0], $0xffff  }
0x444: {  	v2 =	vld [tilespmem:$0x1F8C0];
	_ =	sdelay $0x6  }
0x445: {  	[tilespmem:s24+$0xFFFFD3D0] =	vst v5  }
0x446: {  	v5 =	vld.idx.msk [tilespmem:v2+s25+$0x0], $0xffff  }
0x447: {  	v61 =	vor.u32 $0x9, v50;
	v2 =	vld [tilespmem:$0x1F8E0]  }
0x448: {  	v18 =	vor.u32 $0x1C, v1  }
0x449: {  	v43 =	vmov v36  }
0x44a: {  	[tilespmem:s24+$0xFFFFD1E0] =	vst v0;
	v0 =	vld [tilespmem:$0x1F890];
	_ =	sdelay $0x1  }
0x44b: {  	v10 =	vld.idx.msk [tilespmem:v61+s25+$0x0], $0xffff;
	[tilespmem:s23+$0xFFFFF7F0] =	vst v4  }
0x44c: {  	v4 =	vld.idx.msk [tilespmem:v18+s25+$0x0], $0xffff  }
0x44d: {  	v45 =	vld.idx.msk [tilespmem:v43+s25+$0x0], $0xffff;
	[tilespmem:s24+$0xFFFFD400] =	vst v6  }
0x44e: {  	v6 =	vld.idx.msk [tilespmem:v2+s25+$0x0], $0xffff  }
0x44f: {  	v3 =	vor.u32 $0xA, v50;
	v2 =	vld [tilespmem:$0x1F910];
	_ =	sdelay $0x1  }
0x450: {  	v0 =	vld.idx.msk [tilespmem:v0+s25+$0x0], $0xffff;
	[tilespmem:s23+$0xFFFFF1E0] =	vst v13;
	v13 =	vor.u32 $0x1D, v1;
	_ =	sdelay $0x1  }
0x451: {  	[tilespmem:s24+$0xFFFFD3F0] =	vst v10  }
0x452: {  	v3 =	vld.idx.msk [tilespmem:v3+s25+$0x0], $0xffff;
	[tilespmem:s23+$0xFFFFF9F0] =	vst v4  }
0x453: {  	[tilespmem:s23+$0xFFFFF3D0] =	vst v46  }
0x454: {  	v4 =	vld.idx.msk [tilespmem:v13+s25+$0x0], $0xffff;
	[tilespmem:s24+$0xFFFFD5D0] =	vst v5  }
0x455: {  	v13 =	vld.idx.msk [tilespmem:v2+s25+$0x0], $0xffff  }
0x456: {  	v2 =	vld [tilespmem:$0x1F930];
	_ =	sdelay $0x1  }
0x457: {  	[tilespmem:s24+$0xFFFFD3E0] =	vst v0;
	v0 =	vld [tilespmem:$0x1F8D0];
	_ =	sdelay $0x3  }
0x458: {  	[tilespmem:s23+$0xFFFFF200] =	vst v45  }
0x459: {  	v11 =	vld.idx.msk [tilespmem:v16+s25+$0x0], $0xffff;
	[tilespmem:s24+$0xFFFFD600] =	vst v6  }
0x45a: {  	v6 =	vld.idx.msk [tilespmem:v2+s25+$0x0], $0xffff  }
0x45b: {  	v2 =	vld [tilespmem:$0x1F940]  }
0x45c: {  	v0 =	vld.idx.msk [tilespmem:v0+s25+$0x0], $0xffff  }
0x45d: {  	v14 =	vor.u32 $0xB, v50;
	_ =	sdelay $0x2  }
0x45e: {  	[tilespmem:s24+$0xFFFFD5F0] =	vst v3;
	v61 =	vld.idx.msk [tilespmem:v42+s25+$0x0], $0xffff  }
0x45f: {  	[tilespmem:s24+$0xFFFFD5E0] =	vst v0;
	v0 =	vld [tilespmem:$0x1F920]  }
0x460: {  	v5 =	vld.idx.msk [tilespmem:v14+s25+$0x0], $0xffff  }
0x461: {  	[tilespmem:s23+$0xFFFFFBF0] =	vst v4;
	v4 =	vld.idx.msk [tilespmem:v2+s25+$0x0], $0xffff  }
0x462: {  	v2 =	vld [tilespmem:$0x1F950];
	_ =	sdelay $0x1  }
0x463: {  	v3 =	vor.u32 $0x1E, v1;
	_ =	sdelay $0x3  }
0x464: {  	v0 =	vld.idx.msk [tilespmem:v0+s25+$0x0], $0xffff  }
0x465: {  	[tilespmem:s23+$0xFFFFF3E0] =	vst v61;
	v3 =	vld.idx.msk [tilespmem:v3+s25+$0x0], $0xffff  }
0x466: {  	[tilespmem:s24+$0xFFFFD7F0] =	vst v5;
	v5 =	vld.idx.msk [tilespmem:v2+s25+$0x0], $0xffff  }
0x467: {  	v2 =	vld [tilespmem:$0x1F970];
	_ =	sdelay $0x6  }
0x468: {  	[tilespmem:s24+$0xFFFFD7D0] =	vst v13  }
0x469: {  	v13 =	vld.idx.msk [tilespmem:v2+s25+$0x0], $0xffff  }
0x46a: {  	v2 =	vld [tilespmem:$0x1F990];
	_ =	sdelay $0x5  }
0x46b: {  	[tilespmem:s23+$0xFFFFF400] =	vst v11  }
0x46c: {  	[tilespmem:s24+$0xFFFFD800] =	vst v6  }
0x46d: {  	v6 =	vld.idx.msk [tilespmem:v2+s25+$0x0], $0xffff  }
0x46e: {  	v2 =	vld [tilespmem:$0x1F9A0];
	_ =	sdelay $0x6  }
0x46f: {  	[tilespmem:s24+$0xFFFFD7E0] =	vst v0;
	v0 =	vld [tilespmem:$0x1F980]  }
0x470: {  	[tilespmem:s23+$0xFFFFF5D0] =	vst v4;
	v4 =	vld.idx.msk [tilespmem:v2+s25+$0x0], $0xffff  }
0x471: {  	v2 =	vld [tilespmem:$0x1F9B0];
	_ =	sdelay $0x6  }
0x472: {  	v0 =	vld.idx.msk [tilespmem:v0+s25+$0x0], $0xffff  }
0x473: {  	[tilespmem:s23+$0xFFFFF5E0] =	vst v5;
	v5 =	vld.idx.msk [tilespmem:v2+s25+$0x0], $0xffff  }
0x474: {  	v2 =	vld [tilespmem:$0x1F9C0];
	_ =	sdelay $0x6  }
0x475: {  	[tilespmem:s24+$0xFFFFD9D0] =	vst v13  }
0x476: {  	v39 =	vld.idx.msk [tilespmem:v2+s25+$0x0], $0xffff  }
0x477: {  	v2 =	vld [tilespmem:$0x1F9E0];
	_ =	sdelay $0x4  }
0x478: {  	v14 =	vor.u32 $0xC, v50;
	_ =	sdelay $0x1  }
0x479: {  	v45 =	vor.u32 $0x1F, v1;
	[tilespmem:s24+$0xFFFFDA00] =	vst v6  }
0x47a: {  	v6 =	vld.idx.msk [tilespmem:v2+s25+$0x0], $0xffff  }
0x47b: {  	v2 =	vld [tilespmem:$0x1F9F0]  }
0x47c: {  	v1 =	vmov v50;
	v46 =	vld.idx.msk [tilespmem:v14+s25+$0x0], $0xffff  }
0x47d: {  	v14 =	vor.u32 $0xD, v1;
	[tilespmem:s23+$0xFFFFFDF0] =	vst v3  }
0x47e: {  	v3 =	vld.idx.msk [tilespmem:v45+s25+$0x0], $0xffff;
	_ =	sdelay $0x2  }
0x47f: {  	[tilespmem:s24+$0xFFFFD9F0] =	vst v46  }
0x480: {  	v61 =	vld.idx.msk [tilespmem:v14+s25+$0x0], $0xffff;
	[tilespmem:s24+$0xFFFFD9E0] =	vst v0  }
0x481: {  	[tilespmem:s23+$0xFFFFFFF0] =	vst v3;
	v3 =	vld.idx.msk [tilespmem:v2+s25+$0x0], $0xffff  }
0x482: {  	v2 =	vld [tilespmem:$0x1FA00];
	_ =	sdelay $0x1  }
0x483: {  	v36 =	vor.u32 $0x16, v47;
	_ =	sdelay $0x2  }
0x484: {  	v55 =	vmov v36;
	v36 =	vmov v28;
	v28 =	vmov v2;
	v2 =	vld [tilespmem:$0x1FA10];
	_ =	sdelay $0x6  }
0x485: {  	[tilespmem:s23+$0xFFFFF600] =	vst v4  }
0x486: {  	v4 =	vld.idx.msk [tilespmem:v2+s25+$0x0], $0xffff  }
0x487: {  	v2 =	vld [tilespmem:$0x1FA30];
	_ =	sdelay $0x6  }
0x488: {  	[tilespmem:s23+$0xFFFFF7D0] =	vst v5  }
0x489: {  	v5 =	vld.idx.msk [tilespmem:v2+s25+$0x0], $0xffff  }
0x48a: {  	v2 =	vld [tilespmem:$0x1FA50];
	_ =	sdelay $0x1  }
0x48b: {  	v0 =	vld [tilespmem:$0x1F9D0];
	_ =	sdelay $0x4  }
0x48c: {  	[tilespmem:s24+$0xFFFFDBD0] =	vst v39  }
0x48d: {  	v34 =	vmov v8;
	v8 =	vld.idx.msk [tilespmem:v2+s25+$0x0], $0xffff  }
0x48e: {  	v2 =	vld [tilespmem:$0x1FA70]  }
0x48f: {  	v0 =	vld.idx.msk [tilespmem:v0+s25+$0x0], $0xffff;
	_ =	sdelay $0x4  }
0x490: {  	[tilespmem:s24+$0xFFFFDBE0] =	vst v0  }
0x491: {  	v0 =	vld [tilespmem:$0x1FA60];
	[tilespmem:s24+$0xFFFFDC00] =	vst v6  }
0x492: {  	v6 =	vld.idx.msk [tilespmem:v2+s25+$0x0], $0xffff  }
0x493: {  	v2 =	vld [tilespmem:$0x1FA80];
	_ =	sdelay $0x6  }
0x494: {  	v0 =	vld.idx.msk [tilespmem:v0+s25+$0x0], $0xffff;
	[tilespmem:s23+$0xFFFFF7E0] =	vst v3  }
0x495: {  	v3 =	vld.idx.msk [tilespmem:v2+s25+$0x0], $0xffff  }
0x496: {  	v2 =	vld [tilespmem:$0x1FA90];
	_ =	sdelay $0x1  }
0x497: {  	v22 =	vor.u32 $0x19, v47;
	v51 =	vmov v35;
	_ =	sdelay $0x2  }
0x498: {  	[tilespmem:$0x1FC10] =	vst v51;
	v51 =	vmov v33;
	v33 =	vmov v22;
	v22 =	vmov v2;
	v2 =	vld [tilespmem:$0x1FAA0];
	_ =	sdelay $0x6  }
0x499: {  	[tilespmem:s23+$0xFFFFF800] =	vst v4  }
0x49a: {  	v4 =	vld.idx.msk [tilespmem:v2+s25+$0x0], $0xffff  }
0x49b: {  	v2 =	vld [tilespmem:$0x1FAB0];
	_ =	sdelay $0x6  }
0x49c: {  	[tilespmem:s23+$0xFFFFF9D0] =	vst v5  }
0x49d: {  	v5 =	vld.idx.msk [tilespmem:v2+s25+$0x0], $0xffff  }
0x49e: {  	v2 =	vld [tilespmem:$0x1FAC0];
	_ =	sdelay $0x4  }
0x49f: {  	v18 =	vmov v2;
	v2 =	vld [tilespmem:$0x1FAD0];
	_ =	sdelay $0x6  }
0x4a0: {  	[tilespmem:s24+$0xFFFFDDD0] =	vst v8  }
0x4a1: {  	v8 =	vld.idx.msk [tilespmem:v2+s25+$0x0], $0xffff  }
0x4a2: {  	v2 =	vld [tilespmem:$0x1FAF0];
	_ =	sdelay $0x5  }
0x4a3: {  	[tilespmem:s24+$0xFFFFDDE0] =	vst v0  }
0x4a4: {  	v0 =	vld [tilespmem:$0x1FAE0];
	[tilespmem:s24+$0xFFFFDE00] =	vst v6  }
0x4a5: {  	v6 =	vld.idx.msk [tilespmem:v2+s25+$0x0], $0xffff  }
0x4a6: {  	v2 =	vld [tilespmem:$0x1FB00];
	_ =	sdelay $0x6  }
0x4a7: {  	v0 =	vld.idx.msk [tilespmem:v0+s25+$0x0], $0xffff;
	[tilespmem:s23+$0xFFFFF9E0] =	vst v3  }
0x4a8: {  	v3 =	vld.idx.msk [tilespmem:v2+s25+$0x0], $0xffff  }
0x4a9: {  	v2 =	vld [tilespmem:$0x1FB20]  }
0x4aa: {  	v43 =	vmov v12;
	v12 =	vor.u32 $0xE, v1;
	_ =	sdelay $0x1  }
0x4ab: {  	v29 =	vor.u32 $0x18, v47;
	_ =	sdelay $0x1  }
0x4ac: {  	[tilespmem:s24+$0xFFFFDBF0] =	vst v61  }
0x4ad: {  	v63 =	vmov v37;
	v37 =	vmov v29;
	v29 =	vmov v7;
	v7 =	vld.idx.msk [tilespmem:v12+s25+$0x0], $0xffff  }
0x4ae: {  	v45 =	vor.u32 $0xF, v1;
	[tilespmem:s23+$0xFFFFFA00] =	vst v4  }
0x4af: {  	v4 =	vld.idx.msk [tilespmem:v2+s25+$0x0], $0xffff  }
0x4b0: {  	v2 =	vld [tilespmem:$0x1FB40];
	_ =	sdelay $0x1  }
0x4b1: {  	[tilespmem:s24+$0xFFFFDDF0] =	vst v7  }
0x4b2: {  	v7 =	vld.idx.msk [tilespmem:v45+s25+$0x0], $0xffff;
	_ =	sdelay $0x3  }
0x4b3: {  	[tilespmem:s23+$0xFFFFFBD0] =	vst v5  }
0x4b4: {  	[tilespmem:s24+$0xFFFFDFF0] =	vst v7;
	v7 =	vld.idx.msk [tilespmem:v2+s25+$0x0], $0xffff  }
0x4b5: {  	v2 =	vld [tilespmem:$0x1FB60];
	_ =	sdelay $0x6  }
0x4b6: {  	[tilespmem:s24+$0xFFFFDFD0] =	vst v8  }
0x4b7: {  	v27 =	vmov v60;
	v60 =	vld.idx.msk [tilespmem:v2+s25+$0x0], $0xffff  }
0x4b8: {  	v2 =	vld [tilespmem:$0x1FB80];
	_ =	sdelay $0x5  }
0x4b9: {  	[tilespmem:s24+$0xFFFFDFE0] =	vst v0  }
0x4ba: {  	v0 =	vld [tilespmem:$0x1FB70];
	[tilespmem:s24+$0xFFFFE000] =	vst v6  }
0x4bb: {  	v6 =	vld.idx.msk [tilespmem:v2+s25+$0x0], $0xffff  }
0x4bc: {  	v2 =	vld [tilespmem:$0x1FB90];
	_ =	sdelay $0x6  }
0x4bd: {  	v61 =	vld.idx.msk [tilespmem:v0+s25+$0x0], $0xffff;
	[tilespmem:s23+$0xFFFFFBE0] =	vst v3  }
0x4be: {  	v5 =	vld.idx.msk [tilespmem:v2+s25+$0x0], $0xffff  }
0x4bf: {  	v2 =	vld [tilespmem:$0x1FBB0];
	_ =	sdelay $0x6  }
0x4c0: {  	[tilespmem:s23+$0xFFFFFC00] =	vst v4  }
0x4c1: {  	v46 =	vor.u32 $0x10, v1;
	v3 =	vld.idx.msk [tilespmem:v2+s25+$0x0], $0xffff  }
0x4c2: {  	v2 =	vld [tilespmem:$0x1FBC0];
	_ =	sdelay $0x1  }
0x4c3: {  	v15 =	vor.u32 $0x1A, v47;
	v35 =	vmov v30;
	v30 =	vmov v58;
	v58 =	vld [tilespmem:$0x1FA20]  }
0x4c4: {  	v62 =	vmov v38;
	v38 =	vmov v24;
	v24 =	vld [tilespmem:$0x1F900]  }
0x4c5: {  	v8 =	vld.idx.msk [tilespmem:v46+s25+$0x0], $0xffff  }
0x4c6: {  	v41 =	vmovc v31;
	v31 =	vmov v15;
	v0 =	vor.u32 $0x11, v1;
	v15 =	vmov v2;
	v2 =	vld [tilespmem:$0x1FBD0]  }
0x4c7: {  	v21 =	vmov v52;
	v52 =	vld [tilespmem:$0x1FB30]  }
0x4c8: {  	v23 =	vld [tilespmem:$0x1FFF0]  }
0x4c9: {  	v25 =	vld [tilespmem:$0x1F840]  }
0x4ca: {  	v19 =	vmov v59;
	v59 =	vld [tilespmem:$0x1FA40];
	[tilespmem:s24+$0xFFFFE1F0] =	vst v8  }
0x4cb: {  	[tilespmem:s23+$0xFFFFFDD0] =	vst v7;
	v7 =	vld.idx.msk [tilespmem:v0+s25+$0x0], $0xffff  }
0x4cc: {  	v49 =	vor.u32 $0x1D, v47;
	v0 =	vld [tilespmem:$0x1FBF0]  }
0x4cd: {  	v20 =	vmov v49;
	v49 =	vld [tilespmem:$0x1FB10]  }
0x4ce: {  	s29 =	sadd.s32 $0x4, s29;
	v4 =	vld.idx.msk [tilespmem:v2+s25+$0x0], $0xffff  }
0x4cf: {  	p1 =	slt.u32 s29, $0x1C;
	v2 =	vld [tilespmem:$0x1FBE0]  }
.Ltmp12:
0x4d0: {  	v42 =	vld [tilespmem:$0x1F8F0];
	(pc) =	sbr.rel @p1 .LBB2_11-.Ltmp12, $4  }
0x4d1: {  	v32 =	vor.u32 $0x17, v47;
	v53 =	vor.u32 $0x1E, v47;
	v50 =	vld [tilespmem:$0x1F960]  }
0x4d2: {  	[tilespmem:$0x1FC00] =	vst v40;
	v14 =	vmov v53;
	v53 =	vld [tilespmem:$0x1FBA0]  }
0x4d3: {  	v13 =	vmov v54;
	v54 =	vld [tilespmem:$0x1FB50];
	[tilespmem:s24+$0xFFFFE1D0] =	vst v60  }
0x4d4: {  	s30 =	sadd.s32 $0x40, s30;
	v47 =	vor.u32 $0x1F, v47;
	v40 =	vmovc v32;
	v32 =	vmovc v26;
	v26 =	vmov v9;
	[tilespmem:s24+$0xFFFFE1E0] =	vst v61;
	v0 =	vld.idx.msk [tilespmem:v0+s25+$0x0], $0xffff;
	v12 =	vmov v2  }
0x4d5: {  	_ =	sdelay $0x3  }
0x4d6: {  	v2 =	vor.u32 $0x12, v1  }
0x4d7: {  	[tilespmem:s24+$0xFFFFE200] =	vst v6;
	v8 =	vld.idx.msk [tilespmem:v50+s25+$0x0], $0xffff  }
0x4d8: {  	v6 =	vld.idx.msk [tilespmem:v59+s25+$0x0], $0xffff;
	_ =	sdelay $0x1  }
0x4d9: {  	[tilespmem:s24+$0xFFFFE3F0] =	vst v7  }
0x4da: {  	[tilespmem:s24+$0xFFFFE3D0] =	vst v0;
	v59 =	vld.idx.msk [tilespmem:v2+s25+$0x0], $0xffff  }
0x4db: {  	v61 =	vor.u32 $0x13, v1;
	v60 =	vld.idx.msk [tilespmem:v58+s25+$0x0], $0xffff;
	[tilespmem:s24+$0xFFFFE3E0] =	vst v8  }
0x4dc: {  	[tilespmem:s24+$0xFFFFE400] =	vst v6;
	v8 =	vld.idx.msk [tilespmem:v42+s25+$0x0], $0xffff  }
0x4dd: {  	v6 =	vld.idx.msk [tilespmem:v54+s25+$0x0], $0xffff;
	_ =	sdelay $0x1  }
0x4de: {  	[tilespmem:s24+$0xFFFFE5F0] =	vst v59  }
0x4df: {  	[tilespmem:s24+$0xFFFFE5D0] =	vst v60;
	v0 =	vld.idx.msk [tilespmem:v61+s25+$0x0], $0xffff  }
0x4e0: {  	v16 =	vor.u32 $0x14, v1;
	v2 =	vld.idx.msk [tilespmem:v53+s25+$0x0], $0xffff;
	[tilespmem:s24+$0xFFFFE5E0] =	vst v8  }
0x4e1: {  	[tilespmem:s24+$0xFFFFE600] =	vst v6;
	v17 =	vld.idx.msk [tilespmem:v52+s25+$0x0], $0xffff  }
0x4e2: {  	v39 =	vld.idx.msk [tilespmem:v44+s25+$0x0], $0xffff;
	_ =	sdelay $0x1  }
0x4e3: {  	[tilespmem:s24+$0xFFFFE7F0] =	vst v0  }
0x4e4: {  	[tilespmem:s24+$0xFFFFE7D0] =	vst v2;
	v0 =	vld.idx.msk [tilespmem:v16+s25+$0x0], $0xffff  }
0x4e5: {  	v43 =	vld.idx.msk [tilespmem:v43+s25+$0x0], $0xffff;
	[tilespmem:s24+$0xFFFFE7E0] =	vst v17  }
0x4e6: {  	[tilespmem:s24+$0xFFFFE800] =	vst v39;
	v44 =	vld.idx.msk [tilespmem:v49+s25+$0x0], $0xffff  }
0x4e7: {  	v8 =	vld.idx.msk [tilespmem:v57+s25+$0x0], $0xffff;
	_ =	sdelay $0x1  }
0x4e8: {  	[tilespmem:s24+$0xFFFFE9F0] =	vst v0  }
0x4e9: {  	[tilespmem:s24+$0xFFFFE9D0] =	vst v43  }
0x4ea: {  	[tilespmem:s24+$0xFFFFE9E0] =	vst v44  }
0x4eb: {  	[tilespmem:s24+$0xFFFFEA00] =	vst v8  }
0x4ec: {  	v7 =	vld [tilespmem:$0x1FC00]  }
0x4ed: {  	v42 =	vor.u32 $0x15, v1;
	v8 =	vld [tilespmem:$0x1FC10];
	_ =	sdelay $0x4  }
0x4ee: {  	v0 =	vld.idx.msk [tilespmem:v42+s25+$0x0], $0xffff  }
0x4ef: {  	v45 =	vor.u32 $0x16, v1;
	v6 =	vld.idx.msk [tilespmem:v56+s25+$0x0], $0xffff  }
0x4f0: {  	v7 =	vld.idx.msk [tilespmem:v7+s25+$0x0], $0xffff  }
0x4f1: {  	v8 =	vld.idx.msk [tilespmem:v8+s25+$0x0], $0xffff;
	_ =	sdelay $0x1  }
0x4f2: {  	[tilespmem:s24+$0xFFFFEBF0] =	vst v0  }
0x4f3: {  	[tilespmem:s24+$0xFFFFEBD0] =	vst v6;
	v0 =	vld.idx.msk [tilespmem:v45+s25+$0x0], $0xffff  }
0x4f4: {  	v46 =	vor.u32 $0x17, v1;
	v6 =	vld.idx.msk [tilespmem:v51+s25+$0x0], $0xffff;
	[tilespmem:s24+$0xFFFFEBE0] =	vst v7  }
0x4f5: {  	[tilespmem:s24+$0xFFFFEC00] =	vst v8;
	v7 =	vld.idx.msk [tilespmem:v55+s25+$0x0], $0xffff  }
0x4f6: {  	v8 =	vld.idx.msk [tilespmem:v63+s25+$0x0], $0xffff;
	_ =	sdelay $0x1  }
0x4f7: {  	[tilespmem:s24+$0xFFFFEDF0] =	vst v0  }
0x4f8: {  	[tilespmem:s24+$0xFFFFEDD0] =	vst v6;
	v0 =	vld.idx.msk [tilespmem:v46+s25+$0x0], $0xffff  }
0x4f9: {  	v49 =	vor.u32 $0x18, v1;
	v6 =	vld.idx.msk [tilespmem:v62+s25+$0x0], $0xffff;
	[tilespmem:s24+$0xFFFFEDE0] =	vst v7  }
0x4fa: {  	[tilespmem:s24+$0xFFFFEE00] =	vst v8;
	v7 =	vld.idx.msk [tilespmem:v40+s25+$0x0], $0xffff  }
0x4fb: {  	v8 =	vld.idx.msk [tilespmem:v41+s25+$0x0], $0xffff;
	_ =	sdelay $0x1  }
0x4fc: {  	[tilespmem:s24+$0xFFFFEFF0] =	vst v0  }
0x4fd: {  	[tilespmem:s24+$0xFFFFEFD0] =	vst v6;
	v0 =	vld.idx.msk [tilespmem:v49+s25+$0x0], $0xffff  }
0x4fe: {  	v50 =	vor.u32 $0x19, v1;
	v6 =	vld.idx.msk [tilespmem:v35+s25+$0x0], $0xffff;
	[tilespmem:s24+$0xFFFFEFE0] =	vst v7  }
0x4ff: {  	[tilespmem:s24+$0xFFFFF000] =	vst v8;
	v7 =	vld.idx.msk [tilespmem:v37+s25+$0x0], $0xffff  }
0x500: {  	v8 =	vld.idx.msk [tilespmem:v36+s25+$0x0], $0xffff;
	_ =	sdelay $0x1  }
0x501: {  	[tilespmem:s24+$0xFFFFF1F0] =	vst v0  }
0x502: {  	[tilespmem:s24+$0xFFFFF1D0] =	vst v6;
	v0 =	vld.idx.msk [tilespmem:v50+s25+$0x0], $0xffff  }
0x503: {  	v51 =	vor.u32 $0x1A, v1;
	v6 =	vld.idx.msk [tilespmem:v32+s25+$0x0], $0xffff;
	[tilespmem:s24+$0xFFFFF1E0] =	vst v7  }
0x504: {  	[tilespmem:s24+$0xFFFFF200] =	vst v8;
	v7 =	vld.idx.msk [tilespmem:v33+s25+$0x0], $0xffff  }
0x505: {  	v8 =	vld.idx.msk [tilespmem:v38+s25+$0x0], $0xffff;
	_ =	sdelay $0x1  }
0x506: {  	[tilespmem:s24+$0xFFFFF3F0] =	vst v0  }
0x507: {  	[tilespmem:s24+$0xFFFFF3D0] =	vst v6;
	v0 =	vld.idx.msk [tilespmem:v51+s25+$0x0], $0xffff  }
0x508: {  	v52 =	vor.u32 $0x1B, v1;
	v6 =	vld.idx.msk [tilespmem:v29+s25+$0x0], $0xffff;
	[tilespmem:s24+$0xFFFFF3E0] =	vst v7  }
0x509: {  	[tilespmem:s24+$0xFFFFF400] =	vst v8;
	v7 =	vld.idx.msk [tilespmem:v31+s25+$0x0], $0xffff  }
0x50a: {  	v8 =	vld.idx.msk [tilespmem:v34+s25+$0x0], $0xffff;
	_ =	sdelay $0x1  }
0x50b: {  	[tilespmem:s24+$0xFFFFF5F0] =	vst v0  }
0x50c: {  	[tilespmem:s24+$0xFFFFF5D0] =	vst v6;
	v0 =	vld.idx.msk [tilespmem:v52+s25+$0x0], $0xffff  }
0x50d: {  	v53 =	vor.u32 $0x1C, v1;
	v6 =	vld.idx.msk [tilespmem:v26+s25+$0x0], $0xffff;
	[tilespmem:s24+$0xFFFFF5E0] =	vst v7  }
0x50e: {  	[tilespmem:s24+$0xFFFFF600] =	vst v8;
	v7 =	vld.idx.msk [tilespmem:v28+s25+$0x0], $0xffff  }
0x50f: {  	v8 =	vld.idx.msk [tilespmem:v30+s25+$0x0], $0xffff;
	_ =	sdelay $0x1  }
0x510: {  	[tilespmem:s24+$0xFFFFF7F0] =	vst v0  }
0x511: {  	[tilespmem:s24+$0xFFFFF7D0] =	vst v6;
	v0 =	vld.idx.msk [tilespmem:v53+s25+$0x0], $0xffff  }
0x512: {  	v54 =	vor.u32 $0x1D, v1;
	v6 =	vld.idx.msk [tilespmem:v19+s25+$0x0], $0xffff;
	[tilespmem:s24+$0xFFFFF7E0] =	vst v7  }
0x513: {  	[tilespmem:s24+$0xFFFFF800] =	vst v8;
	v7 =	vld.idx.msk [tilespmem:v22+s25+$0x0], $0xffff  }
0x514: {  	v8 =	vld.idx.msk [tilespmem:v27+s25+$0x0], $0xffff;
	_ =	sdelay $0x1  }
0x515: {  	[tilespmem:s24+$0xFFFFF9F0] =	vst v0  }
0x516: {  	[tilespmem:s24+$0xFFFFF9D0] =	vst v6;
	v0 =	vld.idx.msk [tilespmem:v54+s25+$0x0], $0xffff  }
0x517: {  	v55 =	vor.u32 $0x1E, v1;
	v6 =	vld.idx.msk [tilespmem:v18+s25+$0x0], $0xffff;
	[tilespmem:s24+$0xFFFFF9E0] =	vst v7  }
0x518: {  	[tilespmem:s24+$0xFFFFFA00] =	vst v8;
	v7 =	vld.idx.msk [tilespmem:v20+s25+$0x0], $0xffff  }
0x519: {  	v8 =	vld.idx.msk [tilespmem:v21+s25+$0x0], $0xffff  }
0x51a: {  	[tilespmem:s23+$0xFFFFFDE0] =	vst v5  }
0x51b: {  	[tilespmem:s24+$0xFFFFFBF0] =	vst v0  }
0x51c: {  	[tilespmem:s24+$0xFFFFFBD0] =	vst v6;
	v0 =	vld.idx.msk [tilespmem:v55+s25+$0x0], $0xffff  }
0x51d: {  	v56 =	vor.u32 $0x1F, v1;
	v57 =	vld.idx.msk [tilespmem:v13+s25+$0x0], $0xffff;
	[tilespmem:s24+$0xFFFFFBE0] =	vst v7  }
0x51e: {  	[tilespmem:s24+$0xFFFFFC00] =	vst v8;
	v58 =	vld.idx.msk [tilespmem:v14+s25+$0x0], $0xffff  }
0x51f: {  	[tilespmem:s23+$0xFFFFFE00] =	vst v3;
	v59 =	vld.idx.msk [tilespmem:v15+s25+$0x0], $0xffff  }
0x520: {  	[tilespmem:s23+$0xFFFFFFD0] =	vst v4;
	v60 =	vld.idx.msk [tilespmem:v24+s25+$0x0], $0xffff  }
0x521: {  	v61 =	vld.idx.msk [tilespmem:v25+s25+$0x0], $0xffff;
	[tilespmem:s24+$0xFFFFFDF0] =	vst v0  }
0x522: {  	[tilespmem:s24+$0xFFFFFDD0] =	vst v57;
	v0 =	vld.idx.msk [tilespmem:v56+s25+$0x0], $0xffff  }
0x523: {  	v62 =	vld.idx.msk [tilespmem:v12+s25+$0x0], $0xffff;
	[tilespmem:s24+$0xFFFFFDE0] =	vst v58  }
0x524: {  	[tilespmem:s24+$0xFFFFFE00] =	vst v59;
	v63 =	vld.idx.msk [tilespmem:v47+s25+$0x0], $0xffff  }
0x525: {  	[tilespmem:s23+$0xFFFFFFE0] =	vst v60;
	v3 =	vld.idx.msk [tilespmem:v48+s25+$0x0], $0xffff  }
0x526: {  	s1 =	sadd.s32 s6, s7;
	[tilespmem:s23+$0x0] =	vst v61  }
.Ltmp13:
0x527: {  	s2 =	sshll.u32 s1, $0xB;
	[tilespmem:s24+$0xFFFFFFF0] =	vst v0;
	(pc) =	sbr.rel @!p0 .LBB2_16-.Ltmp13, $4  }
.Ltmp14:
0x528: {  	s1 =	sshll.u32 s1, $0x6;
	s2 =	sand.u32 $0x1FFF0000, s2;
	[tilespmem:s24+$0xFFFFFFD0] =	vst v62;
	(pc) =	sbr.rel @p0 .LBB2_17-.Ltmp14, $4  }
0x529: {  	s1 =	sand.u32 $0x7C0, s1;
	s2 =	sadd.s32 s5, s2;
	[tilespmem:s24+$0xFFFFFFE0] =	vst v63  }
0x52a: {  	s1 =	sadd.s32 s1, s2;
	s23 =	simm.s32 $0x3;
	[tilespmem:s24+$0x0] =	vst v3  }
0x52b: {  	[hbm4b:s1+s11] =	stream.strided.scatter [tilespmem:s26], [sflag:$0x6], $0x4000, s21, s11, $0x38;
	[tilespmem:$0x10400] =	vst v63  }
0x52c: {  	_ = 	snop  }
.LBB2_6:
0x52d: {  	_ =	swait.ge [sflag:s28], $0x200  }
0x52e: {  	[sflag:s28] =	ssyncset.done $0x0  }
0x52f: {  	s1 =	simm.s32 $0x280;
	[sflag:s28] =	ssyncadd.s32 $0xFFFFFE00  }
0x530: {  	[tilespmem:s25], [sflag:$0x4] =	stream.indirect.gather [hbm4b:s4+s13], $0x20, s11, s13, $0xb8;
	[tilespmem:$0x10400] =	vst v63  }
0x531: {  	s2 =	simm.s32 $0x5400;
	s29 =	simm.s32 $0x300;
	p2 =	slt.u32 @p1 s7, $0x2  }
0x532: {  	[tilespmem:s2], [sflag:$0x4] =	stream.indirect.gather [hbm4b:s4+s13], $0x20, s1, s13, $0xb8;
	[tilespmem:$0x10400] =	vst v63  }
0x533: {  	s30 =	simm.s32 $0x6400;
	s24 =	sshll.u32 @p1 s24, $0x6;
	p2 =	por !p1, !p2  }
0x534: {  	[tilespmem:s30], [sflag:$0x4] =	stream.indirect.gather [hbm4b:s4+s13], $0x20, s29, s13, $0xb8;
	[tilespmem:$0x10400] =	vst v63  }
.Ltmp15:
0x535: {  	s24 =	sadd.s32 @p1 $0x80, s24;
	(pc) =	sbr.rel @!p2 .LBB2_9-.Ltmp15, $4  }
0x536: {  	s31 =	simm.s32 $0x380;
	s24 =	sand.u32 @p1 $0xFFFFF80, s24  }
0x537: {  	[tilespmem:s8], [sflag:$0x4] =	stream.indirect.gather [hbm4b:s4+s13], $0x20, s31, s13, $0xb8;
	[tilespmem:$0x10400] =	vst v63  }
0x538: {  	s24 =	sadd.s32 @p1 s0, s24;
	s29 =	simm.s32 @p1 $0x0  }
0x539: {  	[tilespmem:s29], [sflag:$0x1] =	stream.linear.gather @p1 [hbm4b:s24+s29], $0x200, $0x38;
	[tilespmem:$0x10400] =	vst v63  }
.Ltmp16:
0x53a: {  	(pc) =	sbr.rel .LBB2_8-.Ltmp16, $3  }
0x53b: {  	_ =	sdelay $0x1  }
0x53c: {  	s24 =	simm.s32 $0x5  }
0x53d: {  	s24 =	simm.s32 @p1 $0x5  }
.LBB2_18:
0x53e: {  	_ =	sfence.sel $0x180000  }
0x53f: {  	[bflag:$0x0] =	sbarrier.arrive $0xFFFF  }
0x540: {  	_ =	strace $0x90000047  }
0x541: {  	s0 =	stileid.u32;
	[bflag:$0x2] =	sbarrier.arrive $0xFFFF  }
0x542: {  	p0 =	sne.s32 s0, $0x0;
	s0 =	rddreg [dreg:$0x2]  }
0x543: {  	s0 =	sadd.s32 @!p0 $0x100000, s0  }
0x544: {  	[sflag:s0] =	ssyncadd.tile.s32 @!p0 $0x1;
	_ =	shalt  }
.Lfunc_end2:
_tile_overlayer_lowered:
.L_overlay_start_2:
0x545: {  	(tag) =	ssettag $0x2  }
0x546: {  	s0 =	rddreg [dreg:$0x0];
	s2 =	stileid.u32  }
0x547: {  	s1 =	rddreg [dreg:$0x1];
	p0 =	sne.s32 s2, $0x0  }
0x548: {  	s3 =	rddreg [dreg:$0x2];
	[bflag:$0x3] =	sbarrier.arrive $0xFFFF;
	s2 =	simm.s32 @!p0 $0x1C07  }
0x549: {  	[timem:s3], [sflag:s2] =	dma.local @!p0 [hbm:s0], s1  }
0x54a: {  	s0 =	simm.s32 @!p0 $0x7  }
0x54b: {  	_ =	swait.ge @!p0 [sflag:s0], s1  }
0x54c: {  	s1 =	ssub.s32 @!p0 $0x0, s1;
	[sflag:s0] =	ssyncset.done @!p0 $0x0  }
0x54d: {  	[sflag:s0] =	ssyncadd.s32 @!p0 s1  }
0x54e: {  	[bflag:$0x3] =	sbarrier.arrive $0xFFFF  }
0x54f: {  	_ =	shalt  }

</sc_bundles>
